<compile_context>
chip_gen: v7x
topology: tpu7x:2x2x1
jax: 0.10.2.dev20260603
libtpu: 0.0.44.dev20260713+nightly
codegen_flags: <defaults>
</compile_context>

<pallas_src>
import functools

import jax
import jax.numpy as jnp
from jax import lax
from jax.experimental import pallas as pl
from jax.experimental.pallas import tpu as pltpu
from jax.experimental.pallas import tpu_sc as plsc

NC = 2
NS = 16
L = 16
NW = NC * NS
B = 16384
BPW = B // NW
CH = 128
NCHUNK = BPW // CH
D = 64
W = 2 * D
NROW = 1_000_000 // 2
GBLK = 1_000_000 // D


def _rsqrt(x):
    xi = plsc.bitcast(x, jnp.int32)
    yi = jnp.int32(0x5F3759DF) - (xi >> 1)
    y = plsc.bitcast(yi, jnp.float32)
    xh = x * 0.5
    for _ in range(3):
        y = y * (1.5 - xh * y * y)
    return y


_mesh = plsc.VectorSubcoreMesh(core_axis_name="c", subcore_axis_name="s")

_CP = pltpu.CompilerParams(
    needs_layout_passes=False, use_tc_tiling_on_sc=False)


def _bpr_body(u3, i3, j3, vu_hbm, gu_hbm, vv_hbm, gv_hbm, out_hbm,
              idx_u, idx_i, idx_j, sup_u, sup_i, sup_j,
              blk_u, blk_i, blk_j,
              hu_v, hi_v, hj_v, gu_v, gi_v, gj_v, obuf, sem):
    wid = lax.axis_index("s") * NC + lax.axis_index("c")
    pltpu.sync_copy(u3.at[wid], idx_u)
    pltpu.sync_copy(i3.at[wid], idx_i)
    pltpu.sync_copy(j3.at[wid], idx_j)
    for k in range(NCHUNK):
        for c in range(CH // L):
            sl = pl.ds(c * L, L)
            iu = idx_u[k, sl]
            ii = idx_i[k, sl]
            ij = idx_j[k, sl]
            sup_u[k, sl] = iu
            sup_i[k, sl] = ii
            sup_j[k, sl] = ij
            blk_u[k, sl] = iu >> 6
            blk_i[k, sl] = ii >> 6
            blk_j[k, sl] = ij >> 6

    lanes = lax.iota(jnp.int32, L)
    zf = jnp.zeros((L,), jnp.float32)
    m1 = jnp.full((L,), 1, jnp.int32)
    m63 = jnp.full((L,), 63, jnp.int32)

    pi_acc = zf
    pj_acc = zf
    for k in range(NCHUNK):
        descs = [
            pltpu.async_copy(vu_hbm.at[sup_u.at[k]], hu_v, sem),
            pltpu.async_copy(vv_hbm.at[sup_i.at[k]], hi_v, sem),
            pltpu.async_copy(vv_hbm.at[sup_j.at[k]], hj_v, sem),
            pltpu.async_copy(gu_hbm.at[blk_u.at[k]], gu_v, sem),
            pltpu.async_copy(gv_hbm.at[blk_i.at[k]], gi_v, sem),
            pltpu.async_copy(gv_hbm.at[blk_j.at[k]], gj_v, sem),
        ]
        for dsc in descs:
            dsc.wait()

        def group_body(g, accs, k=k):
            pi_a, pj_a = accs
            rows = g * L + lanes
            chunk = jnp.full((L,), k, jnp.int32)
            icol = g * L + lanes
            iu = plsc.load_gather(idx_u, [chunk, icol])
            ii = plsc.load_gather(idx_i, [chunk, icol])
            ij = plsc.load_gather(idx_j, [chunk, icol])
            zc = jnp.zeros((L,), jnp.int32)
            pu_ = zc
            pi_ = zc
            pj_ = zc

            def d_body(dd, carry):
                ssu, ssi, ssj, qi, qj = carry
                wu = plsc.load_gather(hu_v, [rows, pu_ + dd])
                hi = plsc.load_gather(hi_v, [rows, pi_ + dd])
                hj = plsc.load_gather(hj_v, [rows, pj_ + dd])
                return (ssu + wu * wu, ssi + hi * hi, ssj + hj * hj,
                        qi + wu * hi, qj + wu * hj)

            ssu, ssi, ssj, qi, qj = lax.fori_loop(
                0, D, d_body, (zf, zf, zf, zf, zf))
            gu = plsc.load_gather(gu_v, [rows, iu & m63])
            gi = plsc.load_gather(gi_v, [rows, ii & m63])
            gj = plsc.load_gather(gj_v, [rows, ij & m63])
            su = gu * _rsqrt(ssu)
            pi_a = pi_a + su * (gi * _rsqrt(ssi)) * qi
            pj_a = pj_a + su * (gj * _rsqrt(ssj)) * qj
            return (pi_a, pj_a)

        pi_acc, pj_acc = lax.fori_loop(
            0, CH // L, group_body, (pi_acc, pj_acc))

    pi_s = jnp.sum(pi_acc)
    pj_s = jnp.sum(pj_acc)
    obuf[...] = jnp.where(lanes == 0, pi_s,
                          jnp.where(lanes == 1, pj_s, 0.0))
    pltpu.sync_copy(obuf, out_hbm.at[wid])


_bpr_sc = functools.partial(
    pl.kernel,
    out_type=jax.ShapeDtypeStruct((NW, L), jnp.float32),
    mesh=_mesh,
    compiler_params=_CP,
    scratch_types=[
        pltpu.VMEM((NCHUNK, CH), jnp.int32),
        pltpu.VMEM((NCHUNK, CH), jnp.int32),
        pltpu.VMEM((NCHUNK, CH), jnp.int32),
        pltpu.VMEM((NCHUNK, CH), jnp.int32),
        pltpu.VMEM((NCHUNK, CH), jnp.int32),
        pltpu.VMEM((NCHUNK, CH), jnp.int32),
        pltpu.VMEM((NCHUNK, CH), jnp.int32),
        pltpu.VMEM((NCHUNK, CH), jnp.int32),
        pltpu.VMEM((NCHUNK, CH), jnp.int32),
        pltpu.VMEM((CH, D), jnp.float32),
        pltpu.VMEM((CH, D), jnp.float32),
        pltpu.VMEM((CH, D), jnp.float32),
        pltpu.VMEM((CH, D), jnp.float32),
        pltpu.VMEM((CH, D), jnp.float32),
        pltpu.VMEM((CH, D), jnp.float32),
        pltpu.VMEM((L,), jnp.float32),
        pltpu.SemaphoreType.DMA,
    ],
)(_bpr_body)


def kernel(u, i, j, v_u, g_u, v_v, g_v):
    u3 = u.astype(jnp.int32).reshape(NW, NCHUNK, CH)
    i3 = i.astype(jnp.int32).reshape(NW, NCHUNK, CH)
    j3 = j.astype(jnp.int32).reshape(NW, NCHUNK, CH)
    vu2 = v_u
    vv2 = v_v
    gu2 = jnp.reshape(g_u, (GBLK, D))
    gv2 = jnp.reshape(g_v, (GBLK, D))
    partials = _bpr_sc(u3, i3, j3, vu2, gu2, vv2, gv2)
    return (jnp.sum(partials[:, 0]), jnp.sum(partials[:, 1]))

# --- scband reference (transcript-rebuilt; emitter-appended) ---
"""Pipeline reference for scband-bpr-mf-43739946942929 (READ-ONLY COPY).

The authoritative reference and input builder live on the scoring server;
editing this copy changes nothing except your own understanding.
"""

import jax, jax.numpy as jnp
import numpy as np

N_USER = 1000000
N_ITEM = 1000000
D = 64
B = 16384


def setup_inputs(seed: int = 0) -> dict:
    key = jax.random.key(seed)
    ks = jax.random.split(key, 5)
    u = jax.random.randint(ks[0], (B,), 0, N_USER, dtype=jnp.int64 if jax.config.jax_enable_x64 else jnp.int32)
    i = jax.random.randint(ks[1], (B,), 0, N_ITEM, dtype=jnp.int64 if jax.config.jax_enable_x64 else jnp.int32)
    j = jax.random.randint(ks[2], (B,), 0, N_ITEM, dtype=jnp.int64 if jax.config.jax_enable_x64 else jnp.int32)
    # weight_norm parameterization: weight = g * v / ||v||_row (dim=0 -> per-row norm)
    v_u = jax.random.normal(ks[3], (N_USER, D), dtype=jnp.float32) * 0.01
    v_v = jax.random.normal(ks[4], (N_ITEM, D), dtype=jnp.float32) * 0.01
    # torch weight_norm initializes g to the per-row norm of the initial weight
    g_u = jnp.linalg.norm(v_u, axis=1, keepdims=True)
    g_v = jnp.linalg.norm(v_v, axis=1, keepdims=True)
    return {"u": u, "i": i, "j": j, "v_u": v_u, "g_u": g_u, "v_v": v_v, "g_v": g_v}


def _wn_lookup(v, g, idx):
    # gather rows, then apply weight_norm reparameterization per row
    v_rows = jnp.take(v, idx, axis=0)
    g_rows = jnp.take(g, idx, axis=0)
    norm = jnp.linalg.norm(v_rows, axis=1, keepdims=True)
    return g_rows * v_rows / norm


def reference(u, i, j, v_u, g_u, v_v, g_v):
    W_u = _wn_lookup(v_u, g_u, u)
    H_i = _wn_lookup(v_v, g_v, i)
    H_j = _wn_lookup(v_v, g_v, j)
    prediction_i = jnp.sum(W_u * H_i)
    prediction_j = jnp.sum(W_u * H_j)
    return (prediction_i, prediction_j)

if __name__ == "__main__":
    import jax
    _d = setup_inputs()
    print(jax.jit(kernel)(*tuple(_d.values())))

</pallas_src>

<mosaic_0001>
#map = affine_map<(d0, d1) -> (0, 0, 0)>
#map1 = affine_map<(d0, d1) -> (0, 0)>
module attributes {stable_mosaic.version = 14 : i64} {
  func.func @_bpr_body(%arg0: i32, %arg1: i32, %arg2: memref<32x4x128xi32, #tpu.memory_space<hbm>>, %arg3: memref<32x4x128xi32, #tpu.memory_space<hbm>>, %arg4: memref<32x4x128xi32, #tpu.memory_space<hbm>>, %arg5: memref<1000000x64xf32, #tpu.memory_space<hbm>>, %arg6: memref<15625x64xf32, #tpu.memory_space<hbm>>, %arg7: memref<1000000x64xf32, #tpu.memory_space<hbm>>, %arg8: memref<15625x64xf32, #tpu.memory_space<hbm>>, %arg9: memref<32x16xf32, #tpu.memory_space<hbm>>, %arg10: memref<4x128xi32, #tpu.memory_space<vmem>>, %arg11: memref<4x128xi32, #tpu.memory_space<vmem>>, %arg12: memref<4x128xi32, #tpu.memory_space<vmem>>, %arg13: memref<4x128xi32, #tpu.memory_space<vmem>>, %arg14: memref<4x128xi32, #tpu.memory_space<vmem>>, %arg15: memref<4x128xi32, #tpu.memory_space<vmem>>, %arg16: memref<4x128xi32, #tpu.memory_space<vmem>>, %arg17: memref<4x128xi32, #tpu.memory_space<vmem>>, %arg18: memref<4x128xi32, #tpu.memory_space<vmem>>, %arg19: memref<128x64xf32, #tpu.memory_space<vmem>>, %arg20: memref<128x64xf32, #tpu.memory_space<vmem>>, %arg21: memref<128x64xf32, #tpu.memory_space<vmem>>, %arg22: memref<128x64xf32, #tpu.memory_space<vmem>>, %arg23: memref<128x64xf32, #tpu.memory_space<vmem>>, %arg24: memref<128x64xf32, #tpu.memory_space<vmem>>, %arg25: memref<16xf32, #tpu.memory_space<vmem>>, %arg26: memref<!tpu.dma_semaphore, #tpu.memory_space<semaphore_mem>>) attributes {dimension_semantics = [#tpu.dimension_semantics<core_parallel>, #tpu.dimension_semantics<subcore_parallel>], iteration_bounds = array<i64: 2, 16>, scalar_prefetch = 0 : i64, scratch_operands = 17 : i64, tpu.core_type = #tpu.core_type<sc_vector_subcore>, window_params = [{transform_indices = #map}, {transform_indices = #map}, {transform_indices = #map}, {transform_indices = #map1}, {transform_indices = #map1}, {transform_indices = #map1}, {transform_indices = #map1}, {transform_indices = #map1}]} {
    %mul3A = arith.constant 2 : i32
    %mul3A_0 = arith.muli %arg1, %mul3A : i32
    %add3A = arith.addi %mul3A_0, %arg0 : i32
    "tpu.region"() ({
      %run_scoped3A = tpu.sem_alloc : memref<!tpu.dma_semaphore, #tpu.memory_space<semaphore_mem>>
      %dma_start3A_1818 = arith.constant 0 : i32
      %dma_start3A_1819 = arith.constant 0 : i32
      %dma_start3A_1820 = tpu.memref_slice %arg2[%add3A, %dma_start3A_1818, %dma_start3A_1819] : memref<32x4x128xi32, #tpu.memory_space<hbm>> -> memref<1x4x128xi32, #tpu.memory_space<hbm>>
      %dma_start3A_1821 = tpu.memref_squeeze %dma_start3A_1820 : memref<1x4x128xi32, #tpu.memory_space<hbm>> -> memref<4x128xi32, #tpu.memory_space<hbm>>
      %dma_start3A_1822 = arith.constant 0 : i32
      %dma_start3A_1823 = arith.constant 0 : i32
      %dma_start3A_1824 = tpu.memref_slice %arg2[%add3A, %dma_start3A_1822, %dma_start3A_1823] : memref<32x4x128xi32, #tpu.memory_space<hbm>> -> memref<1x4x128xi32, #tpu.memory_space<hbm>>
      %dma_start3A_1825 = tpu.memref_squeeze %dma_start3A_1824 : memref<1x4x128xi32, #tpu.memory_space<hbm>> -> memref<4x128xi32, #tpu.memory_space<hbm>>
      tpu.enqueue_dma source(%dma_start3A_1825 : memref<4x128xi32, #tpu.memory_space<hbm>>) target(%arg10 : memref<4x128xi32, #tpu.memory_space<vmem>>) target_semaphore(%run_scoped3A : memref<!tpu.dma_semaphore, #tpu.memory_space<semaphore_mem>>)
      %dma_wait3A_1826 = arith.constant 0 : i32
      %dma_wait3A_1827 = arith.constant 0 : i32
      %dma_wait3A_1828 = tpu.memref_slice %arg2[%add3A, %dma_wait3A_1826, %dma_wait3A_1827] : memref<32x4x128xi32, #tpu.memory_space<hbm>> -> memref<1x4x128xi32, #tpu.memory_space<hbm>>
      %dma_wait3A_1829 = tpu.memref_squeeze %dma_wait3A_1828 : memref<1x4x128xi32, #tpu.memory_space<hbm>> -> memref<4x128xi32, #tpu.memory_space<hbm>>
      %dma_wait3A_1830 = arith.constant 0 : i32
      %dma_wait3A_1831 = arith.constant 0 : i32
      %dma_wait3A_1832 = tpu.memref_slice %arg2[%add3A, %dma_wait3A_1830, %dma_wait3A_1831] : memref<32x4x128xi32, #tpu.memory_space<hbm>> -> memref<1x4x128xi32, #tpu.memory_space<hbm>>
      %dma_wait3A_1833 = tpu.memref_squeeze %dma_wait3A_1832 : memref<1x4x128xi32, #tpu.memory_space<hbm>> -> memref<4x128xi32, #tpu.memory_space<hbm>>
      tpu.wait_dma2 semaphore(%run_scoped3A : memref<!tpu.dma_semaphore, #tpu.memory_space<semaphore_mem>>) src(%dma_wait3A_1833 : memref<4x128xi32, #tpu.memory_space<hbm>>) dst(%arg10 : memref<4x128xi32, #tpu.memory_space<vmem>>)
      tpu.yield
    }) : () -> ()
    "tpu.region"() ({
      %run_scoped3A = tpu.sem_alloc : memref<!tpu.dma_semaphore, #tpu.memory_space<semaphore_mem>>
      %dma_start3A_1818 = arith.constant 0 : i32
      %dma_start3A_1819 = arith.constant 0 : i32
      %dma_start3A_1820 = tpu.memref_slice %arg3[%add3A, %dma_start3A_1818, %dma_start3A_1819] : memref<32x4x128xi32, #tpu.memory_space<hbm>> -> memref<1x4x128xi32, #tpu.memory_space<hbm>>
      %dma_start3A_1821 = tpu.memref_squeeze %dma_start3A_1820 : memref<1x4x128xi32, #tpu.memory_space<hbm>> -> memref<4x128xi32, #tpu.memory_space<hbm>>
      %dma_start3A_1822 = arith.constant 0 : i32
      %dma_start3A_1823 = arith.constant 0 : i32
      %dma_start3A_1824 = tpu.memref_slice %arg3[%add3A, %dma_start3A_1822, %dma_start3A_1823] : memref<32x4x128xi32, #tpu.memory_space<hbm>> -> memref<1x4x128xi32, #tpu.memory_space<hbm>>
      %dma_start3A_1825 = tpu.memref_squeeze %dma_start3A_1824 : memref<1x4x128xi32, #tpu.memory_space<hbm>> -> memref<4x128xi32, #tpu.memory_space<hbm>>
      tpu.enqueue_dma source(%dma_start3A_1825 : memref<4x128xi32, #tpu.memory_space<hbm>>) target(%arg11 : memref<4x128xi32, #tpu.memory_space<vmem>>) target_semaphore(%run_scoped3A : memref<!tpu.dma_semaphore, #tpu.memory_space<semaphore_mem>>)
      %dma_wait3A_1826 = arith.constant 0 : i32
      %dma_wait3A_1827 = arith.constant 0 : i32
      %dma_wait3A_1828 = tpu.memref_slice %arg3[%add3A, %dma_wait3A_1826, %dma_wait3A_1827] : memref<32x4x128xi32, #tpu.memory_space<hbm>> -> memref<1x4x128xi32, #tpu.memory_space<hbm>>
      %dma_wait3A_1829 = tpu.memref_squeeze %dma_wait3A_1828 : memref<1x4x128xi32, #tpu.memory_space<hbm>> -> memref<4x128xi32, #tpu.memory_space<hbm>>
      %dma_wait3A_1830 = arith.constant 0 : i32
      %dma_wait3A_1831 = arith.constant 0 : i32
      %dma_wait3A_1832 = tpu.memref_slice %arg3[%add3A, %dma_wait3A_1830, %dma_wait3A_1831] : memref<32x4x128xi32, #tpu.memory_space<hbm>> -> memref<1x4x128xi32, #tpu.memory_space<hbm>>
      %dma_wait3A_1833 = tpu.memref_squeeze %dma_wait3A_1832 : memref<1x4x128xi32, #tpu.memory_space<hbm>> -> memref<4x128xi32, #tpu.memory_space<hbm>>
      tpu.wait_dma2 semaphore(%run_scoped3A : memref<!tpu.dma_semaphore, #tpu.memory_space<semaphore_mem>>) src(%dma_wait3A_1833 : memref<4x128xi32, #tpu.memory_space<hbm>>) dst(%arg11 : memref<4x128xi32, #tpu.memory_space<vmem>>)
      tpu.yield
    }) : () -> ()
    "tpu.region"() ({
      %run_scoped3A = tpu.sem_alloc : memref<!tpu.dma_semaphore, #tpu.memory_space<semaphore_mem>>
      %dma_start3A_1818 = arith.constant 0 : i32
      %dma_start3A_1819 = arith.constant 0 : i32
      %dma_start3A_1820 = tpu.memref_slice %arg4[%add3A, %dma_start3A_1818, %dma_start3A_1819] : memref<32x4x128xi32, #tpu.memory_space<hbm>> -> memref<1x4x128xi32, #tpu.memory_space<hbm>>
      %dma_start3A_1821 = tpu.memref_squeeze %dma_start3A_1820 : memref<1x4x128xi32, #tpu.memory_space<hbm>> -> memref<4x128xi32, #tpu.memory_space<hbm>>
      %dma_start3A_1822 = arith.constant 0 : i32
      %dma_start3A_1823 = arith.constant 0 : i32
      %dma_start3A_1824 = tpu.memref_slice %arg4[%add3A, %dma_start3A_1822, %dma_start3A_1823] : memref<32x4x128xi32, #tpu.memory_space<hbm>> -> memref<1x4x128xi32, #tpu.memory_space<hbm>>
      %dma_start3A_1825 = tpu.memref_squeeze %dma_start3A_1824 : memref<1x4x128xi32, #tpu.memory_space<hbm>> -> memref<4x128xi32, #tpu.memory_space<hbm>>
      tpu.enqueue_dma source(%dma_start3A_1825 : memref<4x128xi32, #tpu.memory_space<hbm>>) target(%arg12 : memref<4x128xi32, #tpu.memory_space<vmem>>) target_semaphore(%run_scoped3A : memref<!tpu.dma_semaphore, #tpu.memory_space<semaphore_mem>>)
      %dma_wait3A_1826 = arith.constant 0 : i32
      %dma_wait3A_1827 = arith.constant 0 : i32
      %dma_wait3A_1828 = tpu.memref_slice %arg4[%add3A, %dma_wait3A_1826, %dma_wait3A_1827] : memref<32x4x128xi32, #tpu.memory_space<hbm>> -> memref<1x4x128xi32, #tpu.memory_space<hbm>>
      %dma_wait3A_1829 = tpu.memref_squeeze %dma_wait3A_1828 : memref<1x4x128xi32, #tpu.memory_space<hbm>> -> memref<4x128xi32, #tpu.memory_space<hbm>>
      %dma_wait3A_1830 = arith.constant 0 : i32
      %dma_wait3A_1831 = arith.constant 0 : i32
      %dma_wait3A_1832 = tpu.memref_slice %arg4[%add3A, %dma_wait3A_1830, %dma_wait3A_1831] : memref<32x4x128xi32, #tpu.memory_space<hbm>> -> memref<1x4x128xi32, #tpu.memory_space<hbm>>
      %dma_wait3A_1833 = tpu.memref_squeeze %dma_wait3A_1832 : memref<1x4x128xi32, #tpu.memory_space<hbm>> -> memref<4x128xi32, #tpu.memory_space<hbm>>
      tpu.wait_dma2 semaphore(%run_scoped3A : memref<!tpu.dma_semaphore, #tpu.memory_space<semaphore_mem>>) src(%dma_wait3A_1833 : memref<4x128xi32, #tpu.memory_space<hbm>>) dst(%arg12 : memref<4x128xi32, #tpu.memory_space<vmem>>)
      tpu.yield
    }) : () -> ()
    %get3A = arith.constant 0 : i32
    %get3A_1 = arith.index_cast %get3A : i32 to index
    %get3A_2 = arith.constant 0 : index
    %get3A_3 = tpu.vector_load %arg10[%get3A_1, %get3A_2] {strides = array<i32>} : memref<4x128xi32, #tpu.memory_space<vmem>>, vector<16xi32>,
    %get3A_4 = arith.constant 0 : i32
    %get3A_5 = arith.index_cast %get3A_4 : i32 to index
    %get3A_6 = arith.constant 0 : index
    %get3A_7 = tpu.vector_load %arg11[%get3A_5, %get3A_6] {strides = array<i32>} : memref<4x128xi32, #tpu.memory_space<vmem>>, vector<16xi32>,
    %get3A_8 = arith.constant 0 : i32
    %get3A_9 = arith.index_cast %get3A_8 : i32 to index
    %get3A_10 = arith.constant 0 : index
    %get3A_11 = tpu.vector_load %arg12[%get3A_9, %get3A_10] {strides = array<i32>} : memref<4x128xi32, #tpu.memory_space<vmem>>, vector<16xi32>,
    %swap3A = arith.constant 0 : i32
    %swap3A_12 = arith.index_cast %swap3A : i32 to index
    %swap3A_13 = arith.constant 0 : index
    %swap3A_14 = tpu.vector_load %arg13[%swap3A_12, %swap3A_13] {strides = array<i32>} : memref<4x128xi32, #tpu.memory_space<vmem>>, vector<16xi32>,
    tpu.vector_store %arg13[%swap3A_12, %swap3A_13], %get3A_3 {strides = array<i32>} : memref<4x128xi32, #tpu.memory_space<vmem>>, vector<16xi32>,
    %swap3A_15 = arith.constant 0 : i32
    %swap3A_16 = arith.index_cast %swap3A_15 : i32 to index
    %swap3A_17 = arith.constant 0 : index
    %swap3A_18 = tpu.vector_load %arg14[%swap3A_16, %swap3A_17] {strides = array<i32>} : memref<4x128xi32, #tpu.memory_space<vmem>>, vector<16xi32>,
    tpu.vector_store %arg14[%swap3A_16, %swap3A_17], %get3A_7 {strides = array<i32>} : memref<4x128xi32, #tpu.memory_space<vmem>>, vector<16xi32>,
    %swap3A_19 = arith.constant 0 : i32
    %swap3A_20 = arith.index_cast %swap3A_19 : i32 to index
    %swap3A_21 = arith.constant 0 : index
    %swap3A_22 = tpu.vector_load %arg15[%swap3A_20, %swap3A_21] {strides = array<i32>} : memref<4x128xi32, #tpu.memory_space<vmem>>, vector<16xi32>,
    tpu.vector_store %arg15[%swap3A_20, %swap3A_21], %get3A_11 {strides = array<i32>} : memref<4x128xi32, #tpu.memory_space<vmem>>, vector<16xi32>,
    %shift_right_arithmetic3A = arith.constant 6 : i32
    %shift_right_arithmetic3A_23 = vector.broadcast %shift_right_arithmetic3A : i32 to vector<16xi32>
    %shift_right_arithmetic3A_24 = arith.shrsi %get3A_3, %shift_right_arithmetic3A_23 : vector<16xi32>
    %swap3A_25 = arith.constant 0 : i32
    %swap3A_26 = arith.index_cast %swap3A_25 : i32 to index
    %swap3A_27 = arith.constant 0 : index
    %swap3A_28 = tpu.vector_load %arg16[%swap3A_26, %swap3A_27] {strides = array<i32>} : memref<4x128xi32, #tpu.memory_space<vmem>>, vector<16xi32>,
    tpu.vector_store %arg16[%swap3A_26, %swap3A_27], %shift_right_arithmetic3A_24 {strides = array<i32>} : memref<4x128xi32, #tpu.memory_space<vmem>>, vector<16xi32>,
    %shift_right_arithmetic3A_29 = arith.constant 6 : i32
    %shift_right_arithmetic3A_30 = vector.broadcast %shift_right_arithmetic3A_29 : i32 to vector<16xi32>
    %shift_right_arithmetic3A_31 = arith.shrsi %get3A_7, %shift_right_arithmetic3A_30 : vector<16xi32>
    %swap3A_32 = arith.constant 0 : i32
    %swap3A_33 = arith.index_cast %swap3A_32 : i32 to index
    %swap3A_34 = arith.constant 0 : index
    %swap3A_35 = tpu.vector_load %arg17[%swap3A_33, %swap3A_34] {strides = array<i32>} : memref<4x128xi32, #tpu.memory_space<vmem>>, vector<16xi32>,
    tpu.vector_store %arg17[%swap3A_33, %swap3A_34], %shift_right_arithmetic3A_31 {strides = array<i32>} : memref<4x128xi32, #tpu.memory_space<vmem>>, vector<16xi32>,
    %shift_right_arithmetic3A_36 = arith.constant 6 : i32
    %shift_right_arithmetic3A_37 = vector.broadcast %shift_right_arithmetic3A_36 : i32 to vector<16xi32>
    %shift_right_arithmetic3A_38 = arith.shrsi %get3A_11, %shift_right_arithmetic3A_37 : vector<16xi32>
    %swap3A_39 = arith.constant 0 : i32
    %swap3A_40 = arith.index_cast %swap3A_39 : i32 to index
    %swap3A_41 = arith.constant 0 : index
    %swap3A_42 = tpu.vector_load %arg18[%swap3A_40, %swap3A_41] {strides = array<i32>} : memref<4x128xi32, #tpu.memory_space<vmem>>, vector<16xi32>,
    tpu.vector_store %arg18[%swap3A_40, %swap3A_41], %shift_right_arithmetic3A_38 {strides = array<i32>} : memref<4x128xi32, #tpu.memory_space<vmem>>, vector<16xi32>,
    %get3A_43 = arith.constant 0 : i32
    %get3A_44 = arith.index_cast %get3A_43 : i32 to index
    %get3A_45 = arith.constant 16 : index
    %get3A_46 = tpu.vector_load %arg10[%get3A_44, %get3A_45] {strides = array<i32>} : memref<4x128xi32, #tpu.memory_space<vmem>>, vector<16xi32>,
    %get3A_47 = arith.constant 0 : i32
    %get3A_48 = arith.index_cast %get3A_47 : i32 to index
    %get3A_49 = arith.constant 16 : index
    %get3A_50 = tpu.vector_load %arg11[%get3A_48, %get3A_49] {strides = array<i32>} : memref<4x128xi32, #tpu.memory_space<vmem>>, vector<16xi32>,
    %get3A_51 = arith.constant 0 : i32
    %get3A_52 = arith.index_cast %get3A_51 : i32 to index
    %get3A_53 = arith.constant 16 : index
    %get3A_54 = tpu.vector_load %arg12[%get3A_52, %get3A_53] {strides = array<i32>} : memref<4x128xi32, #tpu.memory_space<vmem>>, vector<16xi32>,
    %swap3A_55 = arith.constant 0 : i32
    %swap3A_56 = arith.index_cast %swap3A_55 : i32 to index
    %swap3A_57 = arith.constant 16 : index
    %swap3A_58 = tpu.vector_load %arg13[%swap3A_56, %swap3A_57] {strides = array<i32>} : memref<4x128xi32, #tpu.memory_space<vmem>>, vector<16xi32>,
    tpu.vector_store %arg13[%swap3A_56, %swap3A_57], %get3A_46 {strides = array<i32>} : memref<4x128xi32, #tpu.memory_space<vmem>>, vector<16xi32>,
    %swap3A_59 = arith.constant 0 : i32
    %swap3A_60 = arith.index_cast %swap3A_59 : i32 to index
    %swap3A_61 = arith.constant 16 : index
    %swap3A_62 = tpu.vector_load %arg14[%swap3A_60, %swap3A_61] {strides = array<i32>} : memref<4x128xi32, #tpu.memory_space<vmem>>, vector<16xi32>,
    tpu.vector_store %arg14[%swap3A_60, %swap3A_61], %get3A_50 {strides = array<i32>} : memref<4x128xi32, #tpu.memory_space<vmem>>, vector<16xi32>,
    %swap3A_63 = arith.constant 0 : i32
    %swap3A_64 = arith.index_cast %swap3A_63 : i32 to index
    %swap3A_65 = arith.constant 16 : index
    %swap3A_66 = tpu.vector_load %arg15[%swap3A_64, %swap3A_65] {strides = array<i32>} : memref<4x128xi32, #tpu.memory_space<vmem>>, vector<16xi32>,
    tpu.vector_store %arg15[%swap3A_64, %swap3A_65], %get3A_54 {strides = array<i32>} : memref<4x128xi32, #tpu.memory_space<vmem>>, vector<16xi32>,
    %shift_right_arithmetic3A_67 = arith.constant 6 : i32
    %shift_right_arithmetic3A_68 = vector.broadcast %shift_right_arithmetic3A_67 : i32 to vector<16xi32>
    %shift_right_arithmetic3A_69 = arith.shrsi %get3A_46, %shift_right_arithmetic3A_68 : vector<16xi32>
    %swap3A_70 = arith.constant 0 : i32
    %swap3A_71 = arith.index_cast %swap3A_70 : i32 to index
    %swap3A_72 = arith.constant 16 : index
    %swap3A_73 = tpu.vector_load %arg16[%swap3A_71, %swap3A_72] {strides = array<i32>} : memref<4x128xi32, #tpu.memory_space<vmem>>, vector<16xi32>,
    tpu.vector_store %arg16[%swap3A_71, %swap3A_72], %shift_right_arithmetic3A_69 {strides = array<i32>} : memref<4x128xi32, #tpu.memory_space<vmem>>, vector<16xi32>,
    %shift_right_arithmetic3A_74 = arith.constant 6 : i32
    %shift_right_arithmetic3A_75 = vector.broadcast %shift_right_arithmetic3A_74 : i32 to vector<16xi32>
    %shift_right_arithmetic3A_76 = arith.shrsi %get3A_50, %shift_right_arithmetic3A_75 : vector<16xi32>
    %swap3A_77 = arith.constant 0 : i32
    %swap3A_78 = arith.index_cast %swap3A_77 : i32 to index
    %swap3A_79 = arith.constant 16 : index
    %swap3A_80 = tpu.vector_load %arg17[%swap3A_78, %swap3A_79] {strides = array<i32>} : memref<4x128xi32, #tpu.memory_space<vmem>>, vector<16xi32>,
    tpu.vector_store %arg17[%swap3A_78, %swap3A_79], %shift_right_arithmetic3A_76 {strides = array<i32>} : memref<4x128xi32, #tpu.memory_space<vmem>>, vector<16xi32>,
    %shift_right_arithmetic3A_81 = arith.constant 6 : i32
    %shift_right_arithmetic3A_82 = vector.broadcast %shift_right_arithmetic3A_81 : i32 to vector<16xi32>
    %shift_right_arithmetic3A_83 = arith.shrsi %get3A_54, %shift_right_arithmetic3A_82 : vector<16xi32>
    %swap3A_84 = arith.constant 0 : i32
    %swap3A_85 = arith.index_cast %swap3A_84 : i32 to index
    %swap3A_86 = arith.constant 16 : index
    %swap3A_87 = tpu.vector_load %arg18[%swap3A_85, %swap3A_86] {strides = array<i32>} : memref<4x128xi32, #tpu.memory_space<vmem>>, vector<16xi32>,
    tpu.vector_store %arg18[%swap3A_85, %swap3A_86], %shift_right_arithmetic3A_83 {strides = array<i32>} : memref<4x128xi32, #tpu.memory_space<vmem>>, vector<16xi32>,
    %get3A_88 = arith.constant 0 : i32
    %get3A_89 = arith.index_cast %get3A_88 : i32 to index
    %get3A_90 = arith.constant 32 : index
    %get3A_91 = tpu.vector_load %arg10[%get3A_89, %get3A_90] {strides = array<i32>} : memref<4x128xi32, #tpu.memory_space<vmem>>, vector<16xi32>,
    %get3A_92 = arith.constant 0 : i32
    %get3A_93 = arith.index_cast %get3A_92 : i32 to index
    %get3A_94 = arith.constant 32 : index
    %get3A_95 = tpu.vector_load %arg11[%get3A_93, %get3A_94] {strides = array<i32>} : memref<4x128xi32, #tpu.memory_space<vmem>>, vector<16xi32>,
    %get3A_96 = arith.constant 0 : i32
    %get3A_97 = arith.index_cast %get3A_96 : i32 to index
    %get3A_98 = arith.constant 32 : index
    %get3A_99 = tpu.vector_load %arg12[%get3A_97, %get3A_98] {strides = array<i32>} : memref<4x128xi32, #tpu.memory_space<vmem>>, vector<16xi32>,
    %swap3A_100 = arith.constant 0 : i32
    %swap3A_101 = arith.index_cast %swap3A_100 : i32 to index
    %swap3A_102 = arith.constant 32 : index
    %swap3A_103 = tpu.vector_load %arg13[%swap3A_101, %swap3A_102] {strides = array<i32>} : memref<4x128xi32, #tpu.memory_space<vmem>>, vector<16xi32>,
    tpu.vector_store %arg13[%swap3A_101, %swap3A_102], %get3A_91 {strides = array<i32>} : memref<4x128xi32, #tpu.memory_space<vmem>>, vector<16xi32>,
    %swap3A_104 = arith.constant 0 : i32
    %swap3A_105 = arith.index_cast %swap3A_104 : i32 to index
    %swap3A_106 = arith.constant 32 : index
    %swap3A_107 = tpu.vector_load %arg14[%swap3A_105, %swap3A_106] {strides = array<i32>} : memref<4x128xi32, #tpu.memory_space<vmem>>, vector<16xi32>,
    tpu.vector_store %arg14[%swap3A_105, %swap3A_106], %get3A_95 {strides = array<i32>} : memref<4x128xi32, #tpu.memory_space<vmem>>, vector<16xi32>,
    %swap3A_108 = arith.constant 0 : i32
    %swap3A_109 = arith.index_cast %swap3A_108 : i32 to index
    %swap3A_110 = arith.constant 32 : index
    %swap3A_111 = tpu.vector_load %arg15[%swap3A_109, %swap3A_110] {strides = array<i32>} : memref<4x128xi32, #tpu.memory_space<vmem>>, vector<16xi32>,
    tpu.vector_store %arg15[%swap3A_109, %swap3A_110], %get3A_99 {strides = array<i32>} : memref<4x128xi32, #tpu.memory_space<vmem>>, vector<16xi32>,
    %shift_right_arithmetic3A_112 = arith.constant 6 : i32
    %shift_right_arithmetic3A_113 = vector.broadcast %shift_right_arithmetic3A_112 : i32 to vector<16xi32>
    %shift_right_arithmetic3A_114 = arith.shrsi %get3A_91, %shift_right_arithmetic3A_113 : vector<16xi32>
    %swap3A_115 = arith.constant 0 : i32
    %swap3A_116 = arith.index_cast %swap3A_115 : i32 to index
    %swap3A_117 = arith.constant 32 : index
    %swap3A_118 = tpu.vector_load %arg16[%swap3A_116, %swap3A_117] {strides = array<i32>} : memref<4x128xi32, #tpu.memory_space<vmem>>, vector<16xi32>,
    tpu.vector_store %arg16[%swap3A_116, %swap3A_117], %shift_right_arithmetic3A_114 {strides = array<i32>} : memref<4x128xi32, #tpu.memory_space<vmem>>, vector<16xi32>,
    %shift_right_arithmetic3A_119 = arith.constant 6 : i32
    %shift_right_arithmetic3A_120 = vector.broadcast %shift_right_arithmetic3A_119 : i32 to vector<16xi32>
    %shift_right_arithmetic3A_121 = arith.shrsi %get3A_95, %shift_right_arithmetic3A_120 : vector<16xi32>
    %swap3A_122 = arith.constant 0 : i32
    %swap3A_123 = arith.index_cast %swap3A_122 : i32 to index
    %swap3A_124 = arith.constant 32 : index
    %swap3A_125 = tpu.vector_load %arg17[%swap3A_123, %swap3A_124] {strides = array<i32>} : memref<4x128xi32, #tpu.memory_space<vmem>>, vector<16xi32>,
    tpu.vector_store %arg17[%swap3A_123, %swap3A_124], %shift_right_arithmetic3A_121 {strides = array<i32>} : memref<4x128xi32, #tpu.memory_space<vmem>>, vector<16xi32>,
    %shift_right_arithmetic3A_126 = arith.constant 6 : i32
    %shift_right_arithmetic3A_127 = vector.broadcast %shift_right_arithmetic3A_126 : i32 to vector<16xi32>
    %shift_right_arithmetic3A_128 = arith.shrsi %get3A_99, %shift_right_arithmetic3A_127 : vector<16xi32>
    %swap3A_129 = arith.constant 0 : i32
    %swap3A_130 = arith.index_cast %swap3A_129 : i32 to index
    %swap3A_131 = arith.constant 32 : index
    %swap3A_132 = tpu.vector_load %arg18[%swap3A_130, %swap3A_131] {strides = array<i32>} : memref<4x128xi32, #tpu.memory_space<vmem>>, vector<16xi32>,
    tpu.vector_store %arg18[%swap3A_130, %swap3A_131], %shift_right_arithmetic3A_128 {strides = array<i32>} : memref<4x128xi32, #tpu.memory_space<vmem>>, vector<16xi32>,
    %get3A_133 = arith.constant 0 : i32
    %get3A_134 = arith.index_cast %get3A_133 : i32 to index
    %get3A_135 = arith.constant 48 : index
    %get3A_136 = tpu.vector_load %arg10[%get3A_134, %get3A_135] {strides = array<i32>} : memref<4x128xi32, #tpu.memory_space<vmem>>, vector<16xi32>,
    %get3A_137 = arith.constant 0 : i32
    %get3A_138 = arith.index_cast %get3A_137 : i32 to index
    %get3A_139 = arith.constant 48 : index
    %get3A_140 = tpu.vector_load %arg11[%get3A_138, %get3A_139] {strides = array<i32>} : memref<4x128xi32, #tpu.memory_space<vmem>>, vector<16xi32>,
    %get3A_141 = arith.constant 0 : i32
    %get3A_142 = arith.index_cast %get3A_141 : i32 to index
    %get3A_143 = arith.constant 48 : index
    %get3A_144 = tpu.vector_load %arg12[%get3A_142, %get3A_143] {strides = array<i32>} : memref<4x128xi32, #tpu.memory_space<vmem>>, vector<16xi32>,
    %swap3A_145 = arith.constant 0 : i32
    %swap3A_146 = arith.index_cast %swap3A_145 : i32 to index
    %swap3A_147 = arith.constant 48 : index
    %swap3A_148 = tpu.vector_load %arg13[%swap3A_146, %swap3A_147] {strides = array<i32>} : memref<4x128xi32, #tpu.memory_space<vmem>>, vector<16xi32>,
    tpu.vector_store %arg13[%swap3A_146, %swap3A_147], %get3A_136 {strides = array<i32>} : memref<4x128xi32, #tpu.memory_space<vmem>>, vector<16xi32>,
    %swap3A_149 = arith.constant 0 : i32
    %swap3A_150 = arith.index_cast %swap3A_149 : i32 to index
    %swap3A_151 = arith.constant 48 : index
    %swap3A_152 = tpu.vector_load %arg14[%swap3A_150, %swap3A_151] {strides = array<i32>} : memref<4x128xi32, #tpu.memory_space<vmem>>, vector<16xi32>,
    tpu.vector_store %arg14[%swap3A_150, %swap3A_151], %get3A_140 {strides = array<i32>} : memref<4x128xi32, #tpu.memory_space<vmem>>, vector<16xi32>,
    %swap3A_153 = arith.constant 0 : i32
    %swap3A_154 = arith.index_cast %swap3A_153 : i32 to index
    %swap3A_155 = arith.constant 48 : index
    %swap3A_156 = tpu.vector_load %arg15[%swap3A_154, %swap3A_155] {strides = array<i32>} : memref<4x128xi32, #tpu.memory_space<vmem>>, vector<16xi32>,
    tpu.vector_store %arg15[%swap3A_154, %swap3A_155], %get3A_144 {strides = array<i32>} : memref<4x128xi32, #tpu.memory_space<vmem>>, vector<16xi32>,
    %shift_right_arithmetic3A_157 = arith.constant 6 : i32
    %shift_right_arithmetic3A_158 = vector.broadcast %shift_right_arithmetic3A_157 : i32 to vector<16xi32>
    %shift_right_arithmetic3A_159 = arith.shrsi %get3A_136, %shift_right_arithmetic3A_158 : vector<16xi32>
    %swap3A_160 = arith.constant 0 : i32
    %swap3A_161 = arith.index_cast %swap3A_160 : i32 to index
    %swap3A_162 = arith.constant 48 : index
    %swap3A_163 = tpu.vector_load %arg16[%swap3A_161, %swap3A_162] {strides = array<i32>} : memref<4x128xi32, #tpu.memory_space<vmem>>, vector<16xi32>,
    tpu.vector_store %arg16[%swap3A_161, %swap3A_162], %shift_right_arithmetic3A_159 {strides = array<i32>} : memref<4x128xi32, #tpu.memory_space<vmem>>, vector<16xi32>,
    %shift_right_arithmetic3A_164 = arith.constant 6 : i32
    %shift_right_arithmetic3A_165 = vector.broadcast %shift_right_arithmetic3A_164 : i32 to vector<16xi32>
    %shift_right_arithmetic3A_166 = arith.shrsi %get3A_140, %shift_right_arithmetic3A_165 : vector<16xi32>
    %swap3A_167 = arith.constant 0 : i32
    %swap3A_168 = arith.index_cast %swap3A_167 : i32 to index
    %swap3A_169 = arith.constant 48 : index
    %swap3A_170 = tpu.vector_load %arg17[%swap3A_168, %swap3A_169] {strides = array<i32>} : memref<4x128xi32, #tpu.memory_space<vmem>>, vector<16xi32>,
    tpu.vector_store %arg17[%swap3A_168, %swap3A_169], %shift_right_arithmetic3A_166 {strides = array<i32>} : memref<4x128xi32, #tpu.memory_space<vmem>>, vector<16xi32>,
    %shift_right_arithmetic3A_171 = arith.constant 6 : i32
    %shift_right_arithmetic3A_172 = vector.broadcast %shift_right_arithmetic3A_171 : i32 to vector<16xi32>
    %shift_right_arithmetic3A_173 = arith.shrsi %get3A_144, %shift_right_arithmetic3A_172 : vector<16xi32>
    %swap3A_174 = arith.constant 0 : i32
    %swap3A_175 = arith.index_cast %swap3A_174 : i32 to index
    %swap3A_176 = arith.constant 48 : index
    %swap3A_177 = tpu.vector_load %arg18[%swap3A_175, %swap3A_176] {strides = array<i32>} : memref<4x128xi32, #tpu.memory_space<vmem>>, vector<16xi32>,
    tpu.vector_store %arg18[%swap3A_175, %swap3A_176], %shift_right_arithmetic3A_173 {strides = array<i32>} : memref<4x128xi32, #tpu.memory_space<vmem>>, vector<16xi32>,
    %get3A_178 = arith.constant 0 : i32
    %get3A_179 = arith.index_cast %get3A_178 : i32 to index
    %get3A_180 = arith.constant 64 : index
    %get3A_181 = tpu.vector_load %arg10[%get3A_179, %get3A_180] {strides = array<i32>} : memref<4x128xi32, #tpu.memory_space<vmem>>, vector<16xi32>,
    %get3A_182 = arith.constant 0 : i32
    %get3A_183 = arith.index_cast %get3A_182 : i32 to index
    %get3A_184 = arith.constant 64 : index
    %get3A_185 = tpu.vector_load %arg11[%get3A_183, %get3A_184] {strides = array<i32>} : memref<4x128xi32, #tpu.memory_space<vmem>>, vector<16xi32>,
    %get3A_186 = arith.constant 0 : i32
    %get3A_187 = arith.index_cast %get3A_186 : i32 to index
    %get3A_188 = arith.constant 64 : index
    %get3A_189 = tpu.vector_load %arg12[%get3A_187, %get3A_188] {strides = array<i32>} : memref<4x128xi32, #tpu.memory_space<vmem>>, vector<16xi32>,
    %swap3A_190 = arith.constant 0 : i32
    %swap3A_191 = arith.index_cast %swap3A_190 : i32 to index
    %swap3A_192 = arith.constant 64 : index
    %swap3A_193 = tpu.vector_load %arg13[%swap3A_191, %swap3A_192] {strides = array<i32>} : memref<4x128xi32, #tpu.memory_space<vmem>>, vector<16xi32>,
    tpu.vector_store %arg13[%swap3A_191, %swap3A_192], %get3A_181 {strides = array<i32>} : memref<4x128xi32, #tpu.memory_space<vmem>>, vector<16xi32>,
    %swap3A_194 = arith.constant 0 : i32
    %swap3A_195 = arith.index_cast %swap3A_194 : i32 to index
    %swap3A_196 = arith.constant 64 : index
    %swap3A_197 = tpu.vector_load %arg14[%swap3A_195, %swap3A_196] {strides = array<i32>} : memref<4x128xi32, #tpu.memory_space<vmem>>, vector<16xi32>,
    tpu.vector_store %arg14[%swap3A_195, %swap3A_196], %get3A_185 {strides = array<i32>} : memref<4x128xi32, #tpu.memory_space<vmem>>, vector<16xi32>,
    %swap3A_198 = arith.constant 0 : i32
    %swap3A_199 = arith.index_cast %swap3A_198 : i32 to index
    %swap3A_200 = arith.constant 64 : index
    %swap3A_201 = tpu.vector_load %arg15[%swap3A_199, %swap3A_200] {strides = array<i32>} : memref<4x128xi32, #tpu.memory_space<vmem>>, vector<16xi32>,
    tpu.vector_store %arg15[%swap3A_199, %swap3A_200], %get3A_189 {strides = array<i32>} : memref<4x128xi32, #tpu.memory_space<vmem>>, vector<16xi32>,
    %shift_right_arithmetic3A_202 = arith.constant 6 : i32
    %shift_right_arithmetic3A_203 = vector.broadcast %shift_right_arithmetic3A_202 : i32 to vector<16xi32>
    %shift_right_arithmetic3A_204 = arith.shrsi %get3A_181, %shift_right_arithmetic3A_203 : vector<16xi32>
    %swap3A_205 = arith.constant 0 : i32
    %swap3A_206 = arith.index_cast %swap3A_205 : i32 to index
    %swap3A_207 = arith.constant 64 : index
    %swap3A_208 = tpu.vector_load %arg16[%swap3A_206, %swap3A_207] {strides = array<i32>} : memref<4x128xi32, #tpu.memory_space<vmem>>, vector<16xi32>,
    tpu.vector_store %arg16[%swap3A_206, %swap3A_207], %shift_right_arithmetic3A_204 {strides = array<i32>} : memref<4x128xi32, #tpu.memory_space<vmem>>, vector<16xi32>,
    %shift_right_arithmetic3A_209 = arith.constant 6 : i32
    %shift_right_arithmetic3A_210 = vector.broadcast %shift_right_arithmetic3A_209 : i32 to vector<16xi32>
    %shift_right_arithmetic3A_211 = arith.shrsi %get3A_185, %shift_right_arithmetic3A_210 : vector<16xi32>
    %swap3A_212 = arith.constant 0 : i32
    %swap3A_213 = arith.index_cast %swap3A_212 : i32 to index
    %swap3A_214 = arith.constant 64 : index
    %swap3A_215 = tpu.vector_load %arg17[%swap3A_213, %swap3A_214] {strides = array<i32>} : memref<4x128xi32, #tpu.memory_space<vmem>>, vector<16xi32>,
    tpu.vector_store %arg17[%swap3A_213, %swap3A_214], %shift_right_arithmetic3A_211 {strides = array<i32>} : memref<4x128xi32, #tpu.memory_space<vmem>>, vector<16xi32>,
    %shift_right_arithmetic3A_216 = arith.constant 6 : i32
    %shift_right_arithmetic3A_217 = vector.broadcast %shift_right_arithmetic3A_216 : i32 to vector<16xi32>
    %shift_right_arithmetic3A_218 = arith.shrsi %get3A_189, %shift_right_arithmetic3A_217 : vector<16xi32>
    %swap3A_219 = arith.constant 0 : i32
    %swap3A_220 = arith.index_cast %swap3A_219 : i32 to index
    %swap3A_221 = arith.constant 64 : index
    %swap3A_222 = tpu.vector_load %arg18[%swap3A_220, %swap3A_221] {strides = array<i32>} : memref<4x128xi32, #tpu.memory_space<vmem>>, vector<16xi32>,
    tpu.vector_store %arg18[%swap3A_220, %swap3A_221], %shift_right_arithmetic3A_218 {strides = array<i32>} : memref<4x128xi32, #tpu.memory_space<vmem>>, vector<16xi32>,
    %get3A_223 = arith.constant 0 : i32
    %get3A_224 = arith.index_cast %get3A_223 : i32 to index
    %get3A_225 = arith.constant 80 : index
    %get3A_226 = tpu.vector_load %arg10[%get3A_224, %get3A_225] {strides = array<i32>} : memref<4x128xi32, #tpu.memory_space<vmem>>, vector<16xi32>,
    %get3A_227 = arith.constant 0 : i32
    %get3A_228 = arith.index_cast %get3A_227 : i32 to index
    %get3A_229 = arith.constant 80 : index
    %get3A_230 = tpu.vector_load %arg11[%get3A_228, %get3A_229] {strides = array<i32>} : memref<4x128xi32, #tpu.memory_space<vmem>>, vector<16xi32>,
    %get3A_231 = arith.constant 0 : i32
    %get3A_232 = arith.index_cast %get3A_231 : i32 to index
    %get3A_233 = arith.constant 80 : index
    %get3A_234 = tpu.vector_load %arg12[%get3A_232, %get3A_233] {strides = array<i32>} : memref<4x128xi32, #tpu.memory_space<vmem>>, vector<16xi32>,
    %swap3A_235 = arith.constant 0 : i32
    %swap3A_236 = arith.index_cast %swap3A_235 : i32 to index
    %swap3A_237 = arith.constant 80 : index
    %swap3A_238 = tpu.vector_load %arg13[%swap3A_236, %swap3A_237] {strides = array<i32>} : memref<4x128xi32, #tpu.memory_space<vmem>>, vector<16xi32>,
    tpu.vector_store %arg13[%swap3A_236, %swap3A_237], %get3A_226 {strides = array<i32>} : memref<4x128xi32, #tpu.memory_space<vmem>>, vector<16xi32>,
    %swap3A_239 = arith.constant 0 : i32
    %swap3A_240 = arith.index_cast %swap3A_239 : i32 to index
    %swap3A_241 = arith.constant 80 : index
    %swap3A_242 = tpu.vector_load %arg14[%swap3A_240, %swap3A_241] {strides = array<i32>} : memref<4x128xi32, #tpu.memory_space<vmem>>, vector<16xi32>,
    tpu.vector_store %arg14[%swap3A_240, %swap3A_241], %get3A_230 {strides = array<i32>} : memref<4x128xi32, #tpu.memory_space<vmem>>, vector<16xi32>,
    %swap3A_243 = arith.constant 0 : i32
    %swap3A_244 = arith.index_cast %swap3A_243 : i32 to index
    %swap3A_245 = arith.constant 80 : index
    %swap3A_246 = tpu.vector_load %arg15[%swap3A_244, %swap3A_245] {strides = array<i32>} : memref<4x128xi32, #tpu.memory_space<vmem>>, vector<16xi32>,
    tpu.vector_store %arg15[%swap3A_244, %swap3A_245], %get3A_234 {strides = array<i32>} : memref<4x128xi32, #tpu.memory_space<vmem>>, vector<16xi32>,
    %shift_right_arithmetic3A_247 = arith.constant 6 : i32
    %shift_right_arithmetic3A_248 = vector.broadcast %shift_right_arithmetic3A_247 : i32 to vector<16xi32>
    %shift_right_arithmetic3A_249 = arith.shrsi %get3A_226, %shift_right_arithmetic3A_248 : vector<16xi32>
    %swap3A_250 = arith.constant 0 : i32
    %swap3A_251 = arith.index_cast %swap3A_250 : i32 to index
    %swap3A_252 = arith.constant 80 : index
    %swap3A_253 = tpu.vector_load %arg16[%swap3A_251, %swap3A_252] {strides = array<i32>} : memref<4x128xi32, #tpu.memory_space<vmem>>, vector<16xi32>,
    tpu.vector_store %arg16[%swap3A_251, %swap3A_252], %shift_right_arithmetic3A_249 {strides = array<i32>} : memref<4x128xi32, #tpu.memory_space<vmem>>, vector<16xi32>,
    %shift_right_arithmetic3A_254 = arith.constant 6 : i32
    %shift_right_arithmetic3A_255 = vector.broadcast %shift_right_arithmetic3A_254 : i32 to vector<16xi32>
    %shift_right_arithmetic3A_256 = arith.shrsi %get3A_230, %shift_right_arithmetic3A_255 : vector<16xi32>
    %swap3A_257 = arith.constant 0 : i32
    %swap3A_258 = arith.index_cast %swap3A_257 : i32 to index
    %swap3A_259 = arith.constant 80 : index
    %swap3A_260 = tpu.vector_load %arg17[%swap3A_258, %swap3A_259] {strides = array<i32>} : memref<4x128xi32, #tpu.memory_space<vmem>>, vector<16xi32>,
    tpu.vector_store %arg17[%swap3A_258, %swap3A_259], %shift_right_arithmetic3A_256 {strides = array<i32>} : memref<4x128xi32, #tpu.memory_space<vmem>>, vector<16xi32>,
    %shift_right_arithmetic3A_261 = arith.constant 6 : i32
    %shift_right_arithmetic3A_262 = vector.broadcast %shift_right_arithmetic3A_261 : i32 to vector<16xi32>
    %shift_right_arithmetic3A_263 = arith.shrsi %get3A_234, %shift_right_arithmetic3A_262 : vector<16xi32>
    %swap3A_264 = arith.constant 0 : i32
    %swap3A_265 = arith.index_cast %swap3A_264 : i32 to index
    %swap3A_266 = arith.constant 80 : index
    %swap3A_267 = tpu.vector_load %arg18[%swap3A_265, %swap3A_266] {strides = array<i32>} : memref<4x128xi32, #tpu.memory_space<vmem>>, vector<16xi32>,
    tpu.vector_store %arg18[%swap3A_265, %swap3A_266], %shift_right_arithmetic3A_263 {strides = array<i32>} : memref<4x128xi32, #tpu.memory_space<vmem>>, vector<16xi32>,
    %get3A_268 = arith.constant 0 : i32
    %get3A_269 = arith.index_cast %get3A_268 : i32 to index
    %get3A_270 = arith.constant 96 : index
    %get3A_271 = tpu.vector_load %arg10[%get3A_269, %get3A_270] {strides = array<i32>} : memref<4x128xi32, #tpu.memory_space<vmem>>, vector<16xi32>,
    %get3A_272 = arith.constant 0 : i32
    %get3A_273 = arith.index_cast %get3A_272 : i32 to index
    %get3A_274 = arith.constant 96 : index
    %get3A_275 = tpu.vector_load %arg11[%get3A_273, %get3A_274] {strides = array<i32>} : memref<4x128xi32, #tpu.memory_space<vmem>>, vector<16xi32>,
    %get3A_276 = arith.constant 0 : i32
    %get3A_277 = arith.index_cast %get3A_276 : i32 to index
    %get3A_278 = arith.constant 96 : index
    %get3A_279 = tpu.vector_load %arg12[%get3A_277, %get3A_278] {strides = array<i32>} : memref<4x128xi32, #tpu.memory_space<vmem>>, vector<16xi32>,
    %swap3A_280 = arith.constant 0 : i32
    %swap3A_281 = arith.index_cast %swap3A_280 : i32 to index
    %swap3A_282 = arith.constant 96 : index
    %swap3A_283 = tpu.vector_load %arg13[%swap3A_281, %swap3A_282] {strides = array<i32>} : memref<4x128xi32, #tpu.memory_space<vmem>>, vector<16xi32>,
    tpu.vector_store %arg13[%swap3A_281, %swap3A_282], %get3A_271 {strides = array<i32>} : memref<4x128xi32, #tpu.memory_space<vmem>>, vector<16xi32>,
    %swap3A_284 = arith.constant 0 : i32
    %swap3A_285 = arith.index_cast %swap3A_284 : i32 to index
    %swap3A_286 = arith.constant 96 : index
    %swap3A_287 = tpu.vector_load %arg14[%swap3A_285, %swap3A_286] {strides = array<i32>} : memref<4x128xi32, #tpu.memory_space<vmem>>, vector<16xi32>,
    tpu.vector_store %arg14[%swap3A_285, %swap3A_286], %get3A_275 {strides = array<i32>} : memref<4x128xi32, #tpu.memory_space<vmem>>, vector<16xi32>,
    %swap3A_288 = arith.constant 0 : i32
    %swap3A_289 = arith.index_cast %swap3A_288 : i32 to index
    %swap3A_290 = arith.constant 96 : index
    %swap3A_291 = tpu.vector_load %arg15[%swap3A_289, %swap3A_290] {strides = array<i32>} : memref<4x128xi32, #tpu.memory_space<vmem>>, vector<16xi32>,
    tpu.vector_store %arg15[%swap3A_289, %swap3A_290], %get3A_279 {strides = array<i32>} : memref<4x128xi32, #tpu.memory_space<vmem>>, vector<16xi32>,
    %shift_right_arithmetic3A_292 = arith.constant 6 : i32
    %shift_right_arithmetic3A_293 = vector.broadcast %shift_right_arithmetic3A_292 : i32 to vector<16xi32>
    %shift_right_arithmetic3A_294 = arith.shrsi %get3A_271, %shift_right_arithmetic3A_293 : vector<16xi32>
    %swap3A_295 = arith.constant 0 : i32
    %swap3A_296 = arith.index_cast %swap3A_295 : i32 to index
    %swap3A_297 = arith.constant 96 : index
    %swap3A_298 = tpu.vector_load %arg16[%swap3A_296, %swap3A_297] {strides = array<i32>} : memref<4x128xi32, #tpu.memory_space<vmem>>, vector<16xi32>,
    tpu.vector_store %arg16[%swap3A_296, %swap3A_297], %shift_right_arithmetic3A_294 {strides = array<i32>} : memref<4x128xi32, #tpu.memory_space<vmem>>, vector<16xi32>,
    %shift_right_arithmetic3A_299 = arith.constant 6 : i32
    %shift_right_arithmetic3A_300 = vector.broadcast %shift_right_arithmetic3A_299 : i32 to vector<16xi32>
    %shift_right_arithmetic3A_301 = arith.shrsi %get3A_275, %shift_right_arithmetic3A_300 : vector<16xi32>
    %swap3A_302 = arith.constant 0 : i32
    %swap3A_303 = arith.index_cast %swap3A_302 : i32 to index
    %swap3A_304 = arith.constant 96 : index
    %swap3A_305 = tpu.vector_load %arg17[%swap3A_303, %swap3A_304] {strides = array<i32>} : memref<4x128xi32, #tpu.memory_space<vmem>>, vector<16xi32>,
    tpu.vector_store %arg17[%swap3A_303, %swap3A_304], %shift_right_arithmetic3A_301 {strides = array<i32>} : memref<4x128xi32, #tpu.memory_space<vmem>>, vector<16xi32>,
    %shift_right_arithmetic3A_306 = arith.constant 6 : i32
    %shift_right_arithmetic3A_307 = vector.broadcast %shift_right_arithmetic3A_306 : i32 to vector<16xi32>
    %shift_right_arithmetic3A_308 = arith.shrsi %get3A_279, %shift_right_arithmetic3A_307 : vector<16xi32>
    %swap3A_309 = arith.constant 0 : i32
    %swap3A_310 = arith.index_cast %swap3A_309 : i32 to index
    %swap3A_311 = arith.constant 96 : index
    %swap3A_312 = tpu.vector_load %arg18[%swap3A_310, %swap3A_311] {strides = array<i32>} : memref<4x128xi32, #tpu.memory_space<vmem>>, vector<16xi32>,
    tpu.vector_store %arg18[%swap3A_310, %swap3A_311], %shift_right_arithmetic3A_308 {strides = array<i32>} : memref<4x128xi32, #tpu.memory_space<vmem>>, vector<16xi32>,
    %get3A_313 = arith.constant 0 : i32
    %get3A_314 = arith.index_cast %get3A_313 : i32 to index
    %get3A_315 = arith.constant 112 : index
    %get3A_316 = tpu.vector_load %arg10[%get3A_314, %get3A_315] {strides = array<i32>} : memref<4x128xi32, #tpu.memory_space<vmem>>, vector<16xi32>,
    %get3A_317 = arith.constant 0 : i32
    %get3A_318 = arith.index_cast %get3A_317 : i32 to index
    %get3A_319 = arith.constant 112 : index
    %get3A_320 = tpu.vector_load %arg11[%get3A_318, %get3A_319] {strides = array<i32>} : memref<4x128xi32, #tpu.memory_space<vmem>>, vector<16xi32>,
    %get3A_321 = arith.constant 0 : i32
    %get3A_322 = arith.index_cast %get3A_321 : i32 to index
    %get3A_323 = arith.constant 112 : index
    %get3A_324 = tpu.vector_load %arg12[%get3A_322, %get3A_323] {strides = array<i32>} : memref<4x128xi32, #tpu.memory_space<vmem>>, vector<16xi32>,
    %swap3A_325 = arith.constant 0 : i32
    %swap3A_326 = arith.index_cast %swap3A_325 : i32 to index
    %swap3A_327 = arith.constant 112 : index
    %swap3A_328 = tpu.vector_load %arg13[%swap3A_326, %swap3A_327] {strides = array<i32>} : memref<4x128xi32, #tpu.memory_space<vmem>>, vector<16xi32>,
    tpu.vector_store %arg13[%swap3A_326, %swap3A_327], %get3A_316 {strides = array<i32>} : memref<4x128xi32, #tpu.memory_space<vmem>>, vector<16xi32>,
    %swap3A_329 = arith.constant 0 : i32
    %swap3A_330 = arith.index_cast %swap3A_329 : i32 to index
    %swap3A_331 = arith.constant 112 : index
    %swap3A_332 = tpu.vector_load %arg14[%swap3A_330, %swap3A_331] {strides = array<i32>} : memref<4x128xi32, #tpu.memory_space<vmem>>, vector<16xi32>,
    tpu.vector_store %arg14[%swap3A_330, %swap3A_331], %get3A_320 {strides = array<i32>} : memref<4x128xi32, #tpu.memory_space<vmem>>, vector<16xi32>,
    %swap3A_333 = arith.constant 0 : i32
    %swap3A_334 = arith.index_cast %swap3A_333 : i32 to index
    %swap3A_335 = arith.constant 112 : index
    %swap3A_336 = tpu.vector_load %arg15[%swap3A_334, %swap3A_335] {strides = array<i32>} : memref<4x128xi32, #tpu.memory_space<vmem>>, vector<16xi32>,
    tpu.vector_store %arg15[%swap3A_334, %swap3A_335], %get3A_324 {strides = array<i32>} : memref<4x128xi32, #tpu.memory_space<vmem>>, vector<16xi32>,
    %shift_right_arithmetic3A_337 = arith.constant 6 : i32
    %shift_right_arithmetic3A_338 = vector.broadcast %shift_right_arithmetic3A_337 : i32 to vector<16xi32>
    %shift_right_arithmetic3A_339 = arith.shrsi %get3A_316, %shift_right_arithmetic3A_338 : vector<16xi32>
    %swap3A_340 = arith.constant 0 : i32
    %swap3A_341 = arith.index_cast %swap3A_340 : i32 to index
    %swap3A_342 = arith.constant 112 : index
    %swap3A_343 = tpu.vector_load %arg16[%swap3A_341, %swap3A_342] {strides = array<i32>} : memref<4x128xi32, #tpu.memory_space<vmem>>, vector<16xi32>,
    tpu.vector_store %arg16[%swap3A_341, %swap3A_342], %shift_right_arithmetic3A_339 {strides = array<i32>} : memref<4x128xi32, #tpu.memory_space<vmem>>, vector<16xi32>,
    %shift_right_arithmetic3A_344 = arith.constant 6 : i32
    %shift_right_arithmetic3A_345 = vector.broadcast %shift_right_arithmetic3A_344 : i32 to vector<16xi32>
    %shift_right_arithmetic3A_346 = arith.shrsi %get3A_320, %shift_right_arithmetic3A_345 : vector<16xi32>
    %swap3A_347 = arith.constant 0 : i32
    %swap3A_348 = arith.index_cast %swap3A_347 : i32 to index
    %swap3A_349 = arith.constant 112 : index
    %swap3A_350 = tpu.vector_load %arg17[%swap3A_348, %swap3A_349] {strides = array<i32>} : memref<4x128xi32, #tpu.memory_space<vmem>>, vector<16xi32>,
    tpu.vector_store %arg17[%swap3A_348, %swap3A_349], %shift_right_arithmetic3A_346 {strides = array<i32>} : memref<4x128xi32, #tpu.memory_space<vmem>>, vector<16xi32>,
    %shift_right_arithmetic3A_351 = arith.constant 6 : i32
    %shift_right_arithmetic3A_352 = vector.broadcast %shift_right_arithmetic3A_351 : i32 to vector<16xi32>
    %shift_right_arithmetic3A_353 = arith.shrsi %get3A_324, %shift_right_arithmetic3A_352 : vector<16xi32>
    %swap3A_354 = arith.constant 0 : i32
    %swap3A_355 = arith.index_cast %swap3A_354 : i32 to index
    %swap3A_356 = arith.constant 112 : index
    %swap3A_357 = tpu.vector_load %arg18[%swap3A_355, %swap3A_356] {strides = array<i32>} : memref<4x128xi32, #tpu.memory_space<vmem>>, vector<16xi32>,
    tpu.vector_store %arg18[%swap3A_355, %swap3A_356], %shift_right_arithmetic3A_353 {strides = array<i32>} : memref<4x128xi32, #tpu.memory_space<vmem>>, vector<16xi32>,
    %get3A_358 = arith.constant 1 : i32
    %get3A_359 = arith.index_cast %get3A_358 : i32 to index
    %get3A_360 = arith.constant 0 : index
    %get3A_361 = tpu.vector_load %arg10[%get3A_359, %get3A_360] {strides = array<i32>} : memref<4x128xi32, #tpu.memory_space<vmem>>, vector<16xi32>,
    %get3A_362 = arith.constant 1 : i32
    %get3A_363 = arith.index_cast %get3A_362 : i32 to index
    %get3A_364 = arith.constant 0 : index
    %get3A_365 = tpu.vector_load %arg11[%get3A_363, %get3A_364] {strides = array<i32>} : memref<4x128xi32, #tpu.memory_space<vmem>>, vector<16xi32>,
    %get3A_366 = arith.constant 1 : i32
    %get3A_367 = arith.index_cast %get3A_366 : i32 to index
    %get3A_368 = arith.constant 0 : index
    %get3A_369 = tpu.vector_load %arg12[%get3A_367, %get3A_368] {strides = array<i32>} : memref<4x128xi32, #tpu.memory_space<vmem>>, vector<16xi32>,
    %swap3A_370 = arith.constant 1 : i32
    %swap3A_371 = arith.index_cast %swap3A_370 : i32 to index
    %swap3A_372 = arith.constant 0 : index
    %swap3A_373 = tpu.vector_load %arg13[%swap3A_371, %swap3A_372] {strides = array<i32>} : memref<4x128xi32, #tpu.memory_space<vmem>>, vector<16xi32>,
    tpu.vector_store %arg13[%swap3A_371, %swap3A_372], %get3A_361 {strides = array<i32>} : memref<4x128xi32, #tpu.memory_space<vmem>>, vector<16xi32>,
    %swap3A_374 = arith.constant 1 : i32
    %swap3A_375 = arith.index_cast %swap3A_374 : i32 to index
    %swap3A_376 = arith.constant 0 : index
    %swap3A_377 = tpu.vector_load %arg14[%swap3A_375, %swap3A_376] {strides = array<i32>} : memref<4x128xi32, #tpu.memory_space<vmem>>, vector<16xi32>,
    tpu.vector_store %arg14[%swap3A_375, %swap3A_376], %get3A_365 {strides = array<i32>} : memref<4x128xi32, #tpu.memory_space<vmem>>, vector<16xi32>,
    %swap3A_378 = arith.constant 1 : i32
    %swap3A_379 = arith.index_cast %swap3A_378 : i32 to index
    %swap3A_380 = arith.constant 0 : index
    %swap3A_381 = tpu.vector_load %arg15[%swap3A_379, %swap3A_380] {strides = array<i32>} : memref<4x128xi32, #tpu.memory_space<vmem>>, vector<16xi32>,
    tpu.vector_store %arg15[%swap3A_379, %swap3A_380], %get3A_369 {strides = array<i32>} : memref<4x128xi32, #tpu.memory_space<vmem>>, vector<16xi32>,
    %shift_right_arithmetic3A_382 = arith.constant 6 : i32
    %shift_right_arithmetic3A_383 = vector.broadcast %shift_right_arithmetic3A_382 : i32 to vector<16xi32>
    %shift_right_arithmetic3A_384 = arith.shrsi %get3A_361, %shift_right_arithmetic3A_383 : vector<16xi32>
    %swap3A_385 = arith.constant 1 : i32
    %swap3A_386 = arith.index_cast %swap3A_385 : i32 to index
    %swap3A_387 = arith.constant 0 : index
    %swap3A_388 = tpu.vector_load %arg16[%swap3A_386, %swap3A_387] {strides = array<i32>} : memref<4x128xi32, #tpu.memory_space<vmem>>, vector<16xi32>,
    tpu.vector_store %arg16[%swap3A_386, %swap3A_387], %shift_right_arithmetic3A_384 {strides = array<i32>} : memref<4x128xi32, #tpu.memory_space<vmem>>, vector<16xi32>,
    %shift_right_arithmetic3A_389 = arith.constant 6 : i32
    %shift_right_arithmetic3A_390 = vector.broadcast %shift_right_arithmetic3A_389 : i32 to vector<16xi32>
    %shift_right_arithmetic3A_391 = arith.shrsi %get3A_365, %shift_right_arithmetic3A_390 : vector<16xi32>
    %swap3A_392 = arith.constant 1 : i32
    %swap3A_393 = arith.index_cast %swap3A_392 : i32 to index
    %swap3A_394 = arith.constant 0 : index
    %swap3A_395 = tpu.vector_load %arg17[%swap3A_393, %swap3A_394] {strides = array<i32>} : memref<4x128xi32, #tpu.memory_space<vmem>>, vector<16xi32>,
    tpu.vector_store %arg17[%swap3A_393, %swap3A_394], %shift_right_arithmetic3A_391 {strides = array<i32>} : memref<4x128xi32, #tpu.memory_space<vmem>>, vector<16xi32>,
    %shift_right_arithmetic3A_396 = arith.constant 6 : i32
    %shift_right_arithmetic3A_397 = vector.broadcast %shift_right_arithmetic3A_396 : i32 to vector<16xi32>
    %shift_right_arithmetic3A_398 = arith.shrsi %get3A_369, %shift_right_arithmetic3A_397 : vector<16xi32>
    %swap3A_399 = arith.constant 1 : i32
    %swap3A_400 = arith.index_cast %swap3A_399 : i32 to index
    %swap3A_401 = arith.constant 0 : index
    %swap3A_402 = tpu.vector_load %arg18[%swap3A_400, %swap3A_401] {strides = array<i32>} : memref<4x128xi32, #tpu.memory_space<vmem>>, vector<16xi32>,
    tpu.vector_store %arg18[%swap3A_400, %swap3A_401], %shift_right_arithmetic3A_398 {strides = array<i32>} : memref<4x128xi32, #tpu.memory_space<vmem>>, vector<16xi32>,
    %get3A_403 = arith.constant 1 : i32
    %get3A_404 = arith.index_cast %get3A_403 : i32 to index
    %get3A_405 = arith.constant 16 : index
    %get3A_406 = tpu.vector_load %arg10[%get3A_404, %get3A_405] {strides = array<i32>} : memref<4x128xi32, #tpu.memory_space<vmem>>, vector<16xi32>,
    %get3A_407 = arith.constant 1 : i32
    %get3A_408 = arith.index_cast %get3A_407 : i32 to index
    %get3A_409 = arith.constant 16 : index
    %get3A_410 = tpu.vector_load %arg11[%get3A_408, %get3A_409] {strides = array<i32>} : memref<4x128xi32, #tpu.memory_space<vmem>>, vector<16xi32>,
    %get3A_411 = arith.constant 1 : i32
    %get3A_412 = arith.index_cast %get3A_411 : i32 to index
    %get3A_413 = arith.constant 16 : index
    %get3A_414 = tpu.vector_load %arg12[%get3A_412, %get3A_413] {strides = array<i32>} : memref<4x128xi32, #tpu.memory_space<vmem>>, vector<16xi32>,
    %swap3A_415 = arith.constant 1 : i32
    %swap3A_416 = arith.index_cast %swap3A_415 : i32 to index
    %swap3A_417 = arith.constant 16 : index
    %swap3A_418 = tpu.vector_load %arg13[%swap3A_416, %swap3A_417] {strides = array<i32>} : memref<4x128xi32, #tpu.memory_space<vmem>>, vector<16xi32>,
    tpu.vector_store %arg13[%swap3A_416, %swap3A_417], %get3A_406 {strides = array<i32>} : memref<4x128xi32, #tpu.memory_space<vmem>>, vector<16xi32>,
    %swap3A_419 = arith.constant 1 : i32
    %swap3A_420 = arith.index_cast %swap3A_419 : i32 to index
    %swap3A_421 = arith.constant 16 : index
    %swap3A_422 = tpu.vector_load %arg14[%swap3A_420, %swap3A_421] {strides = array<i32>} : memref<4x128xi32, #tpu.memory_space<vmem>>, vector<16xi32>,
    tpu.vector_store %arg14[%swap3A_420, %swap3A_421], %get3A_410 {strides = array<i32>} : memref<4x128xi32, #tpu.memory_space<vmem>>, vector<16xi32>,
    %swap3A_423 = arith.constant 1 : i32
    %swap3A_424 = arith.index_cast %swap3A_423 : i32 to index
    %swap3A_425 = arith.constant 16 : index
    %swap3A_426 = tpu.vector_load %arg15[%swap3A_424, %swap3A_425] {strides = array<i32>} : memref<4x128xi32, #tpu.memory_space<vmem>>, vector<16xi32>,
    tpu.vector_store %arg15[%swap3A_424, %swap3A_425], %get3A_414 {strides = array<i32>} : memref<4x128xi32, #tpu.memory_space<vmem>>, vector<16xi32>,
    %shift_right_arithmetic3A_427 = arith.constant 6 : i32
    %shift_right_arithmetic3A_428 = vector.broadcast %shift_right_arithmetic3A_427 : i32 to vector<16xi32>
    %shift_right_arithmetic3A_429 = arith.shrsi %get3A_406, %shift_right_arithmetic3A_428 : vector<16xi32>
    %swap3A_430 = arith.constant 1 : i32
    %swap3A_431 = arith.index_cast %swap3A_430 : i32 to index
    %swap3A_432 = arith.constant 16 : index
    %swap3A_433 = tpu.vector_load %arg16[%swap3A_431, %swap3A_432] {strides = array<i32>} : memref<4x128xi32, #tpu.memory_space<vmem>>, vector<16xi32>,
    tpu.vector_store %arg16[%swap3A_431, %swap3A_432], %shift_right_arithmetic3A_429 {strides = array<i32>} : memref<4x128xi32, #tpu.memory_space<vmem>>, vector<16xi32>,
    %shift_right_arithmetic3A_434 = arith.constant 6 : i32
    %shift_right_arithmetic3A_435 = vector.broadcast %shift_right_arithmetic3A_434 : i32 to vector<16xi32>
    %shift_right_arithmetic3A_436 = arith.shrsi %get3A_410, %shift_right_arithmetic3A_435 : vector<16xi32>
    %swap3A_437 = arith.constant 1 : i32
    %swap3A_438 = arith.index_cast %swap3A_437 : i32 to index
    %swap3A_439 = arith.constant 16 : index
    %swap3A_440 = tpu.vector_load %arg17[%swap3A_438, %swap3A_439] {strides = array<i32>} : memref<4x128xi32, #tpu.memory_space<vmem>>, vector<16xi32>,
    tpu.vector_store %arg17[%swap3A_438, %swap3A_439], %shift_right_arithmetic3A_436 {strides = array<i32>} : memref<4x128xi32, #tpu.memory_space<vmem>>, vector<16xi32>,
    %shift_right_arithmetic3A_441 = arith.constant 6 : i32
    %shift_right_arithmetic3A_442 = vector.broadcast %shift_right_arithmetic3A_441 : i32 to vector<16xi32>
    %shift_right_arithmetic3A_443 = arith.shrsi %get3A_414, %shift_right_arithmetic3A_442 : vector<16xi32>
    %swap3A_444 = arith.constant 1 : i32
    %swap3A_445 = arith.index_cast %swap3A_444 : i32 to index
    %swap3A_446 = arith.constant 16 : index
    %swap3A_447 = tpu.vector_load %arg18[%swap3A_445, %swap3A_446] {strides = array<i32>} : memref<4x128xi32, #tpu.memory_space<vmem>>, vector<16xi32>,
    tpu.vector_store %arg18[%swap3A_445, %swap3A_446], %shift_right_arithmetic3A_443 {strides = array<i32>} : memref<4x128xi32, #tpu.memory_space<vmem>>, vector<16xi32>,
    %get3A_448 = arith.constant 1 : i32
    %get3A_449 = arith.index_cast %get3A_448 : i32 to index
    %get3A_450 = arith.constant 32 : index
    %get3A_451 = tpu.vector_load %arg10[%get3A_449, %get3A_450] {strides = array<i32>} : memref<4x128xi32, #tpu.memory_space<vmem>>, vector<16xi32>,
    %get3A_452 = arith.constant 1 : i32
    %get3A_453 = arith.index_cast %get3A_452 : i32 to index
    %get3A_454 = arith.constant 32 : index
    %get3A_455 = tpu.vector_load %arg11[%get3A_453, %get3A_454] {strides = array<i32>} : memref<4x128xi32, #tpu.memory_space<vmem>>, vector<16xi32>,
    %get3A_456 = arith.constant 1 : i32
    %get3A_457 = arith.index_cast %get3A_456 : i32 to index
    %get3A_458 = arith.constant 32 : index
    %get3A_459 = tpu.vector_load %arg12[%get3A_457, %get3A_458] {strides = array<i32>} : memref<4x128xi32, #tpu.memory_space<vmem>>, vector<16xi32>,
    %swap3A_460 = arith.constant 1 : i32
    %swap3A_461 = arith.index_cast %swap3A_460 : i32 to index
    %swap3A_462 = arith.constant 32 : index
    %swap3A_463 = tpu.vector_load %arg13[%swap3A_461, %swap3A_462] {strides = array<i32>} : memref<4x128xi32, #tpu.memory_space<vmem>>, vector<16xi32>,
    tpu.vector_store %arg13[%swap3A_461, %swap3A_462], %get3A_451 {strides = array<i32>} : memref<4x128xi32, #tpu.memory_space<vmem>>, vector<16xi32>,
    %swap3A_464 = arith.constant 1 : i32
    %swap3A_465 = arith.index_cast %swap3A_464 : i32 to index
    %swap3A_466 = arith.constant 32 : index
    %swap3A_467 = tpu.vector_load %arg14[%swap3A_465, %swap3A_466] {strides = array<i32>} : memref<4x128xi32, #tpu.memory_space<vmem>>, vector<16xi32>,
    tpu.vector_store %arg14[%swap3A_465, %swap3A_466], %get3A_455 {strides = array<i32>} : memref<4x128xi32, #tpu.memory_space<vmem>>, vector<16xi32>,
    %swap3A_468 = arith.constant 1 : i32
    %swap3A_469 = arith.index_cast %swap3A_468 : i32 to index
    %swap3A_470 = arith.constant 32 : index
    %swap3A_471 = tpu.vector_load %arg15[%swap3A_469, %swap3A_470] {strides = array<i32>} : memref<4x128xi32, #tpu.memory_space<vmem>>, vector<16xi32>,
    tpu.vector_store %arg15[%swap3A_469, %swap3A_470], %get3A_459 {strides = array<i32>} : memref<4x128xi32, #tpu.memory_space<vmem>>, vector<16xi32>,
    %shift_right_arithmetic3A_472 = arith.constant 6 : i32
    %shift_right_arithmetic3A_473 = vector.broadcast %shift_right_arithmetic3A_472 : i32 to vector<16xi32>
    %shift_right_arithmetic3A_474 = arith.shrsi %get3A_451, %shift_right_arithmetic3A_473 : vector<16xi32>
    %swap3A_475 = arith.constant 1 : i32
    %swap3A_476 = arith.index_cast %swap3A_475 : i32 to index
    %swap3A_477 = arith.constant 32 : index
    %swap3A_478 = tpu.vector_load %arg16[%swap3A_476, %swap3A_477] {strides = array<i32>} : memref<4x128xi32, #tpu.memory_space<vmem>>, vector<16xi32>,
    tpu.vector_store %arg16[%swap3A_476, %swap3A_477], %shift_right_arithmetic3A_474 {strides = array<i32>} : memref<4x128xi32, #tpu.memory_space<vmem>>, vector<16xi32>,
    %shift_right_arithmetic3A_479 = arith.constant 6 : i32
    %shift_right_arithmetic3A_480 = vector.broadcast %shift_right_arithmetic3A_479 : i32 to vector<16xi32>
    %shift_right_arithmetic3A_481 = arith.shrsi %get3A_455, %shift_right_arithmetic3A_480 : vector<16xi32>
    %swap3A_482 = arith.constant 1 : i32
    %swap3A_483 = arith.index_cast %swap3A_482 : i32 to index
    %swap3A_484 = arith.constant 32 : index
    %swap3A_485 = tpu.vector_load %arg17[%swap3A_483, %swap3A_484] {strides = array<i32>} : memref<4x128xi32, #tpu.memory_space<vmem>>, vector<16xi32>,
    tpu.vector_store %arg17[%swap3A_483, %swap3A_484], %shift_right_arithmetic3A_481 {strides = array<i32>} : memref<4x128xi32, #tpu.memory_space<vmem>>, vector<16xi32>,
    %shift_right_arithmetic3A_486 = arith.constant 6 : i32
    %shift_right_arithmetic3A_487 = vector.broadcast %shift_right_arithmetic3A_486 : i32 to vector<16xi32>
    %shift_right_arithmetic3A_488 = arith.shrsi %get3A_459, %shift_right_arithmetic3A_487 : vector<16xi32>
    %swap3A_489 = arith.constant 1 : i32
    %swap3A_490 = arith.index_cast %swap3A_489 : i32 to index
    %swap3A_491 = arith.constant 32 : index
    %swap3A_492 = tpu.vector_load %arg18[%swap3A_490, %swap3A_491] {strides = array<i32>} : memref<4x128xi32, #tpu.memory_space<vmem>>, vector<16xi32>,
    tpu.vector_store %arg18[%swap3A_490, %swap3A_491], %shift_right_arithmetic3A_488 {strides = array<i32>} : memref<4x128xi32, #tpu.memory_space<vmem>>, vector<16xi32>,
    %get3A_493 = arith.constant 1 : i32
    %get3A_494 = arith.index_cast %get3A_493 : i32 to index
    %get3A_495 = arith.constant 48 : index
    %get3A_496 = tpu.vector_load %arg10[%get3A_494, %get3A_495] {strides = array<i32>} : memref<4x128xi32, #tpu.memory_space<vmem>>, vector<16xi32>,
    %get3A_497 = arith.constant 1 : i32
    %get3A_498 = arith.index_cast %get3A_497 : i32 to index
    %get3A_499 = arith.constant 48 : index
    %get3A_500 = tpu.vector_load %arg11[%get3A_498, %get3A_499] {strides = array<i32>} : memref<4x128xi32, #tpu.memory_space<vmem>>, vector<16xi32>,
    %get3A_501 = arith.constant 1 : i32
    %get3A_502 = arith.index_cast %get3A_501 : i32 to index
    %get3A_503 = arith.constant 48 : index
    %get3A_504 = tpu.vector_load %arg12[%get3A_502, %get3A_503] {strides = array<i32>} : memref<4x128xi32, #tpu.memory_space<vmem>>, vector<16xi32>,
    %swap3A_505 = arith.constant 1 : i32
    %swap3A_506 = arith.index_cast %swap3A_505 : i32 to index
    %swap3A_507 = arith.constant 48 : index
    %swap3A_508 = tpu.vector_load %arg13[%swap3A_506, %swap3A_507] {strides = array<i32>} : memref<4x128xi32, #tpu.memory_space<vmem>>, vector<16xi32>,
    tpu.vector_store %arg13[%swap3A_506, %swap3A_507], %get3A_496 {strides = array<i32>} : memref<4x128xi32, #tpu.memory_space<vmem>>, vector<16xi32>,
    %swap3A_509 = arith.constant 1 : i32
    %swap3A_510 = arith.index_cast %swap3A_509 : i32 to index
    %swap3A_511 = arith.constant 48 : index
    %swap3A_512 = tpu.vector_load %arg14[%swap3A_510, %swap3A_511] {strides = array<i32>} : memref<4x128xi32, #tpu.memory_space<vmem>>, vector<16xi32>,
    tpu.vector_store %arg14[%swap3A_510, %swap3A_511], %get3A_500 {strides = array<i32>} : memref<4x128xi32, #tpu.memory_space<vmem>>, vector<16xi32>,
    %swap3A_513 = arith.constant 1 : i32
    %swap3A_514 = arith.index_cast %swap3A_513 : i32 to index
    %swap3A_515 = arith.constant 48 : index
    %swap3A_516 = tpu.vector_load %arg15[%swap3A_514, %swap3A_515] {strides = array<i32>} : memref<4x128xi32, #tpu.memory_space<vmem>>, vector<16xi32>,
    tpu.vector_store %arg15[%swap3A_514, %swap3A_515], %get3A_504 {strides = array<i32>} : memref<4x128xi32, #tpu.memory_space<vmem>>, vector<16xi32>,
    %shift_right_arithmetic3A_517 = arith.constant 6 : i32
    %shift_right_arithmetic3A_518 = vector.broadcast %shift_right_arithmetic3A_517 : i32 to vector<16xi32>
    %shift_right_arithmetic3A_519 = arith.shrsi %get3A_496, %shift_right_arithmetic3A_518 : vector<16xi32>
    %swap3A_520 = arith.constant 1 : i32
    %swap3A_521 = arith.index_cast %swap3A_520 : i32 to index
    %swap3A_522 = arith.constant 48 : index
    %swap3A_523 = tpu.vector_load %arg16[%swap3A_521, %swap3A_522] {strides = array<i32>} : memref<4x128xi32, #tpu.memory_space<vmem>>, vector<16xi32>,
    tpu.vector_store %arg16[%swap3A_521, %swap3A_522], %shift_right_arithmetic3A_519 {strides = array<i32>} : memref<4x128xi32, #tpu.memory_space<vmem>>, vector<16xi32>,
    %shift_right_arithmetic3A_524 = arith.constant 6 : i32
    %shift_right_arithmetic3A_525 = vector.broadcast %shift_right_arithmetic3A_524 : i32 to vector<16xi32>
    %shift_right_arithmetic3A_526 = arith.shrsi %get3A_500, %shift_right_arithmetic3A_525 : vector<16xi32>
    %swap3A_527 = arith.constant 1 : i32
    %swap3A_528 = arith.index_cast %swap3A_527 : i32 to index
    %swap3A_529 = arith.constant 48 : index
    %swap3A_530 = tpu.vector_load %arg17[%swap3A_528, %swap3A_529] {strides = array<i32>} : memref<4x128xi32, #tpu.memory_space<vmem>>, vector<16xi32>,
    tpu.vector_store %arg17[%swap3A_528, %swap3A_529], %shift_right_arithmetic3A_526 {strides = array<i32>} : memref<4x128xi32, #tpu.memory_space<vmem>>, vector<16xi32>,
    %shift_right_arithmetic3A_531 = arith.constant 6 : i32
    %shift_right_arithmetic3A_532 = vector.broadcast %shift_right_arithmetic3A_531 : i32 to vector<16xi32>
    %shift_right_arithmetic3A_533 = arith.shrsi %get3A_504, %shift_right_arithmetic3A_532 : vector<16xi32>
    %swap3A_534 = arith.constant 1 : i32
    %swap3A_535 = arith.index_cast %swap3A_534 : i32 to index
    %swap3A_536 = arith.constant 48 : index
    %swap3A_537 = tpu.vector_load %arg18[%swap3A_535, %swap3A_536] {strides = array<i32>} : memref<4x128xi32, #tpu.memory_space<vmem>>, vector<16xi32>,
    tpu.vector_store %arg18[%swap3A_535, %swap3A_536], %shift_right_arithmetic3A_533 {strides = array<i32>} : memref<4x128xi32, #tpu.memory_space<vmem>>, vector<16xi32>,
    %get3A_538 = arith.constant 1 : i32
    %get3A_539 = arith.index_cast %get3A_538 : i32 to index
    %get3A_540 = arith.constant 64 : index
    %get3A_541 = tpu.vector_load %arg10[%get3A_539, %get3A_540] {strides = array<i32>} : memref<4x128xi32, #tpu.memory_space<vmem>>, vector<16xi32>,
    %get3A_542 = arith.constant 1 : i32
    %get3A_543 = arith.index_cast %get3A_542 : i32 to index
    %get3A_544 = arith.constant 64 : index
    %get3A_545 = tpu.vector_load %arg11[%get3A_543, %get3A_544] {strides = array<i32>} : memref<4x128xi32, #tpu.memory_space<vmem>>, vector<16xi32>,
    %get3A_546 = arith.constant 1 : i32
    %get3A_547 = arith.index_cast %get3A_546 : i32 to index
    %get3A_548 = arith.constant 64 : index
    %get3A_549 = tpu.vector_load %arg12[%get3A_547, %get3A_548] {strides = array<i32>} : memref<4x128xi32, #tpu.memory_space<vmem>>, vector<16xi32>,
    %swap3A_550 = arith.constant 1 : i32
    %swap3A_551 = arith.index_cast %swap3A_550 : i32 to index
    %swap3A_552 = arith.constant 64 : index
    %swap3A_553 = tpu.vector_load %arg13[%swap3A_551, %swap3A_552] {strides = array<i32>} : memref<4x128xi32, #tpu.memory_space<vmem>>, vector<16xi32>,
    tpu.vector_store %arg13[%swap3A_551, %swap3A_552], %get3A_541 {strides = array<i32>} : memref<4x128xi32, #tpu.memory_space<vmem>>, vector<16xi32>,
    %swap3A_554 = arith.constant 1 : i32
    %swap3A_555 = arith.index_cast %swap3A_554 : i32 to index
    %swap3A_556 = arith.constant 64 : index
    %swap3A_557 = tpu.vector_load %arg14[%swap3A_555, %swap3A_556] {strides = array<i32>} : memref<4x128xi32, #tpu.memory_space<vmem>>, vector<16xi32>,
    tpu.vector_store %arg14[%swap3A_555, %swap3A_556], %get3A_545 {strides = array<i32>} : memref<4x128xi32, #tpu.memory_space<vmem>>, vector<16xi32>,
    %swap3A_558 = arith.constant 1 : i32
    %swap3A_559 = arith.index_cast %swap3A_558 : i32 to index
    %swap3A_560 = arith.constant 64 : index
    %swap3A_561 = tpu.vector_load %arg15[%swap3A_559, %swap3A_560] {strides = array<i32>} : memref<4x128xi32, #tpu.memory_space<vmem>>, vector<16xi32>,
    tpu.vector_store %arg15[%swap3A_559, %swap3A_560], %get3A_549 {strides = array<i32>} : memref<4x128xi32, #tpu.memory_space<vmem>>, vector<16xi32>,
    %shift_right_arithmetic3A_562 = arith.constant 6 : i32
    %shift_right_arithmetic3A_563 = vector.broadcast %shift_right_arithmetic3A_562 : i32 to vector<16xi32>
    %shift_right_arithmetic3A_564 = arith.shrsi %get3A_541, %shift_right_arithmetic3A_563 : vector<16xi32>
    %swap3A_565 = arith.constant 1 : i32
    %swap3A_566 = arith.index_cast %swap3A_565 : i32 to index
    %swap3A_567 = arith.constant 64 : index
    %swap3A_568 = tpu.vector_load %arg16[%swap3A_566, %swap3A_567] {strides = array<i32>} : memref<4x128xi32, #tpu.memory_space<vmem>>, vector<16xi32>,
    tpu.vector_store %arg16[%swap3A_566, %swap3A_567], %shift_right_arithmetic3A_564 {strides = array<i32>} : memref<4x128xi32, #tpu.memory_space<vmem>>, vector<16xi32>,
    %shift_right_arithmetic3A_569 = arith.constant 6 : i32
    %shift_right_arithmetic3A_570 = vector.broadcast %shift_right_arithmetic3A_569 : i32 to vector<16xi32>
    %shift_right_arithmetic3A_571 = arith.shrsi %get3A_545, %shift_right_arithmetic3A_570 : vector<16xi32>
    %swap3A_572 = arith.constant 1 : i32
    %swap3A_573 = arith.index_cast %swap3A_572 : i32 to index
    %swap3A_574 = arith.constant 64 : index
    %swap3A_575 = tpu.vector_load %arg17[%swap3A_573, %swap3A_574] {strides = array<i32>} : memref<4x128xi32, #tpu.memory_space<vmem>>, vector<16xi32>,
    tpu.vector_store %arg17[%swap3A_573, %swap3A_574], %shift_right_arithmetic3A_571 {strides = array<i32>} : memref<4x128xi32, #tpu.memory_space<vmem>>, vector<16xi32>,
    %shift_right_arithmetic3A_576 = arith.constant 6 : i32
    %shift_right_arithmetic3A_577 = vector.broadcast %shift_right_arithmetic3A_576 : i32 to vector<16xi32>
    %shift_right_arithmetic3A_578 = arith.shrsi %get3A_549, %shift_right_arithmetic3A_577 : vector<16xi32>
    %swap3A_579 = arith.constant 1 : i32
    %swap3A_580 = arith.index_cast %swap3A_579 : i32 to index
    %swap3A_581 = arith.constant 64 : index
    %swap3A_582 = tpu.vector_load %arg18[%swap3A_580, %swap3A_581] {strides = array<i32>} : memref<4x128xi32, #tpu.memory_space<vmem>>, vector<16xi32>,
    tpu.vector_store %arg18[%swap3A_580, %swap3A_581], %shift_right_arithmetic3A_578 {strides = array<i32>} : memref<4x128xi32, #tpu.memory_space<vmem>>, vector<16xi32>,
    %get3A_583 = arith.constant 1 : i32
    %get3A_584 = arith.index_cast %get3A_583 : i32 to index
    %get3A_585 = arith.constant 80 : index
    %get3A_586 = tpu.vector_load %arg10[%get3A_584, %get3A_585] {strides = array<i32>} : memref<4x128xi32, #tpu.memory_space<vmem>>, vector<16xi32>,
    %get3A_587 = arith.constant 1 : i32
    %get3A_588 = arith.index_cast %get3A_587 : i32 to index
    %get3A_589 = arith.constant 80 : index
    %get3A_590 = tpu.vector_load %arg11[%get3A_588, %get3A_589] {strides = array<i32>} : memref<4x128xi32, #tpu.memory_space<vmem>>, vector<16xi32>,
    %get3A_591 = arith.constant 1 : i32
    %get3A_592 = arith.index_cast %get3A_591 : i32 to index
    %get3A_593 = arith.constant 80 : index
    %get3A_594 = tpu.vector_load %arg12[%get3A_592, %get3A_593] {strides = array<i32>} : memref<4x128xi32, #tpu.memory_space<vmem>>, vector<16xi32>,
    %swap3A_595 = arith.constant 1 : i32
    %swap3A_596 = arith.index_cast %swap3A_595 : i32 to index
    %swap3A_597 = arith.constant 80 : index
    %swap3A_598 = tpu.vector_load %arg13[%swap3A_596, %swap3A_597] {strides = array<i32>} : memref<4x128xi32, #tpu.memory_space<vmem>>, vector<16xi32>,
    tpu.vector_store %arg13[%swap3A_596, %swap3A_597], %get3A_586 {strides = array<i32>} : memref<4x128xi32, #tpu.memory_space<vmem>>, vector<16xi32>,
    %swap3A_599 = arith.constant 1 : i32
    %swap3A_600 = arith.index_cast %swap3A_599 : i32 to index
    %swap3A_601 = arith.constant 80 : index
    %swap3A_602 = tpu.vector_load %arg14[%swap3A_600, %swap3A_601] {strides = array<i32>} : memref<4x128xi32, #tpu.memory_space<vmem>>, vector<16xi32>,
    tpu.vector_store %arg14[%swap3A_600, %swap3A_601], %get3A_590 {strides = array<i32>} : memref<4x128xi32, #tpu.memory_space<vmem>>, vector<16xi32>,
    %swap3A_603 = arith.constant 1 : i32
    %swap3A_604 = arith.index_cast %swap3A_603 : i32 to index
    %swap3A_605 = arith.constant 80 : index
    %swap3A_606 = tpu.vector_load %arg15[%swap3A_604, %swap3A_605] {strides = array<i32>} : memref<4x128xi32, #tpu.memory_space<vmem>>, vector<16xi32>,
    tpu.vector_store %arg15[%swap3A_604, %swap3A_605], %get3A_594 {strides = array<i32>} : memref<4x128xi32, #tpu.memory_space<vmem>>, vector<16xi32>,
    %shift_right_arithmetic3A_607 = arith.constant 6 : i32
    %shift_right_arithmetic3A_608 = vector.broadcast %shift_right_arithmetic3A_607 : i32 to vector<16xi32>
    %shift_right_arithmetic3A_609 = arith.shrsi %get3A_586, %shift_right_arithmetic3A_608 : vector<16xi32>
    %swap3A_610 = arith.constant 1 : i32
    %swap3A_611 = arith.index_cast %swap3A_610 : i32 to index
    %swap3A_612 = arith.constant 80 : index
    %swap3A_613 = tpu.vector_load %arg16[%swap3A_611, %swap3A_612] {strides = array<i32>} : memref<4x128xi32, #tpu.memory_space<vmem>>, vector<16xi32>,
    tpu.vector_store %arg16[%swap3A_611, %swap3A_612], %shift_right_arithmetic3A_609 {strides = array<i32>} : memref<4x128xi32, #tpu.memory_space<vmem>>, vector<16xi32>,
    %shift_right_arithmetic3A_614 = arith.constant 6 : i32
    %shift_right_arithmetic3A_615 = vector.broadcast %shift_right_arithmetic3A_614 : i32 to vector<16xi32>
    %shift_right_arithmetic3A_616 = arith.shrsi %get3A_590, %shift_right_arithmetic3A_615 : vector<16xi32>
    %swap3A_617 = arith.constant 1 : i32
    %swap3A_618 = arith.index_cast %swap3A_617 : i32 to index
    %swap3A_619 = arith.constant 80 : index
    %swap3A_620 = tpu.vector_load %arg17[%swap3A_618, %swap3A_619] {strides = array<i32>} : memref<4x128xi32, #tpu.memory_space<vmem>>, vector<16xi32>,
    tpu.vector_store %arg17[%swap3A_618, %swap3A_619], %shift_right_arithmetic3A_616 {strides = array<i32>} : memref<4x128xi32, #tpu.memory_space<vmem>>, vector<16xi32>,
    %shift_right_arithmetic3A_621 = arith.constant 6 : i32
    %shift_right_arithmetic3A_622 = vector.broadcast %shift_right_arithmetic3A_621 : i32 to vector<16xi32>
    %shift_right_arithmetic3A_623 = arith.shrsi %get3A_594, %shift_right_arithmetic3A_622 : vector<16xi32>
    %swap3A_624 = arith.constant 1 : i32
    %swap3A_625 = arith.index_cast %swap3A_624 : i32 to index
    %swap3A_626 = arith.constant 80 : index
    %swap3A_627 = tpu.vector_load %arg18[%swap3A_625, %swap3A_626] {strides = array<i32>} : memref<4x128xi32, #tpu.memory_space<vmem>>, vector<16xi32>,
    tpu.vector_store %arg18[%swap3A_625, %swap3A_626], %shift_right_arithmetic3A_623 {strides = array<i32>} : memref<4x128xi32, #tpu.memory_space<vmem>>, vector<16xi32>,
    %get3A_628 = arith.constant 1 : i32
    %get3A_629 = arith.index_cast %get3A_628 : i32 to index
    %get3A_630 = arith.constant 96 : index
    %get3A_631 = tpu.vector_load %arg10[%get3A_629, %get3A_630] {strides = array<i32>} : memref<4x128xi32, #tpu.memory_space<vmem>>, vector<16xi32>,
    %get3A_632 = arith.constant 1 : i32
    %get3A_633 = arith.index_cast %get3A_632 : i32 to index
    %get3A_634 = arith.constant 96 : index
    %get3A_635 = tpu.vector_load %arg11[%get3A_633, %get3A_634] {strides = array<i32>} : memref<4x128xi32, #tpu.memory_space<vmem>>, vector<16xi32>,
    %get3A_636 = arith.constant 1 : i32
    %get3A_637 = arith.index_cast %get3A_636 : i32 to index
    %get3A_638 = arith.constant 96 : index
    %get3A_639 = tpu.vector_load %arg12[%get3A_637, %get3A_638] {strides = array<i32>} : memref<4x128xi32, #tpu.memory_space<vmem>>, vector<16xi32>,
    %swap3A_640 = arith.constant 1 : i32
    %swap3A_641 = arith.index_cast %swap3A_640 : i32 to index
    %swap3A_642 = arith.constant 96 : index
    %swap3A_643 = tpu.vector_load %arg13[%swap3A_641, %swap3A_642] {strides = array<i32>} : memref<4x128xi32, #tpu.memory_space<vmem>>, vector<16xi32>,
    tpu.vector_store %arg13[%swap3A_641, %swap3A_642], %get3A_631 {strides = array<i32>} : memref<4x128xi32, #tpu.memory_space<vmem>>, vector<16xi32>,
    %swap3A_644 = arith.constant 1 : i32
    %swap3A_645 = arith.index_cast %swap3A_644 : i32 to index
    %swap3A_646 = arith.constant 96 : index
    %swap3A_647 = tpu.vector_load %arg14[%swap3A_645, %swap3A_646] {strides = array<i32>} : memref<4x128xi32, #tpu.memory_space<vmem>>, vector<16xi32>,
    tpu.vector_store %arg14[%swap3A_645, %swap3A_646], %get3A_635 {strides = array<i32>} : memref<4x128xi32, #tpu.memory_space<vmem>>, vector<16xi32>,
    %swap3A_648 = arith.constant 1 : i32
    %swap3A_649 = arith.index_cast %swap3A_648 : i32 to index
    %swap3A_650 = arith.constant 96 : index
    %swap3A_651 = tpu.vector_load %arg15[%swap3A_649, %swap3A_650] {strides = array<i32>} : memref<4x128xi32, #tpu.memory_space<vmem>>, vector<16xi32>,
    tpu.vector_store %arg15[%swap3A_649, %swap3A_650], %get3A_639 {strides = array<i32>} : memref<4x128xi32, #tpu.memory_space<vmem>>, vector<16xi32>,
    %shift_right_arithmetic3A_652 = arith.constant 6 : i32
    %shift_right_arithmetic3A_653 = vector.broadcast %shift_right_arithmetic3A_652 : i32 to vector<16xi32>
    %shift_right_arithmetic3A_654 = arith.shrsi %get3A_631, %shift_right_arithmetic3A_653 : vector<16xi32>
    %swap3A_655 = arith.constant 1 : i32
    %swap3A_656 = arith.index_cast %swap3A_655 : i32 to index
    %swap3A_657 = arith.constant 96 : index
    %swap3A_658 = tpu.vector_load %arg16[%swap3A_656, %swap3A_657] {strides = array<i32>} : memref<4x128xi32, #tpu.memory_space<vmem>>, vector<16xi32>,
    tpu.vector_store %arg16[%swap3A_656, %swap3A_657], %shift_right_arithmetic3A_654 {strides = array<i32>} : memref<4x128xi32, #tpu.memory_space<vmem>>, vector<16xi32>,
    %shift_right_arithmetic3A_659 = arith.constant 6 : i32
    %shift_right_arithmetic3A_660 = vector.broadcast %shift_right_arithmetic3A_659 : i32 to vector<16xi32>
    %shift_right_arithmetic3A_661 = arith.shrsi %get3A_635, %shift_right_arithmetic3A_660 : vector<16xi32>
    %swap3A_662 = arith.constant 1 : i32
    %swap3A_663 = arith.index_cast %swap3A_662 : i32 to index
    %swap3A_664 = arith.constant 96 : index
    %swap3A_665 = tpu.vector_load %arg17[%swap3A_663, %swap3A_664] {strides = array<i32>} : memref<4x128xi32, #tpu.memory_space<vmem>>, vector<16xi32>,
    tpu.vector_store %arg17[%swap3A_663, %swap3A_664], %shift_right_arithmetic3A_661 {strides = array<i32>} : memref<4x128xi32, #tpu.memory_space<vmem>>, vector<16xi32>,
    %shift_right_arithmetic3A_666 = arith.constant 6 : i32
    %shift_right_arithmetic3A_667 = vector.broadcast %shift_right_arithmetic3A_666 : i32 to vector<16xi32>
    %shift_right_arithmetic3A_668 = arith.shrsi %get3A_639, %shift_right_arithmetic3A_667 : vector<16xi32>
    %swap3A_669 = arith.constant 1 : i32
    %swap3A_670 = arith.index_cast %swap3A_669 : i32 to index
    %swap3A_671 = arith.constant 96 : index
    %swap3A_672 = tpu.vector_load %arg18[%swap3A_670, %swap3A_671] {strides = array<i32>} : memref<4x128xi32, #tpu.memory_space<vmem>>, vector<16xi32>,
    tpu.vector_store %arg18[%swap3A_670, %swap3A_671], %shift_right_arithmetic3A_668 {strides = array<i32>} : memref<4x128xi32, #tpu.memory_space<vmem>>, vector<16xi32>,
    %get3A_673 = arith.constant 1 : i32
    %get3A_674 = arith.index_cast %get3A_673 : i32 to index
    %get3A_675 = arith.constant 112 : index
    %get3A_676 = tpu.vector_load %arg10[%get3A_674, %get3A_675] {strides = array<i32>} : memref<4x128xi32, #tpu.memory_space<vmem>>, vector<16xi32>,
    %get3A_677 = arith.constant 1 : i32
    %get3A_678 = arith.index_cast %get3A_677 : i32 to index
    %get3A_679 = arith.constant 112 : index
    %get3A_680 = tpu.vector_load %arg11[%get3A_678, %get3A_679] {strides = array<i32>} : memref<4x128xi32, #tpu.memory_space<vmem>>, vector<16xi32>,
    %get3A_681 = arith.constant 1 : i32
    %get3A_682 = arith.index_cast %get3A_681 : i32 to index
    %get3A_683 = arith.constant 112 : index
    %get3A_684 = tpu.vector_load %arg12[%get3A_682, %get3A_683] {strides = array<i32>} : memref<4x128xi32, #tpu.memory_space<vmem>>, vector<16xi32>,
    %swap3A_685 = arith.constant 1 : i32
    %swap3A_686 = arith.index_cast %swap3A_685 : i32 to index
    %swap3A_687 = arith.constant 112 : index
    %swap3A_688 = tpu.vector_load %arg13[%swap3A_686, %swap3A_687] {strides = array<i32>} : memref<4x128xi32, #tpu.memory_space<vmem>>, vector<16xi32>,
    tpu.vector_store %arg13[%swap3A_686, %swap3A_687], %get3A_676 {strides = array<i32>} : memref<4x128xi32, #tpu.memory_space<vmem>>, vector<16xi32>,
    %swap3A_689 = arith.constant 1 : i32
    %swap3A_690 = arith.index_cast %swap3A_689 : i32 to index
    %swap3A_691 = arith.constant 112 : index
    %swap3A_692 = tpu.vector_load %arg14[%swap3A_690, %swap3A_691] {strides = array<i32>} : memref<4x128xi32, #tpu.memory_space<vmem>>, vector<16xi32>,
    tpu.vector_store %arg14[%swap3A_690, %swap3A_691], %get3A_680 {strides = array<i32>} : memref<4x128xi32, #tpu.memory_space<vmem>>, vector<16xi32>,
    %swap3A_693 = arith.constant 1 : i32
    %swap3A_694 = arith.index_cast %swap3A_693 : i32 to index
    %swap3A_695 = arith.constant 112 : index
    %swap3A_696 = tpu.vector_load %arg15[%swap3A_694, %swap3A_695] {strides = array<i32>} : memref<4x128xi32, #tpu.memory_space<vmem>>, vector<16xi32>,
    tpu.vector_store %arg15[%swap3A_694, %swap3A_695], %get3A_684 {strides = array<i32>} : memref<4x128xi32, #tpu.memory_space<vmem>>, vector<16xi32>,
    %shift_right_arithmetic3A_697 = arith.constant 6 : i32
    %shift_right_arithmetic3A_698 = vector.broadcast %shift_right_arithmetic3A_697 : i32 to vector<16xi32>
    %shift_right_arithmetic3A_699 = arith.shrsi %get3A_676, %shift_right_arithmetic3A_698 : vector<16xi32>
    %swap3A_700 = arith.constant 1 : i32
    %swap3A_701 = arith.index_cast %swap3A_700 : i32 to index
    %swap3A_702 = arith.constant 112 : index
    %swap3A_703 = tpu.vector_load %arg16[%swap3A_701, %swap3A_702] {strides = array<i32>} : memref<4x128xi32, #tpu.memory_space<vmem>>, vector<16xi32>,
    tpu.vector_store %arg16[%swap3A_701, %swap3A_702], %shift_right_arithmetic3A_699 {strides = array<i32>} : memref<4x128xi32, #tpu.memory_space<vmem>>, vector<16xi32>,
    %shift_right_arithmetic3A_704 = arith.constant 6 : i32
    %shift_right_arithmetic3A_705 = vector.broadcast %shift_right_arithmetic3A_704 : i32 to vector<16xi32>
    %shift_right_arithmetic3A_706 = arith.shrsi %get3A_680, %shift_right_arithmetic3A_705 : vector<16xi32>
    %swap3A_707 = arith.constant 1 : i32
    %swap3A_708 = arith.index_cast %swap3A_707 : i32 to index
    %swap3A_709 = arith.constant 112 : index
    %swap3A_710 = tpu.vector_load %arg17[%swap3A_708, %swap3A_709] {strides = array<i32>} : memref<4x128xi32, #tpu.memory_space<vmem>>, vector<16xi32>,
    tpu.vector_store %arg17[%swap3A_708, %swap3A_709], %shift_right_arithmetic3A_706 {strides = array<i32>} : memref<4x128xi32, #tpu.memory_space<vmem>>, vector<16xi32>,
    %shift_right_arithmetic3A_711 = arith.constant 6 : i32
    %shift_right_arithmetic3A_712 = vector.broadcast %shift_right_arithmetic3A_711 : i32 to vector<16xi32>
    %shift_right_arithmetic3A_713 = arith.shrsi %get3A_684, %shift_right_arithmetic3A_712 : vector<16xi32>
    %swap3A_714 = arith.constant 1 : i32
    %swap3A_715 = arith.index_cast %swap3A_714 : i32 to index
    %swap3A_716 = arith.constant 112 : index
    %swap3A_717 = tpu.vector_load %arg18[%swap3A_715, %swap3A_716] {strides = array<i32>} : memref<4x128xi32, #tpu.memory_space<vmem>>, vector<16xi32>,
    tpu.vector_store %arg18[%swap3A_715, %swap3A_716], %shift_right_arithmetic3A_713 {strides = array<i32>} : memref<4x128xi32, #tpu.memory_space<vmem>>, vector<16xi32>,
    %get3A_718 = arith.constant 2 : i32
    %get3A_719 = arith.index_cast %get3A_718 : i32 to index
    %get3A_720 = arith.constant 0 : index
    %get3A_721 = tpu.vector_load %arg10[%get3A_719, %get3A_720] {strides = array<i32>} : memref<4x128xi32, #tpu.memory_space<vmem>>, vector<16xi32>,
    %get3A_722 = arith.constant 2 : i32
    %get3A_723 = arith.index_cast %get3A_722 : i32 to index
    %get3A_724 = arith.constant 0 : index
    %get3A_725 = tpu.vector_load %arg11[%get3A_723, %get3A_724] {strides = array<i32>} : memref<4x128xi32, #tpu.memory_space<vmem>>, vector<16xi32>,
    %get3A_726 = arith.constant 2 : i32
    %get3A_727 = arith.index_cast %get3A_726 : i32 to index
    %get3A_728 = arith.constant 0 : index
    %get3A_729 = tpu.vector_load %arg12[%get3A_727, %get3A_728] {strides = array<i32>} : memref<4x128xi32, #tpu.memory_space<vmem>>, vector<16xi32>,
    %swap3A_730 = arith.constant 2 : i32
    %swap3A_731 = arith.index_cast %swap3A_730 : i32 to index
    %swap3A_732 = arith.constant 0 : index
    %swap3A_733 = tpu.vector_load %arg13[%swap3A_731, %swap3A_732] {strides = array<i32>} : memref<4x128xi32, #tpu.memory_space<vmem>>, vector<16xi32>,
    tpu.vector_store %arg13[%swap3A_731, %swap3A_732], %get3A_721 {strides = array<i32>} : memref<4x128xi32, #tpu.memory_space<vmem>>, vector<16xi32>,
    %swap3A_734 = arith.constant 2 : i32
    %swap3A_735 = arith.index_cast %swap3A_734 : i32 to index
    %swap3A_736 = arith.constant 0 : index
    %swap3A_737 = tpu.vector_load %arg14[%swap3A_735, %swap3A_736] {strides = array<i32>} : memref<4x128xi32, #tpu.memory_space<vmem>>, vector<16xi32>,
    tpu.vector_store %arg14[%swap3A_735, %swap3A_736], %get3A_725 {strides = array<i32>} : memref<4x128xi32, #tpu.memory_space<vmem>>, vector<16xi32>,
    %swap3A_738 = arith.constant 2 : i32
    %swap3A_739 = arith.index_cast %swap3A_738 : i32 to index
    %swap3A_740 = arith.constant 0 : index
    %swap3A_741 = tpu.vector_load %arg15[%swap3A_739, %swap3A_740] {strides = array<i32>} : memref<4x128xi32, #tpu.memory_space<vmem>>, vector<16xi32>,
    tpu.vector_store %arg15[%swap3A_739, %swap3A_740], %get3A_729 {strides = array<i32>} : memref<4x128xi32, #tpu.memory_space<vmem>>, vector<16xi32>,
    %shift_right_arithmetic3A_742 = arith.constant 6 : i32
    %shift_right_arithmetic3A_743 = vector.broadcast %shift_right_arithmetic3A_742 : i32 to vector<16xi32>
    %shift_right_arithmetic3A_744 = arith.shrsi %get3A_721, %shift_right_arithmetic3A_743 : vector<16xi32>
    %swap3A_745 = arith.constant 2 : i32
    %swap3A_746 = arith.index_cast %swap3A_745 : i32 to index
    %swap3A_747 = arith.constant 0 : index
    %swap3A_748 = tpu.vector_load %arg16[%swap3A_746, %swap3A_747] {strides = array<i32>} : memref<4x128xi32, #tpu.memory_space<vmem>>, vector<16xi32>,
    tpu.vector_store %arg16[%swap3A_746, %swap3A_747], %shift_right_arithmetic3A_744 {strides = array<i32>} : memref<4x128xi32, #tpu.memory_space<vmem>>, vector<16xi32>,
    %shift_right_arithmetic3A_749 = arith.constant 6 : i32
    %shift_right_arithmetic3A_750 = vector.broadcast %shift_right_arithmetic3A_749 : i32 to vector<16xi32>
    %shift_right_arithmetic3A_751 = arith.shrsi %get3A_725, %shift_right_arithmetic3A_750 : vector<16xi32>
    %swap3A_752 = arith.constant 2 : i32
    %swap3A_753 = arith.index_cast %swap3A_752 : i32 to index
    %swap3A_754 = arith.constant 0 : index
    %swap3A_755 = tpu.vector_load %arg17[%swap3A_753, %swap3A_754] {strides = array<i32>} : memref<4x128xi32, #tpu.memory_space<vmem>>, vector<16xi32>,
    tpu.vector_store %arg17[%swap3A_753, %swap3A_754], %shift_right_arithmetic3A_751 {strides = array<i32>} : memref<4x128xi32, #tpu.memory_space<vmem>>, vector<16xi32>,
    %shift_right_arithmetic3A_756 = arith.constant 6 : i32
    %shift_right_arithmetic3A_757 = vector.broadcast %shift_right_arithmetic3A_756 : i32 to vector<16xi32>
    %shift_right_arithmetic3A_758 = arith.shrsi %get3A_729, %shift_right_arithmetic3A_757 : vector<16xi32>
    %swap3A_759 = arith.constant 2 : i32
    %swap3A_760 = arith.index_cast %swap3A_759 : i32 to index
    %swap3A_761 = arith.constant 0 : index
    %swap3A_762 = tpu.vector_load %arg18[%swap3A_760, %swap3A_761] {strides = array<i32>} : memref<4x128xi32, #tpu.memory_space<vmem>>, vector<16xi32>,
    tpu.vector_store %arg18[%swap3A_760, %swap3A_761], %shift_right_arithmetic3A_758 {strides = array<i32>} : memref<4x128xi32, #tpu.memory_space<vmem>>, vector<16xi32>,
    %get3A_763 = arith.constant 2 : i32
    %get3A_764 = arith.index_cast %get3A_763 : i32 to index
    %get3A_765 = arith.constant 16 : index
    %get3A_766 = tpu.vector_load %arg10[%get3A_764, %get3A_765] {strides = array<i32>} : memref<4x128xi32, #tpu.memory_space<vmem>>, vector<16xi32>,
    %get3A_767 = arith.constant 2 : i32
    %get3A_768 = arith.index_cast %get3A_767 : i32 to index
    %get3A_769 = arith.constant 16 : index
    %get3A_770 = tpu.vector_load %arg11[%get3A_768, %get3A_769] {strides = array<i32>} : memref<4x128xi32, #tpu.memory_space<vmem>>, vector<16xi32>,
    %get3A_771 = arith.constant 2 : i32
    %get3A_772 = arith.index_cast %get3A_771 : i32 to index
    %get3A_773 = arith.constant 16 : index
    %get3A_774 = tpu.vector_load %arg12[%get3A_772, %get3A_773] {strides = array<i32>} : memref<4x128xi32, #tpu.memory_space<vmem>>, vector<16xi32>,
    %swap3A_775 = arith.constant 2 : i32
    %swap3A_776 = arith.index_cast %swap3A_775 : i32 to index
    %swap3A_777 = arith.constant 16 : index
    %swap3A_778 = tpu.vector_load %arg13[%swap3A_776, %swap3A_777] {strides = array<i32>} : memref<4x128xi32, #tpu.memory_space<vmem>>, vector<16xi32>,
    tpu.vector_store %arg13[%swap3A_776, %swap3A_777], %get3A_766 {strides = array<i32>} : memref<4x128xi32, #tpu.memory_space<vmem>>, vector<16xi32>,
    %swap3A_779 = arith.constant 2 : i32
    %swap3A_780 = arith.index_cast %swap3A_779 : i32 to index
    %swap3A_781 = arith.constant 16 : index
    %swap3A_782 = tpu.vector_load %arg14[%swap3A_780, %swap3A_781] {strides = array<i32>} : memref<4x128xi32, #tpu.memory_space<vmem>>, vector<16xi32>,
    tpu.vector_store %arg14[%swap3A_780, %swap3A_781], %get3A_770 {strides = array<i32>} : memref<4x128xi32, #tpu.memory_space<vmem>>, vector<16xi32>,
    %swap3A_783 = arith.constant 2 : i32
    %swap3A_784 = arith.index_cast %swap3A_783 : i32 to index
    %swap3A_785 = arith.constant 16 : index
    %swap3A_786 = tpu.vector_load %arg15[%swap3A_784, %swap3A_785] {strides = array<i32>} : memref<4x128xi32, #tpu.memory_space<vmem>>, vector<16xi32>,
    tpu.vector_store %arg15[%swap3A_784, %swap3A_785], %get3A_774 {strides = array<i32>} : memref<4x128xi32, #tpu.memory_space<vmem>>, vector<16xi32>,
    %shift_right_arithmetic3A_787 = arith.constant 6 : i32
    %shift_right_arithmetic3A_788 = vector.broadcast %shift_right_arithmetic3A_787 : i32 to vector<16xi32>
    %shift_right_arithmetic3A_789 = arith.shrsi %get3A_766, %shift_right_arithmetic3A_788 : vector<16xi32>
    %swap3A_790 = arith.constant 2 : i32
    %swap3A_791 = arith.index_cast %swap3A_790 : i32 to index
    %swap3A_792 = arith.constant 16 : index
    %swap3A_793 = tpu.vector_load %arg16[%swap3A_791, %swap3A_792] {strides = array<i32>} : memref<4x128xi32, #tpu.memory_space<vmem>>, vector<16xi32>,
    tpu.vector_store %arg16[%swap3A_791, %swap3A_792], %shift_right_arithmetic3A_789 {strides = array<i32>} : memref<4x128xi32, #tpu.memory_space<vmem>>, vector<16xi32>,
    %shift_right_arithmetic3A_794 = arith.constant 6 : i32
    %shift_right_arithmetic3A_795 = vector.broadcast %shift_right_arithmetic3A_794 : i32 to vector<16xi32>
    %shift_right_arithmetic3A_796 = arith.shrsi %get3A_770, %shift_right_arithmetic3A_795 : vector<16xi32>
    %swap3A_797 = arith.constant 2 : i32
    %swap3A_798 = arith.index_cast %swap3A_797 : i32 to index
    %swap3A_799 = arith.constant 16 : index
    %swap3A_800 = tpu.vector_load %arg17[%swap3A_798, %swap3A_799] {strides = array<i32>} : memref<4x128xi32, #tpu.memory_space<vmem>>, vector<16xi32>,
    tpu.vector_store %arg17[%swap3A_798, %swap3A_799], %shift_right_arithmetic3A_796 {strides = array<i32>} : memref<4x128xi32, #tpu.memory_space<vmem>>, vector<16xi32>,
    %shift_right_arithmetic3A_801 = arith.constant 6 : i32
    %shift_right_arithmetic3A_802 = vector.broadcast %shift_right_arithmetic3A_801 : i32 to vector<16xi32>
    %shift_right_arithmetic3A_803 = arith.shrsi %get3A_774, %shift_right_arithmetic3A_802 : vector<16xi32>
    %swap3A_804 = arith.constant 2 : i32
    %swap3A_805 = arith.index_cast %swap3A_804 : i32 to index
    %swap3A_806 = arith.constant 16 : index
    %swap3A_807 = tpu.vector_load %arg18[%swap3A_805, %swap3A_806] {strides = array<i32>} : memref<4x128xi32, #tpu.memory_space<vmem>>, vector<16xi32>,
    tpu.vector_store %arg18[%swap3A_805, %swap3A_806], %shift_right_arithmetic3A_803 {strides = array<i32>} : memref<4x128xi32, #tpu.memory_space<vmem>>, vector<16xi32>,
    %get3A_808 = arith.constant 2 : i32
    %get3A_809 = arith.index_cast %get3A_808 : i32 to index
    %get3A_810 = arith.constant 32 : index
    %get3A_811 = tpu.vector_load %arg10[%get3A_809, %get3A_810] {strides = array<i32>} : memref<4x128xi32, #tpu.memory_space<vmem>>, vector<16xi32>,
    %get3A_812 = arith.constant 2 : i32
    %get3A_813 = arith.index_cast %get3A_812 : i32 to index
    %get3A_814 = arith.constant 32 : index
    %get3A_815 = tpu.vector_load %arg11[%get3A_813, %get3A_814] {strides = array<i32>} : memref<4x128xi32, #tpu.memory_space<vmem>>, vector<16xi32>,
    %get3A_816 = arith.constant 2 : i32
    %get3A_817 = arith.index_cast %get3A_816 : i32 to index
    %get3A_818 = arith.constant 32 : index
    %get3A_819 = tpu.vector_load %arg12[%get3A_817, %get3A_818] {strides = array<i32>} : memref<4x128xi32, #tpu.memory_space<vmem>>, vector<16xi32>,
    %swap3A_820 = arith.constant 2 : i32
    %swap3A_821 = arith.index_cast %swap3A_820 : i32 to index
    %swap3A_822 = arith.constant 32 : index
    %swap3A_823 = tpu.vector_load %arg13[%swap3A_821, %swap3A_822] {strides = array<i32>} : memref<4x128xi32, #tpu.memory_space<vmem>>, vector<16xi32>,
    tpu.vector_store %arg13[%swap3A_821, %swap3A_822], %get3A_811 {strides = array<i32>} : memref<4x128xi32, #tpu.memory_space<vmem>>, vector<16xi32>,
    %swap3A_824 = arith.constant 2 : i32
    %swap3A_825 = arith.index_cast %swap3A_824 : i32 to index
    %swap3A_826 = arith.constant 32 : index
    %swap3A_827 = tpu.vector_load %arg14[%swap3A_825, %swap3A_826] {strides = array<i32>} : memref<4x128xi32, #tpu.memory_space<vmem>>, vector<16xi32>,
    tpu.vector_store %arg14[%swap3A_825, %swap3A_826], %get3A_815 {strides = array<i32>} : memref<4x128xi32, #tpu.memory_space<vmem>>, vector<16xi32>,
    %swap3A_828 = arith.constant 2 : i32
    %swap3A_829 = arith.index_cast %swap3A_828 : i32 to index
    %swap3A_830 = arith.constant 32 : index
    %swap3A_831 = tpu.vector_load %arg15[%swap3A_829, %swap3A_830] {strides = array<i32>} : memref<4x128xi32, #tpu.memory_space<vmem>>, vector<16xi32>,
    tpu.vector_store %arg15[%swap3A_829, %swap3A_830], %get3A_819 {strides = array<i32>} : memref<4x128xi32, #tpu.memory_space<vmem>>, vector<16xi32>,
    %shift_right_arithmetic3A_832 = arith.constant 6 : i32
    %shift_right_arithmetic3A_833 = vector.broadcast %shift_right_arithmetic3A_832 : i32 to vector<16xi32>
    %shift_right_arithmetic3A_834 = arith.shrsi %get3A_811, %shift_right_arithmetic3A_833 : vector<16xi32>
    %swap3A_835 = arith.constant 2 : i32
    %swap3A_836 = arith.index_cast %swap3A_835 : i32 to index
    %swap3A_837 = arith.constant 32 : index
    %swap3A_838 = tpu.vector_load %arg16[%swap3A_836, %swap3A_837] {strides = array<i32>} : memref<4x128xi32, #tpu.memory_space<vmem>>, vector<16xi32>,
    tpu.vector_store %arg16[%swap3A_836, %swap3A_837], %shift_right_arithmetic3A_834 {strides = array<i32>} : memref<4x128xi32, #tpu.memory_space<vmem>>, vector<16xi32>,
    %shift_right_arithmetic3A_839 = arith.constant 6 : i32
    %shift_right_arithmetic3A_840 = vector.broadcast %shift_right_arithmetic3A_839 : i32 to vector<16xi32>
    %shift_right_arithmetic3A_841 = arith.shrsi %get3A_815, %shift_right_arithmetic3A_840 : vector<16xi32>
    %swap3A_842 = arith.constant 2 : i32
    %swap3A_843 = arith.index_cast %swap3A_842 : i32 to index
    %swap3A_844 = arith.constant 32 : index
    %swap3A_845 = tpu.vector_load %arg17[%swap3A_843, %swap3A_844] {strides = array<i32>} : memref<4x128xi32, #tpu.memory_space<vmem>>, vector<16xi32>,
    tpu.vector_store %arg17[%swap3A_843, %swap3A_844], %shift_right_arithmetic3A_841 {strides = array<i32>} : memref<4x128xi32, #tpu.memory_space<vmem>>, vector<16xi32>,
    %shift_right_arithmetic3A_846 = arith.constant 6 : i32
    %shift_right_arithmetic3A_847 = vector.broadcast %shift_right_arithmetic3A_846 : i32 to vector<16xi32>
    %shift_right_arithmetic3A_848 = arith.shrsi %get3A_819, %shift_right_arithmetic3A_847 : vector<16xi32>
    %swap3A_849 = arith.constant 2 : i32
    %swap3A_850 = arith.index_cast %swap3A_849 : i32 to index
    %swap3A_851 = arith.constant 32 : index
    %swap3A_852 = tpu.vector_load %arg18[%swap3A_850, %swap3A_851] {strides = array<i32>} : memref<4x128xi32, #tpu.memory_space<vmem>>, vector<16xi32>,
    tpu.vector_store %arg18[%swap3A_850, %swap3A_851], %shift_right_arithmetic3A_848 {strides = array<i32>} : memref<4x128xi32, #tpu.memory_space<vmem>>, vector<16xi32>,
    %get3A_853 = arith.constant 2 : i32
    %get3A_854 = arith.index_cast %get3A_853 : i32 to index
    %get3A_855 = arith.constant 48 : index
    %get3A_856 = tpu.vector_load %arg10[%get3A_854, %get3A_855] {strides = array<i32>} : memref<4x128xi32, #tpu.memory_space<vmem>>, vector<16xi32>,
    %get3A_857 = arith.constant 2 : i32
    %get3A_858 = arith.index_cast %get3A_857 : i32 to index
    %get3A_859 = arith.constant 48 : index
    %get3A_860 = tpu.vector_load %arg11[%get3A_858, %get3A_859] {strides = array<i32>} : memref<4x128xi32, #tpu.memory_space<vmem>>, vector<16xi32>,
    %get3A_861 = arith.constant 2 : i32
    %get3A_862 = arith.index_cast %get3A_861 : i32 to index
    %get3A_863 = arith.constant 48 : index
    %get3A_864 = tpu.vector_load %arg12[%get3A_862, %get3A_863] {strides = array<i32>} : memref<4x128xi32, #tpu.memory_space<vmem>>, vector<16xi32>,
    %swap3A_865 = arith.constant 2 : i32
    %swap3A_866 = arith.index_cast %swap3A_865 : i32 to index
    %swap3A_867 = arith.constant 48 : index
    %swap3A_868 = tpu.vector_load %arg13[%swap3A_866, %swap3A_867] {strides = array<i32>} : memref<4x128xi32, #tpu.memory_space<vmem>>, vector<16xi32>,
    tpu.vector_store %arg13[%swap3A_866, %swap3A_867], %get3A_856 {strides = array<i32>} : memref<4x128xi32, #tpu.memory_space<vmem>>, vector<16xi32>,
    %swap3A_869 = arith.constant 2 : i32
    %swap3A_870 = arith.index_cast %swap3A_869 : i32 to index
    %swap3A_871 = arith.constant 48 : index
    %swap3A_872 = tpu.vector_load %arg14[%swap3A_870, %swap3A_871] {strides = array<i32>} : memref<4x128xi32, #tpu.memory_space<vmem>>, vector<16xi32>,
    tpu.vector_store %arg14[%swap3A_870, %swap3A_871], %get3A_860 {strides = array<i32>} : memref<4x128xi32, #tpu.memory_space<vmem>>, vector<16xi32>,
    %swap3A_873 = arith.constant 2 : i32
    %swap3A_874 = arith.index_cast %swap3A_873 : i32 to index
    %swap3A_875 = arith.constant 48 : index
    %swap3A_876 = tpu.vector_load %arg15[%swap3A_874, %swap3A_875] {strides = array<i32>} : memref<4x128xi32, #tpu.memory_space<vmem>>, vector<16xi32>,
    tpu.vector_store %arg15[%swap3A_874, %swap3A_875], %get3A_864 {strides = array<i32>} : memref<4x128xi32, #tpu.memory_space<vmem>>, vector<16xi32>,
    %shift_right_arithmetic3A_877 = arith.constant 6 : i32
    %shift_right_arithmetic3A_878 = vector.broadcast %shift_right_arithmetic3A_877 : i32 to vector<16xi32>
    %shift_right_arithmetic3A_879 = arith.shrsi %get3A_856, %shift_right_arithmetic3A_878 : vector<16xi32>
    %swap3A_880 = arith.constant 2 : i32
    %swap3A_881 = arith.index_cast %swap3A_880 : i32 to index
    %swap3A_882 = arith.constant 48 : index
    %swap3A_883 = tpu.vector_load %arg16[%swap3A_881, %swap3A_882] {strides = array<i32>} : memref<4x128xi32, #tpu.memory_space<vmem>>, vector<16xi32>,
    tpu.vector_store %arg16[%swap3A_881, %swap3A_882], %shift_right_arithmetic3A_879 {strides = array<i32>} : memref<4x128xi32, #tpu.memory_space<vmem>>, vector<16xi32>,
    %shift_right_arithmetic3A_884 = arith.constant 6 : i32
    %shift_right_arithmetic3A_885 = vector.broadcast %shift_right_arithmetic3A_884 : i32 to vector<16xi32>
    %shift_right_arithmetic3A_886 = arith.shrsi %get3A_860, %shift_right_arithmetic3A_885 : vector<16xi32>
    %swap3A_887 = arith.constant 2 : i32
    %swap3A_888 = arith.index_cast %swap3A_887 : i32 to index
    %swap3A_889 = arith.constant 48 : index
    %swap3A_890 = tpu.vector_load %arg17[%swap3A_888, %swap3A_889] {strides = array<i32>} : memref<4x128xi32, #tpu.memory_space<vmem>>, vector<16xi32>,
    tpu.vector_store %arg17[%swap3A_888, %swap3A_889], %shift_right_arithmetic3A_886 {strides = array<i32>} : memref<4x128xi32, #tpu.memory_space<vmem>>, vector<16xi32>,
    %shift_right_arithmetic3A_891 = arith.constant 6 : i32
    %shift_right_arithmetic3A_892 = vector.broadcast %shift_right_arithmetic3A_891 : i32 to vector<16xi32>
    %shift_right_arithmetic3A_893 = arith.shrsi %get3A_864, %shift_right_arithmetic3A_892 : vector<16xi32>
    %swap3A_894 = arith.constant 2 : i32
    %swap3A_895 = arith.index_cast %swap3A_894 : i32 to index
    %swap3A_896 = arith.constant 48 : index
    %swap3A_897 = tpu.vector_load %arg18[%swap3A_895, %swap3A_896] {strides = array<i32>} : memref<4x128xi32, #tpu.memory_space<vmem>>, vector<16xi32>,
    tpu.vector_store %arg18[%swap3A_895, %swap3A_896], %shift_right_arithmetic3A_893 {strides = array<i32>} : memref<4x128xi32, #tpu.memory_space<vmem>>, vector<16xi32>,
    %get3A_898 = arith.constant 2 : i32
    %get3A_899 = arith.index_cast %get3A_898 : i32 to index
    %get3A_900 = arith.constant 64 : index
    %get3A_901 = tpu.vector_load %arg10[%get3A_899, %get3A_900] {strides = array<i32>} : memref<4x128xi32, #tpu.memory_space<vmem>>, vector<16xi32>,
    %get3A_902 = arith.constant 2 : i32
    %get3A_903 = arith.index_cast %get3A_902 : i32 to index
    %get3A_904 = arith.constant 64 : index
    %get3A_905 = tpu.vector_load %arg11[%get3A_903, %get3A_904] {strides = array<i32>} : memref<4x128xi32, #tpu.memory_space<vmem>>, vector<16xi32>,
    %get3A_906 = arith.constant 2 : i32
    %get3A_907 = arith.index_cast %get3A_906 : i32 to index
    %get3A_908 = arith.constant 64 : index
    %get3A_909 = tpu.vector_load %arg12[%get3A_907, %get3A_908] {strides = array<i32>} : memref<4x128xi32, #tpu.memory_space<vmem>>, vector<16xi32>,
    %swap3A_910 = arith.constant 2 : i32
    %swap3A_911 = arith.index_cast %swap3A_910 : i32 to index
    %swap3A_912 = arith.constant 64 : index
    %swap3A_913 = tpu.vector_load %arg13[%swap3A_911, %swap3A_912] {strides = array<i32>} : memref<4x128xi32, #tpu.memory_space<vmem>>, vector<16xi32>,
    tpu.vector_store %arg13[%swap3A_911, %swap3A_912], %get3A_901 {strides = array<i32>} : memref<4x128xi32, #tpu.memory_space<vmem>>, vector<16xi32>,
    %swap3A_914 = arith.constant 2 : i32
    %swap3A_915 = arith.index_cast %swap3A_914 : i32 to index
    %swap3A_916 = arith.constant 64 : index
    %swap3A_917 = tpu.vector_load %arg14[%swap3A_915, %swap3A_916] {strides = array<i32>} : memref<4x128xi32, #tpu.memory_space<vmem>>, vector<16xi32>,
    tpu.vector_store %arg14[%swap3A_915, %swap3A_916], %get3A_905 {strides = array<i32>} : memref<4x128xi32, #tpu.memory_space<vmem>>, vector<16xi32>,
    %swap3A_918 = arith.constant 2 : i32
    %swap3A_919 = arith.index_cast %swap3A_918 : i32 to index
    %swap3A_920 = arith.constant 64 : index
    %swap3A_921 = tpu.vector_load %arg15[%swap3A_919, %swap3A_920] {strides = array<i32>} : memref<4x128xi32, #tpu.memory_space<vmem>>, vector<16xi32>,
    tpu.vector_store %arg15[%swap3A_919, %swap3A_920], %get3A_909 {strides = array<i32>} : memref<4x128xi32, #tpu.memory_space<vmem>>, vector<16xi32>,
    %shift_right_arithmetic3A_922 = arith.constant 6 : i32
    %shift_right_arithmetic3A_923 = vector.broadcast %shift_right_arithmetic3A_922 : i32 to vector<16xi32>
    %shift_right_arithmetic3A_924 = arith.shrsi %get3A_901, %shift_right_arithmetic3A_923 : vector<16xi32>
    %swap3A_925 = arith.constant 2 : i32
    %swap3A_926 = arith.index_cast %swap3A_925 : i32 to index
    %swap3A_927 = arith.constant 64 : index
    %swap3A_928 = tpu.vector_load %arg16[%swap3A_926, %swap3A_927] {strides = array<i32>} : memref<4x128xi32, #tpu.memory_space<vmem>>, vector<16xi32>,
    tpu.vector_store %arg16[%swap3A_926, %swap3A_927], %shift_right_arithmetic3A_924 {strides = array<i32>} : memref<4x128xi32, #tpu.memory_space<vmem>>, vector<16xi32>,
    %shift_right_arithmetic3A_929 = arith.constant 6 : i32
    %shift_right_arithmetic3A_930 = vector.broadcast %shift_right_arithmetic3A_929 : i32 to vector<16xi32>
    %shift_right_arithmetic3A_931 = arith.shrsi %get3A_905, %shift_right_arithmetic3A_930 : vector<16xi32>
    %swap3A_932 = arith.constant 2 : i32
    %swap3A_933 = arith.index_cast %swap3A_932 : i32 to index
    %swap3A_934 = arith.constant 64 : index
    %swap3A_935 = tpu.vector_load %arg17[%swap3A_933, %swap3A_934] {strides = array<i32>} : memref<4x128xi32, #tpu.memory_space<vmem>>, vector<16xi32>,
    tpu.vector_store %arg17[%swap3A_933, %swap3A_934], %shift_right_arithmetic3A_931 {strides = array<i32>} : memref<4x128xi32, #tpu.memory_space<vmem>>, vector<16xi32>,
    %shift_right_arithmetic3A_936 = arith.constant 6 : i32
    %shift_right_arithmetic3A_937 = vector.broadcast %shift_right_arithmetic3A_936 : i32 to vector<16xi32>
    %shift_right_arithmetic3A_938 = arith.shrsi %get3A_909, %shift_right_arithmetic3A_937 : vector<16xi32>
    %swap3A_939 = arith.constant 2 : i32
    %swap3A_940 = arith.index_cast %swap3A_939 : i32 to index
    %swap3A_941 = arith.constant 64 : index
    %swap3A_942 = tpu.vector_load %arg18[%swap3A_940, %swap3A_941] {strides = array<i32>} : memref<4x128xi32, #tpu.memory_space<vmem>>, vector<16xi32>,
    tpu.vector_store %arg18[%swap3A_940, %swap3A_941], %shift_right_arithmetic3A_938 {strides = array<i32>} : memref<4x128xi32, #tpu.memory_space<vmem>>, vector<16xi32>,
    %get3A_943 = arith.constant 2 : i32
    %get3A_944 = arith.index_cast %get3A_943 : i32 to index
    %get3A_945 = arith.constant 80 : index
    %get3A_946 = tpu.vector_load %arg10[%get3A_944, %get3A_945] {strides = array<i32>} : memref<4x128xi32, #tpu.memory_space<vmem>>, vector<16xi32>,
    %get3A_947 = arith.constant 2 : i32
    %get3A_948 = arith.index_cast %get3A_947 : i32 to index
    %get3A_949 = arith.constant 80 : index
    %get3A_950 = tpu.vector_load %arg11[%get3A_948, %get3A_949] {strides = array<i32>} : memref<4x128xi32, #tpu.memory_space<vmem>>, vector<16xi32>,
    %get3A_951 = arith.constant 2 : i32
    %get3A_952 = arith.index_cast %get3A_951 : i32 to index
    %get3A_953 = arith.constant 80 : index
    %get3A_954 = tpu.vector_load %arg12[%get3A_952, %get3A_953] {strides = array<i32>} : memref<4x128xi32, #tpu.memory_space<vmem>>, vector<16xi32>,
    %swap3A_955 = arith.constant 2 : i32
    %swap3A_956 = arith.index_cast %swap3A_955 : i32 to index
    %swap3A_957 = arith.constant 80 : index
    %swap3A_958 = tpu.vector_load %arg13[%swap3A_956, %swap3A_957] {strides = array<i32>} : memref<4x128xi32, #tpu.memory_space<vmem>>, vector<16xi32>,
    tpu.vector_store %arg13[%swap3A_956, %swap3A_957], %get3A_946 {strides = array<i32>} : memref<4x128xi32, #tpu.memory_space<vmem>>, vector<16xi32>,
    %swap3A_959 = arith.constant 2 : i32
    %swap3A_960 = arith.index_cast %swap3A_959 : i32 to index
    %swap3A_961 = arith.constant 80 : index
    %swap3A_962 = tpu.vector_load %arg14[%swap3A_960, %swap3A_961] {strides = array<i32>} : memref<4x128xi32, #tpu.memory_space<vmem>>, vector<16xi32>,
    tpu.vector_store %arg14[%swap3A_960, %swap3A_961], %get3A_950 {strides = array<i32>} : memref<4x128xi32, #tpu.memory_space<vmem>>, vector<16xi32>,
    %swap3A_963 = arith.constant 2 : i32
    %swap3A_964 = arith.index_cast %swap3A_963 : i32 to index
    %swap3A_965 = arith.constant 80 : index
    %swap3A_966 = tpu.vector_load %arg15[%swap3A_964, %swap3A_965] {strides = array<i32>} : memref<4x128xi32, #tpu.memory_space<vmem>>, vector<16xi32>,
    tpu.vector_store %arg15[%swap3A_964, %swap3A_965], %get3A_954 {strides = array<i32>} : memref<4x128xi32, #tpu.memory_space<vmem>>, vector<16xi32>,
    %shift_right_arithmetic3A_967 = arith.constant 6 : i32
    %shift_right_arithmetic3A_968 = vector.broadcast %shift_right_arithmetic3A_967 : i32 to vector<16xi32>
    %shift_right_arithmetic3A_969 = arith.shrsi %get3A_946, %shift_right_arithmetic3A_968 : vector<16xi32>
    %swap3A_970 = arith.constant 2 : i32
    %swap3A_971 = arith.index_cast %swap3A_970 : i32 to index
    %swap3A_972 = arith.constant 80 : index
    %swap3A_973 = tpu.vector_load %arg16[%swap3A_971, %swap3A_972] {strides = array<i32>} : memref<4x128xi32, #tpu.memory_space<vmem>>, vector<16xi32>,
    tpu.vector_store %arg16[%swap3A_971, %swap3A_972], %shift_right_arithmetic3A_969 {strides = array<i32>} : memref<4x128xi32, #tpu.memory_space<vmem>>, vector<16xi32>,
    %shift_right_arithmetic3A_974 = arith.constant 6 : i32
    %shift_right_arithmetic3A_975 = vector.broadcast %shift_right_arithmetic3A_974 : i32 to vector<16xi32>
    %shift_right_arithmetic3A_976 = arith.shrsi %get3A_950, %shift_right_arithmetic3A_975 : vector<16xi32>
    %swap3A_977 = arith.constant 2 : i32
    %swap3A_978 = arith.index_cast %swap3A_977 : i32 to index
    %swap3A_979 = arith.constant 80 : index
    %swap3A_980 = tpu.vector_load %arg17[%swap3A_978, %swap3A_979] {strides = array<i32>} : memref<4x128xi32, #tpu.memory_space<vmem>>, vector<16xi32>,
    tpu.vector_store %arg17[%swap3A_978, %swap3A_979], %shift_right_arithmetic3A_976 {strides = array<i32>} : memref<4x128xi32, #tpu.memory_space<vmem>>, vector<16xi32>,
    %shift_right_arithmetic3A_981 = arith.constant 6 : i32
    %shift_right_arithmetic3A_982 = vector.broadcast %shift_right_arithmetic3A_981 : i32 to vector<16xi32>
    %shift_right_arithmetic3A_983 = arith.shrsi %get3A_954, %shift_right_arithmetic3A_982 : vector<16xi32>
    %swap3A_984 = arith.constant 2 : i32
    %swap3A_985 = arith.index_cast %swap3A_984 : i32 to index
    %swap3A_986 = arith.constant 80 : index
    %swap3A_987 = tpu.vector_load %arg18[%swap3A_985, %swap3A_986] {strides = array<i32>} : memref<4x128xi32, #tpu.memory_space<vmem>>, vector<16xi32>,
    tpu.vector_store %arg18[%swap3A_985, %swap3A_986], %shift_right_arithmetic3A_983 {strides = array<i32>} : memref<4x128xi32, #tpu.memory_space<vmem>>, vector<16xi32>,
    %get3A_988 = arith.constant 2 : i32
    %get3A_989 = arith.index_cast %get3A_988 : i32 to index
    %get3A_990 = arith.constant 96 : index
    %get3A_991 = tpu.vector_load %arg10[%get3A_989, %get3A_990] {strides = array<i32>} : memref<4x128xi32, #tpu.memory_space<vmem>>, vector<16xi32>,
    %get3A_992 = arith.constant 2 : i32
    %get3A_993 = arith.index_cast %get3A_992 : i32 to index
    %get3A_994 = arith.constant 96 : index
    %get3A_995 = tpu.vector_load %arg11[%get3A_993, %get3A_994] {strides = array<i32>} : memref<4x128xi32, #tpu.memory_space<vmem>>, vector<16xi32>,
    %get3A_996 = arith.constant 2 : i32
    %get3A_997 = arith.index_cast %get3A_996 : i32 to index
    %get3A_998 = arith.constant 96 : index
    %get3A_999 = tpu.vector_load %arg12[%get3A_997, %get3A_998] {strides = array<i32>} : memref<4x128xi32, #tpu.memory_space<vmem>>, vector<16xi32>,
    %swap3A_1000 = arith.constant 2 : i32
    %swap3A_1001 = arith.index_cast %swap3A_1000 : i32 to index
    %swap3A_1002 = arith.constant 96 : index
    %swap3A_1003 = tpu.vector_load %arg13[%swap3A_1001, %swap3A_1002] {strides = array<i32>} : memref<4x128xi32, #tpu.memory_space<vmem>>, vector<16xi32>,
    tpu.vector_store %arg13[%swap3A_1001, %swap3A_1002], %get3A_991 {strides = array<i32>} : memref<4x128xi32, #tpu.memory_space<vmem>>, vector<16xi32>,
    %swap3A_1004 = arith.constant 2 : i32
    %swap3A_1005 = arith.index_cast %swap3A_1004 : i32 to index
    %swap3A_1006 = arith.constant 96 : index
    %swap3A_1007 = tpu.vector_load %arg14[%swap3A_1005, %swap3A_1006] {strides = array<i32>} : memref<4x128xi32, #tpu.memory_space<vmem>>, vector<16xi32>,
    tpu.vector_store %arg14[%swap3A_1005, %swap3A_1006], %get3A_995 {strides = array<i32>} : memref<4x128xi32, #tpu.memory_space<vmem>>, vector<16xi32>,
    %swap3A_1008 = arith.constant 2 : i32
    %swap3A_1009 = arith.index_cast %swap3A_1008 : i32 to index
    %swap3A_1010 = arith.constant 96 : index
    %swap3A_1011 = tpu.vector_load %arg15[%swap3A_1009, %swap3A_1010] {strides = array<i32>} : memref<4x128xi32, #tpu.memory_space<vmem>>, vector<16xi32>,
    tpu.vector_store %arg15[%swap3A_1009, %swap3A_1010], %get3A_999 {strides = array<i32>} : memref<4x128xi32, #tpu.memory_space<vmem>>, vector<16xi32>,
    %shift_right_arithmetic3A_1012 = arith.constant 6 : i32
    %shift_right_arithmetic3A_1013 = vector.broadcast %shift_right_arithmetic3A_1012 : i32 to vector<16xi32>
    %shift_right_arithmetic3A_1014 = arith.shrsi %get3A_991, %shift_right_arithmetic3A_1013 : vector<16xi32>
    %swap3A_1015 = arith.constant 2 : i32
    %swap3A_1016 = arith.index_cast %swap3A_1015 : i32 to index
    %swap3A_1017 = arith.constant 96 : index
    %swap3A_1018 = tpu.vector_load %arg16[%swap3A_1016, %swap3A_1017] {strides = array<i32>} : memref<4x128xi32, #tpu.memory_space<vmem>>, vector<16xi32>,
    tpu.vector_store %arg16[%swap3A_1016, %swap3A_1017], %shift_right_arithmetic3A_1014 {strides = array<i32>} : memref<4x128xi32, #tpu.memory_space<vmem>>, vector<16xi32>,
    %shift_right_arithmetic3A_1019 = arith.constant 6 : i32
    %shift_right_arithmetic3A_1020 = vector.broadcast %shift_right_arithmetic3A_1019 : i32 to vector<16xi32>
    %shift_right_arithmetic3A_1021 = arith.shrsi %get3A_995, %shift_right_arithmetic3A_1020 : vector<16xi32>
    %swap3A_1022 = arith.constant 2 : i32
    %swap3A_1023 = arith.index_cast %swap3A_1022 : i32 to index
    %swap3A_1024 = arith.constant 96 : index
    %swap3A_1025 = tpu.vector_load %arg17[%swap3A_1023, %swap3A_1024] {strides = array<i32>} : memref<4x128xi32, #tpu.memory_space<vmem>>, vector<16xi32>,
    tpu.vector_store %arg17[%swap3A_1023, %swap3A_1024], %shift_right_arithmetic3A_1021 {strides = array<i32>} : memref<4x128xi32, #tpu.memory_space<vmem>>, vector<16xi32>,
    %shift_right_arithmetic3A_1026 = arith.constant 6 : i32
    %shift_right_arithmetic3A_1027 = vector.broadcast %shift_right_arithmetic3A_1026 : i32 to vector<16xi32>
    %shift_right_arithmetic3A_1028 = arith.shrsi %get3A_999, %shift_right_arithmetic3A_1027 : vector<16xi32>
    %swap3A_1029 = arith.constant 2 : i32
    %swap3A_1030 = arith.index_cast %swap3A_1029 : i32 to index
    %swap3A_1031 = arith.constant 96 : index
    %swap3A_1032 = tpu.vector_load %arg18[%swap3A_1030, %swap3A_1031] {strides = array<i32>} : memref<4x128xi32, #tpu.memory_space<vmem>>, vector<16xi32>,
    tpu.vector_store %arg18[%swap3A_1030, %swap3A_1031], %shift_right_arithmetic3A_1028 {strides = array<i32>} : memref<4x128xi32, #tpu.memory_space<vmem>>, vector<16xi32>,
    %get3A_1033 = arith.constant 2 : i32
    %get3A_1034 = arith.index_cast %get3A_1033 : i32 to index
    %get3A_1035 = arith.constant 112 : index
    %get3A_1036 = tpu.vector_load %arg10[%get3A_1034, %get3A_1035] {strides = array<i32>} : memref<4x128xi32, #tpu.memory_space<vmem>>, vector<16xi32>,
    %get3A_1037 = arith.constant 2 : i32
    %get3A_1038 = arith.index_cast %get3A_1037 : i32 to index
    %get3A_1039 = arith.constant 112 : index
    %get3A_1040 = tpu.vector_load %arg11[%get3A_1038, %get3A_1039] {strides = array<i32>} : memref<4x128xi32, #tpu.memory_space<vmem>>, vector<16xi32>,
    %get3A_1041 = arith.constant 2 : i32
    %get3A_1042 = arith.index_cast %get3A_1041 : i32 to index
    %get3A_1043 = arith.constant 112 : index
    %get3A_1044 = tpu.vector_load %arg12[%get3A_1042, %get3A_1043] {strides = array<i32>} : memref<4x128xi32, #tpu.memory_space<vmem>>, vector<16xi32>,
    %swap3A_1045 = arith.constant 2 : i32
    %swap3A_1046 = arith.index_cast %swap3A_1045 : i32 to index
    %swap3A_1047 = arith.constant 112 : index
    %swap3A_1048 = tpu.vector_load %arg13[%swap3A_1046, %swap3A_1047] {strides = array<i32>} : memref<4x128xi32, #tpu.memory_space<vmem>>, vector<16xi32>,
    tpu.vector_store %arg13[%swap3A_1046, %swap3A_1047], %get3A_1036 {strides = array<i32>} : memref<4x128xi32, #tpu.memory_space<vmem>>, vector<16xi32>,
    %swap3A_1049 = arith.constant 2 : i32
    %swap3A_1050 = arith.index_cast %swap3A_1049 : i32 to index
    %swap3A_1051 = arith.constant 112 : index
    %swap3A_1052 = tpu.vector_load %arg14[%swap3A_1050, %swap3A_1051] {strides = array<i32>} : memref<4x128xi32, #tpu.memory_space<vmem>>, vector<16xi32>,
    tpu.vector_store %arg14[%swap3A_1050, %swap3A_1051], %get3A_1040 {strides = array<i32>} : memref<4x128xi32, #tpu.memory_space<vmem>>, vector<16xi32>,
    %swap3A_1053 = arith.constant 2 : i32
    %swap3A_1054 = arith.index_cast %swap3A_1053 : i32 to index
    %swap3A_1055 = arith.constant 112 : index
    %swap3A_1056 = tpu.vector_load %arg15[%swap3A_1054, %swap3A_1055] {strides = array<i32>} : memref<4x128xi32, #tpu.memory_space<vmem>>, vector<16xi32>,
    tpu.vector_store %arg15[%swap3A_1054, %swap3A_1055], %get3A_1044 {strides = array<i32>} : memref<4x128xi32, #tpu.memory_space<vmem>>, vector<16xi32>,
    %shift_right_arithmetic3A_1057 = arith.constant 6 : i32
    %shift_right_arithmetic3A_1058 = vector.broadcast %shift_right_arithmetic3A_1057 : i32 to vector<16xi32>
    %shift_right_arithmetic3A_1059 = arith.shrsi %get3A_1036, %shift_right_arithmetic3A_1058 : vector<16xi32>
    %swap3A_1060 = arith.constant 2 : i32
    %swap3A_1061 = arith.index_cast %swap3A_1060 : i32 to index
    %swap3A_1062 = arith.constant 112 : index
    %swap3A_1063 = tpu.vector_load %arg16[%swap3A_1061, %swap3A_1062] {strides = array<i32>} : memref<4x128xi32, #tpu.memory_space<vmem>>, vector<16xi32>,
    tpu.vector_store %arg16[%swap3A_1061, %swap3A_1062], %shift_right_arithmetic3A_1059 {strides = array<i32>} : memref<4x128xi32, #tpu.memory_space<vmem>>, vector<16xi32>,
    %shift_right_arithmetic3A_1064 = arith.constant 6 : i32
    %shift_right_arithmetic3A_1065 = vector.broadcast %shift_right_arithmetic3A_1064 : i32 to vector<16xi32>
    %shift_right_arithmetic3A_1066 = arith.shrsi %get3A_1040, %shift_right_arithmetic3A_1065 : vector<16xi32>
    %swap3A_1067 = arith.constant 2 : i32
    %swap3A_1068 = arith.index_cast %swap3A_1067 : i32 to index
    %swap3A_1069 = arith.constant 112 : index
    %swap3A_1070 = tpu.vector_load %arg17[%swap3A_1068, %swap3A_1069] {strides = array<i32>} : memref<4x128xi32, #tpu.memory_space<vmem>>, vector<16xi32>,
    tpu.vector_store %arg17[%swap3A_1068, %swap3A_1069], %shift_right_arithmetic3A_1066 {strides = array<i32>} : memref<4x128xi32, #tpu.memory_space<vmem>>, vector<16xi32>,
    %shift_right_arithmetic3A_1071 = arith.constant 6 : i32
    %shift_right_arithmetic3A_1072 = vector.broadcast %shift_right_arithmetic3A_1071 : i32 to vector<16xi32>
    %shift_right_arithmetic3A_1073 = arith.shrsi %get3A_1044, %shift_right_arithmetic3A_1072 : vector<16xi32>
    %swap3A_1074 = arith.constant 2 : i32
    %swap3A_1075 = arith.index_cast %swap3A_1074 : i32 to index
    %swap3A_1076 = arith.constant 112 : index
    %swap3A_1077 = tpu.vector_load %arg18[%swap3A_1075, %swap3A_1076] {strides = array<i32>} : memref<4x128xi32, #tpu.memory_space<vmem>>, vector<16xi32>,
    tpu.vector_store %arg18[%swap3A_1075, %swap3A_1076], %shift_right_arithmetic3A_1073 {strides = array<i32>} : memref<4x128xi32, #tpu.memory_space<vmem>>, vector<16xi32>,
    %get3A_1078 = arith.constant 3 : i32
    %get3A_1079 = arith.index_cast %get3A_1078 : i32 to index
    %get3A_1080 = arith.constant 0 : index
    %get3A_1081 = tpu.vector_load %arg10[%get3A_1079, %get3A_1080] {strides = array<i32>} : memref<4x128xi32, #tpu.memory_space<vmem>>, vector<16xi32>,
    %get3A_1082 = arith.constant 3 : i32
    %get3A_1083 = arith.index_cast %get3A_1082 : i32 to index
    %get3A_1084 = arith.constant 0 : index
    %get3A_1085 = tpu.vector_load %arg11[%get3A_1083, %get3A_1084] {strides = array<i32>} : memref<4x128xi32, #tpu.memory_space<vmem>>, vector<16xi32>,
    %get3A_1086 = arith.constant 3 : i32
    %get3A_1087 = arith.index_cast %get3A_1086 : i32 to index
    %get3A_1088 = arith.constant 0 : index
    %get3A_1089 = tpu.vector_load %arg12[%get3A_1087, %get3A_1088] {strides = array<i32>} : memref<4x128xi32, #tpu.memory_space<vmem>>, vector<16xi32>,
    %swap3A_1090 = arith.constant 3 : i32
    %swap3A_1091 = arith.index_cast %swap3A_1090 : i32 to index
    %swap3A_1092 = arith.constant 0 : index
    %swap3A_1093 = tpu.vector_load %arg13[%swap3A_1091, %swap3A_1092] {strides = array<i32>} : memref<4x128xi32, #tpu.memory_space<vmem>>, vector<16xi32>,
    tpu.vector_store %arg13[%swap3A_1091, %swap3A_1092], %get3A_1081 {strides = array<i32>} : memref<4x128xi32, #tpu.memory_space<vmem>>, vector<16xi32>,
    %swap3A_1094 = arith.constant 3 : i32
    %swap3A_1095 = arith.index_cast %swap3A_1094 : i32 to index
    %swap3A_1096 = arith.constant 0 : index
    %swap3A_1097 = tpu.vector_load %arg14[%swap3A_1095, %swap3A_1096] {strides = array<i32>} : memref<4x128xi32, #tpu.memory_space<vmem>>, vector<16xi32>,
    tpu.vector_store %arg14[%swap3A_1095, %swap3A_1096], %get3A_1085 {strides = array<i32>} : memref<4x128xi32, #tpu.memory_space<vmem>>, vector<16xi32>,
    %swap3A_1098 = arith.constant 3 : i32
    %swap3A_1099 = arith.index_cast %swap3A_1098 : i32 to index
    %swap3A_1100 = arith.constant 0 : index
    %swap3A_1101 = tpu.vector_load %arg15[%swap3A_1099, %swap3A_1100] {strides = array<i32>} : memref<4x128xi32, #tpu.memory_space<vmem>>, vector<16xi32>,
    tpu.vector_store %arg15[%swap3A_1099, %swap3A_1100], %get3A_1089 {strides = array<i32>} : memref<4x128xi32, #tpu.memory_space<vmem>>, vector<16xi32>,
    %shift_right_arithmetic3A_1102 = arith.constant 6 : i32
    %shift_right_arithmetic3A_1103 = vector.broadcast %shift_right_arithmetic3A_1102 : i32 to vector<16xi32>
    %shift_right_arithmetic3A_1104 = arith.shrsi %get3A_1081, %shift_right_arithmetic3A_1103 : vector<16xi32>
    %swap3A_1105 = arith.constant 3 : i32
    %swap3A_1106 = arith.index_cast %swap3A_1105 : i32 to index
    %swap3A_1107 = arith.constant 0 : index
    %swap3A_1108 = tpu.vector_load %arg16[%swap3A_1106, %swap3A_1107] {strides = array<i32>} : memref<4x128xi32, #tpu.memory_space<vmem>>, vector<16xi32>,
    tpu.vector_store %arg16[%swap3A_1106, %swap3A_1107], %shift_right_arithmetic3A_1104 {strides = array<i32>} : memref<4x128xi32, #tpu.memory_space<vmem>>, vector<16xi32>,
    %shift_right_arithmetic3A_1109 = arith.constant 6 : i32
    %shift_right_arithmetic3A_1110 = vector.broadcast %shift_right_arithmetic3A_1109 : i32 to vector<16xi32>
    %shift_right_arithmetic3A_1111 = arith.shrsi %get3A_1085, %shift_right_arithmetic3A_1110 : vector<16xi32>
    %swap3A_1112 = arith.constant 3 : i32
    %swap3A_1113 = arith.index_cast %swap3A_1112 : i32 to index
    %swap3A_1114 = arith.constant 0 : index
    %swap3A_1115 = tpu.vector_load %arg17[%swap3A_1113, %swap3A_1114] {strides = array<i32>} : memref<4x128xi32, #tpu.memory_space<vmem>>, vector<16xi32>,
    tpu.vector_store %arg17[%swap3A_1113, %swap3A_1114], %shift_right_arithmetic3A_1111 {strides = array<i32>} : memref<4x128xi32, #tpu.memory_space<vmem>>, vector<16xi32>,
    %shift_right_arithmetic3A_1116 = arith.constant 6 : i32
    %shift_right_arithmetic3A_1117 = vector.broadcast %shift_right_arithmetic3A_1116 : i32 to vector<16xi32>
    %shift_right_arithmetic3A_1118 = arith.shrsi %get3A_1089, %shift_right_arithmetic3A_1117 : vector<16xi32>
    %swap3A_1119 = arith.constant 3 : i32
    %swap3A_1120 = arith.index_cast %swap3A_1119 : i32 to index
    %swap3A_1121 = arith.constant 0 : index
    %swap3A_1122 = tpu.vector_load %arg18[%swap3A_1120, %swap3A_1121] {strides = array<i32>} : memref<4x128xi32, #tpu.memory_space<vmem>>, vector<16xi32>,
    tpu.vector_store %arg18[%swap3A_1120, %swap3A_1121], %shift_right_arithmetic3A_1118 {strides = array<i32>} : memref<4x128xi32, #tpu.memory_space<vmem>>, vector<16xi32>,
    %get3A_1123 = arith.constant 3 : i32
    %get3A_1124 = arith.index_cast %get3A_1123 : i32 to index
    %get3A_1125 = arith.constant 16 : index
    %get3A_1126 = tpu.vector_load %arg10[%get3A_1124, %get3A_1125] {strides = array<i32>} : memref<4x128xi32, #tpu.memory_space<vmem>>, vector<16xi32>,
    %get3A_1127 = arith.constant 3 : i32
    %get3A_1128 = arith.index_cast %get3A_1127 : i32 to index
    %get3A_1129 = arith.constant 16 : index
    %get3A_1130 = tpu.vector_load %arg11[%get3A_1128, %get3A_1129] {strides = array<i32>} : memref<4x128xi32, #tpu.memory_space<vmem>>, vector<16xi32>,
    %get3A_1131 = arith.constant 3 : i32
    %get3A_1132 = arith.index_cast %get3A_1131 : i32 to index
    %get3A_1133 = arith.constant 16 : index
    %get3A_1134 = tpu.vector_load %arg12[%get3A_1132, %get3A_1133] {strides = array<i32>} : memref<4x128xi32, #tpu.memory_space<vmem>>, vector<16xi32>,
    %swap3A_1135 = arith.constant 3 : i32
    %swap3A_1136 = arith.index_cast %swap3A_1135 : i32 to index
    %swap3A_1137 = arith.constant 16 : index
    %swap3A_1138 = tpu.vector_load %arg13[%swap3A_1136, %swap3A_1137] {strides = array<i32>} : memref<4x128xi32, #tpu.memory_space<vmem>>, vector<16xi32>,
    tpu.vector_store %arg13[%swap3A_1136, %swap3A_1137], %get3A_1126 {strides = array<i32>} : memref<4x128xi32, #tpu.memory_space<vmem>>, vector<16xi32>,
    %swap3A_1139 = arith.constant 3 : i32
    %swap3A_1140 = arith.index_cast %swap3A_1139 : i32 to index
    %swap3A_1141 = arith.constant 16 : index
    %swap3A_1142 = tpu.vector_load %arg14[%swap3A_1140, %swap3A_1141] {strides = array<i32>} : memref<4x128xi32, #tpu.memory_space<vmem>>, vector<16xi32>,
    tpu.vector_store %arg14[%swap3A_1140, %swap3A_1141], %get3A_1130 {strides = array<i32>} : memref<4x128xi32, #tpu.memory_space<vmem>>, vector<16xi32>,
    %swap3A_1143 = arith.constant 3 : i32
    %swap3A_1144 = arith.index_cast %swap3A_1143 : i32 to index
    %swap3A_1145 = arith.constant 16 : index
    %swap3A_1146 = tpu.vector_load %arg15[%swap3A_1144, %swap3A_1145] {strides = array<i32>} : memref<4x128xi32, #tpu.memory_space<vmem>>, vector<16xi32>,
    tpu.vector_store %arg15[%swap3A_1144, %swap3A_1145], %get3A_1134 {strides = array<i32>} : memref<4x128xi32, #tpu.memory_space<vmem>>, vector<16xi32>,
    %shift_right_arithmetic3A_1147 = arith.constant 6 : i32
    %shift_right_arithmetic3A_1148 = vector.broadcast %shift_right_arithmetic3A_1147 : i32 to vector<16xi32>
    %shift_right_arithmetic3A_1149 = arith.shrsi %get3A_1126, %shift_right_arithmetic3A_1148 : vector<16xi32>
    %swap3A_1150 = arith.constant 3 : i32
    %swap3A_1151 = arith.index_cast %swap3A_1150 : i32 to index
    %swap3A_1152 = arith.constant 16 : index
    %swap3A_1153 = tpu.vector_load %arg16[%swap3A_1151, %swap3A_1152] {strides = array<i32>} : memref<4x128xi32, #tpu.memory_space<vmem>>, vector<16xi32>,
    tpu.vector_store %arg16[%swap3A_1151, %swap3A_1152], %shift_right_arithmetic3A_1149 {strides = array<i32>} : memref<4x128xi32, #tpu.memory_space<vmem>>, vector<16xi32>,
    %shift_right_arithmetic3A_1154 = arith.constant 6 : i32
    %shift_right_arithmetic3A_1155 = vector.broadcast %shift_right_arithmetic3A_1154 : i32 to vector<16xi32>
    %shift_right_arithmetic3A_1156 = arith.shrsi %get3A_1130, %shift_right_arithmetic3A_1155 : vector<16xi32>
    %swap3A_1157 = arith.constant 3 : i32
    %swap3A_1158 = arith.index_cast %swap3A_1157 : i32 to index
    %swap3A_1159 = arith.constant 16 : index
    %swap3A_1160 = tpu.vector_load %arg17[%swap3A_1158, %swap3A_1159] {strides = array<i32>} : memref<4x128xi32, #tpu.memory_space<vmem>>, vector<16xi32>,
    tpu.vector_store %arg17[%swap3A_1158, %swap3A_1159], %shift_right_arithmetic3A_1156 {strides = array<i32>} : memref<4x128xi32, #tpu.memory_space<vmem>>, vector<16xi32>,
    %shift_right_arithmetic3A_1161 = arith.constant 6 : i32
    %shift_right_arithmetic3A_1162 = vector.broadcast %shift_right_arithmetic3A_1161 : i32 to vector<16xi32>
    %shift_right_arithmetic3A_1163 = arith.shrsi %get3A_1134, %shift_right_arithmetic3A_1162 : vector<16xi32>
    %swap3A_1164 = arith.constant 3 : i32
    %swap3A_1165 = arith.index_cast %swap3A_1164 : i32 to index
    %swap3A_1166 = arith.constant 16 : index
    %swap3A_1167 = tpu.vector_load %arg18[%swap3A_1165, %swap3A_1166] {strides = array<i32>} : memref<4x128xi32, #tpu.memory_space<vmem>>, vector<16xi32>,
    tpu.vector_store %arg18[%swap3A_1165, %swap3A_1166], %shift_right_arithmetic3A_1163 {strides = array<i32>} : memref<4x128xi32, #tpu.memory_space<vmem>>, vector<16xi32>,
    %get3A_1168 = arith.constant 3 : i32
    %get3A_1169 = arith.index_cast %get3A_1168 : i32 to index
    %get3A_1170 = arith.constant 32 : index
    %get3A_1171 = tpu.vector_load %arg10[%get3A_1169, %get3A_1170] {strides = array<i32>} : memref<4x128xi32, #tpu.memory_space<vmem>>, vector<16xi32>,
    %get3A_1172 = arith.constant 3 : i32
    %get3A_1173 = arith.index_cast %get3A_1172 : i32 to index
    %get3A_1174 = arith.constant 32 : index
    %get3A_1175 = tpu.vector_load %arg11[%get3A_1173, %get3A_1174] {strides = array<i32>} : memref<4x128xi32, #tpu.memory_space<vmem>>, vector<16xi32>,
    %get3A_1176 = arith.constant 3 : i32
    %get3A_1177 = arith.index_cast %get3A_1176 : i32 to index
    %get3A_1178 = arith.constant 32 : index
    %get3A_1179 = tpu.vector_load %arg12[%get3A_1177, %get3A_1178] {strides = array<i32>} : memref<4x128xi32, #tpu.memory_space<vmem>>, vector<16xi32>,
    %swap3A_1180 = arith.constant 3 : i32
    %swap3A_1181 = arith.index_cast %swap3A_1180 : i32 to index
    %swap3A_1182 = arith.constant 32 : index
    %swap3A_1183 = tpu.vector_load %arg13[%swap3A_1181, %swap3A_1182] {strides = array<i32>} : memref<4x128xi32, #tpu.memory_space<vmem>>, vector<16xi32>,
    tpu.vector_store %arg13[%swap3A_1181, %swap3A_1182], %get3A_1171 {strides = array<i32>} : memref<4x128xi32, #tpu.memory_space<vmem>>, vector<16xi32>,
    %swap3A_1184 = arith.constant 3 : i32
    %swap3A_1185 = arith.index_cast %swap3A_1184 : i32 to index
    %swap3A_1186 = arith.constant 32 : index
    %swap3A_1187 = tpu.vector_load %arg14[%swap3A_1185, %swap3A_1186] {strides = array<i32>} : memref<4x128xi32, #tpu.memory_space<vmem>>, vector<16xi32>,
    tpu.vector_store %arg14[%swap3A_1185, %swap3A_1186], %get3A_1175 {strides = array<i32>} : memref<4x128xi32, #tpu.memory_space<vmem>>, vector<16xi32>,
    %swap3A_1188 = arith.constant 3 : i32
    %swap3A_1189 = arith.index_cast %swap3A_1188 : i32 to index
    %swap3A_1190 = arith.constant 32 : index
    %swap3A_1191 = tpu.vector_load %arg15[%swap3A_1189, %swap3A_1190] {strides = array<i32>} : memref<4x128xi32, #tpu.memory_space<vmem>>, vector<16xi32>,
    tpu.vector_store %arg15[%swap3A_1189, %swap3A_1190], %get3A_1179 {strides = array<i32>} : memref<4x128xi32, #tpu.memory_space<vmem>>, vector<16xi32>,
    %shift_right_arithmetic3A_1192 = arith.constant 6 : i32
    %shift_right_arithmetic3A_1193 = vector.broadcast %shift_right_arithmetic3A_1192 : i32 to vector<16xi32>
    %shift_right_arithmetic3A_1194 = arith.shrsi %get3A_1171, %shift_right_arithmetic3A_1193 : vector<16xi32>
    %swap3A_1195 = arith.constant 3 : i32
    %swap3A_1196 = arith.index_cast %swap3A_1195 : i32 to index
    %swap3A_1197 = arith.constant 32 : index
    %swap3A_1198 = tpu.vector_load %arg16[%swap3A_1196, %swap3A_1197] {strides = array<i32>} : memref<4x128xi32, #tpu.memory_space<vmem>>, vector<16xi32>,
    tpu.vector_store %arg16[%swap3A_1196, %swap3A_1197], %shift_right_arithmetic3A_1194 {strides = array<i32>} : memref<4x128xi32, #tpu.memory_space<vmem>>, vector<16xi32>,
    %shift_right_arithmetic3A_1199 = arith.constant 6 : i32
    %shift_right_arithmetic3A_1200 = vector.broadcast %shift_right_arithmetic3A_1199 : i32 to vector<16xi32>
    %shift_right_arithmetic3A_1201 = arith.shrsi %get3A_1175, %shift_right_arithmetic3A_1200 : vector<16xi32>
    %swap3A_1202 = arith.constant 3 : i32
    %swap3A_1203 = arith.index_cast %swap3A_1202 : i32 to index
    %swap3A_1204 = arith.constant 32 : index
    %swap3A_1205 = tpu.vector_load %arg17[%swap3A_1203, %swap3A_1204] {strides = array<i32>} : memref<4x128xi32, #tpu.memory_space<vmem>>, vector<16xi32>,
    tpu.vector_store %arg17[%swap3A_1203, %swap3A_1204], %shift_right_arithmetic3A_1201 {strides = array<i32>} : memref<4x128xi32, #tpu.memory_space<vmem>>, vector<16xi32>,
    %shift_right_arithmetic3A_1206 = arith.constant 6 : i32
    %shift_right_arithmetic3A_1207 = vector.broadcast %shift_right_arithmetic3A_1206 : i32 to vector<16xi32>
    %shift_right_arithmetic3A_1208 = arith.shrsi %get3A_1179, %shift_right_arithmetic3A_1207 : vector<16xi32>
    %swap3A_1209 = arith.constant 3 : i32
    %swap3A_1210 = arith.index_cast %swap3A_1209 : i32 to index
    %swap3A_1211 = arith.constant 32 : index
    %swap3A_1212 = tpu.vector_load %arg18[%swap3A_1210, %swap3A_1211] {strides = array<i32>} : memref<4x128xi32, #tpu.memory_space<vmem>>, vector<16xi32>,
    tpu.vector_store %arg18[%swap3A_1210, %swap3A_1211], %shift_right_arithmetic3A_1208 {strides = array<i32>} : memref<4x128xi32, #tpu.memory_space<vmem>>, vector<16xi32>,
    %get3A_1213 = arith.constant 3 : i32
    %get3A_1214 = arith.index_cast %get3A_1213 : i32 to index
    %get3A_1215 = arith.constant 48 : index
    %get3A_1216 = tpu.vector_load %arg10[%get3A_1214, %get3A_1215] {strides = array<i32>} : memref<4x128xi32, #tpu.memory_space<vmem>>, vector<16xi32>,
    %get3A_1217 = arith.constant 3 : i32
    %get3A_1218 = arith.index_cast %get3A_1217 : i32 to index
    %get3A_1219 = arith.constant 48 : index
    %get3A_1220 = tpu.vector_load %arg11[%get3A_1218, %get3A_1219] {strides = array<i32>} : memref<4x128xi32, #tpu.memory_space<vmem>>, vector<16xi32>,
    %get3A_1221 = arith.constant 3 : i32
    %get3A_1222 = arith.index_cast %get3A_1221 : i32 to index
    %get3A_1223 = arith.constant 48 : index
    %get3A_1224 = tpu.vector_load %arg12[%get3A_1222, %get3A_1223] {strides = array<i32>} : memref<4x128xi32, #tpu.memory_space<vmem>>, vector<16xi32>,
    %swap3A_1225 = arith.constant 3 : i32
    %swap3A_1226 = arith.index_cast %swap3A_1225 : i32 to index
    %swap3A_1227 = arith.constant 48 : index
    %swap3A_1228 = tpu.vector_load %arg13[%swap3A_1226, %swap3A_1227] {strides = array<i32>} : memref<4x128xi32, #tpu.memory_space<vmem>>, vector<16xi32>,
    tpu.vector_store %arg13[%swap3A_1226, %swap3A_1227], %get3A_1216 {strides = array<i32>} : memref<4x128xi32, #tpu.memory_space<vmem>>, vector<16xi32>,
    %swap3A_1229 = arith.constant 3 : i32
    %swap3A_1230 = arith.index_cast %swap3A_1229 : i32 to index
    %swap3A_1231 = arith.constant 48 : index
    %swap3A_1232 = tpu.vector_load %arg14[%swap3A_1230, %swap3A_1231] {strides = array<i32>} : memref<4x128xi32, #tpu.memory_space<vmem>>, vector<16xi32>,
    tpu.vector_store %arg14[%swap3A_1230, %swap3A_1231], %get3A_1220 {strides = array<i32>} : memref<4x128xi32, #tpu.memory_space<vmem>>, vector<16xi32>,
    %swap3A_1233 = arith.constant 3 : i32
    %swap3A_1234 = arith.index_cast %swap3A_1233 : i32 to index
    %swap3A_1235 = arith.constant 48 : index
    %swap3A_1236 = tpu.vector_load %arg15[%swap3A_1234, %swap3A_1235] {strides = array<i32>} : memref<4x128xi32, #tpu.memory_space<vmem>>, vector<16xi32>,
    tpu.vector_store %arg15[%swap3A_1234, %swap3A_1235], %get3A_1224 {strides = array<i32>} : memref<4x128xi32, #tpu.memory_space<vmem>>, vector<16xi32>,
    %shift_right_arithmetic3A_1237 = arith.constant 6 : i32
    %shift_right_arithmetic3A_1238 = vector.broadcast %shift_right_arithmetic3A_1237 : i32 to vector<16xi32>
    %shift_right_arithmetic3A_1239 = arith.shrsi %get3A_1216, %shift_right_arithmetic3A_1238 : vector<16xi32>
    %swap3A_1240 = arith.constant 3 : i32
    %swap3A_1241 = arith.index_cast %swap3A_1240 : i32 to index
    %swap3A_1242 = arith.constant 48 : index
    %swap3A_1243 = tpu.vector_load %arg16[%swap3A_1241, %swap3A_1242] {strides = array<i32>} : memref<4x128xi32, #tpu.memory_space<vmem>>, vector<16xi32>,
    tpu.vector_store %arg16[%swap3A_1241, %swap3A_1242], %shift_right_arithmetic3A_1239 {strides = array<i32>} : memref<4x128xi32, #tpu.memory_space<vmem>>, vector<16xi32>,
    %shift_right_arithmetic3A_1244 = arith.constant 6 : i32
    %shift_right_arithmetic3A_1245 = vector.broadcast %shift_right_arithmetic3A_1244 : i32 to vector<16xi32>
    %shift_right_arithmetic3A_1246 = arith.shrsi %get3A_1220, %shift_right_arithmetic3A_1245 : vector<16xi32>
    %swap3A_1247 = arith.constant 3 : i32
    %swap3A_1248 = arith.index_cast %swap3A_1247 : i32 to index
    %swap3A_1249 = arith.constant 48 : index
    %swap3A_1250 = tpu.vector_load %arg17[%swap3A_1248, %swap3A_1249] {strides = array<i32>} : memref<4x128xi32, #tpu.memory_space<vmem>>, vector<16xi32>,
    tpu.vector_store %arg17[%swap3A_1248, %swap3A_1249], %shift_right_arithmetic3A_1246 {strides = array<i32>} : memref<4x128xi32, #tpu.memory_space<vmem>>, vector<16xi32>,
    %shift_right_arithmetic3A_1251 = arith.constant 6 : i32
    %shift_right_arithmetic3A_1252 = vector.broadcast %shift_right_arithmetic3A_1251 : i32 to vector<16xi32>
    %shift_right_arithmetic3A_1253 = arith.shrsi %get3A_1224, %shift_right_arithmetic3A_1252 : vector<16xi32>
    %swap3A_1254 = arith.constant 3 : i32
    %swap3A_1255 = arith.index_cast %swap3A_1254 : i32 to index
    %swap3A_1256 = arith.constant 48 : index
    %swap3A_1257 = tpu.vector_load %arg18[%swap3A_1255, %swap3A_1256] {strides = array<i32>} : memref<4x128xi32, #tpu.memory_space<vmem>>, vector<16xi32>,
    tpu.vector_store %arg18[%swap3A_1255, %swap3A_1256], %shift_right_arithmetic3A_1253 {strides = array<i32>} : memref<4x128xi32, #tpu.memory_space<vmem>>, vector<16xi32>,
    %get3A_1258 = arith.constant 3 : i32
    %get3A_1259 = arith.index_cast %get3A_1258 : i32 to index
    %get3A_1260 = arith.constant 64 : index
    %get3A_1261 = tpu.vector_load %arg10[%get3A_1259, %get3A_1260] {strides = array<i32>} : memref<4x128xi32, #tpu.memory_space<vmem>>, vector<16xi32>,
    %get3A_1262 = arith.constant 3 : i32
    %get3A_1263 = arith.index_cast %get3A_1262 : i32 to index
    %get3A_1264 = arith.constant 64 : index
    %get3A_1265 = tpu.vector_load %arg11[%get3A_1263, %get3A_1264] {strides = array<i32>} : memref<4x128xi32, #tpu.memory_space<vmem>>, vector<16xi32>,
    %get3A_1266 = arith.constant 3 : i32
    %get3A_1267 = arith.index_cast %get3A_1266 : i32 to index
    %get3A_1268 = arith.constant 64 : index
    %get3A_1269 = tpu.vector_load %arg12[%get3A_1267, %get3A_1268] {strides = array<i32>} : memref<4x128xi32, #tpu.memory_space<vmem>>, vector<16xi32>,
    %swap3A_1270 = arith.constant 3 : i32
    %swap3A_1271 = arith.index_cast %swap3A_1270 : i32 to index
    %swap3A_1272 = arith.constant 64 : index
    %swap3A_1273 = tpu.vector_load %arg13[%swap3A_1271, %swap3A_1272] {strides = array<i32>} : memref<4x128xi32, #tpu.memory_space<vmem>>, vector<16xi32>,
    tpu.vector_store %arg13[%swap3A_1271, %swap3A_1272], %get3A_1261 {strides = array<i32>} : memref<4x128xi32, #tpu.memory_space<vmem>>, vector<16xi32>,
    %swap3A_1274 = arith.constant 3 : i32
    %swap3A_1275 = arith.index_cast %swap3A_1274 : i32 to index
    %swap3A_1276 = arith.constant 64 : index
    %swap3A_1277 = tpu.vector_load %arg14[%swap3A_1275, %swap3A_1276] {strides = array<i32>} : memref<4x128xi32, #tpu.memory_space<vmem>>, vector<16xi32>,
    tpu.vector_store %arg14[%swap3A_1275, %swap3A_1276], %get3A_1265 {strides = array<i32>} : memref<4x128xi32, #tpu.memory_space<vmem>>, vector<16xi32>,
    %swap3A_1278 = arith.constant 3 : i32
    %swap3A_1279 = arith.index_cast %swap3A_1278 : i32 to index
    %swap3A_1280 = arith.constant 64 : index
    %swap3A_1281 = tpu.vector_load %arg15[%swap3A_1279, %swap3A_1280] {strides = array<i32>} : memref<4x128xi32, #tpu.memory_space<vmem>>, vector<16xi32>,
    tpu.vector_store %arg15[%swap3A_1279, %swap3A_1280], %get3A_1269 {strides = array<i32>} : memref<4x128xi32, #tpu.memory_space<vmem>>, vector<16xi32>,
    %shift_right_arithmetic3A_1282 = arith.constant 6 : i32
    %shift_right_arithmetic3A_1283 = vector.broadcast %shift_right_arithmetic3A_1282 : i32 to vector<16xi32>
    %shift_right_arithmetic3A_1284 = arith.shrsi %get3A_1261, %shift_right_arithmetic3A_1283 : vector<16xi32>
    %swap3A_1285 = arith.constant 3 : i32
    %swap3A_1286 = arith.index_cast %swap3A_1285 : i32 to index
    %swap3A_1287 = arith.constant 64 : index
    %swap3A_1288 = tpu.vector_load %arg16[%swap3A_1286, %swap3A_1287] {strides = array<i32>} : memref<4x128xi32, #tpu.memory_space<vmem>>, vector<16xi32>,
    tpu.vector_store %arg16[%swap3A_1286, %swap3A_1287], %shift_right_arithmetic3A_1284 {strides = array<i32>} : memref<4x128xi32, #tpu.memory_space<vmem>>, vector<16xi32>,
    %shift_right_arithmetic3A_1289 = arith.constant 6 : i32
    %shift_right_arithmetic3A_1290 = vector.broadcast %shift_right_arithmetic3A_1289 : i32 to vector<16xi32>
    %shift_right_arithmetic3A_1291 = arith.shrsi %get3A_1265, %shift_right_arithmetic3A_1290 : vector<16xi32>
    %swap3A_1292 = arith.constant 3 : i32
    %swap3A_1293 = arith.index_cast %swap3A_1292 : i32 to index
    %swap3A_1294 = arith.constant 64 : index
    %swap3A_1295 = tpu.vector_load %arg17[%swap3A_1293, %swap3A_1294] {strides = array<i32>} : memref<4x128xi32, #tpu.memory_space<vmem>>, vector<16xi32>,
    tpu.vector_store %arg17[%swap3A_1293, %swap3A_1294], %shift_right_arithmetic3A_1291 {strides = array<i32>} : memref<4x128xi32, #tpu.memory_space<vmem>>, vector<16xi32>,
    %shift_right_arithmetic3A_1296 = arith.constant 6 : i32
    %shift_right_arithmetic3A_1297 = vector.broadcast %shift_right_arithmetic3A_1296 : i32 to vector<16xi32>
    %shift_right_arithmetic3A_1298 = arith.shrsi %get3A_1269, %shift_right_arithmetic3A_1297 : vector<16xi32>
    %swap3A_1299 = arith.constant 3 : i32
    %swap3A_1300 = arith.index_cast %swap3A_1299 : i32 to index
    %swap3A_1301 = arith.constant 64 : index
    %swap3A_1302 = tpu.vector_load %arg18[%swap3A_1300, %swap3A_1301] {strides = array<i32>} : memref<4x128xi32, #tpu.memory_space<vmem>>, vector<16xi32>,
    tpu.vector_store %arg18[%swap3A_1300, %swap3A_1301], %shift_right_arithmetic3A_1298 {strides = array<i32>} : memref<4x128xi32, #tpu.memory_space<vmem>>, vector<16xi32>,
    %get3A_1303 = arith.constant 3 : i32
    %get3A_1304 = arith.index_cast %get3A_1303 : i32 to index
    %get3A_1305 = arith.constant 80 : index
    %get3A_1306 = tpu.vector_load %arg10[%get3A_1304, %get3A_1305] {strides = array<i32>} : memref<4x128xi32, #tpu.memory_space<vmem>>, vector<16xi32>,
    %get3A_1307 = arith.constant 3 : i32
    %get3A_1308 = arith.index_cast %get3A_1307 : i32 to index
    %get3A_1309 = arith.constant 80 : index
    %get3A_1310 = tpu.vector_load %arg11[%get3A_1308, %get3A_1309] {strides = array<i32>} : memref<4x128xi32, #tpu.memory_space<vmem>>, vector<16xi32>,
    %get3A_1311 = arith.constant 3 : i32
    %get3A_1312 = arith.index_cast %get3A_1311 : i32 to index
    %get3A_1313 = arith.constant 80 : index
    %get3A_1314 = tpu.vector_load %arg12[%get3A_1312, %get3A_1313] {strides = array<i32>} : memref<4x128xi32, #tpu.memory_space<vmem>>, vector<16xi32>,
    %swap3A_1315 = arith.constant 3 : i32
    %swap3A_1316 = arith.index_cast %swap3A_1315 : i32 to index
    %swap3A_1317 = arith.constant 80 : index
    %swap3A_1318 = tpu.vector_load %arg13[%swap3A_1316, %swap3A_1317] {strides = array<i32>} : memref<4x128xi32, #tpu.memory_space<vmem>>, vector<16xi32>,
    tpu.vector_store %arg13[%swap3A_1316, %swap3A_1317], %get3A_1306 {strides = array<i32>} : memref<4x128xi32, #tpu.memory_space<vmem>>, vector<16xi32>,
    %swap3A_1319 = arith.constant 3 : i32
    %swap3A_1320 = arith.index_cast %swap3A_1319 : i32 to index
    %swap3A_1321 = arith.constant 80 : index
    %swap3A_1322 = tpu.vector_load %arg14[%swap3A_1320, %swap3A_1321] {strides = array<i32>} : memref<4x128xi32, #tpu.memory_space<vmem>>, vector<16xi32>,
    tpu.vector_store %arg14[%swap3A_1320, %swap3A_1321], %get3A_1310 {strides = array<i32>} : memref<4x128xi32, #tpu.memory_space<vmem>>, vector<16xi32>,
    %swap3A_1323 = arith.constant 3 : i32
    %swap3A_1324 = arith.index_cast %swap3A_1323 : i32 to index
    %swap3A_1325 = arith.constant 80 : index
    %swap3A_1326 = tpu.vector_load %arg15[%swap3A_1324, %swap3A_1325] {strides = array<i32>} : memref<4x128xi32, #tpu.memory_space<vmem>>, vector<16xi32>,
    tpu.vector_store %arg15[%swap3A_1324, %swap3A_1325], %get3A_1314 {strides = array<i32>} : memref<4x128xi32, #tpu.memory_space<vmem>>, vector<16xi32>,
    %shift_right_arithmetic3A_1327 = arith.constant 6 : i32
    %shift_right_arithmetic3A_1328 = vector.broadcast %shift_right_arithmetic3A_1327 : i32 to vector<16xi32>
    %shift_right_arithmetic3A_1329 = arith.shrsi %get3A_1306, %shift_right_arithmetic3A_1328 : vector<16xi32>
    %swap3A_1330 = arith.constant 3 : i32
    %swap3A_1331 = arith.index_cast %swap3A_1330 : i32 to index
    %swap3A_1332 = arith.constant 80 : index
    %swap3A_1333 = tpu.vector_load %arg16[%swap3A_1331, %swap3A_1332] {strides = array<i32>} : memref<4x128xi32, #tpu.memory_space<vmem>>, vector<16xi32>,
    tpu.vector_store %arg16[%swap3A_1331, %swap3A_1332], %shift_right_arithmetic3A_1329 {strides = array<i32>} : memref<4x128xi32, #tpu.memory_space<vmem>>, vector<16xi32>,
    %shift_right_arithmetic3A_1334 = arith.constant 6 : i32
    %shift_right_arithmetic3A_1335 = vector.broadcast %shift_right_arithmetic3A_1334 : i32 to vector<16xi32>
    %shift_right_arithmetic3A_1336 = arith.shrsi %get3A_1310, %shift_right_arithmetic3A_1335 : vector<16xi32>
    %swap3A_1337 = arith.constant 3 : i32
    %swap3A_1338 = arith.index_cast %swap3A_1337 : i32 to index
    %swap3A_1339 = arith.constant 80 : index
    %swap3A_1340 = tpu.vector_load %arg17[%swap3A_1338, %swap3A_1339] {strides = array<i32>} : memref<4x128xi32, #tpu.memory_space<vmem>>, vector<16xi32>,
    tpu.vector_store %arg17[%swap3A_1338, %swap3A_1339], %shift_right_arithmetic3A_1336 {strides = array<i32>} : memref<4x128xi32, #tpu.memory_space<vmem>>, vector<16xi32>,
    %shift_right_arithmetic3A_1341 = arith.constant 6 : i32
    %shift_right_arithmetic3A_1342 = vector.broadcast %shift_right_arithmetic3A_1341 : i32 to vector<16xi32>
    %shift_right_arithmetic3A_1343 = arith.shrsi %get3A_1314, %shift_right_arithmetic3A_1342 : vector<16xi32>
    %swap3A_1344 = arith.constant 3 : i32
    %swap3A_1345 = arith.index_cast %swap3A_1344 : i32 to index
    %swap3A_1346 = arith.constant 80 : index
    %swap3A_1347 = tpu.vector_load %arg18[%swap3A_1345, %swap3A_1346] {strides = array<i32>} : memref<4x128xi32, #tpu.memory_space<vmem>>, vector<16xi32>,
    tpu.vector_store %arg18[%swap3A_1345, %swap3A_1346], %shift_right_arithmetic3A_1343 {strides = array<i32>} : memref<4x128xi32, #tpu.memory_space<vmem>>, vector<16xi32>,
    %get3A_1348 = arith.constant 3 : i32
    %get3A_1349 = arith.index_cast %get3A_1348 : i32 to index
    %get3A_1350 = arith.constant 96 : index
    %get3A_1351 = tpu.vector_load %arg10[%get3A_1349, %get3A_1350] {strides = array<i32>} : memref<4x128xi32, #tpu.memory_space<vmem>>, vector<16xi32>,
    %get3A_1352 = arith.constant 3 : i32
    %get3A_1353 = arith.index_cast %get3A_1352 : i32 to index
    %get3A_1354 = arith.constant 96 : index
    %get3A_1355 = tpu.vector_load %arg11[%get3A_1353, %get3A_1354] {strides = array<i32>} : memref<4x128xi32, #tpu.memory_space<vmem>>, vector<16xi32>,
    %get3A_1356 = arith.constant 3 : i32
    %get3A_1357 = arith.index_cast %get3A_1356 : i32 to index
    %get3A_1358 = arith.constant 96 : index
    %get3A_1359 = tpu.vector_load %arg12[%get3A_1357, %get3A_1358] {strides = array<i32>} : memref<4x128xi32, #tpu.memory_space<vmem>>, vector<16xi32>,
    %swap3A_1360 = arith.constant 3 : i32
    %swap3A_1361 = arith.index_cast %swap3A_1360 : i32 to index
    %swap3A_1362 = arith.constant 96 : index
    %swap3A_1363 = tpu.vector_load %arg13[%swap3A_1361, %swap3A_1362] {strides = array<i32>} : memref<4x128xi32, #tpu.memory_space<vmem>>, vector<16xi32>,
    tpu.vector_store %arg13[%swap3A_1361, %swap3A_1362], %get3A_1351 {strides = array<i32>} : memref<4x128xi32, #tpu.memory_space<vmem>>, vector<16xi32>,
    %swap3A_1364 = arith.constant 3 : i32
    %swap3A_1365 = arith.index_cast %swap3A_1364 : i32 to index
    %swap3A_1366 = arith.constant 96 : index
    %swap3A_1367 = tpu.vector_load %arg14[%swap3A_1365, %swap3A_1366] {strides = array<i32>} : memref<4x128xi32, #tpu.memory_space<vmem>>, vector<16xi32>,
    tpu.vector_store %arg14[%swap3A_1365, %swap3A_1366], %get3A_1355 {strides = array<i32>} : memref<4x128xi32, #tpu.memory_space<vmem>>, vector<16xi32>,
    %swap3A_1368 = arith.constant 3 : i32
    %swap3A_1369 = arith.index_cast %swap3A_1368 : i32 to index
    %swap3A_1370 = arith.constant 96 : index
    %swap3A_1371 = tpu.vector_load %arg15[%swap3A_1369, %swap3A_1370] {strides = array<i32>} : memref<4x128xi32, #tpu.memory_space<vmem>>, vector<16xi32>,
    tpu.vector_store %arg15[%swap3A_1369, %swap3A_1370], %get3A_1359 {strides = array<i32>} : memref<4x128xi32, #tpu.memory_space<vmem>>, vector<16xi32>,
    %shift_right_arithmetic3A_1372 = arith.constant 6 : i32
    %shift_right_arithmetic3A_1373 = vector.broadcast %shift_right_arithmetic3A_1372 : i32 to vector<16xi32>
    %shift_right_arithmetic3A_1374 = arith.shrsi %get3A_1351, %shift_right_arithmetic3A_1373 : vector<16xi32>
    %swap3A_1375 = arith.constant 3 : i32
    %swap3A_1376 = arith.index_cast %swap3A_1375 : i32 to index
    %swap3A_1377 = arith.constant 96 : index
    %swap3A_1378 = tpu.vector_load %arg16[%swap3A_1376, %swap3A_1377] {strides = array<i32>} : memref<4x128xi32, #tpu.memory_space<vmem>>, vector<16xi32>,
    tpu.vector_store %arg16[%swap3A_1376, %swap3A_1377], %shift_right_arithmetic3A_1374 {strides = array<i32>} : memref<4x128xi32, #tpu.memory_space<vmem>>, vector<16xi32>,
    %shift_right_arithmetic3A_1379 = arith.constant 6 : i32
    %shift_right_arithmetic3A_1380 = vector.broadcast %shift_right_arithmetic3A_1379 : i32 to vector<16xi32>
    %shift_right_arithmetic3A_1381 = arith.shrsi %get3A_1355, %shift_right_arithmetic3A_1380 : vector<16xi32>
    %swap3A_1382 = arith.constant 3 : i32
    %swap3A_1383 = arith.index_cast %swap3A_1382 : i32 to index
    %swap3A_1384 = arith.constant 96 : index
    %swap3A_1385 = tpu.vector_load %arg17[%swap3A_1383, %swap3A_1384] {strides = array<i32>} : memref<4x128xi32, #tpu.memory_space<vmem>>, vector<16xi32>,
    tpu.vector_store %arg17[%swap3A_1383, %swap3A_1384], %shift_right_arithmetic3A_1381 {strides = array<i32>} : memref<4x128xi32, #tpu.memory_space<vmem>>, vector<16xi32>,
    %shift_right_arithmetic3A_1386 = arith.constant 6 : i32
    %shift_right_arithmetic3A_1387 = vector.broadcast %shift_right_arithmetic3A_1386 : i32 to vector<16xi32>
    %shift_right_arithmetic3A_1388 = arith.shrsi %get3A_1359, %shift_right_arithmetic3A_1387 : vector<16xi32>
    %swap3A_1389 = arith.constant 3 : i32
    %swap3A_1390 = arith.index_cast %swap3A_1389 : i32 to index
    %swap3A_1391 = arith.constant 96 : index
    %swap3A_1392 = tpu.vector_load %arg18[%swap3A_1390, %swap3A_1391] {strides = array<i32>} : memref<4x128xi32, #tpu.memory_space<vmem>>, vector<16xi32>,
    tpu.vector_store %arg18[%swap3A_1390, %swap3A_1391], %shift_right_arithmetic3A_1388 {strides = array<i32>} : memref<4x128xi32, #tpu.memory_space<vmem>>, vector<16xi32>,
    %get3A_1393 = arith.constant 3 : i32
    %get3A_1394 = arith.index_cast %get3A_1393 : i32 to index
    %get3A_1395 = arith.constant 112 : index
    %get3A_1396 = tpu.vector_load %arg10[%get3A_1394, %get3A_1395] {strides = array<i32>} : memref<4x128xi32, #tpu.memory_space<vmem>>, vector<16xi32>,
    %get3A_1397 = arith.constant 3 : i32
    %get3A_1398 = arith.index_cast %get3A_1397 : i32 to index
    %get3A_1399 = arith.constant 112 : index
    %get3A_1400 = tpu.vector_load %arg11[%get3A_1398, %get3A_1399] {strides = array<i32>} : memref<4x128xi32, #tpu.memory_space<vmem>>, vector<16xi32>,
    %get3A_1401 = arith.constant 3 : i32
    %get3A_1402 = arith.index_cast %get3A_1401 : i32 to index
    %get3A_1403 = arith.constant 112 : index
    %get3A_1404 = tpu.vector_load %arg12[%get3A_1402, %get3A_1403] {strides = array<i32>} : memref<4x128xi32, #tpu.memory_space<vmem>>, vector<16xi32>,
    %swap3A_1405 = arith.constant 3 : i32
    %swap3A_1406 = arith.index_cast %swap3A_1405 : i32 to index
    %swap3A_1407 = arith.constant 112 : index
    %swap3A_1408 = tpu.vector_load %arg13[%swap3A_1406, %swap3A_1407] {strides = array<i32>} : memref<4x128xi32, #tpu.memory_space<vmem>>, vector<16xi32>,
    tpu.vector_store %arg13[%swap3A_1406, %swap3A_1407], %get3A_1396 {strides = array<i32>} : memref<4x128xi32, #tpu.memory_space<vmem>>, vector<16xi32>,
    %swap3A_1409 = arith.constant 3 : i32
    %swap3A_1410 = arith.index_cast %swap3A_1409 : i32 to index
    %swap3A_1411 = arith.constant 112 : index
    %swap3A_1412 = tpu.vector_load %arg14[%swap3A_1410, %swap3A_1411] {strides = array<i32>} : memref<4x128xi32, #tpu.memory_space<vmem>>, vector<16xi32>,
    tpu.vector_store %arg14[%swap3A_1410, %swap3A_1411], %get3A_1400 {strides = array<i32>} : memref<4x128xi32, #tpu.memory_space<vmem>>, vector<16xi32>,
    %swap3A_1413 = arith.constant 3 : i32
    %swap3A_1414 = arith.index_cast %swap3A_1413 : i32 to index
    %swap3A_1415 = arith.constant 112 : index
    %swap3A_1416 = tpu.vector_load %arg15[%swap3A_1414, %swap3A_1415] {strides = array<i32>} : memref<4x128xi32, #tpu.memory_space<vmem>>, vector<16xi32>,
    tpu.vector_store %arg15[%swap3A_1414, %swap3A_1415], %get3A_1404 {strides = array<i32>} : memref<4x128xi32, #tpu.memory_space<vmem>>, vector<16xi32>,
    %shift_right_arithmetic3A_1417 = arith.constant 6 : i32
    %shift_right_arithmetic3A_1418 = vector.broadcast %shift_right_arithmetic3A_1417 : i32 to vector<16xi32>
    %shift_right_arithmetic3A_1419 = arith.shrsi %get3A_1396, %shift_right_arithmetic3A_1418 : vector<16xi32>
    %swap3A_1420 = arith.constant 3 : i32
    %swap3A_1421 = arith.index_cast %swap3A_1420 : i32 to index
    %swap3A_1422 = arith.constant 112 : index
    %swap3A_1423 = tpu.vector_load %arg16[%swap3A_1421, %swap3A_1422] {strides = array<i32>} : memref<4x128xi32, #tpu.memory_space<vmem>>, vector<16xi32>,
    tpu.vector_store %arg16[%swap3A_1421, %swap3A_1422], %shift_right_arithmetic3A_1419 {strides = array<i32>} : memref<4x128xi32, #tpu.memory_space<vmem>>, vector<16xi32>,
    %shift_right_arithmetic3A_1424 = arith.constant 6 : i32
    %shift_right_arithmetic3A_1425 = vector.broadcast %shift_right_arithmetic3A_1424 : i32 to vector<16xi32>
    %shift_right_arithmetic3A_1426 = arith.shrsi %get3A_1400, %shift_right_arithmetic3A_1425 : vector<16xi32>
    %swap3A_1427 = arith.constant 3 : i32
    %swap3A_1428 = arith.index_cast %swap3A_1427 : i32 to index
    %swap3A_1429 = arith.constant 112 : index
    %swap3A_1430 = tpu.vector_load %arg17[%swap3A_1428, %swap3A_1429] {strides = array<i32>} : memref<4x128xi32, #tpu.memory_space<vmem>>, vector<16xi32>,
    tpu.vector_store %arg17[%swap3A_1428, %swap3A_1429], %shift_right_arithmetic3A_1426 {strides = array<i32>} : memref<4x128xi32, #tpu.memory_space<vmem>>, vector<16xi32>,
    %shift_right_arithmetic3A_1431 = arith.constant 6 : i32
    %shift_right_arithmetic3A_1432 = vector.broadcast %shift_right_arithmetic3A_1431 : i32 to vector<16xi32>
    %shift_right_arithmetic3A_1433 = arith.shrsi %get3A_1404, %shift_right_arithmetic3A_1432 : vector<16xi32>
    %swap3A_1434 = arith.constant 3 : i32
    %swap3A_1435 = arith.index_cast %swap3A_1434 : i32 to index
    %swap3A_1436 = arith.constant 112 : index
    %swap3A_1437 = tpu.vector_load %arg18[%swap3A_1435, %swap3A_1436] {strides = array<i32>} : memref<4x128xi32, #tpu.memory_space<vmem>>, vector<16xi32>,
    tpu.vector_store %arg18[%swap3A_1435, %swap3A_1436], %shift_right_arithmetic3A_1433 {strides = array<i32>} : memref<4x128xi32, #tpu.memory_space<vmem>>, vector<16xi32>,
    %iota3A = tpu.iota {dimensions = array<i32: 0>} : vector<16xi32>
    %broadcast_in_dim3A = arith.constant 0.000000e+00 : f32
    %broadcast_in_dim3A_1438 = vector.broadcast %broadcast_in_dim3A : f32 to vector<16xf32>
    %broadcast_in_dim3A_1439 = arith.constant 1 : i32
    %broadcast_in_dim3A_1440 = vector.broadcast %broadcast_in_dim3A_1439 : i32 to vector<16xi32>
    %broadcast_in_dim3A_1441 = arith.constant 63 : i32
    %broadcast_in_dim3A_1442 = vector.broadcast %broadcast_in_dim3A_1441 : i32 to vector<16xi32>
    %dma_start3A = arith.constant 0 : i32
    %dma_start3A_1443 = arith.constant 0 : i32
    %dma_start3A_1444 = tpu.memref_slice %arg13[%dma_start3A, %dma_start3A_1443] : memref<4x128xi32, #tpu.memory_space<vmem>> -> memref<1x128xi32, #tpu.memory_space<vmem>>
    %dma_start3A_1445 = tpu.memref_squeeze %dma_start3A_1444 : memref<1x128xi32, #tpu.memory_space<vmem>> -> memref<128xi32, #tpu.memory_space<vmem>>
    %dma_start3A_1446 = arith.constant 0 : i32
    %dma_start3A_1447 = arith.constant 0 : i32
    %dma_start3A_1448 = tpu.memref_slice %arg5[%dma_start3A_1446, %dma_start3A_1447] : memref<1000000x64xf32, #tpu.memory_space<hbm>> -> memref<1000000x64xf32, #tpu.memory_space<hbm>>
    tpu.enqueue_indirect_dma source(%dma_start3A_1448 : memref<1000000x64xf32, #tpu.memory_space<hbm>>) target(%arg19 : memref<128x64xf32, #tpu.memory_space<vmem>>) offsets(%dma_start3A_1445 : memref<128xi32, #tpu.memory_space<vmem>>) semaphore(%arg26 : memref<!tpu.dma_semaphore, #tpu.memory_space<semaphore_mem>>)
    %dma_start3A_1449 = arith.constant 0 : i32
    %dma_start3A_1450 = arith.constant 0 : i32
    %dma_start3A_1451 = tpu.memref_slice %arg14[%dma_start3A_1449, %dma_start3A_1450] : memref<4x128xi32, #tpu.memory_space<vmem>> -> memref<1x128xi32, #tpu.memory_space<vmem>>
    %dma_start3A_1452 = tpu.memref_squeeze %dma_start3A_1451 : memref<1x128xi32, #tpu.memory_space<vmem>> -> memref<128xi32, #tpu.memory_space<vmem>>
    %dma_start3A_1453 = arith.constant 0 : i32
    %dma_start3A_1454 = arith.constant 0 : i32
    %dma_start3A_1455 = tpu.memref_slice %arg7[%dma_start3A_1453, %dma_start3A_1454] : memref<1000000x64xf32, #tpu.memory_space<hbm>> -> memref<1000000x64xf32, #tpu.memory_space<hbm>>
    tpu.enqueue_indirect_dma source(%dma_start3A_1455 : memref<1000000x64xf32, #tpu.memory_space<hbm>>) target(%arg20 : memref<128x64xf32, #tpu.memory_space<vmem>>) offsets(%dma_start3A_1452 : memref<128xi32, #tpu.memory_space<vmem>>) semaphore(%arg26 : memref<!tpu.dma_semaphore, #tpu.memory_space<semaphore_mem>>)
    %dma_start3A_1456 = arith.constant 0 : i32
    %dma_start3A_1457 = arith.constant 0 : i32
    %dma_start3A_1458 = tpu.memref_slice %arg15[%dma_start3A_1456, %dma_start3A_1457] : memref<4x128xi32, #tpu.memory_space<vmem>> -> memref<1x128xi32, #tpu.memory_space<vmem>>
    %dma_start3A_1459 = tpu.memref_squeeze %dma_start3A_1458 : memref<1x128xi32, #tpu.memory_space<vmem>> -> memref<128xi32, #tpu.memory_space<vmem>>
    %dma_start3A_1460 = arith.constant 0 : i32
    %dma_start3A_1461 = arith.constant 0 : i32
    %dma_start3A_1462 = tpu.memref_slice %arg7[%dma_start3A_1460, %dma_start3A_1461] : memref<1000000x64xf32, #tpu.memory_space<hbm>> -> memref<1000000x64xf32, #tpu.memory_space<hbm>>
    tpu.enqueue_indirect_dma source(%dma_start3A_1462 : memref<1000000x64xf32, #tpu.memory_space<hbm>>) target(%arg21 : memref<128x64xf32, #tpu.memory_space<vmem>>) offsets(%dma_start3A_1459 : memref<128xi32, #tpu.memory_space<vmem>>) semaphore(%arg26 : memref<!tpu.dma_semaphore, #tpu.memory_space<semaphore_mem>>)
    %dma_start3A_1463 = arith.constant 0 : i32
    %dma_start3A_1464 = arith.constant 0 : i32
    %dma_start3A_1465 = tpu.memref_slice %arg16[%dma_start3A_1463, %dma_start3A_1464] : memref<4x128xi32, #tpu.memory_space<vmem>> -> memref<1x128xi32, #tpu.memory_space<vmem>>
    %dma_start3A_1466 = tpu.memref_squeeze %dma_start3A_1465 : memref<1x128xi32, #tpu.memory_space<vmem>> -> memref<128xi32, #tpu.memory_space<vmem>>
    %dma_start3A_1467 = arith.constant 0 : i32
    %dma_start3A_1468 = arith.constant 0 : i32
    %dma_start3A_1469 = tpu.memref_slice %arg6[%dma_start3A_1467, %dma_start3A_1468] : memref<15625x64xf32, #tpu.memory_space<hbm>> -> memref<15625x64xf32, #tpu.memory_space<hbm>>
    tpu.enqueue_indirect_dma source(%dma_start3A_1469 : memref<15625x64xf32, #tpu.memory_space<hbm>>) target(%arg22 : memref<128x64xf32, #tpu.memory_space<vmem>>) offsets(%dma_start3A_1466 : memref<128xi32, #tpu.memory_space<vmem>>) semaphore(%arg26 : memref<!tpu.dma_semaphore, #tpu.memory_space<semaphore_mem>>)
    %dma_start3A_1470 = arith.constant 0 : i32
    %dma_start3A_1471 = arith.constant 0 : i32
    %dma_start3A_1472 = tpu.memref_slice %arg17[%dma_start3A_1470, %dma_start3A_1471] : memref<4x128xi32, #tpu.memory_space<vmem>> -> memref<1x128xi32, #tpu.memory_space<vmem>>
    %dma_start3A_1473 = tpu.memref_squeeze %dma_start3A_1472 : memref<1x128xi32, #tpu.memory_space<vmem>> -> memref<128xi32, #tpu.memory_space<vmem>>
    %dma_start3A_1474 = arith.constant 0 : i32
    %dma_start3A_1475 = arith.constant 0 : i32
    %dma_start3A_1476 = tpu.memref_slice %arg8[%dma_start3A_1474, %dma_start3A_1475] : memref<15625x64xf32, #tpu.memory_space<hbm>> -> memref<15625x64xf32, #tpu.memory_space<hbm>>
    tpu.enqueue_indirect_dma source(%dma_start3A_1476 : memref<15625x64xf32, #tpu.memory_space<hbm>>) target(%arg23 : memref<128x64xf32, #tpu.memory_space<vmem>>) offsets(%dma_start3A_1473 : memref<128xi32, #tpu.memory_space<vmem>>) semaphore(%arg26 : memref<!tpu.dma_semaphore, #tpu.memory_space<semaphore_mem>>)
    %dma_start3A_1477 = arith.constant 0 : i32
    %dma_start3A_1478 = arith.constant 0 : i32
    %dma_start3A_1479 = tpu.memref_slice %arg18[%dma_start3A_1477, %dma_start3A_1478] : memref<4x128xi32, #tpu.memory_space<vmem>> -> memref<1x128xi32, #tpu.memory_space<vmem>>
    %dma_start3A_1480 = tpu.memref_squeeze %dma_start3A_1479 : memref<1x128xi32, #tpu.memory_space<vmem>> -> memref<128xi32, #tpu.memory_space<vmem>>
    %dma_start3A_1481 = arith.constant 0 : i32
    %dma_start3A_1482 = arith.constant 0 : i32
    %dma_start3A_1483 = tpu.memref_slice %arg8[%dma_start3A_1481, %dma_start3A_1482] : memref<15625x64xf32, #tpu.memory_space<hbm>> -> memref<15625x64xf32, #tpu.memory_space<hbm>>
    tpu.enqueue_indirect_dma source(%dma_start3A_1483 : memref<15625x64xf32, #tpu.memory_space<hbm>>) target(%arg24 : memref<128x64xf32, #tpu.memory_space<vmem>>) offsets(%dma_start3A_1480 : memref<128xi32, #tpu.memory_space<vmem>>) semaphore(%arg26 : memref<!tpu.dma_semaphore, #tpu.memory_space<semaphore_mem>>)
    %dma_wait3A = arith.constant 0 : i32
    %dma_wait3A_1484 = arith.constant 0 : i32
    %dma_wait3A_1485 = tpu.memref_slice %arg13[%dma_wait3A, %dma_wait3A_1484] : memref<4x128xi32, #tpu.memory_space<vmem>> -> memref<1x128xi32, #tpu.memory_space<vmem>>
    %dma_wait3A_1486 = tpu.memref_squeeze %dma_wait3A_1485 : memref<1x128xi32, #tpu.memory_space<vmem>> -> memref<128xi32, #tpu.memory_space<vmem>>
    %dma_wait3A_1487 = arith.constant 0 : i32
    %dma_wait3A_1488 = arith.constant 0 : i32
    %dma_wait3A_1489 = tpu.memref_slice %arg5[%dma_wait3A_1487, %dma_wait3A_1488] : memref<1000000x64xf32, #tpu.memory_space<hbm>> -> memref<1000000x64xf32, #tpu.memory_space<hbm>>
    tpu.wait_indirect_dma semaphore(%arg26 : memref<!tpu.dma_semaphore, #tpu.memory_space<semaphore_mem>>) src(%dma_wait3A_1489 : memref<1000000x64xf32, #tpu.memory_space<hbm>>) dst(%arg19 : memref<128x64xf32, #tpu.memory_space<vmem>>)
    %dma_wait3A_1490 = arith.constant 0 : i32
    %dma_wait3A_1491 = arith.constant 0 : i32
    %dma_wait3A_1492 = tpu.memref_slice %arg14[%dma_wait3A_1490, %dma_wait3A_1491] : memref<4x128xi32, #tpu.memory_space<vmem>> -> memref<1x128xi32, #tpu.memory_space<vmem>>
    %dma_wait3A_1493 = tpu.memref_squeeze %dma_wait3A_1492 : memref<1x128xi32, #tpu.memory_space<vmem>> -> memref<128xi32, #tpu.memory_space<vmem>>
    %dma_wait3A_1494 = arith.constant 0 : i32
    %dma_wait3A_1495 = arith.constant 0 : i32
    %dma_wait3A_1496 = tpu.memref_slice %arg7[%dma_wait3A_1494, %dma_wait3A_1495] : memref<1000000x64xf32, #tpu.memory_space<hbm>> -> memref<1000000x64xf32, #tpu.memory_space<hbm>>
    tpu.wait_indirect_dma semaphore(%arg26 : memref<!tpu.dma_semaphore, #tpu.memory_space<semaphore_mem>>) src(%dma_wait3A_1496 : memref<1000000x64xf32, #tpu.memory_space<hbm>>) dst(%arg20 : memref<128x64xf32, #tpu.memory_space<vmem>>)
    %dma_wait3A_1497 = arith.constant 0 : i32
    %dma_wait3A_1498 = arith.constant 0 : i32
    %dma_wait3A_1499 = tpu.memref_slice %arg15[%dma_wait3A_1497, %dma_wait3A_1498] : memref<4x128xi32, #tpu.memory_space<vmem>> -> memref<1x128xi32, #tpu.memory_space<vmem>>
    %dma_wait3A_1500 = tpu.memref_squeeze %dma_wait3A_1499 : memref<1x128xi32, #tpu.memory_space<vmem>> -> memref<128xi32, #tpu.memory_space<vmem>>
    %dma_wait3A_1501 = arith.constant 0 : i32
    %dma_wait3A_1502 = arith.constant 0 : i32
    %dma_wait3A_1503 = tpu.memref_slice %arg7[%dma_wait3A_1501, %dma_wait3A_1502] : memref<1000000x64xf32, #tpu.memory_space<hbm>> -> memref<1000000x64xf32, #tpu.memory_space<hbm>>
    tpu.wait_indirect_dma semaphore(%arg26 : memref<!tpu.dma_semaphore, #tpu.memory_space<semaphore_mem>>) src(%dma_wait3A_1503 : memref<1000000x64xf32, #tpu.memory_space<hbm>>) dst(%arg21 : memref<128x64xf32, #tpu.memory_space<vmem>>)
    %dma_wait3A_1504 = arith.constant 0 : i32
    %dma_wait3A_1505 = arith.constant 0 : i32
    %dma_wait3A_1506 = tpu.memref_slice %arg16[%dma_wait3A_1504, %dma_wait3A_1505] : memref<4x128xi32, #tpu.memory_space<vmem>> -> memref<1x128xi32, #tpu.memory_space<vmem>>
    %dma_wait3A_1507 = tpu.memref_squeeze %dma_wait3A_1506 : memref<1x128xi32, #tpu.memory_space<vmem>> -> memref<128xi32, #tpu.memory_space<vmem>>
    %dma_wait3A_1508 = arith.constant 0 : i32
    %dma_wait3A_1509 = arith.constant 0 : i32
    %dma_wait3A_1510 = tpu.memref_slice %arg6[%dma_wait3A_1508, %dma_wait3A_1509] : memref<15625x64xf32, #tpu.memory_space<hbm>> -> memref<15625x64xf32, #tpu.memory_space<hbm>>
    tpu.wait_indirect_dma semaphore(%arg26 : memref<!tpu.dma_semaphore, #tpu.memory_space<semaphore_mem>>) src(%dma_wait3A_1510 : memref<15625x64xf32, #tpu.memory_space<hbm>>) dst(%arg22 : memref<128x64xf32, #tpu.memory_space<vmem>>)
    %dma_wait3A_1511 = arith.constant 0 : i32
    %dma_wait3A_1512 = arith.constant 0 : i32
    %dma_wait3A_1513 = tpu.memref_slice %arg17[%dma_wait3A_1511, %dma_wait3A_1512] : memref<4x128xi32, #tpu.memory_space<vmem>> -> memref<1x128xi32, #tpu.memory_space<vmem>>
    %dma_wait3A_1514 = tpu.memref_squeeze %dma_wait3A_1513 : memref<1x128xi32, #tpu.memory_space<vmem>> -> memref<128xi32, #tpu.memory_space<vmem>>
    %dma_wait3A_1515 = arith.constant 0 : i32
    %dma_wait3A_1516 = arith.constant 0 : i32
    %dma_wait3A_1517 = tpu.memref_slice %arg8[%dma_wait3A_1515, %dma_wait3A_1516] : memref<15625x64xf32, #tpu.memory_space<hbm>> -> memref<15625x64xf32, #tpu.memory_space<hbm>>
    tpu.wait_indirect_dma semaphore(%arg26 : memref<!tpu.dma_semaphore, #tpu.memory_space<semaphore_mem>>) src(%dma_wait3A_1517 : memref<15625x64xf32, #tpu.memory_space<hbm>>) dst(%arg23 : memref<128x64xf32, #tpu.memory_space<vmem>>)
    %dma_wait3A_1518 = arith.constant 0 : i32
    %dma_wait3A_1519 = arith.constant 0 : i32
    %dma_wait3A_1520 = tpu.memref_slice %arg18[%dma_wait3A_1518, %dma_wait3A_1519] : memref<4x128xi32, #tpu.memory_space<vmem>> -> memref<1x128xi32, #tpu.memory_space<vmem>>
    %dma_wait3A_1521 = tpu.memref_squeeze %dma_wait3A_1520 : memref<1x128xi32, #tpu.memory_space<vmem>> -> memref<128xi32, #tpu.memory_space<vmem>>
    %dma_wait3A_1522 = arith.constant 0 : i32
    %dma_wait3A_1523 = arith.constant 0 : i32
    %dma_wait3A_1524 = tpu.memref_slice %arg8[%dma_wait3A_1522, %dma_wait3A_1523] : memref<15625x64xf32, #tpu.memory_space<hbm>> -> memref<15625x64xf32, #tpu.memory_space<hbm>>
    tpu.wait_indirect_dma semaphore(%arg26 : memref<!tpu.dma_semaphore, #tpu.memory_space<semaphore_mem>>) src(%dma_wait3A_1524 : memref<15625x64xf32, #tpu.memory_space<hbm>>) dst(%arg24 : memref<128x64xf32, #tpu.memory_space<vmem>>)
    %scan3A = arith.constant 0 : i32
    %scan3A_1525 = arith.constant 8 : i32
    %scan3A_1526 = arith.addi %scan3A, %scan3A_1525 : i32
    %scan3A_1527 = arith.constant 1 : i32
    %scan3A_1528:2 = scf.for %scan3A_1818 = %scan3A to %scan3A_1526 step %scan3A_1527 iter_args(%scan3A_1819 = %broadcast_in_dim3A_1438, %scan3A_1820 = %broadcast_in_dim3A_1438) -> (vector<16xf32>, vector<16xf32>)  : i32 {
      %mul3A_1821 = arith.constant 16 : i32
      %mul3A_1822 = arith.muli %scan3A_1818, %mul3A_1821 : i32
      %add3A_1823 = vector.broadcast %mul3A_1822 : i32 to vector<16xi32>
      %add3A_1824 = arith.addi %add3A_1823, %iota3A : vector<16xi32>
      %broadcast_in_dim3A_1825 = arith.constant 0 : i32
      %broadcast_in_dim3A_1826 = vector.broadcast %broadcast_in_dim3A_1825 : i32 to vector<16xi32>
      %mul3A_1827 = arith.constant 16 : i32
      %mul3A_1828 = arith.muli %scan3A_1818, %mul3A_1827 : i32
      %add3A_1829 = vector.broadcast %mul3A_1828 : i32 to vector<16xi32>
      %add3A_1830 = arith.addi %add3A_1829, %iota3A : vector<16xi32>
      %gather3A = tpu.vector_load_idx %arg10[%broadcast_in_dim3A_1826, %add3A_1830] : memref<4x128xi32, #tpu.memory_space<vmem>>[vector<16xi32>, vector<16xi32>], vector<16xi32>,
      %gather3A_1831 = tpu.vector_load_idx %arg11[%broadcast_in_dim3A_1826, %add3A_1830] : memref<4x128xi32, #tpu.memory_space<vmem>>[vector<16xi32>, vector<16xi32>], vector<16xi32>,
      %gather3A_1832 = tpu.vector_load_idx %arg12[%broadcast_in_dim3A_1826, %add3A_1830] : memref<4x128xi32, #tpu.memory_space<vmem>>[vector<16xi32>, vector<16xi32>], vector<16xi32>,
      %broadcast_in_dim3A_1833 = arith.constant 0 : i32
      %broadcast_in_dim3A_1834 = vector.broadcast %broadcast_in_dim3A_1833 : i32 to vector<16xi32>
      %scan3A_1835 = arith.constant 0 : i32
      %scan3A_1836 = arith.constant 64 : i32
      %scan3A_1837 = arith.addi %scan3A_1835, %scan3A_1836 : i32
      %scan3A_1838 = arith.constant 1 : i32
      %scan3A_1839:5 = scf.for %scan3A_1940 = %scan3A_1835 to %scan3A_1837 step %scan3A_1838 iter_args(%scan3A_1941 = %broadcast_in_dim3A_1438, %scan3A_1942 = %broadcast_in_dim3A_1438, %scan3A_1943 = %broadcast_in_dim3A_1438, %scan3A_1944 = %broadcast_in_dim3A_1438, %scan3A_1945 = %broadcast_in_dim3A_1438) -> (vector<16xf32>, vector<16xf32>, vector<16xf32>, vector<16xf32>, vector<16xf32>)  : i32 {
        %add3A_1946 = vector.broadcast %scan3A_1940 : i32 to vector<16xi32>
        %add3A_1947 = arith.addi %broadcast_in_dim3A_1834, %add3A_1946 : vector<16xi32>
        %gather3A_1948 = tpu.vector_load_idx %arg19[%add3A_1824, %add3A_1947] : memref<128x64xf32, #tpu.memory_space<vmem>>[vector<16xi32>, vector<16xi32>], vector<16xf32>,
        %add3A_1949 = vector.broadcast %scan3A_1940 : i32 to vector<16xi32>
        %add3A_1950 = arith.addi %broadcast_in_dim3A_1834, %add3A_1949 : vector<16xi32>
        %gather3A_1951 = tpu.vector_load_idx %arg20[%add3A_1824, %add3A_1950] : memref<128x64xf32, #tpu.memory_space<vmem>>[vector<16xi32>, vector<16xi32>], vector<16xf32>,
        %add3A_1952 = vector.broadcast %scan3A_1940 : i32 to vector<16xi32>
        %add3A_1953 = arith.addi %broadcast_in_dim3A_1834, %add3A_1952 : vector<16xi32>
        %gather3A_1954 = tpu.vector_load_idx %arg21[%add3A_1824, %add3A_1953] : memref<128x64xf32, #tpu.memory_space<vmem>>[vector<16xi32>, vector<16xi32>], vector<16xf32>,
        %mul3A_1955 = arith.mulf %gather3A_1948, %gather3A_1948 : vector<16xf32>
        %add3A_1956 = arith.addf %scan3A_1941, %mul3A_1955 : vector<16xf32>
        %mul3A_1957 = arith.mulf %gather3A_1951, %gather3A_1951 : vector<16xf32>
        %add3A_1958 = arith.addf %scan3A_1942, %mul3A_1957 : vector<16xf32>
        %mul3A_1959 = arith.mulf %gather3A_1954, %gather3A_1954 : vector<16xf32>
        %add3A_1960 = arith.addf %scan3A_1943, %mul3A_1959 : vector<16xf32>
        %mul3A_1961 = arith.mulf %gather3A_1948, %gather3A_1951 : vector<16xf32>
        %add3A_1962 = arith.addf %scan3A_1944, %mul3A_1961 : vector<16xf32>
        %mul3A_1963 = arith.mulf %gather3A_1948, %gather3A_1954 : vector<16xf32>
        %add3A_1964 = arith.addf %scan3A_1945, %mul3A_1963 : vector<16xf32>
        scf.yield %add3A_1956, %add3A_1958, %add3A_1960, %add3A_1962, %add3A_1964 : vector<16xf32>, vector<16xf32>, vector<16xf32>, vector<16xf32>, vector<16xf32>
      }
      %scan3A_1840 = arith.constant 64 : i32
      %and3A = arith.andi %gather3A, %broadcast_in_dim3A_1442 : vector<16xi32>
      %gather3A_1841 = tpu.vector_load_idx %arg22[%add3A_1824, %and3A] : memref<128x64xf32, #tpu.memory_space<vmem>>[vector<16xi32>, vector<16xi32>], vector<16xf32>,
      %and3A_1842 = arith.andi %gather3A_1831, %broadcast_in_dim3A_1442 : vector<16xi32>
      %gather3A_1843 = tpu.vector_load_idx %arg23[%add3A_1824, %and3A_1842] : memref<128x64xf32, #tpu.memory_space<vmem>>[vector<16xi32>, vector<16xi32>], vector<16xf32>,
      %and3A_1844 = arith.andi %gather3A_1832, %broadcast_in_dim3A_1442 : vector<16xi32>
      %gather3A_1845 = tpu.vector_load_idx %arg24[%add3A_1824, %and3A_1844] : memref<128x64xf32, #tpu.memory_space<vmem>>[vector<16xi32>, vector<16xi32>], vector<16xf32>,
      %bitcast3A = vector.bitcast %scan3A_1839#0 : vector<16xf32> to vector<16xi32>
      %shift_right_arithmetic3A_1846 = arith.constant 1 : i32
      %shift_right_arithmetic3A_1847 = vector.broadcast %shift_right_arithmetic3A_1846 : i32 to vector<16xi32>
      %shift_right_arithmetic3A_1848 = arith.shrsi %bitcast3A, %shift_right_arithmetic3A_1847 : vector<16xi32>
      %sub3A = arith.constant 1597463007 : i32
      %sub3A_1849 = vector.broadcast %sub3A : i32 to vector<16xi32>
      %sub3A_1850 = arith.subi %sub3A_1849, %shift_right_arithmetic3A_1848 : vector<16xi32>
      %bitcast3A_1851 = vector.bitcast %sub3A_1850 : vector<16xi32> to vector<16xf32>
      %mul3A_1852 = arith.constant 5.000000e-01 : f32
      %mul3A_1853 = vector.broadcast %mul3A_1852 : f32 to vector<16xf32>
      %mul3A_1854 = arith.mulf %scan3A_1839#0, %mul3A_1853 : vector<16xf32>
      %mul3A_1855 = arith.mulf %mul3A_1854, %bitcast3A_1851 : vector<16xf32>
      %mul3A_1856 = arith.mulf %mul3A_1855, %bitcast3A_1851 : vector<16xf32>
      %sub3A_1857 = arith.constant 1.500000e+00 : f32
      %sub3A_1858 = vector.broadcast %sub3A_1857 : f32 to vector<16xf32>
      %sub3A_1859 = arith.subf %sub3A_1858, %mul3A_1856 : vector<16xf32>
      %mul3A_1860 = arith.mulf %bitcast3A_1851, %sub3A_1859 : vector<16xf32>
      %mul3A_1861 = arith.mulf %mul3A_1854, %mul3A_1860 : vector<16xf32>
      %mul3A_1862 = arith.mulf %mul3A_1861, %mul3A_1860 : vector<16xf32>
      %sub3A_1863 = arith.constant 1.500000e+00 : f32
      %sub3A_1864 = vector.broadcast %sub3A_1863 : f32 to vector<16xf32>
      %sub3A_1865 = arith.subf %sub3A_1864, %mul3A_1862 : vector<16xf32>
      %mul3A_1866 = arith.mulf %mul3A_1860, %sub3A_1865 : vector<16xf32>
      %mul3A_1867 = arith.mulf %mul3A_1854, %mul3A_1866 : vector<16xf32>
      %mul3A_1868 = arith.mulf %mul3A_1867, %mul3A_1866 : vector<16xf32>
      %sub3A_1869 = arith.constant 1.500000e+00 : f32
      %sub3A_1870 = vector.broadcast %sub3A_1869 : f32 to vector<16xf32>
      %sub3A_1871 = arith.subf %sub3A_1870, %mul3A_1868 : vector<16xf32>
      %mul3A_1872 = arith.mulf %mul3A_1866, %sub3A_1871 : vector<16xf32>
      %mul3A_1873 = arith.mulf %gather3A_1841, %mul3A_1872 : vector<16xf32>
      %bitcast3A_1874 = vector.bitcast %scan3A_1839#1 : vector<16xf32> to vector<16xi32>
      %shift_right_arithmetic3A_1875 = arith.constant 1 : i32
      %shift_right_arithmetic3A_1876 = vector.broadcast %shift_right_arithmetic3A_1875 : i32 to vector<16xi32>
      %shift_right_arithmetic3A_1877 = arith.shrsi %bitcast3A_1874, %shift_right_arithmetic3A_1876 : vector<16xi32>
      %sub3A_1878 = arith.constant 1597463007 : i32
      %sub3A_1879 = vector.broadcast %sub3A_1878 : i32 to vector<16xi32>
      %sub3A_1880 = arith.subi %sub3A_1879, %shift_right_arithmetic3A_1877 : vector<16xi32>
      %bitcast3A_1881 = vector.bitcast %sub3A_1880 : vector<16xi32> to vector<16xf32>
      %mul3A_1882 = arith.constant 5.000000e-01 : f32
      %mul3A_1883 = vector.broadcast %mul3A_1882 : f32 to vector<16xf32>
      %mul3A_1884 = arith.mulf %scan3A_1839#1, %mul3A_1883 : vector<16xf32>
      %mul3A_1885 = arith.mulf %mul3A_1884, %bitcast3A_1881 : vector<16xf32>
      %mul3A_1886 = arith.mulf %mul3A_1885, %bitcast3A_1881 : vector<16xf32>
      %sub3A_1887 = arith.constant 1.500000e+00 : f32
      %sub3A_1888 = vector.broadcast %sub3A_1887 : f32 to vector<16xf32>
      %sub3A_1889 = arith.subf %sub3A_1888, %mul3A_1886 : vector<16xf32>
      %mul3A_1890 = arith.mulf %bitcast3A_1881, %sub3A_1889 : vector<16xf32>
      %mul3A_1891 = arith.mulf %mul3A_1884, %mul3A_1890 : vector<16xf32>
      %mul3A_1892 = arith.mulf %mul3A_1891, %mul3A_1890 : vector<16xf32>
      %sub3A_1893 = arith.constant 1.500000e+00 : f32
      %sub3A_1894 = vector.broadcast %sub3A_1893 : f32 to vector<16xf32>
      %sub3A_1895 = arith.subf %sub3A_1894, %mul3A_1892 : vector<16xf32>
      %mul3A_1896 = arith.mulf %mul3A_1890, %sub3A_1895 : vector<16xf32>
      %mul3A_1897 = arith.mulf %mul3A_1884, %mul3A_1896 : vector<16xf32>
      %mul3A_1898 = arith.mulf %mul3A_1897, %mul3A_1896 : vector<16xf32>
      %sub3A_1899 = arith.constant 1.500000e+00 : f32
      %sub3A_1900 = vector.broadcast %sub3A_1899 : f32 to vector<16xf32>
      %sub3A_1901 = arith.subf %sub3A_1900, %mul3A_1898 : vector<16xf32>
      %mul3A_1902 = arith.mulf %mul3A_1896, %sub3A_1901 : vector<16xf32>
      %mul3A_1903 = arith.mulf %gather3A_1843, %mul3A_1902 : vector<16xf32>
      %mul3A_1904 = arith.mulf %mul3A_1873, %mul3A_1903 : vector<16xf32>
      %mul3A_1905 = arith.mulf %mul3A_1904, %scan3A_1839#3 : vector<16xf32>
      %add3A_1906 = arith.addf %scan3A_1819, %mul3A_1905 : vector<16xf32>
      %bitcast3A_1907 = vector.bitcast %scan3A_1839#2 : vector<16xf32> to vector<16xi32>
      %shift_right_arithmetic3A_1908 = arith.constant 1 : i32
      %shift_right_arithmetic3A_1909 = vector.broadcast %shift_right_arithmetic3A_1908 : i32 to vector<16xi32>
      %shift_right_arithmetic3A_1910 = arith.shrsi %bitcast3A_1907, %shift_right_arithmetic3A_1909 : vector<16xi32>
      %sub3A_1911 = arith.constant 1597463007 : i32
      %sub3A_1912 = vector.broadcast %sub3A_1911 : i32 to vector<16xi32>
      %sub3A_1913 = arith.subi %sub3A_1912, %shift_right_arithmetic3A_1910 : vector<16xi32>
      %bitcast3A_1914 = vector.bitcast %sub3A_1913 : vector<16xi32> to vector<16xf32>
      %mul3A_1915 = arith.constant 5.000000e-01 : f32
      %mul3A_1916 = vector.broadcast %mul3A_1915 : f32 to vector<16xf32>
      %mul3A_1917 = arith.mulf %scan3A_1839#2, %mul3A_1916 : vector<16xf32>
      %mul3A_1918 = arith.mulf %mul3A_1917, %bitcast3A_1914 : vector<16xf32>
      %mul3A_1919 = arith.mulf %mul3A_1918, %bitcast3A_1914 : vector<16xf32>
      %sub3A_1920 = arith.constant 1.500000e+00 : f32
      %sub3A_1921 = vector.broadcast %sub3A_1920 : f32 to vector<16xf32>
      %sub3A_1922 = arith.subf %sub3A_1921, %mul3A_1919 : vector<16xf32>
      %mul3A_1923 = arith.mulf %bitcast3A_1914, %sub3A_1922 : vector<16xf32>
      %mul3A_1924 = arith.mulf %mul3A_1917, %mul3A_1923 : vector<16xf32>
      %mul3A_1925 = arith.mulf %mul3A_1924, %mul3A_1923 : vector<16xf32>
      %sub3A_1926 = arith.constant 1.500000e+00 : f32
      %sub3A_1927 = vector.broadcast %sub3A_1926 : f32 to vector<16xf32>
      %sub3A_1928 = arith.subf %sub3A_1927, %mul3A_1925 : vector<16xf32>
      %mul3A_1929 = arith.mulf %mul3A_1923, %sub3A_1928 : vector<16xf32>
      %mul3A_1930 = arith.mulf %mul3A_1917, %mul3A_1929 : vector<16xf32>
      %mul3A_1931 = arith.mulf %mul3A_1930, %mul3A_1929 : vector<16xf32>
      %sub3A_1932 = arith.constant 1.500000e+00 : f32
      %sub3A_1933 = vector.broadcast %sub3A_1932 : f32 to vector<16xf32>
      %sub3A_1934 = arith.subf %sub3A_1933, %mul3A_1931 : vector<16xf32>
      %mul3A_1935 = arith.mulf %mul3A_1929, %sub3A_1934 : vector<16xf32>
      %mul3A_1936 = arith.mulf %gather3A_1845, %mul3A_1935 : vector<16xf32>
      %mul3A_1937 = arith.mulf %mul3A_1873, %mul3A_1936 : vector<16xf32>
      %mul3A_1938 = arith.mulf %mul3A_1937, %scan3A_1839#4 : vector<16xf32>
      %add3A_1939 = arith.addf %scan3A_1820, %mul3A_1938 : vector<16xf32>
      scf.yield %add3A_1906, %add3A_1939 : vector<16xf32>, vector<16xf32>
    }
    %scan3A_1529 = arith.constant 8 : i32
    %dma_start3A_1530 = arith.constant 1 : i32
    %dma_start3A_1531 = arith.constant 0 : i32
    %dma_start3A_1532 = tpu.memref_slice %arg13[%dma_start3A_1530, %dma_start3A_1531] : memref<4x128xi32, #tpu.memory_space<vmem>> -> memref<1x128xi32, #tpu.memory_space<vmem>>
    %dma_start3A_1533 = tpu.memref_squeeze %dma_start3A_1532 : memref<1x128xi32, #tpu.memory_space<vmem>> -> memref<128xi32, #tpu.memory_space<vmem>>
    %dma_start3A_1534 = arith.constant 0 : i32
    %dma_start3A_1535 = arith.constant 0 : i32
    %dma_start3A_1536 = tpu.memref_slice %arg5[%dma_start3A_1534, %dma_start3A_1535] : memref<1000000x64xf32, #tpu.memory_space<hbm>> -> memref<1000000x64xf32, #tpu.memory_space<hbm>>
    tpu.enqueue_indirect_dma source(%dma_start3A_1536 : memref<1000000x64xf32, #tpu.memory_space<hbm>>) target(%arg19 : memref<128x64xf32, #tpu.memory_space<vmem>>) offsets(%dma_start3A_1533 : memref<128xi32, #tpu.memory_space<vmem>>) semaphore(%arg26 : memref<!tpu.dma_semaphore, #tpu.memory_space<semaphore_mem>>)
    %dma_start3A_1537 = arith.constant 1 : i32
    %dma_start3A_1538 = arith.constant 0 : i32
    %dma_start3A_1539 = tpu.memref_slice %arg14[%dma_start3A_1537, %dma_start3A_1538] : memref<4x128xi32, #tpu.memory_space<vmem>> -> memref<1x128xi32, #tpu.memory_space<vmem>>
    %dma_start3A_1540 = tpu.memref_squeeze %dma_start3A_1539 : memref<1x128xi32, #tpu.memory_space<vmem>> -> memref<128xi32, #tpu.memory_space<vmem>>
    %dma_start3A_1541 = arith.constant 0 : i32
    %dma_start3A_1542 = arith.constant 0 : i32
    %dma_start3A_1543 = tpu.memref_slice %arg7[%dma_start3A_1541, %dma_start3A_1542] : memref<1000000x64xf32, #tpu.memory_space<hbm>> -> memref<1000000x64xf32, #tpu.memory_space<hbm>>
    tpu.enqueue_indirect_dma source(%dma_start3A_1543 : memref<1000000x64xf32, #tpu.memory_space<hbm>>) target(%arg20 : memref<128x64xf32, #tpu.memory_space<vmem>>) offsets(%dma_start3A_1540 : memref<128xi32, #tpu.memory_space<vmem>>) semaphore(%arg26 : memref<!tpu.dma_semaphore, #tpu.memory_space<semaphore_mem>>)
    %dma_start3A_1544 = arith.constant 1 : i32
    %dma_start3A_1545 = arith.constant 0 : i32
    %dma_start3A_1546 = tpu.memref_slice %arg15[%dma_start3A_1544, %dma_start3A_1545] : memref<4x128xi32, #tpu.memory_space<vmem>> -> memref<1x128xi32, #tpu.memory_space<vmem>>
    %dma_start3A_1547 = tpu.memref_squeeze %dma_start3A_1546 : memref<1x128xi32, #tpu.memory_space<vmem>> -> memref<128xi32, #tpu.memory_space<vmem>>
    %dma_start3A_1548 = arith.constant 0 : i32
    %dma_start3A_1549 = arith.constant 0 : i32
    %dma_start3A_1550 = tpu.memref_slice %arg7[%dma_start3A_1548, %dma_start3A_1549] : memref<1000000x64xf32, #tpu.memory_space<hbm>> -> memref<1000000x64xf32, #tpu.memory_space<hbm>>
    tpu.enqueue_indirect_dma source(%dma_start3A_1550 : memref<1000000x64xf32, #tpu.memory_space<hbm>>) target(%arg21 : memref<128x64xf32, #tpu.memory_space<vmem>>) offsets(%dma_start3A_1547 : memref<128xi32, #tpu.memory_space<vmem>>) semaphore(%arg26 : memref<!tpu.dma_semaphore, #tpu.memory_space<semaphore_mem>>)
    %dma_start3A_1551 = arith.constant 1 : i32
    %dma_start3A_1552 = arith.constant 0 : i32
    %dma_start3A_1553 = tpu.memref_slice %arg16[%dma_start3A_1551, %dma_start3A_1552] : memref<4x128xi32, #tpu.memory_space<vmem>> -> memref<1x128xi32, #tpu.memory_space<vmem>>
    %dma_start3A_1554 = tpu.memref_squeeze %dma_start3A_1553 : memref<1x128xi32, #tpu.memory_space<vmem>> -> memref<128xi32, #tpu.memory_space<vmem>>
    %dma_start3A_1555 = arith.constant 0 : i32
    %dma_start3A_1556 = arith.constant 0 : i32
    %dma_start3A_1557 = tpu.memref_slice %arg6[%dma_start3A_1555, %dma_start3A_1556] : memref<15625x64xf32, #tpu.memory_space<hbm>> -> memref<15625x64xf32, #tpu.memory_space<hbm>>
    tpu.enqueue_indirect_dma source(%dma_start3A_1557 : memref<15625x64xf32, #tpu.memory_space<hbm>>) target(%arg22 : memref<128x64xf32, #tpu.memory_space<vmem>>) offsets(%dma_start3A_1554 : memref<128xi32, #tpu.memory_space<vmem>>) semaphore(%arg26 : memref<!tpu.dma_semaphore, #tpu.memory_space<semaphore_mem>>)
    %dma_start3A_1558 = arith.constant 1 : i32
    %dma_start3A_1559 = arith.constant 0 : i32
    %dma_start3A_1560 = tpu.memref_slice %arg17[%dma_start3A_1558, %dma_start3A_1559] : memref<4x128xi32, #tpu.memory_space<vmem>> -> memref<1x128xi32, #tpu.memory_space<vmem>>
    %dma_start3A_1561 = tpu.memref_squeeze %dma_start3A_1560 : memref<1x128xi32, #tpu.memory_space<vmem>> -> memref<128xi32, #tpu.memory_space<vmem>>
    %dma_start3A_1562 = arith.constant 0 : i32
    %dma_start3A_1563 = arith.constant 0 : i32
    %dma_start3A_1564 = tpu.memref_slice %arg8[%dma_start3A_1562, %dma_start3A_1563] : memref<15625x64xf32, #tpu.memory_space<hbm>> -> memref<15625x64xf32, #tpu.memory_space<hbm>>
    tpu.enqueue_indirect_dma source(%dma_start3A_1564 : memref<15625x64xf32, #tpu.memory_space<hbm>>) target(%arg23 : memref<128x64xf32, #tpu.memory_space<vmem>>) offsets(%dma_start3A_1561 : memref<128xi32, #tpu.memory_space<vmem>>) semaphore(%arg26 : memref<!tpu.dma_semaphore, #tpu.memory_space<semaphore_mem>>)
    %dma_start3A_1565 = arith.constant 1 : i32
    %dma_start3A_1566 = arith.constant 0 : i32
    %dma_start3A_1567 = tpu.memref_slice %arg18[%dma_start3A_1565, %dma_start3A_1566] : memref<4x128xi32, #tpu.memory_space<vmem>> -> memref<1x128xi32, #tpu.memory_space<vmem>>
    %dma_start3A_1568 = tpu.memref_squeeze %dma_start3A_1567 : memref<1x128xi32, #tpu.memory_space<vmem>> -> memref<128xi32, #tpu.memory_space<vmem>>
    %dma_start3A_1569 = arith.constant 0 : i32
    %dma_start3A_1570 = arith.constant 0 : i32
    %dma_start3A_1571 = tpu.memref_slice %arg8[%dma_start3A_1569, %dma_start3A_1570] : memref<15625x64xf32, #tpu.memory_space<hbm>> -> memref<15625x64xf32, #tpu.memory_space<hbm>>
    tpu.enqueue_indirect_dma source(%dma_start3A_1571 : memref<15625x64xf32, #tpu.memory_space<hbm>>) target(%arg24 : memref<128x64xf32, #tpu.memory_space<vmem>>) offsets(%dma_start3A_1568 : memref<128xi32, #tpu.memory_space<vmem>>) semaphore(%arg26 : memref<!tpu.dma_semaphore, #tpu.memory_space<semaphore_mem>>)
    %dma_wait3A_1572 = arith.constant 1 : i32
    %dma_wait3A_1573 = arith.constant 0 : i32
    %dma_wait3A_1574 = tpu.memref_slice %arg13[%dma_wait3A_1572, %dma_wait3A_1573] : memref<4x128xi32, #tpu.memory_space<vmem>> -> memref<1x128xi32, #tpu.memory_space<vmem>>
    %dma_wait3A_1575 = tpu.memref_squeeze %dma_wait3A_1574 : memref<1x128xi32, #tpu.memory_space<vmem>> -> memref<128xi32, #tpu.memory_space<vmem>>
    %dma_wait3A_1576 = arith.constant 0 : i32
    %dma_wait3A_1577 = arith.constant 0 : i32
    %dma_wait3A_1578 = tpu.memref_slice %arg5[%dma_wait3A_1576, %dma_wait3A_1577] : memref<1000000x64xf32, #tpu.memory_space<hbm>> -> memref<1000000x64xf32, #tpu.memory_space<hbm>>
    tpu.wait_indirect_dma semaphore(%arg26 : memref<!tpu.dma_semaphore, #tpu.memory_space<semaphore_mem>>) src(%dma_wait3A_1578 : memref<1000000x64xf32, #tpu.memory_space<hbm>>) dst(%arg19 : memref<128x64xf32, #tpu.memory_space<vmem>>)
    %dma_wait3A_1579 = arith.constant 1 : i32
    %dma_wait3A_1580 = arith.constant 0 : i32
    %dma_wait3A_1581 = tpu.memref_slice %arg14[%dma_wait3A_1579, %dma_wait3A_1580] : memref<4x128xi32, #tpu.memory_space<vmem>> -> memref<1x128xi32, #tpu.memory_space<vmem>>
    %dma_wait3A_1582 = tpu.memref_squeeze %dma_wait3A_1581 : memref<1x128xi32, #tpu.memory_space<vmem>> -> memref<128xi32, #tpu.memory_space<vmem>>
    %dma_wait3A_1583 = arith.constant 0 : i32
    %dma_wait3A_1584 = arith.constant 0 : i32
    %dma_wait3A_1585 = tpu.memref_slice %arg7[%dma_wait3A_1583, %dma_wait3A_1584] : memref<1000000x64xf32, #tpu.memory_space<hbm>> -> memref<1000000x64xf32, #tpu.memory_space<hbm>>
    tpu.wait_indirect_dma semaphore(%arg26 : memref<!tpu.dma_semaphore, #tpu.memory_space<semaphore_mem>>) src(%dma_wait3A_1585 : memref<1000000x64xf32, #tpu.memory_space<hbm>>) dst(%arg20 : memref<128x64xf32, #tpu.memory_space<vmem>>)
    %dma_wait3A_1586 = arith.constant 1 : i32
    %dma_wait3A_1587 = arith.constant 0 : i32
    %dma_wait3A_1588 = tpu.memref_slice %arg15[%dma_wait3A_1586, %dma_wait3A_1587] : memref<4x128xi32, #tpu.memory_space<vmem>> -> memref<1x128xi32, #tpu.memory_space<vmem>>
    %dma_wait3A_1589 = tpu.memref_squeeze %dma_wait3A_1588 : memref<1x128xi32, #tpu.memory_space<vmem>> -> memref<128xi32, #tpu.memory_space<vmem>>
    %dma_wait3A_1590 = arith.constant 0 : i32
    %dma_wait3A_1591 = arith.constant 0 : i32
    %dma_wait3A_1592 = tpu.memref_slice %arg7[%dma_wait3A_1590, %dma_wait3A_1591] : memref<1000000x64xf32, #tpu.memory_space<hbm>> -> memref<1000000x64xf32, #tpu.memory_space<hbm>>
    tpu.wait_indirect_dma semaphore(%arg26 : memref<!tpu.dma_semaphore, #tpu.memory_space<semaphore_mem>>) src(%dma_wait3A_1592 : memref<1000000x64xf32, #tpu.memory_space<hbm>>) dst(%arg21 : memref<128x64xf32, #tpu.memory_space<vmem>>)
    %dma_wait3A_1593 = arith.constant 1 : i32
    %dma_wait3A_1594 = arith.constant 0 : i32
    %dma_wait3A_1595 = tpu.memref_slice %arg16[%dma_wait3A_1593, %dma_wait3A_1594] : memref<4x128xi32, #tpu.memory_space<vmem>> -> memref<1x128xi32, #tpu.memory_space<vmem>>
    %dma_wait3A_1596 = tpu.memref_squeeze %dma_wait3A_1595 : memref<1x128xi32, #tpu.memory_space<vmem>> -> memref<128xi32, #tpu.memory_space<vmem>>
    %dma_wait3A_1597 = arith.constant 0 : i32
    %dma_wait3A_1598 = arith.constant 0 : i32
    %dma_wait3A_1599 = tpu.memref_slice %arg6[%dma_wait3A_1597, %dma_wait3A_1598] : memref<15625x64xf32, #tpu.memory_space<hbm>> -> memref<15625x64xf32, #tpu.memory_space<hbm>>
    tpu.wait_indirect_dma semaphore(%arg26 : memref<!tpu.dma_semaphore, #tpu.memory_space<semaphore_mem>>) src(%dma_wait3A_1599 : memref<15625x64xf32, #tpu.memory_space<hbm>>) dst(%arg22 : memref<128x64xf32, #tpu.memory_space<vmem>>)
    %dma_wait3A_1600 = arith.constant 1 : i32
    %dma_wait3A_1601 = arith.constant 0 : i32
    %dma_wait3A_1602 = tpu.memref_slice %arg17[%dma_wait3A_1600, %dma_wait3A_1601] : memref<4x128xi32, #tpu.memory_space<vmem>> -> memref<1x128xi32, #tpu.memory_space<vmem>>
    %dma_wait3A_1603 = tpu.memref_squeeze %dma_wait3A_1602 : memref<1x128xi32, #tpu.memory_space<vmem>> -> memref<128xi32, #tpu.memory_space<vmem>>
    %dma_wait3A_1604 = arith.constant 0 : i32
    %dma_wait3A_1605 = arith.constant 0 : i32
    %dma_wait3A_1606 = tpu.memref_slice %arg8[%dma_wait3A_1604, %dma_wait3A_1605] : memref<15625x64xf32, #tpu.memory_space<hbm>> -> memref<15625x64xf32, #tpu.memory_space<hbm>>
    tpu.wait_indirect_dma semaphore(%arg26 : memref<!tpu.dma_semaphore, #tpu.memory_space<semaphore_mem>>) src(%dma_wait3A_1606 : memref<15625x64xf32, #tpu.memory_space<hbm>>) dst(%arg23 : memref<128x64xf32, #tpu.memory_space<vmem>>)
    %dma_wait3A_1607 = arith.constant 1 : i32
    %dma_wait3A_1608 = arith.constant 0 : i32
    %dma_wait3A_1609 = tpu.memref_slice %arg18[%dma_wait3A_1607, %dma_wait3A_1608] : memref<4x128xi32, #tpu.memory_space<vmem>> -> memref<1x128xi32, #tpu.memory_space<vmem>>
    %dma_wait3A_1610 = tpu.memref_squeeze %dma_wait3A_1609 : memref<1x128xi32, #tpu.memory_space<vmem>> -> memref<128xi32, #tpu.memory_space<vmem>>
    %dma_wait3A_1611 = arith.constant 0 : i32
    %dma_wait3A_1612 = arith.constant 0 : i32
    %dma_wait3A_1613 = tpu.memref_slice %arg8[%dma_wait3A_1611, %dma_wait3A_1612] : memref<15625x64xf32, #tpu.memory_space<hbm>> -> memref<15625x64xf32, #tpu.memory_space<hbm>>
    tpu.wait_indirect_dma semaphore(%arg26 : memref<!tpu.dma_semaphore, #tpu.memory_space<semaphore_mem>>) src(%dma_wait3A_1613 : memref<15625x64xf32, #tpu.memory_space<hbm>>) dst(%arg24 : memref<128x64xf32, #tpu.memory_space<vmem>>)
    %scan3A_1614 = arith.constant 0 : i32
    %scan3A_1615 = arith.constant 8 : i32
    %scan3A_1616 = arith.addi %scan3A_1614, %scan3A_1615 : i32
    %scan3A_1617 = arith.constant 1 : i32
    %scan3A_1618:2 = scf.for %scan3A_1818 = %scan3A_1614 to %scan3A_1616 step %scan3A_1617 iter_args(%scan3A_1819 = %scan3A_1528#0, %scan3A_1820 = %scan3A_1528#1) -> (vector<16xf32>, vector<16xf32>)  : i32 {
      %mul3A_1821 = arith.constant 16 : i32
      %mul3A_1822 = arith.muli %scan3A_1818, %mul3A_1821 : i32
      %add3A_1823 = vector.broadcast %mul3A_1822 : i32 to vector<16xi32>
      %add3A_1824 = arith.addi %add3A_1823, %iota3A : vector<16xi32>
      %broadcast_in_dim3A_1825 = arith.constant 1 : i32
      %broadcast_in_dim3A_1826 = vector.broadcast %broadcast_in_dim3A_1825 : i32 to vector<16xi32>
      %mul3A_1827 = arith.constant 16 : i32
      %mul3A_1828 = arith.muli %scan3A_1818, %mul3A_1827 : i32
      %add3A_1829 = vector.broadcast %mul3A_1828 : i32 to vector<16xi32>
      %add3A_1830 = arith.addi %add3A_1829, %iota3A : vector<16xi32>
      %gather3A = tpu.vector_load_idx %arg10[%broadcast_in_dim3A_1826, %add3A_1830] : memref<4x128xi32, #tpu.memory_space<vmem>>[vector<16xi32>, vector<16xi32>], vector<16xi32>,
      %gather3A_1831 = tpu.vector_load_idx %arg11[%broadcast_in_dim3A_1826, %add3A_1830] : memref<4x128xi32, #tpu.memory_space<vmem>>[vector<16xi32>, vector<16xi32>], vector<16xi32>,
      %gather3A_1832 = tpu.vector_load_idx %arg12[%broadcast_in_dim3A_1826, %add3A_1830] : memref<4x128xi32, #tpu.memory_space<vmem>>[vector<16xi32>, vector<16xi32>], vector<16xi32>,
      %broadcast_in_dim3A_1833 = arith.constant 0 : i32
      %broadcast_in_dim3A_1834 = vector.broadcast %broadcast_in_dim3A_1833 : i32 to vector<16xi32>
      %scan3A_1835 = arith.constant 0 : i32
      %scan3A_1836 = arith.constant 64 : i32
      %scan3A_1837 = arith.addi %scan3A_1835, %scan3A_1836 : i32
      %scan3A_1838 = arith.constant 1 : i32
      %scan3A_1839:5 = scf.for %scan3A_1940 = %scan3A_1835 to %scan3A_1837 step %scan3A_1838 iter_args(%scan3A_1941 = %broadcast_in_dim3A_1438, %scan3A_1942 = %broadcast_in_dim3A_1438, %scan3A_1943 = %broadcast_in_dim3A_1438, %scan3A_1944 = %broadcast_in_dim3A_1438, %scan3A_1945 = %broadcast_in_dim3A_1438) -> (vector<16xf32>, vector<16xf32>, vector<16xf32>, vector<16xf32>, vector<16xf32>)  : i32 {
        %add3A_1946 = vector.broadcast %scan3A_1940 : i32 to vector<16xi32>
        %add3A_1947 = arith.addi %broadcast_in_dim3A_1834, %add3A_1946 : vector<16xi32>
        %gather3A_1948 = tpu.vector_load_idx %arg19[%add3A_1824, %add3A_1947] : memref<128x64xf32, #tpu.memory_space<vmem>>[vector<16xi32>, vector<16xi32>], vector<16xf32>,
        %add3A_1949 = vector.broadcast %scan3A_1940 : i32 to vector<16xi32>
        %add3A_1950 = arith.addi %broadcast_in_dim3A_1834, %add3A_1949 : vector<16xi32>
        %gather3A_1951 = tpu.vector_load_idx %arg20[%add3A_1824, %add3A_1950] : memref<128x64xf32, #tpu.memory_space<vmem>>[vector<16xi32>, vector<16xi32>], vector<16xf32>,
        %add3A_1952 = vector.broadcast %scan3A_1940 : i32 to vector<16xi32>
        %add3A_1953 = arith.addi %broadcast_in_dim3A_1834, %add3A_1952 : vector<16xi32>
        %gather3A_1954 = tpu.vector_load_idx %arg21[%add3A_1824, %add3A_1953] : memref<128x64xf32, #tpu.memory_space<vmem>>[vector<16xi32>, vector<16xi32>], vector<16xf32>,
        %mul3A_1955 = arith.mulf %gather3A_1948, %gather3A_1948 : vector<16xf32>
        %add3A_1956 = arith.addf %scan3A_1941, %mul3A_1955 : vector<16xf32>
        %mul3A_1957 = arith.mulf %gather3A_1951, %gather3A_1951 : vector<16xf32>
        %add3A_1958 = arith.addf %scan3A_1942, %mul3A_1957 : vector<16xf32>
        %mul3A_1959 = arith.mulf %gather3A_1954, %gather3A_1954 : vector<16xf32>
        %add3A_1960 = arith.addf %scan3A_1943, %mul3A_1959 : vector<16xf32>
        %mul3A_1961 = arith.mulf %gather3A_1948, %gather3A_1951 : vector<16xf32>
        %add3A_1962 = arith.addf %scan3A_1944, %mul3A_1961 : vector<16xf32>
        %mul3A_1963 = arith.mulf %gather3A_1948, %gather3A_1954 : vector<16xf32>
        %add3A_1964 = arith.addf %scan3A_1945, %mul3A_1963 : vector<16xf32>
        scf.yield %add3A_1956, %add3A_1958, %add3A_1960, %add3A_1962, %add3A_1964 : vector<16xf32>, vector<16xf32>, vector<16xf32>, vector<16xf32>, vector<16xf32>
      }
      %scan3A_1840 = arith.constant 64 : i32
      %and3A = arith.andi %gather3A, %broadcast_in_dim3A_1442 : vector<16xi32>
      %gather3A_1841 = tpu.vector_load_idx %arg22[%add3A_1824, %and3A] : memref<128x64xf32, #tpu.memory_space<vmem>>[vector<16xi32>, vector<16xi32>], vector<16xf32>,
      %and3A_1842 = arith.andi %gather3A_1831, %broadcast_in_dim3A_1442 : vector<16xi32>
      %gather3A_1843 = tpu.vector_load_idx %arg23[%add3A_1824, %and3A_1842] : memref<128x64xf32, #tpu.memory_space<vmem>>[vector<16xi32>, vector<16xi32>], vector<16xf32>,
      %and3A_1844 = arith.andi %gather3A_1832, %broadcast_in_dim3A_1442 : vector<16xi32>
      %gather3A_1845 = tpu.vector_load_idx %arg24[%add3A_1824, %and3A_1844] : memref<128x64xf32, #tpu.memory_space<vmem>>[vector<16xi32>, vector<16xi32>], vector<16xf32>,
      %bitcast3A = vector.bitcast %scan3A_1839#0 : vector<16xf32> to vector<16xi32>
      %shift_right_arithmetic3A_1846 = arith.constant 1 : i32
      %shift_right_arithmetic3A_1847 = vector.broadcast %shift_right_arithmetic3A_1846 : i32 to vector<16xi32>
      %shift_right_arithmetic3A_1848 = arith.shrsi %bitcast3A, %shift_right_arithmetic3A_1847 : vector<16xi32>
      %sub3A = arith.constant 1597463007 : i32
      %sub3A_1849 = vector.broadcast %sub3A : i32 to vector<16xi32>
      %sub3A_1850 = arith.subi %sub3A_1849, %shift_right_arithmetic3A_1848 : vector<16xi32>
      %bitcast3A_1851 = vector.bitcast %sub3A_1850 : vector<16xi32> to vector<16xf32>
      %mul3A_1852 = arith.constant 5.000000e-01 : f32
      %mul3A_1853 = vector.broadcast %mul3A_1852 : f32 to vector<16xf32>
      %mul3A_1854 = arith.mulf %scan3A_1839#0, %mul3A_1853 : vector<16xf32>
      %mul3A_1855 = arith.mulf %mul3A_1854, %bitcast3A_1851 : vector<16xf32>
      %mul3A_1856 = arith.mulf %mul3A_1855, %bitcast3A_1851 : vector<16xf32>
      %sub3A_1857 = arith.constant 1.500000e+00 : f32
      %sub3A_1858 = vector.broadcast %sub3A_1857 : f32 to vector<16xf32>
      %sub3A_1859 = arith.subf %sub3A_1858, %mul3A_1856 : vector<16xf32>
      %mul3A_1860 = arith.mulf %bitcast3A_1851, %sub3A_1859 : vector<16xf32>
      %mul3A_1861 = arith.mulf %mul3A_1854, %mul3A_1860 : vector<16xf32>
      %mul3A_1862 = arith.mulf %mul3A_1861, %mul3A_1860 : vector<16xf32>
      %sub3A_1863 = arith.constant 1.500000e+00 : f32
      %sub3A_1864 = vector.broadcast %sub3A_1863 : f32 to vector<16xf32>
      %sub3A_1865 = arith.subf %sub3A_1864, %mul3A_1862 : vector<16xf32>
      %mul3A_1866 = arith.mulf %mul3A_1860, %sub3A_1865 : vector<16xf32>
      %mul3A_1867 = arith.mulf %mul3A_1854, %mul3A_1866 : vector<16xf32>
      %mul3A_1868 = arith.mulf %mul3A_1867, %mul3A_1866 : vector<16xf32>
      %sub3A_1869 = arith.constant 1.500000e+00 : f32
      %sub3A_1870 = vector.broadcast %sub3A_1869 : f32 to vector<16xf32>
      %sub3A_1871 = arith.subf %sub3A_1870, %mul3A_1868 : vector<16xf32>
      %mul3A_1872 = arith.mulf %mul3A_1866, %sub3A_1871 : vector<16xf32>
      %mul3A_1873 = arith.mulf %gather3A_1841, %mul3A_1872 : vector<16xf32>
      %bitcast3A_1874 = vector.bitcast %scan3A_1839#1 : vector<16xf32> to vector<16xi32>
      %shift_right_arithmetic3A_1875 = arith.constant 1 : i32
      %shift_right_arithmetic3A_1876 = vector.broadcast %shift_right_arithmetic3A_1875 : i32 to vector<16xi32>
      %shift_right_arithmetic3A_1877 = arith.shrsi %bitcast3A_1874, %shift_right_arithmetic3A_1876 : vector<16xi32>
      %sub3A_1878 = arith.constant 1597463007 : i32
      %sub3A_1879 = vector.broadcast %sub3A_1878 : i32 to vector<16xi32>
      %sub3A_1880 = arith.subi %sub3A_1879, %shift_right_arithmetic3A_1877 : vector<16xi32>
      %bitcast3A_1881 = vector.bitcast %sub3A_1880 : vector<16xi32> to vector<16xf32>
      %mul3A_1882 = arith.constant 5.000000e-01 : f32
      %mul3A_1883 = vector.broadcast %mul3A_1882 : f32 to vector<16xf32>
      %mul3A_1884 = arith.mulf %scan3A_1839#1, %mul3A_1883 : vector<16xf32>
      %mul3A_1885 = arith.mulf %mul3A_1884, %bitcast3A_1881 : vector<16xf32>
      %mul3A_1886 = arith.mulf %mul3A_1885, %bitcast3A_1881 : vector<16xf32>
      %sub3A_1887 = arith.constant 1.500000e+00 : f32
      %sub3A_1888 = vector.broadcast %sub3A_1887 : f32 to vector<16xf32>
      %sub3A_1889 = arith.subf %sub3A_1888, %mul3A_1886 : vector<16xf32>
      %mul3A_1890 = arith.mulf %bitcast3A_1881, %sub3A_1889 : vector<16xf32>
      %mul3A_1891 = arith.mulf %mul3A_1884, %mul3A_1890 : vector<16xf32>
      %mul3A_1892 = arith.mulf %mul3A_1891, %mul3A_1890 : vector<16xf32>
      %sub3A_1893 = arith.constant 1.500000e+00 : f32
      %sub3A_1894 = vector.broadcast %sub3A_1893 : f32 to vector<16xf32>
      %sub3A_1895 = arith.subf %sub3A_1894, %mul3A_1892 : vector<16xf32>
      %mul3A_1896 = arith.mulf %mul3A_1890, %sub3A_1895 : vector<16xf32>
      %mul3A_1897 = arith.mulf %mul3A_1884, %mul3A_1896 : vector<16xf32>
      %mul3A_1898 = arith.mulf %mul3A_1897, %mul3A_1896 : vector<16xf32>
      %sub3A_1899 = arith.constant 1.500000e+00 : f32
      %sub3A_1900 = vector.broadcast %sub3A_1899 : f32 to vector<16xf32>
      %sub3A_1901 = arith.subf %sub3A_1900, %mul3A_1898 : vector<16xf32>
      %mul3A_1902 = arith.mulf %mul3A_1896, %sub3A_1901 : vector<16xf32>
      %mul3A_1903 = arith.mulf %gather3A_1843, %mul3A_1902 : vector<16xf32>
      %mul3A_1904 = arith.mulf %mul3A_1873, %mul3A_1903 : vector<16xf32>
      %mul3A_1905 = arith.mulf %mul3A_1904, %scan3A_1839#3 : vector<16xf32>
      %add3A_1906 = arith.addf %scan3A_1819, %mul3A_1905 : vector<16xf32>
      %bitcast3A_1907 = vector.bitcast %scan3A_1839#2 : vector<16xf32> to vector<16xi32>
      %shift_right_arithmetic3A_1908 = arith.constant 1 : i32
      %shift_right_arithmetic3A_1909 = vector.broadcast %shift_right_arithmetic3A_1908 : i32 to vector<16xi32>
      %shift_right_arithmetic3A_1910 = arith.shrsi %bitcast3A_1907, %shift_right_arithmetic3A_1909 : vector<16xi32>
      %sub3A_1911 = arith.constant 1597463007 : i32
      %sub3A_1912 = vector.broadcast %sub3A_1911 : i32 to vector<16xi32>
      %sub3A_1913 = arith.subi %sub3A_1912, %shift_right_arithmetic3A_1910 : vector<16xi32>
      %bitcast3A_1914 = vector.bitcast %sub3A_1913 : vector<16xi32> to vector<16xf32>
      %mul3A_1915 = arith.constant 5.000000e-01 : f32
      %mul3A_1916 = vector.broadcast %mul3A_1915 : f32 to vector<16xf32>
      %mul3A_1917 = arith.mulf %scan3A_1839#2, %mul3A_1916 : vector<16xf32>
      %mul3A_1918 = arith.mulf %mul3A_1917, %bitcast3A_1914 : vector<16xf32>
      %mul3A_1919 = arith.mulf %mul3A_1918, %bitcast3A_1914 : vector<16xf32>
      %sub3A_1920 = arith.constant 1.500000e+00 : f32
      %sub3A_1921 = vector.broadcast %sub3A_1920 : f32 to vector<16xf32>
      %sub3A_1922 = arith.subf %sub3A_1921, %mul3A_1919 : vector<16xf32>
      %mul3A_1923 = arith.mulf %bitcast3A_1914, %sub3A_1922 : vector<16xf32>
      %mul3A_1924 = arith.mulf %mul3A_1917, %mul3A_1923 : vector<16xf32>
      %mul3A_1925 = arith.mulf %mul3A_1924, %mul3A_1923 : vector<16xf32>
      %sub3A_1926 = arith.constant 1.500000e+00 : f32
      %sub3A_1927 = vector.broadcast %sub3A_1926 : f32 to vector<16xf32>
      %sub3A_1928 = arith.subf %sub3A_1927, %mul3A_1925 : vector<16xf32>
      %mul3A_1929 = arith.mulf %mul3A_1923, %sub3A_1928 : vector<16xf32>
      %mul3A_1930 = arith.mulf %mul3A_1917, %mul3A_1929 : vector<16xf32>
      %mul3A_1931 = arith.mulf %mul3A_1930, %mul3A_1929 : vector<16xf32>
      %sub3A_1932 = arith.constant 1.500000e+00 : f32
      %sub3A_1933 = vector.broadcast %sub3A_1932 : f32 to vector<16xf32>
      %sub3A_1934 = arith.subf %sub3A_1933, %mul3A_1931 : vector<16xf32>
      %mul3A_1935 = arith.mulf %mul3A_1929, %sub3A_1934 : vector<16xf32>
      %mul3A_1936 = arith.mulf %gather3A_1845, %mul3A_1935 : vector<16xf32>
      %mul3A_1937 = arith.mulf %mul3A_1873, %mul3A_1936 : vector<16xf32>
      %mul3A_1938 = arith.mulf %mul3A_1937, %scan3A_1839#4 : vector<16xf32>
      %add3A_1939 = arith.addf %scan3A_1820, %mul3A_1938 : vector<16xf32>
      scf.yield %add3A_1906, %add3A_1939 : vector<16xf32>, vector<16xf32>
    }
    %scan3A_1619 = arith.constant 8 : i32
    %dma_start3A_1620 = arith.constant 2 : i32
    %dma_start3A_1621 = arith.constant 0 : i32
    %dma_start3A_1622 = tpu.memref_slice %arg13[%dma_start3A_1620, %dma_start3A_1621] : memref<4x128xi32, #tpu.memory_space<vmem>> -> memref<1x128xi32, #tpu.memory_space<vmem>>
    %dma_start3A_1623 = tpu.memref_squeeze %dma_start3A_1622 : memref<1x128xi32, #tpu.memory_space<vmem>> -> memref<128xi32, #tpu.memory_space<vmem>>
    %dma_start3A_1624 = arith.constant 0 : i32
    %dma_start3A_1625 = arith.constant 0 : i32
    %dma_start3A_1626 = tpu.memref_slice %arg5[%dma_start3A_1624, %dma_start3A_1625] : memref<1000000x64xf32, #tpu.memory_space<hbm>> -> memref<1000000x64xf32, #tpu.memory_space<hbm>>
    tpu.enqueue_indirect_dma source(%dma_start3A_1626 : memref<1000000x64xf32, #tpu.memory_space<hbm>>) target(%arg19 : memref<128x64xf32, #tpu.memory_space<vmem>>) offsets(%dma_start3A_1623 : memref<128xi32, #tpu.memory_space<vmem>>) semaphore(%arg26 : memref<!tpu.dma_semaphore, #tpu.memory_space<semaphore_mem>>)
    %dma_start3A_1627 = arith.constant 2 : i32
    %dma_start3A_1628 = arith.constant 0 : i32
    %dma_start3A_1629 = tpu.memref_slice %arg14[%dma_start3A_1627, %dma_start3A_1628] : memref<4x128xi32, #tpu.memory_space<vmem>> -> memref<1x128xi32, #tpu.memory_space<vmem>>
    %dma_start3A_1630 = tpu.memref_squeeze %dma_start3A_1629 : memref<1x128xi32, #tpu.memory_space<vmem>> -> memref<128xi32, #tpu.memory_space<vmem>>
    %dma_start3A_1631 = arith.constant 0 : i32
    %dma_start3A_1632 = arith.constant 0 : i32
    %dma_start3A_1633 = tpu.memref_slice %arg7[%dma_start3A_1631, %dma_start3A_1632] : memref<1000000x64xf32, #tpu.memory_space<hbm>> -> memref<1000000x64xf32, #tpu.memory_space<hbm>>
    tpu.enqueue_indirect_dma source(%dma_start3A_1633 : memref<1000000x64xf32, #tpu.memory_space<hbm>>) target(%arg20 : memref<128x64xf32, #tpu.memory_space<vmem>>) offsets(%dma_start3A_1630 : memref<128xi32, #tpu.memory_space<vmem>>) semaphore(%arg26 : memref<!tpu.dma_semaphore, #tpu.memory_space<semaphore_mem>>)
    %dma_start3A_1634 = arith.constant 2 : i32
    %dma_start3A_1635 = arith.constant 0 : i32
    %dma_start3A_1636 = tpu.memref_slice %arg15[%dma_start3A_1634, %dma_start3A_1635] : memref<4x128xi32, #tpu.memory_space<vmem>> -> memref<1x128xi32, #tpu.memory_space<vmem>>
    %dma_start3A_1637 = tpu.memref_squeeze %dma_start3A_1636 : memref<1x128xi32, #tpu.memory_space<vmem>> -> memref<128xi32, #tpu.memory_space<vmem>>
    %dma_start3A_1638 = arith.constant 0 : i32
    %dma_start3A_1639 = arith.constant 0 : i32
    %dma_start3A_1640 = tpu.memref_slice %arg7[%dma_start3A_1638, %dma_start3A_1639] : memref<1000000x64xf32, #tpu.memory_space<hbm>> -> memref<1000000x64xf32, #tpu.memory_space<hbm>>
    tpu.enqueue_indirect_dma source(%dma_start3A_1640 : memref<1000000x64xf32, #tpu.memory_space<hbm>>) target(%arg21 : memref<128x64xf32, #tpu.memory_space<vmem>>) offsets(%dma_start3A_1637 : memref<128xi32, #tpu.memory_space<vmem>>) semaphore(%arg26 : memref<!tpu.dma_semaphore, #tpu.memory_space<semaphore_mem>>)
    %dma_start3A_1641 = arith.constant 2 : i32
    %dma_start3A_1642 = arith.constant 0 : i32
    %dma_start3A_1643 = tpu.memref_slice %arg16[%dma_start3A_1641, %dma_start3A_1642] : memref<4x128xi32, #tpu.memory_space<vmem>> -> memref<1x128xi32, #tpu.memory_space<vmem>>
    %dma_start3A_1644 = tpu.memref_squeeze %dma_start3A_1643 : memref<1x128xi32, #tpu.memory_space<vmem>> -> memref<128xi32, #tpu.memory_space<vmem>>
    %dma_start3A_1645 = arith.constant 0 : i32
    %dma_start3A_1646 = arith.constant 0 : i32
    %dma_start3A_1647 = tpu.memref_slice %arg6[%dma_start3A_1645, %dma_start3A_1646] : memref<15625x64xf32, #tpu.memory_space<hbm>> -> memref<15625x64xf32, #tpu.memory_space<hbm>>
    tpu.enqueue_indirect_dma source(%dma_start3A_1647 : memref<15625x64xf32, #tpu.memory_space<hbm>>) target(%arg22 : memref<128x64xf32, #tpu.memory_space<vmem>>) offsets(%dma_start3A_1644 : memref<128xi32, #tpu.memory_space<vmem>>) semaphore(%arg26 : memref<!tpu.dma_semaphore, #tpu.memory_space<semaphore_mem>>)
    %dma_start3A_1648 = arith.constant 2 : i32
    %dma_start3A_1649 = arith.constant 0 : i32
    %dma_start3A_1650 = tpu.memref_slice %arg17[%dma_start3A_1648, %dma_start3A_1649] : memref<4x128xi32, #tpu.memory_space<vmem>> -> memref<1x128xi32, #tpu.memory_space<vmem>>
    %dma_start3A_1651 = tpu.memref_squeeze %dma_start3A_1650 : memref<1x128xi32, #tpu.memory_space<vmem>> -> memref<128xi32, #tpu.memory_space<vmem>>
    %dma_start3A_1652 = arith.constant 0 : i32
    %dma_start3A_1653 = arith.constant 0 : i32
    %dma_start3A_1654 = tpu.memref_slice %arg8[%dma_start3A_1652, %dma_start3A_1653] : memref<15625x64xf32, #tpu.memory_space<hbm>> -> memref<15625x64xf32, #tpu.memory_space<hbm>>
    tpu.enqueue_indirect_dma source(%dma_start3A_1654 : memref<15625x64xf32, #tpu.memory_space<hbm>>) target(%arg23 : memref<128x64xf32, #tpu.memory_space<vmem>>) offsets(%dma_start3A_1651 : memref<128xi32, #tpu.memory_space<vmem>>) semaphore(%arg26 : memref<!tpu.dma_semaphore, #tpu.memory_space<semaphore_mem>>)
    %dma_start3A_1655 = arith.constant 2 : i32
    %dma_start3A_1656 = arith.constant 0 : i32
    %dma_start3A_1657 = tpu.memref_slice %arg18[%dma_start3A_1655, %dma_start3A_1656] : memref<4x128xi32, #tpu.memory_space<vmem>> -> memref<1x128xi32, #tpu.memory_space<vmem>>
    %dma_start3A_1658 = tpu.memref_squeeze %dma_start3A_1657 : memref<1x128xi32, #tpu.memory_space<vmem>> -> memref<128xi32, #tpu.memory_space<vmem>>
    %dma_start3A_1659 = arith.constant 0 : i32
    %dma_start3A_1660 = arith.constant 0 : i32
    %dma_start3A_1661 = tpu.memref_slice %arg8[%dma_start3A_1659, %dma_start3A_1660] : memref<15625x64xf32, #tpu.memory_space<hbm>> -> memref<15625x64xf32, #tpu.memory_space<hbm>>
    tpu.enqueue_indirect_dma source(%dma_start3A_1661 : memref<15625x64xf32, #tpu.memory_space<hbm>>) target(%arg24 : memref<128x64xf32, #tpu.memory_space<vmem>>) offsets(%dma_start3A_1658 : memref<128xi32, #tpu.memory_space<vmem>>) semaphore(%arg26 : memref<!tpu.dma_semaphore, #tpu.memory_space<semaphore_mem>>)
    %dma_wait3A_1662 = arith.constant 2 : i32
    %dma_wait3A_1663 = arith.constant 0 : i32
    %dma_wait3A_1664 = tpu.memref_slice %arg13[%dma_wait3A_1662, %dma_wait3A_1663] : memref<4x128xi32, #tpu.memory_space<vmem>> -> memref<1x128xi32, #tpu.memory_space<vmem>>
    %dma_wait3A_1665 = tpu.memref_squeeze %dma_wait3A_1664 : memref<1x128xi32, #tpu.memory_space<vmem>> -> memref<128xi32, #tpu.memory_space<vmem>>
    %dma_wait3A_1666 = arith.constant 0 : i32
    %dma_wait3A_1667 = arith.constant 0 : i32
    %dma_wait3A_1668 = tpu.memref_slice %arg5[%dma_wait3A_1666, %dma_wait3A_1667] : memref<1000000x64xf32, #tpu.memory_space<hbm>> -> memref<1000000x64xf32, #tpu.memory_space<hbm>>
    tpu.wait_indirect_dma semaphore(%arg26 : memref<!tpu.dma_semaphore, #tpu.memory_space<semaphore_mem>>) src(%dma_wait3A_1668 : memref<1000000x64xf32, #tpu.memory_space<hbm>>) dst(%arg19 : memref<128x64xf32, #tpu.memory_space<vmem>>)
    %dma_wait3A_1669 = arith.constant 2 : i32
    %dma_wait3A_1670 = arith.constant 0 : i32
    %dma_wait3A_1671 = tpu.memref_slice %arg14[%dma_wait3A_1669, %dma_wait3A_1670] : memref<4x128xi32, #tpu.memory_space<vmem>> -> memref<1x128xi32, #tpu.memory_space<vmem>>
    %dma_wait3A_1672 = tpu.memref_squeeze %dma_wait3A_1671 : memref<1x128xi32, #tpu.memory_space<vmem>> -> memref<128xi32, #tpu.memory_space<vmem>>
    %dma_wait3A_1673 = arith.constant 0 : i32
    %dma_wait3A_1674 = arith.constant 0 : i32
    %dma_wait3A_1675 = tpu.memref_slice %arg7[%dma_wait3A_1673, %dma_wait3A_1674] : memref<1000000x64xf32, #tpu.memory_space<hbm>> -> memref<1000000x64xf32, #tpu.memory_space<hbm>>
    tpu.wait_indirect_dma semaphore(%arg26 : memref<!tpu.dma_semaphore, #tpu.memory_space<semaphore_mem>>) src(%dma_wait3A_1675 : memref<1000000x64xf32, #tpu.memory_space<hbm>>) dst(%arg20 : memref<128x64xf32, #tpu.memory_space<vmem>>)
    %dma_wait3A_1676 = arith.constant 2 : i32
    %dma_wait3A_1677 = arith.constant 0 : i32
    %dma_wait3A_1678 = tpu.memref_slice %arg15[%dma_wait3A_1676, %dma_wait3A_1677] : memref<4x128xi32, #tpu.memory_space<vmem>> -> memref<1x128xi32, #tpu.memory_space<vmem>>
    %dma_wait3A_1679 = tpu.memref_squeeze %dma_wait3A_1678 : memref<1x128xi32, #tpu.memory_space<vmem>> -> memref<128xi32, #tpu.memory_space<vmem>>
    %dma_wait3A_1680 = arith.constant 0 : i32
    %dma_wait3A_1681 = arith.constant 0 : i32
    %dma_wait3A_1682 = tpu.memref_slice %arg7[%dma_wait3A_1680, %dma_wait3A_1681] : memref<1000000x64xf32, #tpu.memory_space<hbm>> -> memref<1000000x64xf32, #tpu.memory_space<hbm>>
    tpu.wait_indirect_dma semaphore(%arg26 : memref<!tpu.dma_semaphore, #tpu.memory_space<semaphore_mem>>) src(%dma_wait3A_1682 : memref<1000000x64xf32, #tpu.memory_space<hbm>>) dst(%arg21 : memref<128x64xf32, #tpu.memory_space<vmem>>)
    %dma_wait3A_1683 = arith.constant 2 : i32
    %dma_wait3A_1684 = arith.constant 0 : i32
    %dma_wait3A_1685 = tpu.memref_slice %arg16[%dma_wait3A_1683, %dma_wait3A_1684] : memref<4x128xi32, #tpu.memory_space<vmem>> -> memref<1x128xi32, #tpu.memory_space<vmem>>
    %dma_wait3A_1686 = tpu.memref_squeeze %dma_wait3A_1685 : memref<1x128xi32, #tpu.memory_space<vmem>> -> memref<128xi32, #tpu.memory_space<vmem>>
    %dma_wait3A_1687 = arith.constant 0 : i32
    %dma_wait3A_1688 = arith.constant 0 : i32
    %dma_wait3A_1689 = tpu.memref_slice %arg6[%dma_wait3A_1687, %dma_wait3A_1688] : memref<15625x64xf32, #tpu.memory_space<hbm>> -> memref<15625x64xf32, #tpu.memory_space<hbm>>
    tpu.wait_indirect_dma semaphore(%arg26 : memref<!tpu.dma_semaphore, #tpu.memory_space<semaphore_mem>>) src(%dma_wait3A_1689 : memref<15625x64xf32, #tpu.memory_space<hbm>>) dst(%arg22 : memref<128x64xf32, #tpu.memory_space<vmem>>)
    %dma_wait3A_1690 = arith.constant 2 : i32
    %dma_wait3A_1691 = arith.constant 0 : i32
    %dma_wait3A_1692 = tpu.memref_slice %arg17[%dma_wait3A_1690, %dma_wait3A_1691] : memref<4x128xi32, #tpu.memory_space<vmem>> -> memref<1x128xi32, #tpu.memory_space<vmem>>
    %dma_wait3A_1693 = tpu.memref_squeeze %dma_wait3A_1692 : memref<1x128xi32, #tpu.memory_space<vmem>> -> memref<128xi32, #tpu.memory_space<vmem>>
    %dma_wait3A_1694 = arith.constant 0 : i32
    %dma_wait3A_1695 = arith.constant 0 : i32
    %dma_wait3A_1696 = tpu.memref_slice %arg8[%dma_wait3A_1694, %dma_wait3A_1695] : memref<15625x64xf32, #tpu.memory_space<hbm>> -> memref<15625x64xf32, #tpu.memory_space<hbm>>
    tpu.wait_indirect_dma semaphore(%arg26 : memref<!tpu.dma_semaphore, #tpu.memory_space<semaphore_mem>>) src(%dma_wait3A_1696 : memref<15625x64xf32, #tpu.memory_space<hbm>>) dst(%arg23 : memref<128x64xf32, #tpu.memory_space<vmem>>)
    %dma_wait3A_1697 = arith.constant 2 : i32
    %dma_wait3A_1698 = arith.constant 0 : i32
    %dma_wait3A_1699 = tpu.memref_slice %arg18[%dma_wait3A_1697, %dma_wait3A_1698] : memref<4x128xi32, #tpu.memory_space<vmem>> -> memref<1x128xi32, #tpu.memory_space<vmem>>
    %dma_wait3A_1700 = tpu.memref_squeeze %dma_wait3A_1699 : memref<1x128xi32, #tpu.memory_space<vmem>> -> memref<128xi32, #tpu.memory_space<vmem>>
    %dma_wait3A_1701 = arith.constant 0 : i32
    %dma_wait3A_1702 = arith.constant 0 : i32
    %dma_wait3A_1703 = tpu.memref_slice %arg8[%dma_wait3A_1701, %dma_wait3A_1702] : memref<15625x64xf32, #tpu.memory_space<hbm>> -> memref<15625x64xf32, #tpu.memory_space<hbm>>
    tpu.wait_indirect_dma semaphore(%arg26 : memref<!tpu.dma_semaphore, #tpu.memory_space<semaphore_mem>>) src(%dma_wait3A_1703 : memref<15625x64xf32, #tpu.memory_space<hbm>>) dst(%arg24 : memref<128x64xf32, #tpu.memory_space<vmem>>)
    %scan3A_1704 = arith.constant 0 : i32
    %scan3A_1705 = arith.constant 8 : i32
    %scan3A_1706 = arith.addi %scan3A_1704, %scan3A_1705 : i32
    %scan3A_1707 = arith.constant 1 : i32
    %scan3A_1708:2 = scf.for %scan3A_1818 = %scan3A_1704 to %scan3A_1706 step %scan3A_1707 iter_args(%scan3A_1819 = %scan3A_1618#0, %scan3A_1820 = %scan3A_1618#1) -> (vector<16xf32>, vector<16xf32>)  : i32 {
      %mul3A_1821 = arith.constant 16 : i32
      %mul3A_1822 = arith.muli %scan3A_1818, %mul3A_1821 : i32
      %add3A_1823 = vector.broadcast %mul3A_1822 : i32 to vector<16xi32>
      %add3A_1824 = arith.addi %add3A_1823, %iota3A : vector<16xi32>
      %broadcast_in_dim3A_1825 = arith.constant 2 : i32
      %broadcast_in_dim3A_1826 = vector.broadcast %broadcast_in_dim3A_1825 : i32 to vector<16xi32>
      %mul3A_1827 = arith.constant 16 : i32
      %mul3A_1828 = arith.muli %scan3A_1818, %mul3A_1827 : i32
      %add3A_1829 = vector.broadcast %mul3A_1828 : i32 to vector<16xi32>
      %add3A_1830 = arith.addi %add3A_1829, %iota3A : vector<16xi32>
      %gather3A = tpu.vector_load_idx %arg10[%broadcast_in_dim3A_1826, %add3A_1830] : memref<4x128xi32, #tpu.memory_space<vmem>>[vector<16xi32>, vector<16xi32>], vector<16xi32>,
      %gather3A_1831 = tpu.vector_load_idx %arg11[%broadcast_in_dim3A_1826, %add3A_1830] : memref<4x128xi32, #tpu.memory_space<vmem>>[vector<16xi32>, vector<16xi32>], vector<16xi32>,
      %gather3A_1832 = tpu.vector_load_idx %arg12[%broadcast_in_dim3A_1826, %add3A_1830] : memref<4x128xi32, #tpu.memory_space<vmem>>[vector<16xi32>, vector<16xi32>], vector<16xi32>,
      %broadcast_in_dim3A_1833 = arith.constant 0 : i32
      %broadcast_in_dim3A_1834 = vector.broadcast %broadcast_in_dim3A_1833 : i32 to vector<16xi32>
      %scan3A_1835 = arith.constant 0 : i32
      %scan3A_1836 = arith.constant 64 : i32
      %scan3A_1837 = arith.addi %scan3A_1835, %scan3A_1836 : i32
      %scan3A_1838 = arith.constant 1 : i32
      %scan3A_1839:5 = scf.for %scan3A_1940 = %scan3A_1835 to %scan3A_1837 step %scan3A_1838 iter_args(%scan3A_1941 = %broadcast_in_dim3A_1438, %scan3A_1942 = %broadcast_in_dim3A_1438, %scan3A_1943 = %broadcast_in_dim3A_1438, %scan3A_1944 = %broadcast_in_dim3A_1438, %scan3A_1945 = %broadcast_in_dim3A_1438) -> (vector<16xf32>, vector<16xf32>, vector<16xf32>, vector<16xf32>, vector<16xf32>)  : i32 {
        %add3A_1946 = vector.broadcast %scan3A_1940 : i32 to vector<16xi32>
        %add3A_1947 = arith.addi %broadcast_in_dim3A_1834, %add3A_1946 : vector<16xi32>
        %gather3A_1948 = tpu.vector_load_idx %arg19[%add3A_1824, %add3A_1947] : memref<128x64xf32, #tpu.memory_space<vmem>>[vector<16xi32>, vector<16xi32>], vector<16xf32>,
        %add3A_1949 = vector.broadcast %scan3A_1940 : i32 to vector<16xi32>
        %add3A_1950 = arith.addi %broadcast_in_dim3A_1834, %add3A_1949 : vector<16xi32>
        %gather3A_1951 = tpu.vector_load_idx %arg20[%add3A_1824, %add3A_1950] : memref<128x64xf32, #tpu.memory_space<vmem>>[vector<16xi32>, vector<16xi32>], vector<16xf32>,
        %add3A_1952 = vector.broadcast %scan3A_1940 : i32 to vector<16xi32>
        %add3A_1953 = arith.addi %broadcast_in_dim3A_1834, %add3A_1952 : vector<16xi32>
        %gather3A_1954 = tpu.vector_load_idx %arg21[%add3A_1824, %add3A_1953] : memref<128x64xf32, #tpu.memory_space<vmem>>[vector<16xi32>, vector<16xi32>], vector<16xf32>,
        %mul3A_1955 = arith.mulf %gather3A_1948, %gather3A_1948 : vector<16xf32>
        %add3A_1956 = arith.addf %scan3A_1941, %mul3A_1955 : vector<16xf32>
        %mul3A_1957 = arith.mulf %gather3A_1951, %gather3A_1951 : vector<16xf32>
        %add3A_1958 = arith.addf %scan3A_1942, %mul3A_1957 : vector<16xf32>
        %mul3A_1959 = arith.mulf %gather3A_1954, %gather3A_1954 : vector<16xf32>
        %add3A_1960 = arith.addf %scan3A_1943, %mul3A_1959 : vector<16xf32>
        %mul3A_1961 = arith.mulf %gather3A_1948, %gather3A_1951 : vector<16xf32>
        %add3A_1962 = arith.addf %scan3A_1944, %mul3A_1961 : vector<16xf32>
        %mul3A_1963 = arith.mulf %gather3A_1948, %gather3A_1954 : vector<16xf32>
        %add3A_1964 = arith.addf %scan3A_1945, %mul3A_1963 : vector<16xf32>
        scf.yield %add3A_1956, %add3A_1958, %add3A_1960, %add3A_1962, %add3A_1964 : vector<16xf32>, vector<16xf32>, vector<16xf32>, vector<16xf32>, vector<16xf32>
      }
      %scan3A_1840 = arith.constant 64 : i32
      %and3A = arith.andi %gather3A, %broadcast_in_dim3A_1442 : vector<16xi32>
      %gather3A_1841 = tpu.vector_load_idx %arg22[%add3A_1824, %and3A] : memref<128x64xf32, #tpu.memory_space<vmem>>[vector<16xi32>, vector<16xi32>], vector<16xf32>,
      %and3A_1842 = arith.andi %gather3A_1831, %broadcast_in_dim3A_1442 : vector<16xi32>
      %gather3A_1843 = tpu.vector_load_idx %arg23[%add3A_1824, %and3A_1842] : memref<128x64xf32, #tpu.memory_space<vmem>>[vector<16xi32>, vector<16xi32>], vector<16xf32>,
      %and3A_1844 = arith.andi %gather3A_1832, %broadcast_in_dim3A_1442 : vector<16xi32>
      %gather3A_1845 = tpu.vector_load_idx %arg24[%add3A_1824, %and3A_1844] : memref<128x64xf32, #tpu.memory_space<vmem>>[vector<16xi32>, vector<16xi32>], vector<16xf32>,
      %bitcast3A = vector.bitcast %scan3A_1839#0 : vector<16xf32> to vector<16xi32>
      %shift_right_arithmetic3A_1846 = arith.constant 1 : i32
      %shift_right_arithmetic3A_1847 = vector.broadcast %shift_right_arithmetic3A_1846 : i32 to vector<16xi32>
      %shift_right_arithmetic3A_1848 = arith.shrsi %bitcast3A, %shift_right_arithmetic3A_1847 : vector<16xi32>
      %sub3A = arith.constant 1597463007 : i32
      %sub3A_1849 = vector.broadcast %sub3A : i32 to vector<16xi32>
      %sub3A_1850 = arith.subi %sub3A_1849, %shift_right_arithmetic3A_1848 : vector<16xi32>
      %bitcast3A_1851 = vector.bitcast %sub3A_1850 : vector<16xi32> to vector<16xf32>
      %mul3A_1852 = arith.constant 5.000000e-01 : f32
      %mul3A_1853 = vector.broadcast %mul3A_1852 : f32 to vector<16xf32>
      %mul3A_1854 = arith.mulf %scan3A_1839#0, %mul3A_1853 : vector<16xf32>
      %mul3A_1855 = arith.mulf %mul3A_1854, %bitcast3A_1851 : vector<16xf32>
      %mul3A_1856 = arith.mulf %mul3A_1855, %bitcast3A_1851 : vector<16xf32>
      %sub3A_1857 = arith.constant 1.500000e+00 : f32
      %sub3A_1858 = vector.broadcast %sub3A_1857 : f32 to vector<16xf32>
      %sub3A_1859 = arith.subf %sub3A_1858, %mul3A_1856 : vector<16xf32>
      %mul3A_1860 = arith.mulf %bitcast3A_1851, %sub3A_1859 : vector<16xf32>
      %mul3A_1861 = arith.mulf %mul3A_1854, %mul3A_1860 : vector<16xf32>
      %mul3A_1862 = arith.mulf %mul3A_1861, %mul3A_1860 : vector<16xf32>
      %sub3A_1863 = arith.constant 1.500000e+00 : f32
      %sub3A_1864 = vector.broadcast %sub3A_1863 : f32 to vector<16xf32>
      %sub3A_1865 = arith.subf %sub3A_1864, %mul3A_1862 : vector<16xf32>
      %mul3A_1866 = arith.mulf %mul3A_1860, %sub3A_1865 : vector<16xf32>
      %mul3A_1867 = arith.mulf %mul3A_1854, %mul3A_1866 : vector<16xf32>
      %mul3A_1868 = arith.mulf %mul3A_1867, %mul3A_1866 : vector<16xf32>
      %sub3A_1869 = arith.constant 1.500000e+00 : f32
      %sub3A_1870 = vector.broadcast %sub3A_1869 : f32 to vector<16xf32>
      %sub3A_1871 = arith.subf %sub3A_1870, %mul3A_1868 : vector<16xf32>
      %mul3A_1872 = arith.mulf %mul3A_1866, %sub3A_1871 : vector<16xf32>
      %mul3A_1873 = arith.mulf %gather3A_1841, %mul3A_1872 : vector<16xf32>
      %bitcast3A_1874 = vector.bitcast %scan3A_1839#1 : vector<16xf32> to vector<16xi32>
      %shift_right_arithmetic3A_1875 = arith.constant 1 : i32
      %shift_right_arithmetic3A_1876 = vector.broadcast %shift_right_arithmetic3A_1875 : i32 to vector<16xi32>
      %shift_right_arithmetic3A_1877 = arith.shrsi %bitcast3A_1874, %shift_right_arithmetic3A_1876 : vector<16xi32>
      %sub3A_1878 = arith.constant 1597463007 : i32
      %sub3A_1879 = vector.broadcast %sub3A_1878 : i32 to vector<16xi32>
      %sub3A_1880 = arith.subi %sub3A_1879, %shift_right_arithmetic3A_1877 : vector<16xi32>
      %bitcast3A_1881 = vector.bitcast %sub3A_1880 : vector<16xi32> to vector<16xf32>
      %mul3A_1882 = arith.constant 5.000000e-01 : f32
      %mul3A_1883 = vector.broadcast %mul3A_1882 : f32 to vector<16xf32>
      %mul3A_1884 = arith.mulf %scan3A_1839#1, %mul3A_1883 : vector<16xf32>
      %mul3A_1885 = arith.mulf %mul3A_1884, %bitcast3A_1881 : vector<16xf32>
      %mul3A_1886 = arith.mulf %mul3A_1885, %bitcast3A_1881 : vector<16xf32>
      %sub3A_1887 = arith.constant 1.500000e+00 : f32
      %sub3A_1888 = vector.broadcast %sub3A_1887 : f32 to vector<16xf32>
      %sub3A_1889 = arith.subf %sub3A_1888, %mul3A_1886 : vector<16xf32>
      %mul3A_1890 = arith.mulf %bitcast3A_1881, %sub3A_1889 : vector<16xf32>
      %mul3A_1891 = arith.mulf %mul3A_1884, %mul3A_1890 : vector<16xf32>
      %mul3A_1892 = arith.mulf %mul3A_1891, %mul3A_1890 : vector<16xf32>
      %sub3A_1893 = arith.constant 1.500000e+00 : f32
      %sub3A_1894 = vector.broadcast %sub3A_1893 : f32 to vector<16xf32>
      %sub3A_1895 = arith.subf %sub3A_1894, %mul3A_1892 : vector<16xf32>
      %mul3A_1896 = arith.mulf %mul3A_1890, %sub3A_1895 : vector<16xf32>
      %mul3A_1897 = arith.mulf %mul3A_1884, %mul3A_1896 : vector<16xf32>
      %mul3A_1898 = arith.mulf %mul3A_1897, %mul3A_1896 : vector<16xf32>
      %sub3A_1899 = arith.constant 1.500000e+00 : f32
      %sub3A_1900 = vector.broadcast %sub3A_1899 : f32 to vector<16xf32>
      %sub3A_1901 = arith.subf %sub3A_1900, %mul3A_1898 : vector<16xf32>
      %mul3A_1902 = arith.mulf %mul3A_1896, %sub3A_1901 : vector<16xf32>
      %mul3A_1903 = arith.mulf %gather3A_1843, %mul3A_1902 : vector<16xf32>
      %mul3A_1904 = arith.mulf %mul3A_1873, %mul3A_1903 : vector<16xf32>
      %mul3A_1905 = arith.mulf %mul3A_1904, %scan3A_1839#3 : vector<16xf32>
      %add3A_1906 = arith.addf %scan3A_1819, %mul3A_1905 : vector<16xf32>
      %bitcast3A_1907 = vector.bitcast %scan3A_1839#2 : vector<16xf32> to vector<16xi32>
      %shift_right_arithmetic3A_1908 = arith.constant 1 : i32
      %shift_right_arithmetic3A_1909 = vector.broadcast %shift_right_arithmetic3A_1908 : i32 to vector<16xi32>
      %shift_right_arithmetic3A_1910 = arith.shrsi %bitcast3A_1907, %shift_right_arithmetic3A_1909 : vector<16xi32>
      %sub3A_1911 = arith.constant 1597463007 : i32
      %sub3A_1912 = vector.broadcast %sub3A_1911 : i32 to vector<16xi32>
      %sub3A_1913 = arith.subi %sub3A_1912, %shift_right_arithmetic3A_1910 : vector<16xi32>
      %bitcast3A_1914 = vector.bitcast %sub3A_1913 : vector<16xi32> to vector<16xf32>
      %mul3A_1915 = arith.constant 5.000000e-01 : f32
      %mul3A_1916 = vector.broadcast %mul3A_1915 : f32 to vector<16xf32>
      %mul3A_1917 = arith.mulf %scan3A_1839#2, %mul3A_1916 : vector<16xf32>
      %mul3A_1918 = arith.mulf %mul3A_1917, %bitcast3A_1914 : vector<16xf32>
      %mul3A_1919 = arith.mulf %mul3A_1918, %bitcast3A_1914 : vector<16xf32>
      %sub3A_1920 = arith.constant 1.500000e+00 : f32
      %sub3A_1921 = vector.broadcast %sub3A_1920 : f32 to vector<16xf32>
      %sub3A_1922 = arith.subf %sub3A_1921, %mul3A_1919 : vector<16xf32>
      %mul3A_1923 = arith.mulf %bitcast3A_1914, %sub3A_1922 : vector<16xf32>
      %mul3A_1924 = arith.mulf %mul3A_1917, %mul3A_1923 : vector<16xf32>
      %mul3A_1925 = arith.mulf %mul3A_1924, %mul3A_1923 : vector<16xf32>
      %sub3A_1926 = arith.constant 1.500000e+00 : f32
      %sub3A_1927 = vector.broadcast %sub3A_1926 : f32 to vector<16xf32>
      %sub3A_1928 = arith.subf %sub3A_1927, %mul3A_1925 : vector<16xf32>
      %mul3A_1929 = arith.mulf %mul3A_1923, %sub3A_1928 : vector<16xf32>
      %mul3A_1930 = arith.mulf %mul3A_1917, %mul3A_1929 : vector<16xf32>
      %mul3A_1931 = arith.mulf %mul3A_1930, %mul3A_1929 : vector<16xf32>
      %sub3A_1932 = arith.constant 1.500000e+00 : f32
      %sub3A_1933 = vector.broadcast %sub3A_1932 : f32 to vector<16xf32>
      %sub3A_1934 = arith.subf %sub3A_1933, %mul3A_1931 : vector<16xf32>
      %mul3A_1935 = arith.mulf %mul3A_1929, %sub3A_1934 : vector<16xf32>
      %mul3A_1936 = arith.mulf %gather3A_1845, %mul3A_1935 : vector<16xf32>
      %mul3A_1937 = arith.mulf %mul3A_1873, %mul3A_1936 : vector<16xf32>
      %mul3A_1938 = arith.mulf %mul3A_1937, %scan3A_1839#4 : vector<16xf32>
      %add3A_1939 = arith.addf %scan3A_1820, %mul3A_1938 : vector<16xf32>
      scf.yield %add3A_1906, %add3A_1939 : vector<16xf32>, vector<16xf32>
    }
    %scan3A_1709 = arith.constant 8 : i32
    %dma_start3A_1710 = arith.constant 3 : i32
    %dma_start3A_1711 = arith.constant 0 : i32
    %dma_start3A_1712 = tpu.memref_slice %arg13[%dma_start3A_1710, %dma_start3A_1711] : memref<4x128xi32, #tpu.memory_space<vmem>> -> memref<1x128xi32, #tpu.memory_space<vmem>>
    %dma_start3A_1713 = tpu.memref_squeeze %dma_start3A_1712 : memref<1x128xi32, #tpu.memory_space<vmem>> -> memref<128xi32, #tpu.memory_space<vmem>>
    %dma_start3A_1714 = arith.constant 0 : i32
    %dma_start3A_1715 = arith.constant 0 : i32
    %dma_start3A_1716 = tpu.memref_slice %arg5[%dma_start3A_1714, %dma_start3A_1715] : memref<1000000x64xf32, #tpu.memory_space<hbm>> -> memref<1000000x64xf32, #tpu.memory_space<hbm>>
    tpu.enqueue_indirect_dma source(%dma_start3A_1716 : memref<1000000x64xf32, #tpu.memory_space<hbm>>) target(%arg19 : memref<128x64xf32, #tpu.memory_space<vmem>>) offsets(%dma_start3A_1713 : memref<128xi32, #tpu.memory_space<vmem>>) semaphore(%arg26 : memref<!tpu.dma_semaphore, #tpu.memory_space<semaphore_mem>>)
    %dma_start3A_1717 = arith.constant 3 : i32
    %dma_start3A_1718 = arith.constant 0 : i32
    %dma_start3A_1719 = tpu.memref_slice %arg14[%dma_start3A_1717, %dma_start3A_1718] : memref<4x128xi32, #tpu.memory_space<vmem>> -> memref<1x128xi32, #tpu.memory_space<vmem>>
    %dma_start3A_1720 = tpu.memref_squeeze %dma_start3A_1719 : memref<1x128xi32, #tpu.memory_space<vmem>> -> memref<128xi32, #tpu.memory_space<vmem>>
    %dma_start3A_1721 = arith.constant 0 : i32
    %dma_start3A_1722 = arith.constant 0 : i32
    %dma_start3A_1723 = tpu.memref_slice %arg7[%dma_start3A_1721, %dma_start3A_1722] : memref<1000000x64xf32, #tpu.memory_space<hbm>> -> memref<1000000x64xf32, #tpu.memory_space<hbm>>
    tpu.enqueue_indirect_dma source(%dma_start3A_1723 : memref<1000000x64xf32, #tpu.memory_space<hbm>>) target(%arg20 : memref<128x64xf32, #tpu.memory_space<vmem>>) offsets(%dma_start3A_1720 : memref<128xi32, #tpu.memory_space<vmem>>) semaphore(%arg26 : memref<!tpu.dma_semaphore, #tpu.memory_space<semaphore_mem>>)
    %dma_start3A_1724 = arith.constant 3 : i32
    %dma_start3A_1725 = arith.constant 0 : i32
    %dma_start3A_1726 = tpu.memref_slice %arg15[%dma_start3A_1724, %dma_start3A_1725] : memref<4x128xi32, #tpu.memory_space<vmem>> -> memref<1x128xi32, #tpu.memory_space<vmem>>
    %dma_start3A_1727 = tpu.memref_squeeze %dma_start3A_1726 : memref<1x128xi32, #tpu.memory_space<vmem>> -> memref<128xi32, #tpu.memory_space<vmem>>
    %dma_start3A_1728 = arith.constant 0 : i32
    %dma_start3A_1729 = arith.constant 0 : i32
    %dma_start3A_1730 = tpu.memref_slice %arg7[%dma_start3A_1728, %dma_start3A_1729] : memref<1000000x64xf32, #tpu.memory_space<hbm>> -> memref<1000000x64xf32, #tpu.memory_space<hbm>>
    tpu.enqueue_indirect_dma source(%dma_start3A_1730 : memref<1000000x64xf32, #tpu.memory_space<hbm>>) target(%arg21 : memref<128x64xf32, #tpu.memory_space<vmem>>) offsets(%dma_start3A_1727 : memref<128xi32, #tpu.memory_space<vmem>>) semaphore(%arg26 : memref<!tpu.dma_semaphore, #tpu.memory_space<semaphore_mem>>)
    %dma_start3A_1731 = arith.constant 3 : i32
    %dma_start3A_1732 = arith.constant 0 : i32
    %dma_start3A_1733 = tpu.memref_slice %arg16[%dma_start3A_1731, %dma_start3A_1732] : memref<4x128xi32, #tpu.memory_space<vmem>> -> memref<1x128xi32, #tpu.memory_space<vmem>>
    %dma_start3A_1734 = tpu.memref_squeeze %dma_start3A_1733 : memref<1x128xi32, #tpu.memory_space<vmem>> -> memref<128xi32, #tpu.memory_space<vmem>>
    %dma_start3A_1735 = arith.constant 0 : i32
    %dma_start3A_1736 = arith.constant 0 : i32
    %dma_start3A_1737 = tpu.memref_slice %arg6[%dma_start3A_1735, %dma_start3A_1736] : memref<15625x64xf32, #tpu.memory_space<hbm>> -> memref<15625x64xf32, #tpu.memory_space<hbm>>
    tpu.enqueue_indirect_dma source(%dma_start3A_1737 : memref<15625x64xf32, #tpu.memory_space<hbm>>) target(%arg22 : memref<128x64xf32, #tpu.memory_space<vmem>>) offsets(%dma_start3A_1734 : memref<128xi32, #tpu.memory_space<vmem>>) semaphore(%arg26 : memref<!tpu.dma_semaphore, #tpu.memory_space<semaphore_mem>>)
    %dma_start3A_1738 = arith.constant 3 : i32
    %dma_start3A_1739 = arith.constant 0 : i32
    %dma_start3A_1740 = tpu.memref_slice %arg17[%dma_start3A_1738, %dma_start3A_1739] : memref<4x128xi32, #tpu.memory_space<vmem>> -> memref<1x128xi32, #tpu.memory_space<vmem>>
    %dma_start3A_1741 = tpu.memref_squeeze %dma_start3A_1740 : memref<1x128xi32, #tpu.memory_space<vmem>> -> memref<128xi32, #tpu.memory_space<vmem>>
    %dma_start3A_1742 = arith.constant 0 : i32
    %dma_start3A_1743 = arith.constant 0 : i32
    %dma_start3A_1744 = tpu.memref_slice %arg8[%dma_start3A_1742, %dma_start3A_1743] : memref<15625x64xf32, #tpu.memory_space<hbm>> -> memref<15625x64xf32, #tpu.memory_space<hbm>>
    tpu.enqueue_indirect_dma source(%dma_start3A_1744 : memref<15625x64xf32, #tpu.memory_space<hbm>>) target(%arg23 : memref<128x64xf32, #tpu.memory_space<vmem>>) offsets(%dma_start3A_1741 : memref<128xi32, #tpu.memory_space<vmem>>) semaphore(%arg26 : memref<!tpu.dma_semaphore, #tpu.memory_space<semaphore_mem>>)
    %dma_start3A_1745 = arith.constant 3 : i32
    %dma_start3A_1746 = arith.constant 0 : i32
    %dma_start3A_1747 = tpu.memref_slice %arg18[%dma_start3A_1745, %dma_start3A_1746] : memref<4x128xi32, #tpu.memory_space<vmem>> -> memref<1x128xi32, #tpu.memory_space<vmem>>
    %dma_start3A_1748 = tpu.memref_squeeze %dma_start3A_1747 : memref<1x128xi32, #tpu.memory_space<vmem>> -> memref<128xi32, #tpu.memory_space<vmem>>
    %dma_start3A_1749 = arith.constant 0 : i32
    %dma_start3A_1750 = arith.constant 0 : i32
    %dma_start3A_1751 = tpu.memref_slice %arg8[%dma_start3A_1749, %dma_start3A_1750] : memref<15625x64xf32, #tpu.memory_space<hbm>> -> memref<15625x64xf32, #tpu.memory_space<hbm>>
    tpu.enqueue_indirect_dma source(%dma_start3A_1751 : memref<15625x64xf32, #tpu.memory_space<hbm>>) target(%arg24 : memref<128x64xf32, #tpu.memory_space<vmem>>) offsets(%dma_start3A_1748 : memref<128xi32, #tpu.memory_space<vmem>>) semaphore(%arg26 : memref<!tpu.dma_semaphore, #tpu.memory_space<semaphore_mem>>)
    %dma_wait3A_1752 = arith.constant 3 : i32
    %dma_wait3A_1753 = arith.constant 0 : i32
    %dma_wait3A_1754 = tpu.memref_slice %arg13[%dma_wait3A_1752, %dma_wait3A_1753] : memref<4x128xi32, #tpu.memory_space<vmem>> -> memref<1x128xi32, #tpu.memory_space<vmem>>
    %dma_wait3A_1755 = tpu.memref_squeeze %dma_wait3A_1754 : memref<1x128xi32, #tpu.memory_space<vmem>> -> memref<128xi32, #tpu.memory_space<vmem>>
    %dma_wait3A_1756 = arith.constant 0 : i32
    %dma_wait3A_1757 = arith.constant 0 : i32
    %dma_wait3A_1758 = tpu.memref_slice %arg5[%dma_wait3A_1756, %dma_wait3A_1757] : memref<1000000x64xf32, #tpu.memory_space<hbm>> -> memref<1000000x64xf32, #tpu.memory_space<hbm>>
    tpu.wait_indirect_dma semaphore(%arg26 : memref<!tpu.dma_semaphore, #tpu.memory_space<semaphore_mem>>) src(%dma_wait3A_1758 : memref<1000000x64xf32, #tpu.memory_space<hbm>>) dst(%arg19 : memref<128x64xf32, #tpu.memory_space<vmem>>)
    %dma_wait3A_1759 = arith.constant 3 : i32
    %dma_wait3A_1760 = arith.constant 0 : i32
    %dma_wait3A_1761 = tpu.memref_slice %arg14[%dma_wait3A_1759, %dma_wait3A_1760] : memref<4x128xi32, #tpu.memory_space<vmem>> -> memref<1x128xi32, #tpu.memory_space<vmem>>
    %dma_wait3A_1762 = tpu.memref_squeeze %dma_wait3A_1761 : memref<1x128xi32, #tpu.memory_space<vmem>> -> memref<128xi32, #tpu.memory_space<vmem>>
    %dma_wait3A_1763 = arith.constant 0 : i32
    %dma_wait3A_1764 = arith.constant 0 : i32
    %dma_wait3A_1765 = tpu.memref_slice %arg7[%dma_wait3A_1763, %dma_wait3A_1764] : memref<1000000x64xf32, #tpu.memory_space<hbm>> -> memref<1000000x64xf32, #tpu.memory_space<hbm>>
    tpu.wait_indirect_dma semaphore(%arg26 : memref<!tpu.dma_semaphore, #tpu.memory_space<semaphore_mem>>) src(%dma_wait3A_1765 : memref<1000000x64xf32, #tpu.memory_space<hbm>>) dst(%arg20 : memref<128x64xf32, #tpu.memory_space<vmem>>)
    %dma_wait3A_1766 = arith.constant 3 : i32
    %dma_wait3A_1767 = arith.constant 0 : i32
    %dma_wait3A_1768 = tpu.memref_slice %arg15[%dma_wait3A_1766, %dma_wait3A_1767] : memref<4x128xi32, #tpu.memory_space<vmem>> -> memref<1x128xi32, #tpu.memory_space<vmem>>
    %dma_wait3A_1769 = tpu.memref_squeeze %dma_wait3A_1768 : memref<1x128xi32, #tpu.memory_space<vmem>> -> memref<128xi32, #tpu.memory_space<vmem>>
    %dma_wait3A_1770 = arith.constant 0 : i32
    %dma_wait3A_1771 = arith.constant 0 : i32
    %dma_wait3A_1772 = tpu.memref_slice %arg7[%dma_wait3A_1770, %dma_wait3A_1771] : memref<1000000x64xf32, #tpu.memory_space<hbm>> -> memref<1000000x64xf32, #tpu.memory_space<hbm>>
    tpu.wait_indirect_dma semaphore(%arg26 : memref<!tpu.dma_semaphore, #tpu.memory_space<semaphore_mem>>) src(%dma_wait3A_1772 : memref<1000000x64xf32, #tpu.memory_space<hbm>>) dst(%arg21 : memref<128x64xf32, #tpu.memory_space<vmem>>)
    %dma_wait3A_1773 = arith.constant 3 : i32
    %dma_wait3A_1774 = arith.constant 0 : i32
    %dma_wait3A_1775 = tpu.memref_slice %arg16[%dma_wait3A_1773, %dma_wait3A_1774] : memref<4x128xi32, #tpu.memory_space<vmem>> -> memref<1x128xi32, #tpu.memory_space<vmem>>
    %dma_wait3A_1776 = tpu.memref_squeeze %dma_wait3A_1775 : memref<1x128xi32, #tpu.memory_space<vmem>> -> memref<128xi32, #tpu.memory_space<vmem>>
    %dma_wait3A_1777 = arith.constant 0 : i32
    %dma_wait3A_1778 = arith.constant 0 : i32
    %dma_wait3A_1779 = tpu.memref_slice %arg6[%dma_wait3A_1777, %dma_wait3A_1778] : memref<15625x64xf32, #tpu.memory_space<hbm>> -> memref<15625x64xf32, #tpu.memory_space<hbm>>
    tpu.wait_indirect_dma semaphore(%arg26 : memref<!tpu.dma_semaphore, #tpu.memory_space<semaphore_mem>>) src(%dma_wait3A_1779 : memref<15625x64xf32, #tpu.memory_space<hbm>>) dst(%arg22 : memref<128x64xf32, #tpu.memory_space<vmem>>)
    %dma_wait3A_1780 = arith.constant 3 : i32
    %dma_wait3A_1781 = arith.constant 0 : i32
    %dma_wait3A_1782 = tpu.memref_slice %arg17[%dma_wait3A_1780, %dma_wait3A_1781] : memref<4x128xi32, #tpu.memory_space<vmem>> -> memref<1x128xi32, #tpu.memory_space<vmem>>
    %dma_wait3A_1783 = tpu.memref_squeeze %dma_wait3A_1782 : memref<1x128xi32, #tpu.memory_space<vmem>> -> memref<128xi32, #tpu.memory_space<vmem>>
    %dma_wait3A_1784 = arith.constant 0 : i32
    %dma_wait3A_1785 = arith.constant 0 : i32
    %dma_wait3A_1786 = tpu.memref_slice %arg8[%dma_wait3A_1784, %dma_wait3A_1785] : memref<15625x64xf32, #tpu.memory_space<hbm>> -> memref<15625x64xf32, #tpu.memory_space<hbm>>
    tpu.wait_indirect_dma semaphore(%arg26 : memref<!tpu.dma_semaphore, #tpu.memory_space<semaphore_mem>>) src(%dma_wait3A_1786 : memref<15625x64xf32, #tpu.memory_space<hbm>>) dst(%arg23 : memref<128x64xf32, #tpu.memory_space<vmem>>)
    %dma_wait3A_1787 = arith.constant 3 : i32
    %dma_wait3A_1788 = arith.constant 0 : i32
    %dma_wait3A_1789 = tpu.memref_slice %arg18[%dma_wait3A_1787, %dma_wait3A_1788] : memref<4x128xi32, #tpu.memory_space<vmem>> -> memref<1x128xi32, #tpu.memory_space<vmem>>
    %dma_wait3A_1790 = tpu.memref_squeeze %dma_wait3A_1789 : memref<1x128xi32, #tpu.memory_space<vmem>> -> memref<128xi32, #tpu.memory_space<vmem>>
    %dma_wait3A_1791 = arith.constant 0 : i32
    %dma_wait3A_1792 = arith.constant 0 : i32
    %dma_wait3A_1793 = tpu.memref_slice %arg8[%dma_wait3A_1791, %dma_wait3A_1792] : memref<15625x64xf32, #tpu.memory_space<hbm>> -> memref<15625x64xf32, #tpu.memory_space<hbm>>
    tpu.wait_indirect_dma semaphore(%arg26 : memref<!tpu.dma_semaphore, #tpu.memory_space<semaphore_mem>>) src(%dma_wait3A_1793 : memref<15625x64xf32, #tpu.memory_space<hbm>>) dst(%arg24 : memref<128x64xf32, #tpu.memory_space<vmem>>)
    %scan3A_1794 = arith.constant 0 : i32
    %scan3A_1795 = arith.constant 8 : i32
    %scan3A_1796 = arith.addi %scan3A_1794, %scan3A_1795 : i32
    %scan3A_1797 = arith.constant 1 : i32
    %scan3A_1798:2 = scf.for %scan3A_1818 = %scan3A_1794 to %scan3A_1796 step %scan3A_1797 iter_args(%scan3A_1819 = %scan3A_1708#0, %scan3A_1820 = %scan3A_1708#1) -> (vector<16xf32>, vector<16xf32>)  : i32 {
      %mul3A_1821 = arith.constant 16 : i32
      %mul3A_1822 = arith.muli %scan3A_1818, %mul3A_1821 : i32
      %add3A_1823 = vector.broadcast %mul3A_1822 : i32 to vector<16xi32>
      %add3A_1824 = arith.addi %add3A_1823, %iota3A : vector<16xi32>
      %broadcast_in_dim3A_1825 = arith.constant 3 : i32
      %broadcast_in_dim3A_1826 = vector.broadcast %broadcast_in_dim3A_1825 : i32 to vector<16xi32>
      %mul3A_1827 = arith.constant 16 : i32
      %mul3A_1828 = arith.muli %scan3A_1818, %mul3A_1827 : i32
      %add3A_1829 = vector.broadcast %mul3A_1828 : i32 to vector<16xi32>
      %add3A_1830 = arith.addi %add3A_1829, %iota3A : vector<16xi32>
      %gather3A = tpu.vector_load_idx %arg10[%broadcast_in_dim3A_1826, %add3A_1830] : memref<4x128xi32, #tpu.memory_space<vmem>>[vector<16xi32>, vector<16xi32>], vector<16xi32>,
      %gather3A_1831 = tpu.vector_load_idx %arg11[%broadcast_in_dim3A_1826, %add3A_1830] : memref<4x128xi32, #tpu.memory_space<vmem>>[vector<16xi32>, vector<16xi32>], vector<16xi32>,
      %gather3A_1832 = tpu.vector_load_idx %arg12[%broadcast_in_dim3A_1826, %add3A_1830] : memref<4x128xi32, #tpu.memory_space<vmem>>[vector<16xi32>, vector<16xi32>], vector<16xi32>,
      %broadcast_in_dim3A_1833 = arith.constant 0 : i32
      %broadcast_in_dim3A_1834 = vector.broadcast %broadcast_in_dim3A_1833 : i32 to vector<16xi32>
      %scan3A_1835 = arith.constant 0 : i32
      %scan3A_1836 = arith.constant 64 : i32
      %scan3A_1837 = arith.addi %scan3A_1835, %scan3A_1836 : i32
      %scan3A_1838 = arith.constant 1 : i32
      %scan3A_1839:5 = scf.for %scan3A_1940 = %scan3A_1835 to %scan3A_1837 step %scan3A_1838 iter_args(%scan3A_1941 = %broadcast_in_dim3A_1438, %scan3A_1942 = %broadcast_in_dim3A_1438, %scan3A_1943 = %broadcast_in_dim3A_1438, %scan3A_1944 = %broadcast_in_dim3A_1438, %scan3A_1945 = %broadcast_in_dim3A_1438) -> (vector<16xf32>, vector<16xf32>, vector<16xf32>, vector<16xf32>, vector<16xf32>)  : i32 {
        %add3A_1946 = vector.broadcast %scan3A_1940 : i32 to vector<16xi32>
        %add3A_1947 = arith.addi %broadcast_in_dim3A_1834, %add3A_1946 : vector<16xi32>
        %gather3A_1948 = tpu.vector_load_idx %arg19[%add3A_1824, %add3A_1947] : memref<128x64xf32, #tpu.memory_space<vmem>>[vector<16xi32>, vector<16xi32>], vector<16xf32>,
        %add3A_1949 = vector.broadcast %scan3A_1940 : i32 to vector<16xi32>
        %add3A_1950 = arith.addi %broadcast_in_dim3A_1834, %add3A_1949 : vector<16xi32>
        %gather3A_1951 = tpu.vector_load_idx %arg20[%add3A_1824, %add3A_1950] : memref<128x64xf32, #tpu.memory_space<vmem>>[vector<16xi32>, vector<16xi32>], vector<16xf32>,
        %add3A_1952 = vector.broadcast %scan3A_1940 : i32 to vector<16xi32>
        %add3A_1953 = arith.addi %broadcast_in_dim3A_1834, %add3A_1952 : vector<16xi32>
        %gather3A_1954 = tpu.vector_load_idx %arg21[%add3A_1824, %add3A_1953] : memref<128x64xf32, #tpu.memory_space<vmem>>[vector<16xi32>, vector<16xi32>], vector<16xf32>,
        %mul3A_1955 = arith.mulf %gather3A_1948, %gather3A_1948 : vector<16xf32>
        %add3A_1956 = arith.addf %scan3A_1941, %mul3A_1955 : vector<16xf32>
        %mul3A_1957 = arith.mulf %gather3A_1951, %gather3A_1951 : vector<16xf32>
        %add3A_1958 = arith.addf %scan3A_1942, %mul3A_1957 : vector<16xf32>
        %mul3A_1959 = arith.mulf %gather3A_1954, %gather3A_1954 : vector<16xf32>
        %add3A_1960 = arith.addf %scan3A_1943, %mul3A_1959 : vector<16xf32>
        %mul3A_1961 = arith.mulf %gather3A_1948, %gather3A_1951 : vector<16xf32>
        %add3A_1962 = arith.addf %scan3A_1944, %mul3A_1961 : vector<16xf32>
        %mul3A_1963 = arith.mulf %gather3A_1948, %gather3A_1954 : vector<16xf32>
        %add3A_1964 = arith.addf %scan3A_1945, %mul3A_1963 : vector<16xf32>
        scf.yield %add3A_1956, %add3A_1958, %add3A_1960, %add3A_1962, %add3A_1964 : vector<16xf32>, vector<16xf32>, vector<16xf32>, vector<16xf32>, vector<16xf32>
      }
      %scan3A_1840 = arith.constant 64 : i32
      %and3A = arith.andi %gather3A, %broadcast_in_dim3A_1442 : vector<16xi32>
      %gather3A_1841 = tpu.vector_load_idx %arg22[%add3A_1824, %and3A] : memref<128x64xf32, #tpu.memory_space<vmem>>[vector<16xi32>, vector<16xi32>], vector<16xf32>,
      %and3A_1842 = arith.andi %gather3A_1831, %broadcast_in_dim3A_1442 : vector<16xi32>
      %gather3A_1843 = tpu.vector_load_idx %arg23[%add3A_1824, %and3A_1842] : memref<128x64xf32, #tpu.memory_space<vmem>>[vector<16xi32>, vector<16xi32>], vector<16xf32>,
      %and3A_1844 = arith.andi %gather3A_1832, %broadcast_in_dim3A_1442 : vector<16xi32>
      %gather3A_1845 = tpu.vector_load_idx %arg24[%add3A_1824, %and3A_1844] : memref<128x64xf32, #tpu.memory_space<vmem>>[vector<16xi32>, vector<16xi32>], vector<16xf32>,
      %bitcast3A = vector.bitcast %scan3A_1839#0 : vector<16xf32> to vector<16xi32>
      %shift_right_arithmetic3A_1846 = arith.constant 1 : i32
      %shift_right_arithmetic3A_1847 = vector.broadcast %shift_right_arithmetic3A_1846 : i32 to vector<16xi32>
      %shift_right_arithmetic3A_1848 = arith.shrsi %bitcast3A, %shift_right_arithmetic3A_1847 : vector<16xi32>
      %sub3A = arith.constant 1597463007 : i32
      %sub3A_1849 = vector.broadcast %sub3A : i32 to vector<16xi32>
      %sub3A_1850 = arith.subi %sub3A_1849, %shift_right_arithmetic3A_1848 : vector<16xi32>
      %bitcast3A_1851 = vector.bitcast %sub3A_1850 : vector<16xi32> to vector<16xf32>
      %mul3A_1852 = arith.constant 5.000000e-01 : f32
      %mul3A_1853 = vector.broadcast %mul3A_1852 : f32 to vector<16xf32>
      %mul3A_1854 = arith.mulf %scan3A_1839#0, %mul3A_1853 : vector<16xf32>
      %mul3A_1855 = arith.mulf %mul3A_1854, %bitcast3A_1851 : vector<16xf32>
      %mul3A_1856 = arith.mulf %mul3A_1855, %bitcast3A_1851 : vector<16xf32>
      %sub3A_1857 = arith.constant 1.500000e+00 : f32
      %sub3A_1858 = vector.broadcast %sub3A_1857 : f32 to vector<16xf32>
      %sub3A_1859 = arith.subf %sub3A_1858, %mul3A_1856 : vector<16xf32>
      %mul3A_1860 = arith.mulf %bitcast3A_1851, %sub3A_1859 : vector<16xf32>
      %mul3A_1861 = arith.mulf %mul3A_1854, %mul3A_1860 : vector<16xf32>
      %mul3A_1862 = arith.mulf %mul3A_1861, %mul3A_1860 : vector<16xf32>
      %sub3A_1863 = arith.constant 1.500000e+00 : f32
      %sub3A_1864 = vector.broadcast %sub3A_1863 : f32 to vector<16xf32>
      %sub3A_1865 = arith.subf %sub3A_1864, %mul3A_1862 : vector<16xf32>
      %mul3A_1866 = arith.mulf %mul3A_1860, %sub3A_1865 : vector<16xf32>
      %mul3A_1867 = arith.mulf %mul3A_1854, %mul3A_1866 : vector<16xf32>
      %mul3A_1868 = arith.mulf %mul3A_1867, %mul3A_1866 : vector<16xf32>
      %sub3A_1869 = arith.constant 1.500000e+00 : f32
      %sub3A_1870 = vector.broadcast %sub3A_1869 : f32 to vector<16xf32>
      %sub3A_1871 = arith.subf %sub3A_1870, %mul3A_1868 : vector<16xf32>
      %mul3A_1872 = arith.mulf %mul3A_1866, %sub3A_1871 : vector<16xf32>
      %mul3A_1873 = arith.mulf %gather3A_1841, %mul3A_1872 : vector<16xf32>
      %bitcast3A_1874 = vector.bitcast %scan3A_1839#1 : vector<16xf32> to vector<16xi32>
      %shift_right_arithmetic3A_1875 = arith.constant 1 : i32
      %shift_right_arithmetic3A_1876 = vector.broadcast %shift_right_arithmetic3A_1875 : i32 to vector<16xi32>
      %shift_right_arithmetic3A_1877 = arith.shrsi %bitcast3A_1874, %shift_right_arithmetic3A_1876 : vector<16xi32>
      %sub3A_1878 = arith.constant 1597463007 : i32
      %sub3A_1879 = vector.broadcast %sub3A_1878 : i32 to vector<16xi32>
      %sub3A_1880 = arith.subi %sub3A_1879, %shift_right_arithmetic3A_1877 : vector<16xi32>
      %bitcast3A_1881 = vector.bitcast %sub3A_1880 : vector<16xi32> to vector<16xf32>
      %mul3A_1882 = arith.constant 5.000000e-01 : f32
      %mul3A_1883 = vector.broadcast %mul3A_1882 : f32 to vector<16xf32>
      %mul3A_1884 = arith.mulf %scan3A_1839#1, %mul3A_1883 : vector<16xf32>
      %mul3A_1885 = arith.mulf %mul3A_1884, %bitcast3A_1881 : vector<16xf32>
      %mul3A_1886 = arith.mulf %mul3A_1885, %bitcast3A_1881 : vector<16xf32>
      %sub3A_1887 = arith.constant 1.500000e+00 : f32
      %sub3A_1888 = vector.broadcast %sub3A_1887 : f32 to vector<16xf32>
      %sub3A_1889 = arith.subf %sub3A_1888, %mul3A_1886 : vector<16xf32>
      %mul3A_1890 = arith.mulf %bitcast3A_1881, %sub3A_1889 : vector<16xf32>
      %mul3A_1891 = arith.mulf %mul3A_1884, %mul3A_1890 : vector<16xf32>
      %mul3A_1892 = arith.mulf %mul3A_1891, %mul3A_1890 : vector<16xf32>
      %sub3A_1893 = arith.constant 1.500000e+00 : f32
      %sub3A_1894 = vector.broadcast %sub3A_1893 : f32 to vector<16xf32>
      %sub3A_1895 = arith.subf %sub3A_1894, %mul3A_1892 : vector<16xf32>
      %mul3A_1896 = arith.mulf %mul3A_1890, %sub3A_1895 : vector<16xf32>
      %mul3A_1897 = arith.mulf %mul3A_1884, %mul3A_1896 : vector<16xf32>
      %mul3A_1898 = arith.mulf %mul3A_1897, %mul3A_1896 : vector<16xf32>
      %sub3A_1899 = arith.constant 1.500000e+00 : f32
      %sub3A_1900 = vector.broadcast %sub3A_1899 : f32 to vector<16xf32>
      %sub3A_1901 = arith.subf %sub3A_1900, %mul3A_1898 : vector<16xf32>
      %mul3A_1902 = arith.mulf %mul3A_1896, %sub3A_1901 : vector<16xf32>
      %mul3A_1903 = arith.mulf %gather3A_1843, %mul3A_1902 : vector<16xf32>
      %mul3A_1904 = arith.mulf %mul3A_1873, %mul3A_1903 : vector<16xf32>
      %mul3A_1905 = arith.mulf %mul3A_1904, %scan3A_1839#3 : vector<16xf32>
      %add3A_1906 = arith.addf %scan3A_1819, %mul3A_1905 : vector<16xf32>
      %bitcast3A_1907 = vector.bitcast %scan3A_1839#2 : vector<16xf32> to vector<16xi32>
      %shift_right_arithmetic3A_1908 = arith.constant 1 : i32
      %shift_right_arithmetic3A_1909 = vector.broadcast %shift_right_arithmetic3A_1908 : i32 to vector<16xi32>
      %shift_right_arithmetic3A_1910 = arith.shrsi %bitcast3A_1907, %shift_right_arithmetic3A_1909 : vector<16xi32>
      %sub3A_1911 = arith.constant 1597463007 : i32
      %sub3A_1912 = vector.broadcast %sub3A_1911 : i32 to vector<16xi32>
      %sub3A_1913 = arith.subi %sub3A_1912, %shift_right_arithmetic3A_1910 : vector<16xi32>
      %bitcast3A_1914 = vector.bitcast %sub3A_1913 : vector<16xi32> to vector<16xf32>
      %mul3A_1915 = arith.constant 5.000000e-01 : f32
      %mul3A_1916 = vector.broadcast %mul3A_1915 : f32 to vector<16xf32>
      %mul3A_1917 = arith.mulf %scan3A_1839#2, %mul3A_1916 : vector<16xf32>
      %mul3A_1918 = arith.mulf %mul3A_1917, %bitcast3A_1914 : vector<16xf32>
      %mul3A_1919 = arith.mulf %mul3A_1918, %bitcast3A_1914 : vector<16xf32>
      %sub3A_1920 = arith.constant 1.500000e+00 : f32
      %sub3A_1921 = vector.broadcast %sub3A_1920 : f32 to vector<16xf32>
      %sub3A_1922 = arith.subf %sub3A_1921, %mul3A_1919 : vector<16xf32>
      %mul3A_1923 = arith.mulf %bitcast3A_1914, %sub3A_1922 : vector<16xf32>
      %mul3A_1924 = arith.mulf %mul3A_1917, %mul3A_1923 : vector<16xf32>
      %mul3A_1925 = arith.mulf %mul3A_1924, %mul3A_1923 : vector<16xf32>
      %sub3A_1926 = arith.constant 1.500000e+00 : f32
      %sub3A_1927 = vector.broadcast %sub3A_1926 : f32 to vector<16xf32>
      %sub3A_1928 = arith.subf %sub3A_1927, %mul3A_1925 : vector<16xf32>
      %mul3A_1929 = arith.mulf %mul3A_1923, %sub3A_1928 : vector<16xf32>
      %mul3A_1930 = arith.mulf %mul3A_1917, %mul3A_1929 : vector<16xf32>
      %mul3A_1931 = arith.mulf %mul3A_1930, %mul3A_1929 : vector<16xf32>
      %sub3A_1932 = arith.constant 1.500000e+00 : f32
      %sub3A_1933 = vector.broadcast %sub3A_1932 : f32 to vector<16xf32>
      %sub3A_1934 = arith.subf %sub3A_1933, %mul3A_1931 : vector<16xf32>
      %mul3A_1935 = arith.mulf %mul3A_1929, %sub3A_1934 : vector<16xf32>
      %mul3A_1936 = arith.mulf %gather3A_1845, %mul3A_1935 : vector<16xf32>
      %mul3A_1937 = arith.mulf %mul3A_1873, %mul3A_1936 : vector<16xf32>
      %mul3A_1938 = arith.mulf %mul3A_1937, %scan3A_1839#4 : vector<16xf32>
      %add3A_1939 = arith.addf %scan3A_1820, %mul3A_1938 : vector<16xf32>
      scf.yield %add3A_1906, %add3A_1939 : vector<16xf32>, vector<16xf32>
    }
    %scan3A_1799 = arith.constant 8 : i32
    %reduce_sum3A = arith.constant true
    %reduce_sum3A_1800 = vector.broadcast %reduce_sum3A : i1 to vector<16xi1>
    %reduce_sum3A_1801 = tpu.scan <sum>, %scan3A_1798#0 masked %reduce_sum3A_1800 : vector<16xf32>, vector<16xi1> -> vector<16xf32>
    %reduce_sum3A_1802 = vector.extract %reduce_sum3A_1801[15] : f32 from vector<16xf32>
    %reduce_sum3A_1803 = arith.constant true
    %reduce_sum3A_1804 = vector.broadcast %reduce_sum3A_1803 : i1 to vector<16xi1>
    %reduce_sum3A_1805 = tpu.scan <sum>, %scan3A_1798#1 masked %reduce_sum3A_1804 : vector<16xf32>, vector<16xi1> -> vector<16xf32>
    %reduce_sum3A_1806 = vector.extract %reduce_sum3A_1805[15] : f32 from vector<16xf32>
    %eq3A = arith.constant 0 : i32
    %eq3A_1807 = vector.broadcast %eq3A : i32 to vector<16xi32>
    %eq3A_1808 = arith.cmpi eq, %iota3A, %eq3A_1807 : vector<16xi32>
    %eq3A_1809 = arith.constant 1 : i32
    %eq3A_1810 = vector.broadcast %eq3A_1809 : i32 to vector<16xi32>
    %eq3A_1811 = arith.cmpi eq, %iota3A, %eq3A_1810 : vector<16xi32>
    %jit3A = arith.constant 0.000000e+00 : f32
    %broadcast_in_dim3A_1812 = vector.broadcast %reduce_sum3A_1806 : f32 to vector<16xf32>
    %broadcast_in_dim3A_1813 = vector.broadcast %jit3A : f32 to vector<16xf32>
    %select_n3A = arith.select %eq3A_1811, %broadcast_in_dim3A_1812, %broadcast_in_dim3A_1813 : vector<16xi1>, vector<16xf32>
    %broadcast_in_dim3A_1814 = vector.broadcast %reduce_sum3A_1802 : f32 to vector<16xf32>
    %select_n3A_1815 = arith.select %eq3A_1808, %broadcast_in_dim3A_1814, %select_n3A : vector<16xi1>, vector<16xf32>
    %swap3A_1816 = arith.constant 0 : index
    %swap3A_1817 = tpu.vector_load %arg25[%swap3A_1816] {strides = array<i32>} : memref<16xf32, #tpu.memory_space<vmem>>, vector<16xf32>,
    tpu.vector_store %arg25[%swap3A_1816], %select_n3A_1815 {strides = array<i32>} : memref<16xf32, #tpu.memory_space<vmem>>, vector<16xf32>,
    "tpu.region"() ({
      %run_scoped3A = tpu.sem_alloc : memref<!tpu.dma_semaphore, #tpu.memory_space<semaphore_mem>>
      %dma_start3A_1818 = arith.constant 0 : i32
      %dma_start3A_1819 = tpu.memref_slice %arg9[%add3A, %dma_start3A_1818] : memref<32x16xf32, #tpu.memory_space<hbm>> -> memref<1x16xf32, #tpu.memory_space<hbm>>
      %dma_start3A_1820 = tpu.memref_squeeze %dma_start3A_1819 : memref<1x16xf32, #tpu.memory_space<hbm>> -> memref<16xf32, #tpu.memory_space<hbm>>
      %dma_start3A_1821 = arith.constant 0 : i32
      %dma_start3A_1822 = tpu.memref_slice %arg9[%add3A, %dma_start3A_1821] : memref<32x16xf32, #tpu.memory_space<hbm>> -> memref<1x16xf32, #tpu.memory_space<hbm>>
      %dma_start3A_1823 = tpu.memref_squeeze %dma_start3A_1822 : memref<1x16xf32, #tpu.memory_space<hbm>> -> memref<16xf32, #tpu.memory_space<hbm>>
      tpu.enqueue_dma source(%arg25 : memref<16xf32, #tpu.memory_space<vmem>>) target(%dma_start3A_1823 : memref<16xf32, #tpu.memory_space<hbm>>) target_semaphore(%run_scoped3A : memref<!tpu.dma_semaphore, #tpu.memory_space<semaphore_mem>>)
      %dma_wait3A_1824 = arith.constant 0 : i32
      %dma_wait3A_1825 = tpu.memref_slice %arg9[%add3A, %dma_wait3A_1824] : memref<32x16xf32, #tpu.memory_space<hbm>> -> memref<1x16xf32, #tpu.memory_space<hbm>>
      %dma_wait3A_1826 = tpu.memref_squeeze %dma_wait3A_1825 : memref<1x16xf32, #tpu.memory_space<hbm>> -> memref<16xf32, #tpu.memory_space<hbm>>
      %dma_wait3A_1827 = arith.constant 0 : i32
      %dma_wait3A_1828 = tpu.memref_slice %arg9[%add3A, %dma_wait3A_1827] : memref<32x16xf32, #tpu.memory_space<hbm>> -> memref<1x16xf32, #tpu.memory_space<hbm>>
      %dma_wait3A_1829 = tpu.memref_squeeze %dma_wait3A_1828 : memref<1x16xf32, #tpu.memory_space<hbm>> -> memref<16xf32, #tpu.memory_space<hbm>>
      tpu.wait_dma2 semaphore(%run_scoped3A : memref<!tpu.dma_semaphore, #tpu.memory_space<semaphore_mem>>) src(%arg25 : memref<16xf32, #tpu.memory_space<vmem>>) dst(%dma_wait3A_1829 : memref<16xf32, #tpu.memory_space<hbm>>)
      tpu.yield
    }) : () -> ()
    return
  }
}

</mosaic_0001>

<sc_bundles>
// kernel: kernel.3.cloned.1.call-start
scs
__scs_entry_jumppad:
0x0: {  	(pc) =	sbr.rel $0x88, $3  }
0x1: {  	(tag) =	ssettag $0x0;
	lr =	simm.s32 $0x1  }
0x2: {  	[smem:$0x3F9A] =	sst lr;
	_ =	strace $0xD0000000  }
0x3: {  	_ = 	snop  }
0x4: {  	_ = 	snop  }
0x5: {  	_ = 	snop  }
0x6: {  	_ = 	snop  }
0x7: {  	_ = 	snop  }
__scs_overlays_trampoline_lowered:
0x8: {  	[smem:$0x3FA9] =	sst s0  }
0x9: {  	[smem:$0x3FAA] =	sst s1  }
0xa: {  	[smem:$0x3FAB] =	sst s2  }
0xb: {  	[smem:$0x3FAC] =	sst s3  }
0xc: {  	[smem:$0x3FAD] =	sst s4  }
0xd: {  	[smem:$0x3FAE] =	sst s5  }
0xe: {  	[smem:$0x3FAF] =	sst s6  }
0xf: {  	[smem:$0x3FB0] =	sst s7  }
0x10: {  	[smem:$0x3FB1] =	sst s8  }
0x11: {  	[smem:$0x3FB2] =	sst s9;
	s0 =	simm.s32 @!p0 $0x0  }
0x12: {  	s1 =	sld [smem:$0x3F98];
	s0 =	simm.s32 @p0 $0x1  }
0x13: {  	[smem:$0x3FB3] =	sst s0;
	s0 =	simm.s32 @!p1 $0x0  }
0x14: {  	s2 =	sld [smem:$0x3F97];
	s0 =	simm.s32 @p1 $0x1  }
0x15: {  	[smem:$0x3FB4] =	sst s0;
	s0 =	simm.s32 @!p2 $0x0  }
0x16: {  	s3 =	sld [smem:$0x3FDB];
	s0 =	simm.s32 @p2 $0x1  }
0x17: {  	s4 =	simm.s32 $0x1BF5;
	[smem:$0x3FB6] =	sst s0  }
0x18: {  	s0 =	sld [smem:$0x3F99];
	_ =	swait.ge [sflag:s4], $0x0  }
0x19: {  	s7 =	sld [smem:$0x3F9A]  }
0x1a: {  	s8 =	sadd.s32 $0xFFFFE003, lr  }
0x1b: {  	s9 =	sadd.s32 $0xFFFFFEF7, lr;
	s5 =	simm.s32 $0xFFFFFFFF;
	p2 =	slt.u32 s8, $0xFFFFF086  }
0x1c: {  	p1 =	slt.u32 s9, $0xF7A;
	s5 =	simm.s32 @!p2 $0x0  }
0x1d: {  	s5 =	simm.s32 @p1 $0x1;
	p0 =	seq.s32 s7, s2  }
0x1e: {  	s7 =	smul.u32 @!p0 $0xF7A, s2;
	p2 =	seq.s32 @!p0 s5, $0x0  }
0x1f: {  	s9 =	smul.u32 $0xF7A, s1;
	s8 =	simm.s32 @!p0 $0x1BF5;
	p2 =	por !p2, p0  }
0x20: {  	[sflag:s8] =	ssyncset.s32 @!p0 $0xFFFFF086;
	s6 =	sadd.s32 @!p0 s3, s7;
	s7 =	simm.s32 @!p0 $0x108  }
0x21: {  	s3 =	sadd.s32 s3, s9;
	s6 =	sadd.s32 @!p0 $0x88, s6;
	s7 =	simm.s32 @p2 $0x1082  }
0x22: {  	[simem:s7], [sflag:s8] =	dma.local @!p0 [hbm:s6], $0xF7A  }
0x23: {  	s9 =	sor.u32 $0xD0000000, s2;
	s6 =	simm.s32 $0x108;
	_ =	swait.ge @!p0 [sflag:s8], $0x0  }
0x24: {  	s3 =	sadd.s32 $0x88, s3;
	s6 =	simm.s32 @!p1 $0x1082;
	[sflag:s4] =	ssyncset.s32 $0xFFFFF086  }
0x25: {  	[simem:s6], [sflag:s4] =	dma.local [hbm:s3], $0xF7A  }
0x26: {  	[smem:$0x3F9A] =	sst s1;
	(tag) =	ssettag s2;
	_ =	strace s9  }
0x27: {  	s1 =	sld [smem:$0x3FAA]  }
0x28: {  	s2 =	sld [smem:$0x3FAB]  }
0x29: {  	s4 =	sld [smem:$0x3FAD]  }
0x2a: {  	p0 =	seq.s32 s5, $0x0;
	s5 =	sld [smem:$0x3FAE]  }
0x2b: {  	s6 =	sld [smem:$0x3FAF]  }
0x2c: {  	s7 =	sld [smem:$0x3FB0]  }
0x2d: {  	s3 =	simm.s32 $0x108;
	s8 =	sld [smem:$0x3FB1]  }
0x2e: {  	s3 =	simm.s32 @!p0 $0x1082;
	s9 =	sld [smem:$0x3FB2]  }
0x2f: {  	lr =	sadd.s32 s0, s3;
	s0 =	sld [smem:$0x3FA9]  }
0x30: {  	s3 =	sld [smem:$0x3FAC]  }
0x31: {  	[smem:$0x3FB5] =	sst s10  }
0x32: {  	s10 =	sld [smem:$0x3FB3];
	_ =	sdelay $0x3  }
0x33: {  	p0 =	seq.s32 s10, $0x1;
	s10 =	sld [smem:$0x3FB5];
	_ =	sdelay $0x3  }
0x34: {  	[smem:$0x3FB5] =	sst s10  }
0x35: {  	s10 =	sld [smem:$0x3FB4];
	_ =	sdelay $0x3  }
0x36: {  	p1 =	seq.s32 s10, $0x1;
	s10 =	sld [smem:$0x3FB5];
	_ =	sdelay $0x3  }
0x37: {  	[smem:$0x3FB5] =	sst s10  }
0x38: {  	s10 =	sld [smem:$0x3FB6]  }
0x39: {  	_ = 	snop;
	(pc) =	sbr.ind lr, $3  }
0x3a: {  	_ = 	snop  }
0x3b: {  	_ = 	snop  }
0x3c: {  	p2 =	seq.s32 s10, $0x1;
	s10 =	sld [smem:$0x3FB5]  }
0x3d: {  	_ =	shalt  }
0x3e: {  	_ =	shalt  }
0x3f: {  	_ =	shalt  }
0x40: {  	_ =	shalt  }
0x41: {  	_ =	shalt  }
0x42: {  	_ =	shalt  }
0x43: {  	_ =	shalt  }
0x44: {  	_ =	shalt  }
0x45: {  	_ =	shalt  }
0x46: {  	_ =	shalt  }
0x47: {  	_ =	shalt  }
0x48: {  	_ =	shalt  }
0x49: {  	_ =	shalt  }
0x4a: {  	_ =	shalt  }
0x4b: {  	_ =	shalt  }
0x4c: {  	_ =	shalt  }
0x4d: {  	_ =	shalt  }
0x4e: {  	_ =	shalt  }
0x4f: {  	_ =	shalt  }
0x50: {  	_ =	shalt  }
0x51: {  	_ =	shalt  }
0x52: {  	_ =	shalt  }
0x53: {  	_ =	shalt  }
0x54: {  	_ =	shalt  }
0x55: {  	_ =	shalt  }
0x56: {  	_ =	shalt  }
0x57: {  	_ =	shalt  }
0x58: {  	_ =	shalt  }
0x59: {  	_ =	shalt  }
0x5a: {  	_ =	shalt  }
0x5b: {  	_ =	shalt  }
0x5c: {  	_ =	shalt  }
0x5d: {  	_ =	shalt  }
0x5e: {  	_ =	shalt  }
0x5f: {  	_ =	shalt  }
0x60: {  	_ =	shalt  }
0x61: {  	_ =	shalt  }
0x62: {  	_ =	shalt  }
0x63: {  	_ =	shalt  }
0x64: {  	_ =	shalt  }
0x65: {  	_ =	shalt  }
0x66: {  	_ =	shalt  }
0x67: {  	_ =	shalt  }
0x68: {  	_ =	shalt  }
0x69: {  	_ =	shalt  }
0x6a: {  	_ =	shalt  }
0x6b: {  	_ =	shalt  }
0x6c: {  	_ =	shalt  }
0x6d: {  	_ =	shalt  }
0x6e: {  	_ =	shalt  }
0x6f: {  	_ =	shalt  }
0x70: {  	_ =	shalt  }
0x71: {  	_ =	shalt  }
0x72: {  	_ =	shalt  }
0x73: {  	_ =	shalt  }
0x74: {  	_ =	shalt  }
0x75: {  	_ =	shalt  }
0x76: {  	_ =	shalt  }
0x77: {  	_ =	shalt  }
0x78: {  	_ =	shalt  }
0x79: {  	_ =	shalt  }
0x7a: {  	_ =	shalt  }
0x7b: {  	_ =	shalt  }
0x7c: {  	_ =	shalt  }
0x7d: {  	_ =	shalt  }
0x7e: {  	_ =	shalt  }
0x7f: {  	_ =	shalt  }
0x80: {  	_ =	shalt  }
0x81: {  	_ =	shalt  }
0x82: {  	_ =	shalt  }
0x83: {  	_ =	shalt  }
0x84: {  	_ =	shalt  }
0x85: {  	_ =	shalt  }
0x86: {  	_ =	shalt  }
0x87: {  	_ =	shalt  }
.Lfunc_end0:
.L_simem_size_0:
called_computation_lowered:
.L_overlay_start_0:
0x88: {  	s2 =	sld [smem:$0x3FD9]  }
0x89: {  	s3 =	sld [smem:$0x3FFE];
	_ =	sdelay $0x1  }
0x8a: {  	s1 =	srdreg.scid  }
0x8b: {  	s0 =	sand.u32 $0x1, s1  }
0x8c: {  	s17 =	sshll.u32 s0, $0xA;
	s2 =	sadd.s32 s3, s2  }
0x8d: {  	s2 =	sadd.s32 s2, s17  }
0x8e: {  	[smem:$0x3FC1] =	sst s2  }
0x8f: {  	_ = 	snop  }
0x90: {  	s2 =	sld [smem:$0x3FC9]  }
0x91: {  	s18 =	sld [smem:$0x3FC8]  }
0x92: {  	s4 =	sld [smem:$0x3FC7];
	(tm) =	ssettm $0x1  }
0x93: {  	s5 =	sld [smem:$0x3FFB];
	_ =	sdelay $0x3  }
0x94: {  	_ =	strace s5  }
0x95: {  	s5 =	sld [smem:$0x3FFC];
	_ =	sdelay $0x3  }
0x96: {  	_ =	strace s5  }
0x97: {  	s5 =	sld [smem:$0x3FFD];
	_ =	sdelay $0x3  }
0x98: {  	_ =	strace s5  }
0x99: {  	_ =	strace $0x8FFFFFFF  }
0x9a: {  	s19 =	sld [smem:$0x3FDB];
	_ =	sdelay $0x1  }
0x9b: {  	s6 =	simm.s32 $_scs_section_size  }
0x9c: {  	s7 =	simm.s32 $_size__tile_overlayer_lowered;
	s8 =	simm.s32 $_tile_overlayer_lowered  }
0x9d: {  	s22 =	simm.s32 $0x1BFF;
	s21 =	sshll.u32 s8, $0x1;
	s5 =	sadd.s32 s6, s19  }
0x9e: {  	s9 =	simm.s32 $0x0;
	s20 =	sshll.u32 s7, $0x1;
	s7 =	sadd.s32 s21, s5  }
0x9f: {  	[timem:s9], [sflag:s22] =	dma.local [hbm:s7], s20  }
0xa0: {  	_ =	swait.ge [sflag:s22], s20  }
0xa1: {  	s6 =	ssub.s32 $0x0, s20;
	[sflag:s22] =	ssyncset.done $0x0  }
0xa2: {  	[sflag:s22] =	ssyncadd.s32 s6;
	_ =	sdelay $0x1  }
0xa3: {  	s23 =	simm.s32 $0x1B8B  }
0xa4: {  	_ =	swait.ge [sflag:s23], $0x1  }
0xa5: {  	[sflag:s23] =	ssyncset.done $0x0  }
0xa6: {  	s25 =	simm.s32 $0x1B8E;
	s24 =	sld [smem:$0x3FFE];
	[sflag:s23] =	ssyncadd.s32 $0xFFFFFFFF  }
0xa7: {  	s26 =	simm.s32 $execute0_lowered;
	[smem:$0x3FD2] =	sst s25  }
0xa8: {  	s7 =	sshll.u32 s26, $0x1;
	_ =	strace $0x80000046;
	[dreg:$0x1] =	wrdreg $0xFFFFFFFF  }
0xa9: {  	s28 =	simm.s32 $_size_execute0_lowered;
	s5 =	sadd.s32 s5, s7;
	[dreg:$0x0] =	wrdreg $0x0  }
0xaa: {  	s7 =	sshll.u32 s28, $0x1;
	[dreg:$0x2] =	wrdreg s5  }
0xab: {  	[dreg:$0x3] =	wrdreg s7  }
0xac: {  	[dreg:$0x4] =	wrdreg $0xC0  }
0xad: {  	_ =	task [dreg:s9], $0x5FFFF  }
0xae: {  	[dreg:$0x1] =	wrdreg $0xFFFFFFFF  }
0xaf: {  	[dreg:$0x0] =	wrdreg $0x60  }
0xb0: {  	[dreg:$0x2] =	wrdreg s2  }
0xb1: {  	[dreg:$0x3] =	wrdreg s18  }
0xb2: {  	[dreg:$0x4] =	wrdreg s4  }
0xb3: {  	[dreg:$0x5] =	wrdreg s24  }
0xb4: {  	[dreg:$0x6] =	wrdreg $0x9  }
0xb5: {  	_ =	task.clear_ibuf [dreg:s9], $0x7FFFF;
	_ =	strace $0x90000046  }
0xb6: {  	s29 =	simm.s32 $0x9;
	_ =	strace $0x80000048  }
0xb7: {  	_ =	swait.ge [sflag:s29], $0x1  }
0xb8: {  	[sflag:s29] =	ssyncadd.s32 $0xFFFFFFFF  }
0xb9: {  	_ =	strace $0x90000048  }
0xba: {  	_ =	sfence  }
0xbb: {  	s30 =	sld [smem:$0x0];
	_ =	sdelay $0x2  }
0xbc: {  	s31 =	sshll.u32 s1, $0xD;
	s1 =	sshrl.u32 s1, $0x2  }
0xbd: {  	s3 =	sand.u32 $0x4000, s31;
	s1 =	sadd.s32 s1, s30  }
0xbe: {  	s0 =	sor.u32 s3, s0;
	s1 =	sshll.u32 s1, $0x11  }
0xbf: {  	s0 =	sor.u32 s1, s0  }
0xc0: {  	s0 =	sadd.s32 $0x8F2B, s0  }
0xc1: {  	[sflag:s0] =	ssyncadd.remote.s32 $0x1  }
0xc2: {  	_ =	sfence.sel $0xFFFF  }
0xc3: {  	[dreg:$0x0] =	wrdreg $0xFFFFFFFF;
	(pc) =	sbr.abs _section_cstart, $3  }
0xc4: {  	[dreg:$0x1] =	wrdreg $0xFFFFFFFF  }
0xc5: {  	_ =	task.clear_ibuf [dreg:s9], $0x2FFFF;
	_ =	strace $0x9FFFFFFF  }
0xc6: {  	(tm) =	ssettm $0x7FFFFFFF  }
0xc7: {  	_ =	shalt  }
tec
execute0_lowered:
.L_overlay_start_1:
0x0: {  	(tag) =	ssettag $0x1  }
0x1: {  	s0 =	rddreg [dreg:$0x0]  }
0x2: {  	s2 =	rddreg [dreg:$0x1]  }
0x3: {  	s9 =	rddreg [dreg:$0x2]  }
0x4: {  	s1 =	rddreg [dreg:$0x3];
	s3 =	simm.s32 $0x0  }
0x5: {  	s5 =	srdreg.scid;
	s7 =	stileid.u32;
	s13 =	simm.s32 $0x200  }
0x6: {  	s14 =	simm.s32 $0x400;
	s15 =	simm.s32 $0x80;
	s17 =	simm.s32 $0x1200  }
0x7: {  	s19 =	simm.s32 $0x3200;
	s21 =	simm.s32 $0x5200;
	s23 =	simm.s32 $0x7200  }
0x8: {  	s25 =	simm.s32 $0x9200;
	s28 =	simm.s32 $0xB200;
	s29 =	simm.s32 $0x1  }
0x9: {  	s16 =	simm.s32 $0xB80;
	s18 =	simm.s32 $0xD80;
	s20 =	simm.s32 $0xF80  }
0xa: {  	s22 =	simm.s32 $0x1180;
	s24 =	simm.s32 $0xD200;
	s26 =	simm.s32 $0x0  }
0xb: {  	[smem:$0x7FF] =	sst s3;
	s4 =	sadd.s32 $0x16E3600, s1;
	s6 =	sand.u32 $0x1, s5  }
0xc: {  	s7 =	sshll.u32 s7, $0x1;
	s5 =	sadd.s32 $0x1EA00, s1;
	_ =	strace $0x80000047  }
0xd: {  	s7 =	sor.u32 s6, s7;
	s8 =	ssub.s32 $0x2, s6;
	s6 =	sadd.s32 $0xF42400, s1  }
0xe: {  	s10 =	sshll.u32 s7, $0x1;
	s11 =	sshrl.u32 s8, $0x1;
	s12 =	sshll.u32 s7, $0x6  }
0xf: {  	s10 =	sadd.s32 s10, s1;
	s11 =	ssub.s32 s8, s11;
	s7 =	sadd.s32 s0, s12  }
0x10: {  	s8 =	sadd.s32 s2, s12;
	s9 =	sadd.s32 s9, s12;
	s12 =	simm.s32 $0x2  }
0x11: {  	v0 =	vlaneseq.u32;
	vm0 =	vcmask $0x704;
	vm1 =	vcmask $0x3F04;
	s2 =	simm.s32 $0x980;
	s10 =	sadd.s32 $0x3D400, s10;
	s11 =	smax.u32 s11, $0x1  }
.LBB2_1:
0x12: {  	[tilespmem:s3], [sflag:$0x2] =	stream.linear.gather [hbm4b:s7+s3], $0x200, $0x38;
	[tilespmem:$0xD210] =	vst v63  }
0x13: {  	_ =	swait.ge [sflag:s12], $0x200  }
0x14: {  	[sflag:s12] =	ssyncset.done $0x0  }
0x15: {  	[sflag:s12] =	ssyncadd.s32 $0xFFFFFE00  }
0x16: {  	[tilespmem:s13], [sflag:$0x2] =	stream.linear.gather [hbm4b:s8+s3], $0x200, $0x38;
	[tilespmem:$0xD210] =	vst v63  }
0x17: {  	_ =	swait.ge [sflag:s12], $0x200  }
0x18: {  	[sflag:s12] =	ssyncset.done $0x0  }
0x19: {  	[sflag:s12] =	ssyncadd.s32 $0xFFFFFE00  }
0x1a: {  	[tilespmem:s14], [sflag:$0x2] =	stream.linear.gather [hbm4b:s9+s3], $0x200, $0x38;
	[tilespmem:$0xD210] =	vst v63  }
0x1b: {  	_ =	swait.ge [sflag:s12], $0x200  }
0x1c: {  	[sflag:s12] =	ssyncset.done $0x0  }
0x1d: {  	[sflag:s12] =	ssyncadd.s32 $0xFFFFFE00  }
0x1e: {  	v1 =	vld [tilespmem:$0x0]  }
0x1f: {  	v2 =	vld [tilespmem:$0x200]  }
0x20: {  	v3 =	vld [tilespmem:$0x400];
	_ =	sdelay $0x2  }
0x21: {  	v4 =	vld [tilespmem:$0x10];
	[tilespmem:$0x600] =	vst v1  }
0x22: {  	[tilespmem:$0x800] =	vst v2  }
0x23: {  	v1 =	vshra.s32 v1, $0x6;
	[tilespmem:$0xA00] =	vst v3  }
0x24: {  	v2 =	vshra.s32 v2, $0x6;
	[tilespmem:$0xC00] =	vst v1;
	v1 =	vld [tilespmem:$0x210]  }
0x25: {  	[tilespmem:$0xE00] =	vst v2;
	v2 =	vshra.s32 v3, $0x6;
	v3 =	vld [tilespmem:$0x410]  }
0x26: {  	[tilespmem:$0x610] =	vst v4  }
0x27: {  	[tilespmem:$0x1000] =	vst v2;
	v2 =	vshra.s32 v4, $0x6;
	v4 =	vld [tilespmem:$0x20]  }
0x28: {  	[tilespmem:$0xC10] =	vst v2  }
0x29: {  	v2 =	vld [tilespmem:$0x220];
	[tilespmem:$0x810] =	vst v1  }
0x2a: {  	[tilespmem:$0xA10] =	vst v3;
	v1 =	vshra.s32 v1, $0x6  }
0x2b: {  	[tilespmem:$0xE10] =	vst v1  }
0x2c: {  	v1 =	vshra.s32 v3, $0x6;
	v3 =	vld [tilespmem:$0x420];
	[tilespmem:$0x620] =	vst v4  }
0x2d: {  	[tilespmem:$0x1010] =	vst v1  }
0x2e: {  	[tilespmem:$0x820] =	vst v2;
	v1 =	vshra.s32 v4, $0x6;
	v4 =	vld [tilespmem:$0x30]  }
0x2f: {  	v2 =	vshra.s32 v2, $0x6;
	[tilespmem:$0xC20] =	vst v1;
	v1 =	vld [tilespmem:$0x230]  }
0x30: {  	[tilespmem:$0xE20] =	vst v2  }
0x31: {  	[tilespmem:$0xA20] =	vst v3;
	v2 =	vshra.s32 v3, $0x6  }
0x32: {  	v3 =	vld [tilespmem:$0x430];
	[tilespmem:$0x1020] =	vst v2  }
0x33: {  	[tilespmem:$0x630] =	vst v4  }
0x34: {  	v2 =	vshra.s32 v4, $0x6;
	v4 =	vld [tilespmem:$0x40];
	[tilespmem:$0x830] =	vst v1  }
0x35: {  	[tilespmem:$0xC30] =	vst v2;
	v2 =	vld [tilespmem:$0x240];
	v1 =	vshra.s32 v1, $0x6  }
0x36: {  	[tilespmem:$0xE30] =	vst v1  }
0x37: {  	[tilespmem:$0xA30] =	vst v3;
	v1 =	vshra.s32 v3, $0x6  }
0x38: {  	v3 =	vld [tilespmem:$0x440];
	[tilespmem:$0x1030] =	vst v1  }
0x39: {  	[tilespmem:$0x640] =	vst v4  }
0x3a: {  	v1 =	vshra.s32 v4, $0x6;
	v4 =	vld [tilespmem:$0x50];
	[tilespmem:$0x840] =	vst v2  }
0x3b: {  	[tilespmem:$0xC40] =	vst v1;
	v1 =	vld [tilespmem:$0x250];
	v2 =	vshra.s32 v2, $0x6  }
0x3c: {  	[tilespmem:$0xE40] =	vst v2  }
0x3d: {  	[tilespmem:$0xA40] =	vst v3;
	v2 =	vshra.s32 v3, $0x6  }
0x3e: {  	v3 =	vld [tilespmem:$0x450];
	[tilespmem:$0x1040] =	vst v2  }
0x3f: {  	[tilespmem:$0x650] =	vst v4  }
0x40: {  	v2 =	vshra.s32 v4, $0x6;
	v4 =	vld [tilespmem:$0x60];
	[tilespmem:$0x850] =	vst v1  }
0x41: {  	[tilespmem:$0xC50] =	vst v2;
	v2 =	vld [tilespmem:$0x260];
	v1 =	vshra.s32 v1, $0x6  }
0x42: {  	[tilespmem:$0xE50] =	vst v1  }
0x43: {  	[tilespmem:$0xA50] =	vst v3;
	v1 =	vshra.s32 v3, $0x6  }
0x44: {  	v3 =	vld [tilespmem:$0x460];
	[tilespmem:$0x1050] =	vst v1  }
0x45: {  	[tilespmem:$0x660] =	vst v4  }
0x46: {  	v1 =	vshra.s32 v4, $0x6;
	v4 =	vld [tilespmem:$0x70];
	[tilespmem:$0x860] =	vst v2  }
0x47: {  	[tilespmem:$0xC60] =	vst v1;
	v1 =	vld [tilespmem:$0x270];
	v2 =	vshra.s32 v2, $0x6  }
0x48: {  	[tilespmem:$0xE60] =	vst v2  }
0x49: {  	[tilespmem:$0xA60] =	vst v3;
	v2 =	vshra.s32 v3, $0x6  }
0x4a: {  	v3 =	vld [tilespmem:$0x470];
	[tilespmem:$0x1060] =	vst v2  }
0x4b: {  	[tilespmem:$0x670] =	vst v4  }
0x4c: {  	v2 =	vshra.s32 v4, $0x6;
	v4 =	vld [tilespmem:$0x80];
	[tilespmem:$0x870] =	vst v1  }
0x4d: {  	[tilespmem:$0xC70] =	vst v2;
	v2 =	vld [tilespmem:$0x280];
	v1 =	vshra.s32 v1, $0x6  }
0x4e: {  	[tilespmem:$0xE70] =	vst v1  }
0x4f: {  	[tilespmem:$0xA70] =	vst v3;
	v1 =	vshra.s32 v3, $0x6  }
0x50: {  	v3 =	vld [tilespmem:$0x480];
	[tilespmem:$0x1070] =	vst v1  }
0x51: {  	[tilespmem:$0x680] =	vst v4  }
0x52: {  	v1 =	vshra.s32 v4, $0x6;
	v4 =	vld [tilespmem:$0x90];
	[tilespmem:$0x880] =	vst v2  }
0x53: {  	[tilespmem:$0xC80] =	vst v1;
	v1 =	vld [tilespmem:$0x290];
	v2 =	vshra.s32 v2, $0x6  }
0x54: {  	[tilespmem:$0xE80] =	vst v2  }
0x55: {  	[tilespmem:$0xA80] =	vst v3;
	v2 =	vshra.s32 v3, $0x6  }
0x56: {  	v3 =	vld [tilespmem:$0x490];
	[tilespmem:$0x1080] =	vst v2  }
0x57: {  	[tilespmem:$0x690] =	vst v4  }
0x58: {  	v2 =	vshra.s32 v4, $0x6;
	v4 =	vld [tilespmem:$0xA0];
	[tilespmem:$0x890] =	vst v1  }
0x59: {  	[tilespmem:$0xC90] =	vst v2;
	v2 =	vld [tilespmem:$0x2A0];
	v1 =	vshra.s32 v1, $0x6  }
0x5a: {  	[tilespmem:$0xE90] =	vst v1  }
0x5b: {  	[tilespmem:$0xA90] =	vst v3;
	v1 =	vshra.s32 v3, $0x6  }
0x5c: {  	v3 =	vld [tilespmem:$0x4A0];
	[tilespmem:$0x1090] =	vst v1  }
0x5d: {  	[tilespmem:$0x6A0] =	vst v4  }
0x5e: {  	v1 =	vshra.s32 v4, $0x6;
	v4 =	vld [tilespmem:$0xB0];
	[tilespmem:$0x8A0] =	vst v2  }
0x5f: {  	[tilespmem:$0xCA0] =	vst v1;
	v1 =	vld [tilespmem:$0x2B0];
	v2 =	vshra.s32 v2, $0x6  }
0x60: {  	[tilespmem:$0xEA0] =	vst v2  }
0x61: {  	[tilespmem:$0xAA0] =	vst v3;
	v2 =	vshra.s32 v3, $0x6  }
0x62: {  	v3 =	vld [tilespmem:$0x4B0];
	[tilespmem:$0x10A0] =	vst v2  }
0x63: {  	[tilespmem:$0x6B0] =	vst v4  }
0x64: {  	v2 =	vshra.s32 v4, $0x6;
	v4 =	vld [tilespmem:$0xC0];
	[tilespmem:$0x8B0] =	vst v1  }
0x65: {  	[tilespmem:$0xCB0] =	vst v2;
	v2 =	vld [tilespmem:$0x2C0];
	v1 =	vshra.s32 v1, $0x6  }
0x66: {  	[tilespmem:$0xEB0] =	vst v1  }
0x67: {  	[tilespmem:$0xAB0] =	vst v3;
	v1 =	vshra.s32 v3, $0x6  }
0x68: {  	v3 =	vld [tilespmem:$0x4C0];
	[tilespmem:$0x10B0] =	vst v1  }
0x69: {  	[tilespmem:$0x6C0] =	vst v4  }
0x6a: {  	v1 =	vshra.s32 v4, $0x6;
	v4 =	vld [tilespmem:$0xD0];
	[tilespmem:$0x8C0] =	vst v2  }
0x6b: {  	[tilespmem:$0xCC0] =	vst v1;
	v1 =	vld [tilespmem:$0x2D0];
	v2 =	vshra.s32 v2, $0x6  }
0x6c: {  	[tilespmem:$0xEC0] =	vst v2  }
0x6d: {  	[tilespmem:$0xAC0] =	vst v3;
	v2 =	vshra.s32 v3, $0x6  }
0x6e: {  	v3 =	vld [tilespmem:$0x4D0];
	[tilespmem:$0x10C0] =	vst v2  }
0x6f: {  	[tilespmem:$0x6D0] =	vst v4  }
0x70: {  	v2 =	vshra.s32 v4, $0x6;
	v4 =	vld [tilespmem:$0xE0];
	[tilespmem:$0x8D0] =	vst v1  }
0x71: {  	[tilespmem:$0xCD0] =	vst v2;
	v2 =	vld [tilespmem:$0x2E0];
	v1 =	vshra.s32 v1, $0x6  }
0x72: {  	[tilespmem:$0xED0] =	vst v1  }
0x73: {  	[tilespmem:$0xAD0] =	vst v3;
	v1 =	vshra.s32 v3, $0x6  }
0x74: {  	v3 =	vld [tilespmem:$0x4E0];
	[tilespmem:$0x10D0] =	vst v1  }
0x75: {  	[tilespmem:$0x6E0] =	vst v4  }
0x76: {  	v1 =	vshra.s32 v4, $0x6;
	v4 =	vld [tilespmem:$0xF0];
	[tilespmem:$0x8E0] =	vst v2  }
0x77: {  	[tilespmem:$0xCE0] =	vst v1;
	v1 =	vld [tilespmem:$0x2F0];
	v2 =	vshra.s32 v2, $0x6  }
0x78: {  	[tilespmem:$0xEE0] =	vst v2  }
0x79: {  	[tilespmem:$0xAE0] =	vst v3;
	v2 =	vshra.s32 v3, $0x6  }
0x7a: {  	v3 =	vld [tilespmem:$0x4F0];
	[tilespmem:$0x10E0] =	vst v2  }
0x7b: {  	[tilespmem:$0x6F0] =	vst v4  }
0x7c: {  	v2 =	vshra.s32 v4, $0x6;
	v4 =	vld [tilespmem:$0x100];
	[tilespmem:$0x8F0] =	vst v1  }
0x7d: {  	[tilespmem:$0xCF0] =	vst v2;
	v2 =	vld [tilespmem:$0x300];
	v1 =	vshra.s32 v1, $0x6  }
0x7e: {  	[tilespmem:$0xEF0] =	vst v1  }
0x7f: {  	[tilespmem:$0xAF0] =	vst v3;
	v1 =	vshra.s32 v3, $0x6  }
0x80: {  	v3 =	vld [tilespmem:$0x500];
	[tilespmem:$0x10F0] =	vst v1  }
0x81: {  	[tilespmem:$0x700] =	vst v4  }
0x82: {  	v1 =	vshra.s32 v4, $0x6;
	v4 =	vld [tilespmem:$0x110];
	[tilespmem:$0x900] =	vst v2  }
0x83: {  	[tilespmem:$0xD00] =	vst v1;
	v1 =	vld [tilespmem:$0x310];
	v2 =	vshra.s32 v2, $0x6  }
0x84: {  	[tilespmem:$0xF00] =	vst v2  }
0x85: {  	[tilespmem:$0xB00] =	vst v3;
	v2 =	vshra.s32 v3, $0x6  }
0x86: {  	v3 =	vld [tilespmem:$0x510];
	[tilespmem:$0x1100] =	vst v2  }
0x87: {  	[tilespmem:$0x710] =	vst v4  }
0x88: {  	v2 =	vshra.s32 v4, $0x6;
	v4 =	vld [tilespmem:$0x120];
	[tilespmem:$0x910] =	vst v1  }
0x89: {  	[tilespmem:$0xD10] =	vst v2;
	v2 =	vld [tilespmem:$0x320];
	v1 =	vshra.s32 v1, $0x6  }
0x8a: {  	[tilespmem:$0xF10] =	vst v1  }
0x8b: {  	[tilespmem:$0xB10] =	vst v3;
	v1 =	vshra.s32 v3, $0x6  }
0x8c: {  	v3 =	vld [tilespmem:$0x520];
	[tilespmem:$0x1110] =	vst v1  }
0x8d: {  	[tilespmem:$0x720] =	vst v4  }
0x8e: {  	v1 =	vshra.s32 v4, $0x6;
	v4 =	vld [tilespmem:$0x130];
	[tilespmem:$0x920] =	vst v2  }
0x8f: {  	[tilespmem:$0xD20] =	vst v1;
	v1 =	vld [tilespmem:$0x330];
	v2 =	vshra.s32 v2, $0x6  }
0x90: {  	[tilespmem:$0xF20] =	vst v2  }
0x91: {  	[tilespmem:$0xB20] =	vst v3;
	v2 =	vshra.s32 v3, $0x6  }
0x92: {  	v3 =	vld [tilespmem:$0x530];
	[tilespmem:$0x1120] =	vst v2  }
0x93: {  	[tilespmem:$0x730] =	vst v4  }
0x94: {  	v2 =	vshra.s32 v4, $0x6;
	v4 =	vld [tilespmem:$0x140];
	[tilespmem:$0x930] =	vst v1  }
0x95: {  	[tilespmem:$0xD30] =	vst v2;
	v2 =	vld [tilespmem:$0x340];
	v1 =	vshra.s32 v1, $0x6  }
0x96: {  	[tilespmem:$0xF30] =	vst v1  }
0x97: {  	[tilespmem:$0xB30] =	vst v3;
	v1 =	vshra.s32 v3, $0x6  }
0x98: {  	v3 =	vld [tilespmem:$0x540];
	[tilespmem:$0x1130] =	vst v1  }
0x99: {  	[tilespmem:$0x740] =	vst v4  }
0x9a: {  	v1 =	vshra.s32 v4, $0x6;
	v4 =	vld [tilespmem:$0x150];
	[tilespmem:$0x940] =	vst v2  }
0x9b: {  	[tilespmem:$0xD40] =	vst v1;
	v1 =	vld [tilespmem:$0x350];
	v2 =	vshra.s32 v2, $0x6  }
0x9c: {  	[tilespmem:$0xF40] =	vst v2  }
0x9d: {  	[tilespmem:$0xB40] =	vst v3;
	v2 =	vshra.s32 v3, $0x6  }
0x9e: {  	v3 =	vld [tilespmem:$0x550];
	[tilespmem:$0x1140] =	vst v2  }
0x9f: {  	[tilespmem:$0x750] =	vst v4  }
0xa0: {  	v2 =	vshra.s32 v4, $0x6;
	v4 =	vld [tilespmem:$0x160];
	[tilespmem:$0x950] =	vst v1  }
0xa1: {  	[tilespmem:$0xD50] =	vst v2;
	v2 =	vld [tilespmem:$0x360];
	v1 =	vshra.s32 v1, $0x6  }
0xa2: {  	[tilespmem:$0xF50] =	vst v1  }
0xa3: {  	[tilespmem:$0xB50] =	vst v3;
	v1 =	vshra.s32 v3, $0x6  }
0xa4: {  	v3 =	vld [tilespmem:$0x560];
	[tilespmem:$0x1150] =	vst v1  }
0xa5: {  	[tilespmem:$0x760] =	vst v4  }
0xa6: {  	v1 =	vshra.s32 v4, $0x6;
	v4 =	vld [tilespmem:$0x170];
	[tilespmem:$0x960] =	vst v2  }
0xa7: {  	[tilespmem:$0xD60] =	vst v1;
	v1 =	vld [tilespmem:$0x370];
	v2 =	vshra.s32 v2, $0x6  }
0xa8: {  	[tilespmem:$0xF60] =	vst v2  }
0xa9: {  	[tilespmem:$0xB60] =	vst v3;
	v2 =	vshra.s32 v3, $0x6  }
0xaa: {  	v3 =	vld [tilespmem:$0x570];
	[tilespmem:$0x1160] =	vst v2  }
0xab: {  	[tilespmem:$0x770] =	vst v4  }
0xac: {  	v2 =	vshra.s32 v4, $0x6;
	v4 =	vld [tilespmem:$0x180];
	[tilespmem:$0x970] =	vst v1  }
0xad: {  	[tilespmem:$0xD70] =	vst v2;
	v2 =	vld [tilespmem:$0x380];
	v1 =	vshra.s32 v1, $0x6  }
0xae: {  	[tilespmem:$0xF70] =	vst v1  }
0xaf: {  	[tilespmem:$0xB70] =	vst v3;
	v1 =	vshra.s32 v3, $0x6  }
0xb0: {  	v3 =	vld [tilespmem:$0x580];
	[tilespmem:$0x1170] =	vst v1  }
0xb1: {  	[tilespmem:$0x780] =	vst v4  }
0xb2: {  	v1 =	vshra.s32 v4, $0x6;
	v4 =	vld [tilespmem:$0x190];
	[tilespmem:$0x980] =	vst v2  }
0xb3: {  	[tilespmem:$0xD80] =	vst v1;
	v1 =	vld [tilespmem:$0x390];
	v2 =	vshra.s32 v2, $0x6  }
0xb4: {  	[tilespmem:$0xF80] =	vst v2  }
0xb5: {  	[tilespmem:$0xB80] =	vst v3;
	v2 =	vshra.s32 v3, $0x6  }
0xb6: {  	v3 =	vld [tilespmem:$0x590];
	[tilespmem:$0x1180] =	vst v2  }
0xb7: {  	[tilespmem:$0x790] =	vst v4  }
0xb8: {  	v2 =	vshra.s32 v4, $0x6;
	v4 =	vld [tilespmem:$0x1A0];
	[tilespmem:$0x990] =	vst v1  }
0xb9: {  	[tilespmem:$0xD90] =	vst v2;
	v2 =	vld [tilespmem:$0x3A0];
	v1 =	vshra.s32 v1, $0x6  }
0xba: {  	[tilespmem:$0xF90] =	vst v1  }
0xbb: {  	[tilespmem:$0xB90] =	vst v3;
	v1 =	vshra.s32 v3, $0x6  }
0xbc: {  	v3 =	vld [tilespmem:$0x5A0];
	[tilespmem:$0x1190] =	vst v1  }
0xbd: {  	[tilespmem:$0x7A0] =	vst v4  }
0xbe: {  	v1 =	vshra.s32 v4, $0x6;
	v4 =	vld [tilespmem:$0x1B0];
	[tilespmem:$0x9A0] =	vst v2  }
0xbf: {  	[tilespmem:$0xDA0] =	vst v1;
	v1 =	vld [tilespmem:$0x3B0];
	v2 =	vshra.s32 v2, $0x6  }
0xc0: {  	[tilespmem:$0xFA0] =	vst v2  }
0xc1: {  	[tilespmem:$0xBA0] =	vst v3;
	v2 =	vshra.s32 v3, $0x6  }
0xc2: {  	v3 =	vld [tilespmem:$0x5B0];
	[tilespmem:$0x11A0] =	vst v2  }
0xc3: {  	[tilespmem:$0x7B0] =	vst v4  }
0xc4: {  	v2 =	vshra.s32 v4, $0x6;
	v4 =	vld [tilespmem:$0x1C0];
	[tilespmem:$0x9B0] =	vst v1  }
0xc5: {  	[tilespmem:$0xDB0] =	vst v2;
	v2 =	vld [tilespmem:$0x3C0];
	v1 =	vshra.s32 v1, $0x6  }
0xc6: {  	[tilespmem:$0xFB0] =	vst v1  }
0xc7: {  	[tilespmem:$0xBB0] =	vst v3;
	v1 =	vshra.s32 v3, $0x6  }
0xc8: {  	v3 =	vld [tilespmem:$0x5C0];
	[tilespmem:$0x11B0] =	vst v1  }
0xc9: {  	[tilespmem:$0x7C0] =	vst v4  }
0xca: {  	v1 =	vshra.s32 v4, $0x6;
	v4 =	vld [tilespmem:$0x1D0];
	[tilespmem:$0x9C0] =	vst v2  }
0xcb: {  	[tilespmem:$0xDC0] =	vst v1;
	v1 =	vld [tilespmem:$0x3D0];
	v2 =	vshra.s32 v2, $0x6  }
0xcc: {  	[tilespmem:$0xFC0] =	vst v2  }
0xcd: {  	[tilespmem:$0xBC0] =	vst v3;
	v2 =	vshra.s32 v3, $0x6  }
0xce: {  	v3 =	vld [tilespmem:$0x5D0];
	[tilespmem:$0x11C0] =	vst v2  }
0xcf: {  	[tilespmem:$0x7D0] =	vst v4  }
0xd0: {  	v2 =	vshra.s32 v4, $0x6;
	v4 =	vld [tilespmem:$0x1E0];
	[tilespmem:$0x9D0] =	vst v1  }
0xd1: {  	[tilespmem:$0xDD0] =	vst v2;
	v2 =	vld [tilespmem:$0x3E0];
	v1 =	vshra.s32 v1, $0x6  }
0xd2: {  	[tilespmem:$0xFD0] =	vst v1  }
0xd3: {  	[tilespmem:$0xBD0] =	vst v3;
	v1 =	vshra.s32 v3, $0x6  }
0xd4: {  	[tilespmem:$0x11D0] =	vst v1;
	v1 =	vld [tilespmem:$0x5E0]  }
0xd5: {  	[tilespmem:$0x7E0] =	vst v4;
	v3 =	vshra.s32 v4, $0x6;
	v4 =	vld [tilespmem:$0x1F0]  }
0xd6: {  	[tilespmem:$0x9E0] =	vst v2  }
0xd7: {  	[tilespmem:$0xDE0] =	vst v3;
	v2 =	vshra.s32 v2, $0x6;
	v3 =	vld [tilespmem:$0x3F0]  }
0xd8: {  	[tilespmem:$0xFE0] =	vst v2;
	v2 =	vld [tilespmem:$0x5F0]  }
0xd9: {  	[tilespmem:$0xBE0] =	vst v1  }
0xda: {  	v1 =	vshra.s32 v1, $0x6;
	[tilespmem:$0x7F0] =	vst v4  }
0xdb: {  	[tilespmem:$0x11E0] =	vst v1  }
0xdc: {  	[tilespmem:$0x9F0] =	vst v3  }
0xdd: {  	v1 =	vshra.s32 v4, $0x6;
	[tilespmem:$0xBF0] =	vst v2  }
0xde: {  	[tilespmem:$0xDF0] =	vst v1;
	v1 =	vshra.s32 v3, $0x6  }
0xdf: {  	[tilespmem:$0xFF0] =	vst v1;
	v1 =	vshra.s32 v2, $0x6  }
0xe0: {  	s0 =	simm.s32 $0x600;
	[tilespmem:$0x11F0] =	vst v1  }
0xe1: {  	[tilespmem:s17], [sflag:$0x1] =	stream.indirect.gather [hbm4b:s4+s15], $0x40, s0, s15, $0xb8;
	[tilespmem:$0xD210] =	vst v63  }
0xe2: {  	s31 =	simm.s32 $0x800  }
0xe3: {  	[tilespmem:s19], [sflag:$0x1] =	stream.indirect.gather [hbm4b:s6+s15], $0x40, s31, s15, $0xb8;
	[tilespmem:$0xD210] =	vst v63  }
0xe4: {  	s31 =	simm.s32 $0xA00  }
0xe5: {  	[tilespmem:s21], [sflag:$0x1] =	stream.indirect.gather [hbm4b:s6+s15], $0x40, s31, s15, $0xb8;
	[tilespmem:$0xD210] =	vst v63  }
0xe6: {  	s31 =	simm.s32 $0xC00  }
0xe7: {  	[tilespmem:s23], [sflag:$0x1] =	stream.indirect.gather [hbm4b:s5+s15], $0x40, s31, s15, $0xb8;
	[tilespmem:$0xD210] =	vst v63  }
0xe8: {  	s31 =	simm.s32 $0xE00  }
0xe9: {  	[tilespmem:s25], [sflag:$0x1] =	stream.indirect.gather [hbm4b:s1+s15], $0x40, s31, s15, $0xb8;
	[tilespmem:$0xD210] =	vst v63  }
0xea: {  	s31 =	simm.s32 $0x1000  }
0xeb: {  	[tilespmem:s28], [sflag:$0x1] =	stream.indirect.gather [hbm4b:s1+s15], $0x40, s31, s15, $0xb8;
	[tilespmem:$0xD210] =	vst v63  }
0xec: {  	_ =	swait.ge [sflag:s29], $0x2000  }
0xed: {  	[sflag:s29] =	ssyncset.done $0x0  }
0xee: {  	[sflag:s29] =	ssyncadd.s32 $0xFFFFE000  }
0xef: {  	_ =	swait.ge [sflag:s29], $0x2000  }
0xf0: {  	[sflag:s29] =	ssyncset.done $0x0  }
0xf1: {  	[sflag:s29] =	ssyncadd.s32 $0xFFFFE000  }
0xf2: {  	_ =	swait.ge [sflag:s29], $0x2000  }
0xf3: {  	[sflag:s29] =	ssyncset.done $0x0  }
0xf4: {  	[sflag:s29] =	ssyncadd.s32 $0xFFFFE000  }
0xf5: {  	_ =	swait.ge [sflag:s29], $0x2000  }
0xf6: {  	[sflag:s29] =	ssyncset.done $0x0  }
0xf7: {  	[sflag:s29] =	ssyncadd.s32 $0xFFFFE000  }
0xf8: {  	_ =	swait.ge [sflag:s29], $0x2000  }
0xf9: {  	[sflag:s29] =	ssyncset.done $0x0  }
0xfa: {  	[sflag:s29] =	ssyncadd.s32 $0xFFFFE000  }
0xfb: {  	_ =	swait.ge [sflag:s29], $0x2000  }
0xfc: {  	[sflag:s29] =	ssyncset.done $0x0  }
0xfd: {  	s30 =	simm.s32 $0x0;
	v3 =	vimm.f32 $0.0e+00;
	v2 =	vimm.f32 $0.0e+00;
	v1 =	vimm.f32 $0.0e+00;
	[sflag:s29] =	ssyncadd.s32 $0xFFFFE000  }
.LBB2_2:
0xfe: {  	s0 =	simm.s32 $0x0  }
0xff: {  	v4 =	vmov s0  }
0x100: {  	s31 =	sshll.u32 s30, $0x4;
	v4 =	vand.u32 $0x3F, v4  }
0x101: {  	v5 =	vor.u32 s31, v0;
	v6 =	vbroadcast v4, $0x0  }
0x102: {  	v4 =	vshll.u32 v5, $0x6  }
0x103: {  	v6 =	vor.u32 v4, v6  }
0x104: {  	s31 =	simm.s32 $0x1  }
0x105: {  	v7 =	vor.u32 $0xFFFFFFF8, v0;
	v8 =	vmov s31  }
0x106: {  	v5 =	vand.u32 v7, v5;
	v7 =	vand.u32 $0x3F, v8  }
0x107: {  	v7 =	vbroadcast v7, $0x0  }
0x108: {  	v9 =	vld.idx.msk [tilespmem:v6+s17+$0x0], $0xffff  }
0x109: {  	s31 =	simm.s32 $0x2;
	v7 =	vor.u32 v4, v7;
	v11 =	vld.idx.msk [tilespmem:v6+s21+$0x0], $0xffff  }
0x10a: {  	v8 =	vmov s31;
	v6 =	vld.idx.msk [tilespmem:v6+s19+$0x0], $0xffff  }
0x10b: {  	v8 =	vand.u32 $0x3F, v8;
	v14 =	vld.idx.msk [tilespmem:v5+s0+$0x0], $0xffff  }
0x10c: {  	v8 =	vbroadcast v8, $0x0;
	v13 =	vld.idx.msk [tilespmem:v5+s13+$0x0], $0xffff  }
0x10d: {  	v17 =	vimm.f32 $0.0e+00;
	v10 =	vld.idx.msk [tilespmem:v5+s14+$0x0], $0xffff;
	v12 =	vmul.f32 v9, v9  }
0x10e: {  	v18 =	vimm.f32 $0.0e+00;
	v16 =	vor.u32 v4, v8;
	v5 =	vld.idx.msk [tilespmem:v7+s17+$0x0], $0xffff;
	v19 =	vmul.f32 v11, v11  }
0x10f: {  	v8 =	vld.idx.msk [tilespmem:v7+s21+$0x0], $0xffff;
	v11 =	vmul.f32 v11, v9;
	v20 =	vmul.f32 v6, v6;
	v15 =	vadd.f32 v12, v3  }
0x110: {  	s31 =	simm.s32 $0x3;
	v12 =	vmul.f32 v6, v9;
	v9 =	vld.idx.msk [tilespmem:v7+s19+$0x0], $0xffff;
	v7 =	vimm.f32 $0.0e+00;
	v6 =	vimm.f32 $0.0e+00  }
.LBB2_3:
0x111: {  	v21 =	vmov s31;
	v17 =	vadd.f32 v19, v17;
	v7 =	vadd.f32 v11, v7;
	v22 =	vmovc v16;
	p0 =	sne.s32 s31, $0x3F  }
.Ltmp0:
0x112: {  	s31 =	sadd.s32 $0x1, s31;
	v11 =	vand.u32 $0x3F, v21;
	v18 =	vadd.f32 v20, v18;
	v6 =	vadd.f32 v12, v6;
	(pc) =	sbr.rel @p0 .LBB2_3-.Ltmp0, $4  }
0x113: {  	v12 =	vbroadcast v11, $0x0  }
0x114: {  	v20 =	vmul.f32 v5, v5;
	v21 =	vmov v5;
	v5 =	vld.idx.msk [tilespmem:v16+s17+$0x0], $0xffff  }
0x115: {  	v19 =	vmul.f32 v8, v8;
	v11 =	vmul.f32 v8, v21;
	v8 =	vld.idx.msk [tilespmem:v16+s21+$0x0], $0xffff;
	v16 =	vor.u32 v4, v12  }
0x116: {  	v15 =	vadd.f32 v20, v15;
	v20 =	vmul.f32 v9, v9;
	v12 =	vmul.f32 v9, v21;
	v9 =	vld.idx.msk [tilespmem:v22+s19+$0x0], $0xffff  }
0x117: {  	_ =	sdelay $0x3  }
0x118: {  	v21 =	vld.idx.msk [tilespmem:v16+s17+$0x0], $0xffff  }
0x119: {  	v46 =	vld.idx.msk [tilespmem:v16+s21+$0x0], $0xffff  }
0x11a: {  	v22 =	vld.idx.msk [tilespmem:v16+s19+$0x0], $0xffff  }
0x11b: {  	v23 =	vmul.f32 v5, v5  }
0x11c: {  	v17 =	vadd.f32 v19, v17;
	v18 =	vadd.f32 v20, v18;
	v48 =	vmul.f32 v8, v8  }
0x11d: {  	v47 =	vmul.f32 v9, v9;
	v15 =	vadd.f32 v23, v15;
	v49 =	vmul.f32 v21, v21  }
0x11e: {  	v17 =	vadd.f32 v48, v17;
	v51 =	vmul.f32 v46, v46  }
0x11f: {  	v50 =	vmul.f32 v22, v22;
	v18 =	vadd.f32 v47, v18;
	v15 =	vadd.f32 v49, v15  }
0x120: {  	v17 =	vadd.f32 v51, v17  }
0x121: {  	v18 =	vadd.f32 v50, v18;
	v52 =	vshra.s32 v15, $0x1  }
0x122: {  	v15 =	vmul.f32 $5.000000000e-01, v15;
	v54 =	vshra.s32 v17, $0x1;
	v17 =	vmul.f32 $5.000000000e-01, v17  }
0x123: {  	v19 =	vsub.s32 $0x5F3759DF, v52;
	v53 =	vshra.s32 v18, $0x1;
	v18 =	vmul.f32 $5.000000000e-01, v18  }
0x124: {  	v23 =	vsub.s32 $0x5F3759DF, v54;
	v24 =	vmul.f32 v19, v15;
	v20 =	vsub.s32 $0x5F3759DF, v53  }
0x125: {  	v26 =	vmul.f32 v23, v17;
	v25 =	vmul.f32 v20, v18  }
0x126: {  	v24 =	vmul.f32 v19, v24  }
0x127: {  	v26 =	vmul.f32 v23, v26;
	v25 =	vmul.f32 v20, v25  }
0x128: {  	v24 =	vsub.f32 $1.500000000e+00, v24  }
0x129: {  	v26 =	vsub.f32 $1.500000000e+00, v26;
	v25 =	vsub.f32 $1.500000000e+00, v25  }
0x12a: {  	v19 =	vmul.f32 v19, v24  }
0x12b: {  	v23 =	vmul.f32 v23, v26;
	v20 =	vmul.f32 v20, v25  }
0x12c: {  	v24 =	vmul.f32 v19, v15  }
0x12d: {  	v26 =	vmul.f32 v23, v17;
	v25 =	vmul.f32 v20, v18  }
0x12e: {  	v24 =	vmul.f32 v24, v19  }
0x12f: {  	v26 =	vmul.f32 v26, v23;
	v25 =	vmul.f32 v25, v20  }
0x130: {  	v14 =	vand.u32 $0x3F, v14;
	v13 =	vand.u32 $0x3F, v13;
	v24 =	vsub.f32 $1.500000000e+00, v24  }
0x131: {  	v14 =	vor.u32 v4, v14;
	v26 =	vsub.f32 $1.500000000e+00, v26;
	v25 =	vsub.f32 $1.500000000e+00, v25  }
0x132: {  	v10 =	vand.u32 $0x3F, v10;
	v13 =	vor.u32 v4, v13;
	v19 =	vmul.f32 v24, v19  }
0x133: {  	v4 =	vor.u32 v4, v10;
	v56 =	vmul.f32 v26, v23;
	v55 =	vmul.f32 v25, v20  }
0x134: {  	v15 =	vmul.f32 v19, v15  }
0x135: {  	v17 =	vmul.f32 v56, v17;
	v18 =	vmul.f32 v55, v18  }
0x136: {  	v14 =	vld.idx.msk [tilespmem:v14+s23+$0x0], $0xffff;
	v15 =	vmul.f32 v15, v19  }
0x137: {  	v13 =	vld.idx.msk [tilespmem:v13+s25+$0x0], $0xffff;
	v17 =	vmul.f32 v17, v56;
	v18 =	vmul.f32 v18, v55  }
0x138: {  	v57 =	vmul.f32 v8, v5;
	v4 =	vld.idx.msk [tilespmem:v4+s28+$0x0], $0xffff;
	v15 =	vsub.f32 $1.500000000e+00, v15  }
0x139: {  	v5 =	vmul.f32 v9, v5;
	v17 =	vsub.f32 $1.500000000e+00, v17;
	v58 =	vsub.f32 $1.500000000e+00, v18  }
0x13a: {  	v7 =	vadd.f32 v11, v7;
	v59 =	vmul.f32 v46, v21;
	v15 =	vmul.f32 v15, v19  }
0x13b: {  	v6 =	vadd.f32 v12, v6;
	v60 =	vmul.f32 v17, v56;
	v9 =	vmul.f32 v58, v55  }
0x13c: {  	v7 =	vadd.f32 v57, v7;
	v61 =	vmul.f32 v22, v21;
	v62 =	vmul.f32 v14, v15  }
0x13d: {  	s30 =	sadd.s32 $0x1, s30;
	v5 =	vadd.f32 v5, v6;
	v4 =	vmul.f32 v4, v60;
	v63 =	vmul.f32 v13, v9  }
0x13e: {  	p0 =	sne.s32 s30, $0x8;
	v7 =	vadd.f32 v59, v7  }
.Ltmp1:
0x13f: {  	v5 =	vadd.f32 v61, v5;
	v4 =	vmul.f32 v4, v62;
	v6 =	vmul.f32 v63, v62;
	(pc) =	sbr.rel @p0 .LBB2_2-.Ltmp1, $3  }
0x140: {  	_ = 	snop  }
0x141: {  	v4 =	vmul.f32 v4, v7;
	v5 =	vmul.f32 v6, v5;
	_ =	sdelay $0x1  }
0x142: {  	v1 =	vadd.f32 v4, v1;
	v2 =	vadd.f32 v5, v2  }
0x143: {  	s0 =	simm.s32 $0x680  }
0x144: {  	[tilespmem:s17], [sflag:$0x1] =	stream.indirect.gather [hbm4b:s4+s15], $0x40, s0, s15, $0xb8;
	[tilespmem:$0xD210] =	vst v63  }
0x145: {  	s0 =	simm.s32 $0x880  }
0x146: {  	[tilespmem:s19], [sflag:$0x1] =	stream.indirect.gather [hbm4b:s6+s15], $0x40, s0, s15, $0xb8;
	[tilespmem:$0xD210] =	vst v63  }
0x147: {  	s0 =	simm.s32 $0xA80  }
0x148: {  	[tilespmem:s21], [sflag:$0x1] =	stream.indirect.gather [hbm4b:s6+s15], $0x40, s0, s15, $0xb8;
	[tilespmem:$0xD210] =	vst v63  }
0x149: {  	s0 =	simm.s32 $0xC80  }
0x14a: {  	[tilespmem:s23], [sflag:$0x1] =	stream.indirect.gather [hbm4b:s5+s15], $0x40, s0, s15, $0xb8;
	[tilespmem:$0xD210] =	vst v63  }
0x14b: {  	s0 =	simm.s32 $0xE80  }
0x14c: {  	[tilespmem:s25], [sflag:$0x1] =	stream.indirect.gather [hbm4b:s1+s15], $0x40, s0, s15, $0xb8;
	[tilespmem:$0xD210] =	vst v63  }
0x14d: {  	s0 =	simm.s32 $0x1080  }
0x14e: {  	[tilespmem:s28], [sflag:$0x1] =	stream.indirect.gather [hbm4b:s1+s15], $0x40, s0, s15, $0xb8;
	[tilespmem:$0xD210] =	vst v63  }
0x14f: {  	_ =	swait.ge [sflag:s29], $0x2000  }
0x150: {  	[sflag:s29] =	ssyncset.done $0x0  }
0x151: {  	[sflag:s29] =	ssyncadd.s32 $0xFFFFE000  }
0x152: {  	_ =	swait.ge [sflag:s29], $0x2000  }
0x153: {  	[sflag:s29] =	ssyncset.done $0x0  }
0x154: {  	[sflag:s29] =	ssyncadd.s32 $0xFFFFE000  }
0x155: {  	_ =	swait.ge [sflag:s29], $0x2000  }
0x156: {  	[sflag:s29] =	ssyncset.done $0x0  }
0x157: {  	[sflag:s29] =	ssyncadd.s32 $0xFFFFE000  }
0x158: {  	_ =	swait.ge [sflag:s29], $0x2000  }
0x159: {  	[sflag:s29] =	ssyncset.done $0x0  }
0x15a: {  	[sflag:s29] =	ssyncadd.s32 $0xFFFFE000  }
0x15b: {  	_ =	swait.ge [sflag:s29], $0x2000  }
0x15c: {  	[sflag:s29] =	ssyncset.done $0x0  }
0x15d: {  	[sflag:s29] =	ssyncadd.s32 $0xFFFFE000  }
0x15e: {  	_ =	swait.ge [sflag:s29], $0x2000  }
0x15f: {  	[sflag:s29] =	ssyncset.done $0x0  }
0x160: {  	s30 =	simm.s32 $0x0;
	s31 =	simm.s32 $0x0;
	[sflag:s29] =	ssyncadd.s32 $0xFFFFE000  }
.LBB2_6:
0x161: {  	v3 =	vmov s30  }
0x162: {  	s0 =	sshll.u32 s31, $0x4;
	v3 =	vand.u32 $0x3F, v3  }
0x163: {  	v5 =	vor.u32 s0, v0;
	v3 =	vbroadcast v3, $0x0  }
0x164: {  	v4 =	vshll.u32 v5, $0x6  }
0x165: {  	v6 =	vor.u32 v4, v3  }
0x166: {  	s0 =	simm.s32 $0x1;
	v3 =	vand.u32 $0x7, v0  }
0x167: {  	v5 =	vand.u32 $0x78, v5;
	v8 =	vmov s0;
	v7 =	vor.u32 $0x80, v3  }
0x168: {  	v5 =	vor.u32 v7, v5;
	v7 =	vand.u32 $0x3F, v8  }
0x169: {  	v7 =	vbroadcast v7, $0x0  }
0x16a: {  	v9 =	vld.idx.msk [tilespmem:v6+s17+$0x0], $0xffff  }
0x16b: {  	s0 =	simm.s32 $0x2;
	v7 =	vor.u32 v4, v7;
	v8 =	vld.idx.msk [tilespmem:v6+s21+$0x0], $0xffff  }
0x16c: {  	v10 =	vmov s0;
	v6 =	vld.idx.msk [tilespmem:v6+s19+$0x0], $0xffff  }
0x16d: {  	v10 =	vand.u32 $0x3F, v10;
	v14 =	vld.idx.msk [tilespmem:v5+s30+$0x0], $0xffff  }
0x16e: {  	v12 =	vbroadcast v10, $0x0;
	v11 =	vld.idx.msk [tilespmem:v5+s13+$0x0], $0xffff  }
0x16f: {  	v15 =	vimm.f32 $0.0e+00;
	v10 =	vld.idx.msk [tilespmem:v5+s14+$0x0], $0xffff;
	v13 =	vmul.f32 v9, v9  }
0x170: {  	v18 =	vimm.f32 $0.0e+00;
	v17 =	vor.u32 v4, v12;
	v5 =	vld.idx.msk [tilespmem:v7+s17+$0x0], $0xffff;
	v19 =	vmul.f32 v8, v8  }
0x171: {  	v12 =	vmul.f32 v8, v9;
	v8 =	vld.idx.msk [tilespmem:v7+s21+$0x0], $0xffff;
	v20 =	vmul.f32 v6, v6;
	v16 =	vadd.f32 v13, v15  }
0x172: {  	s0 =	simm.s32 $0x3;
	v13 =	vmul.f32 v6, v9;
	v9 =	vld.idx.msk [tilespmem:v7+s19+$0x0], $0xffff;
	v7 =	vimm.f32 $0.0e+00;
	v6 =	vimm.f32 $0.0e+00  }
.LBB2_7:
0x173: {  	v21 =	vmov s0;
	v15 =	vadd.f32 v19, v15;
	v7 =	vadd.f32 v12, v7;
	v22 =	vmovc v17;
	p0 =	sne.s32 s0, $0x3F  }
.Ltmp2:
0x174: {  	s0 =	sadd.s32 $0x1, s0;
	v12 =	vand.u32 $0x3F, v21;
	v18 =	vadd.f32 v20, v18;
	v6 =	vadd.f32 v13, v6;
	(pc) =	sbr.rel @p0 .LBB2_7-.Ltmp2, $4  }
0x175: {  	v13 =	vbroadcast v12, $0x0  }
0x176: {  	v20 =	vmul.f32 v5, v5;
	v21 =	vmov v5;
	v5 =	vld.idx.msk [tilespmem:v17+s17+$0x0], $0xffff  }
0x177: {  	v19 =	vmul.f32 v8, v8;
	v12 =	vmul.f32 v8, v21;
	v8 =	vld.idx.msk [tilespmem:v17+s21+$0x0], $0xffff;
	v17 =	vor.u32 v4, v13  }
0x178: {  	v16 =	vadd.f32 v20, v16;
	v20 =	vmul.f32 v9, v9;
	v13 =	vmul.f32 v9, v21;
	v9 =	vld.idx.msk [tilespmem:v22+s19+$0x0], $0xffff  }
0x179: {  	_ =	sdelay $0x3  }
0x17a: {  	v21 =	vld.idx.msk [tilespmem:v17+s17+$0x0], $0xffff  }
0x17b: {  	v46 =	vld.idx.msk [tilespmem:v17+s21+$0x0], $0xffff  }
0x17c: {  	v22 =	vld.idx.msk [tilespmem:v17+s19+$0x0], $0xffff  }
0x17d: {  	v23 =	vmul.f32 v5, v5  }
0x17e: {  	v15 =	vadd.f32 v19, v15;
	v18 =	vadd.f32 v20, v18;
	v48 =	vmul.f32 v8, v8  }
0x17f: {  	v47 =	vmul.f32 v9, v9;
	v16 =	vadd.f32 v23, v16;
	v49 =	vmul.f32 v21, v21  }
0x180: {  	v15 =	vadd.f32 v48, v15;
	v51 =	vmul.f32 v46, v46  }
0x181: {  	v50 =	vmul.f32 v22, v22;
	v18 =	vadd.f32 v47, v18;
	v16 =	vadd.f32 v49, v16  }
0x182: {  	v15 =	vadd.f32 v51, v15  }
0x183: {  	v18 =	vadd.f32 v50, v18;
	v52 =	vshra.s32 v16, $0x1  }
0x184: {  	v16 =	vmul.f32 $5.000000000e-01, v16;
	v54 =	vshra.s32 v15, $0x1;
	v15 =	vmul.f32 $5.000000000e-01, v15  }
0x185: {  	v19 =	vsub.s32 $0x5F3759DF, v52;
	v53 =	vshra.s32 v18, $0x1;
	v18 =	vmul.f32 $5.000000000e-01, v18  }
0x186: {  	v23 =	vsub.s32 $0x5F3759DF, v54;
	v24 =	vmul.f32 v19, v16;
	v20 =	vsub.s32 $0x5F3759DF, v53  }
0x187: {  	v26 =	vmul.f32 v23, v15;
	v25 =	vmul.f32 v20, v18  }
0x188: {  	v24 =	vmul.f32 v19, v24  }
0x189: {  	v26 =	vmul.f32 v23, v26;
	v25 =	vmul.f32 v20, v25  }
0x18a: {  	v24 =	vsub.f32 $1.500000000e+00, v24  }
0x18b: {  	v26 =	vsub.f32 $1.500000000e+00, v26;
	v25 =	vsub.f32 $1.500000000e+00, v25  }
0x18c: {  	v19 =	vmul.f32 v19, v24  }
0x18d: {  	v23 =	vmul.f32 v23, v26;
	v20 =	vmul.f32 v20, v25  }
0x18e: {  	v24 =	vmul.f32 v19, v16  }
0x18f: {  	v26 =	vmul.f32 v23, v15;
	v25 =	vmul.f32 v20, v18  }
0x190: {  	v24 =	vmul.f32 v24, v19  }
0x191: {  	v26 =	vmul.f32 v26, v23;
	v25 =	vmul.f32 v25, v20  }
0x192: {  	v14 =	vand.u32 $0x3F, v14;
	v11 =	vand.u32 $0x3F, v11;
	v24 =	vsub.f32 $1.500000000e+00, v24  }
0x193: {  	v14 =	vor.u32 v4, v14;
	v26 =	vsub.f32 $1.500000000e+00, v26;
	v25 =	vsub.f32 $1.500000000e+00, v25  }
0x194: {  	v10 =	vand.u32 $0x3F, v10;
	v11 =	vor.u32 v4, v11;
	v19 =	vmul.f32 v24, v19  }
0x195: {  	v4 =	vor.u32 v4, v10;
	v56 =	vmul.f32 v26, v23;
	v55 =	vmul.f32 v25, v20  }
0x196: {  	v16 =	vmul.f32 v19, v16  }
0x197: {  	v15 =	vmul.f32 v56, v15;
	v18 =	vmul.f32 v55, v18  }
0x198: {  	v14 =	vld.idx.msk [tilespmem:v14+s23+$0x0], $0xffff;
	v16 =	vmul.f32 v16, v19  }
0x199: {  	v11 =	vld.idx.msk [tilespmem:v11+s25+$0x0], $0xffff;
	v15 =	vmul.f32 v15, v56;
	v18 =	vmul.f32 v18, v55  }
0x19a: {  	v57 =	vmul.f32 v8, v5;
	v4 =	vld.idx.msk [tilespmem:v4+s28+$0x0], $0xffff;
	v16 =	vsub.f32 $1.500000000e+00, v16  }
0x19b: {  	v5 =	vmul.f32 v9, v5;
	v15 =	vsub.f32 $1.500000000e+00, v15;
	v58 =	vsub.f32 $1.500000000e+00, v18  }
0x19c: {  	v7 =	vadd.f32 v12, v7;
	v59 =	vmul.f32 v46, v21;
	v16 =	vmul.f32 v16, v19  }
0x19d: {  	v6 =	vadd.f32 v13, v6;
	v60 =	vmul.f32 v15, v56;
	v9 =	vmul.f32 v58, v55  }
0x19e: {  	v7 =	vadd.f32 v57, v7;
	v61 =	vmul.f32 v22, v21;
	v62 =	vmul.f32 v14, v16  }
0x19f: {  	s31 =	sadd.s32 $0x1, s31;
	v5 =	vadd.f32 v5, v6;
	v4 =	vmul.f32 v4, v60;
	v63 =	vmul.f32 v11, v9  }
0x1a0: {  	p0 =	sne.s32 s31, $0x8;
	v7 =	vadd.f32 v59, v7  }
.Ltmp3:
0x1a1: {  	v5 =	vadd.f32 v61, v5;
	v4 =	vmul.f32 v4, v62;
	v6 =	vmul.f32 v63, v62;
	(pc) =	sbr.rel @p0 .LBB2_6-.Ltmp3, $3  }
0x1a2: {  	_ = 	snop  }
0x1a3: {  	v4 =	vmul.f32 v4, v7;
	v5 =	vmul.f32 v6, v5;
	_ =	sdelay $0x1  }
0x1a4: {  	v1 =	vadd.f32 v4, v1;
	v2 =	vadd.f32 v5, v2  }
0x1a5: {  	s0 =	simm.s32 $0x700  }
0x1a6: {  	[tilespmem:s17], [sflag:$0x1] =	stream.indirect.gather [hbm4b:s4+s15], $0x40, s0, s15, $0xb8;
	[tilespmem:$0xD210] =	vst v63  }
0x1a7: {  	s0 =	simm.s32 $0x900  }
0x1a8: {  	[tilespmem:s19], [sflag:$0x1] =	stream.indirect.gather [hbm4b:s6+s15], $0x40, s0, s15, $0xb8;
	[tilespmem:$0xD210] =	vst v63  }
0x1a9: {  	s0 =	simm.s32 $0xB00  }
0x1aa: {  	[tilespmem:s21], [sflag:$0x1] =	stream.indirect.gather [hbm4b:s6+s15], $0x40, s0, s15, $0xb8;
	[tilespmem:$0xD210] =	vst v63  }
0x1ab: {  	s0 =	simm.s32 $0xD00  }
0x1ac: {  	[tilespmem:s23], [sflag:$0x1] =	stream.indirect.gather [hbm4b:s5+s15], $0x40, s0, s15, $0xb8;
	[tilespmem:$0xD210] =	vst v63  }
0x1ad: {  	s0 =	simm.s32 $0xF00  }
0x1ae: {  	[tilespmem:s25], [sflag:$0x1] =	stream.indirect.gather [hbm4b:s1+s15], $0x40, s0, s15, $0xb8;
	[tilespmem:$0xD210] =	vst v63  }
0x1af: {  	s0 =	simm.s32 $0x1100  }
0x1b0: {  	[tilespmem:s28], [sflag:$0x1] =	stream.indirect.gather [hbm4b:s1+s15], $0x40, s0, s15, $0xb8;
	[tilespmem:$0xD210] =	vst v63  }
0x1b1: {  	_ =	swait.ge [sflag:s29], $0x2000  }
0x1b2: {  	[sflag:s29] =	ssyncset.done $0x0  }
0x1b3: {  	[sflag:s29] =	ssyncadd.s32 $0xFFFFE000  }
0x1b4: {  	_ =	swait.ge [sflag:s29], $0x2000  }
0x1b5: {  	[sflag:s29] =	ssyncset.done $0x0  }
0x1b6: {  	[sflag:s29] =	ssyncadd.s32 $0xFFFFE000  }
0x1b7: {  	_ =	swait.ge [sflag:s29], $0x2000  }
0x1b8: {  	[sflag:s29] =	ssyncset.done $0x0  }
0x1b9: {  	[sflag:s29] =	ssyncadd.s32 $0xFFFFE000  }
0x1ba: {  	_ =	swait.ge [sflag:s29], $0x2000  }
0x1bb: {  	[sflag:s29] =	ssyncset.done $0x0  }
0x1bc: {  	[sflag:s29] =	ssyncadd.s32 $0xFFFFE000  }
0x1bd: {  	_ =	swait.ge [sflag:s29], $0x2000  }
0x1be: {  	[sflag:s29] =	ssyncset.done $0x0  }
0x1bf: {  	[sflag:s29] =	ssyncadd.s32 $0xFFFFE000  }
0x1c0: {  	_ =	swait.ge [sflag:s29], $0x2000  }
0x1c1: {  	[sflag:s29] =	ssyncset.done $0x0  }
0x1c2: {  	s30 =	simm.s32 $0x0;
	s31 =	simm.s32 $0x0;
	[sflag:s29] =	ssyncadd.s32 $0xFFFFE000  }
.LBB2_10:
0x1c3: {  	v4 =	vmov s30  }
0x1c4: {  	s0 =	sshll.u32 s31, $0x4;
	v4 =	vand.u32 $0x3F, v4  }
0x1c5: {  	v5 =	vor.u32 s0, v0;
	v6 =	vbroadcast v4, $0x0  }
0x1c6: {  	v4 =	vshll.u32 v5, $0x6  }
0x1c7: {  	v6 =	vor.u32 v4, v6  }
0x1c8: {  	s0 =	simm.s32 $0x1  }
0x1c9: {  	v7 =	vor.u32 $0x100, v3;
	v5 =	vand.u32 $0x78, v5;
	v8 =	vmov s0  }
0x1ca: {  	v5 =	vor.u32 v7, v5;
	v7 =	vand.u32 $0x3F, v8  }
0x1cb: {  	v7 =	vbroadcast v7, $0x0  }
0x1cc: {  	v9 =	vld.idx.msk [tilespmem:v6+s17+$0x0], $0xffff  }
0x1cd: {  	s0 =	simm.s32 $0x2;
	v7 =	vor.u32 v4, v7;
	v8 =	vld.idx.msk [tilespmem:v6+s21+$0x0], $0xffff  }
0x1ce: {  	v10 =	vmov s0;
	v6 =	vld.idx.msk [tilespmem:v6+s19+$0x0], $0xffff  }
0x1cf: {  	v10 =	vand.u32 $0x3F, v10;
	v14 =	vld.idx.msk [tilespmem:v5+s30+$0x0], $0xffff  }
0x1d0: {  	v12 =	vbroadcast v10, $0x0;
	v11 =	vld.idx.msk [tilespmem:v5+s13+$0x0], $0xffff  }
0x1d1: {  	v15 =	vimm.f32 $0.0e+00;
	v10 =	vld.idx.msk [tilespmem:v5+s14+$0x0], $0xffff;
	v13 =	vmul.f32 v9, v9  }
0x1d2: {  	v18 =	vimm.f32 $0.0e+00;
	v17 =	vor.u32 v4, v12;
	v5 =	vld.idx.msk [tilespmem:v7+s17+$0x0], $0xffff;
	v19 =	vmul.f32 v8, v8  }
0x1d3: {  	v12 =	vmul.f32 v8, v9;
	v8 =	vld.idx.msk [tilespmem:v7+s21+$0x0], $0xffff;
	v20 =	vmul.f32 v6, v6;
	v16 =	vadd.f32 v13, v15  }
0x1d4: {  	s0 =	simm.s32 $0x3;
	v13 =	vmul.f32 v6, v9;
	v9 =	vld.idx.msk [tilespmem:v7+s19+$0x0], $0xffff;
	v7 =	vimm.f32 $0.0e+00;
	v6 =	vimm.f32 $0.0e+00  }
.LBB2_11:
0x1d5: {  	v21 =	vmov s0;
	v15 =	vadd.f32 v19, v15;
	v7 =	vadd.f32 v12, v7;
	v22 =	vmovc v17;
	p0 =	sne.s32 s0, $0x3F  }
.Ltmp4:
0x1d6: {  	s0 =	sadd.s32 $0x1, s0;
	v12 =	vand.u32 $0x3F, v21;
	v18 =	vadd.f32 v20, v18;
	v6 =	vadd.f32 v13, v6;
	(pc) =	sbr.rel @p0 .LBB2_11-.Ltmp4, $4  }
0x1d7: {  	v13 =	vbroadcast v12, $0x0  }
0x1d8: {  	v20 =	vmul.f32 v5, v5;
	v21 =	vmov v5;
	v5 =	vld.idx.msk [tilespmem:v17+s17+$0x0], $0xffff  }
0x1d9: {  	v19 =	vmul.f32 v8, v8;
	v12 =	vmul.f32 v8, v21;
	v8 =	vld.idx.msk [tilespmem:v17+s21+$0x0], $0xffff;
	v17 =	vor.u32 v4, v13  }
0x1da: {  	v16 =	vadd.f32 v20, v16;
	v20 =	vmul.f32 v9, v9;
	v13 =	vmul.f32 v9, v21;
	v9 =	vld.idx.msk [tilespmem:v22+s19+$0x0], $0xffff  }
0x1db: {  	_ =	sdelay $0x3  }
0x1dc: {  	v21 =	vld.idx.msk [tilespmem:v17+s17+$0x0], $0xffff  }
0x1dd: {  	v46 =	vld.idx.msk [tilespmem:v17+s21+$0x0], $0xffff  }
0x1de: {  	v22 =	vld.idx.msk [tilespmem:v17+s19+$0x0], $0xffff  }
0x1df: {  	v23 =	vmul.f32 v5, v5  }
0x1e0: {  	v15 =	vadd.f32 v19, v15;
	v18 =	vadd.f32 v20, v18;
	v48 =	vmul.f32 v8, v8  }
0x1e1: {  	v47 =	vmul.f32 v9, v9;
	v16 =	vadd.f32 v23, v16;
	v49 =	vmul.f32 v21, v21  }
0x1e2: {  	v15 =	vadd.f32 v48, v15;
	v51 =	vmul.f32 v46, v46  }
0x1e3: {  	v50 =	vmul.f32 v22, v22;
	v18 =	vadd.f32 v47, v18;
	v16 =	vadd.f32 v49, v16  }
0x1e4: {  	v15 =	vadd.f32 v51, v15  }
0x1e5: {  	v18 =	vadd.f32 v50, v18;
	v52 =	vshra.s32 v16, $0x1  }
0x1e6: {  	v16 =	vmul.f32 $5.000000000e-01, v16;
	v54 =	vshra.s32 v15, $0x1;
	v15 =	vmul.f32 $5.000000000e-01, v15  }
0x1e7: {  	v19 =	vsub.s32 $0x5F3759DF, v52;
	v53 =	vshra.s32 v18, $0x1;
	v18 =	vmul.f32 $5.000000000e-01, v18  }
0x1e8: {  	v23 =	vsub.s32 $0x5F3759DF, v54;
	v24 =	vmul.f32 v19, v16;
	v20 =	vsub.s32 $0x5F3759DF, v53  }
0x1e9: {  	v26 =	vmul.f32 v23, v15;
	v25 =	vmul.f32 v20, v18  }
0x1ea: {  	v24 =	vmul.f32 v19, v24  }
0x1eb: {  	v26 =	vmul.f32 v23, v26;
	v25 =	vmul.f32 v20, v25  }
0x1ec: {  	v24 =	vsub.f32 $1.500000000e+00, v24  }
0x1ed: {  	v26 =	vsub.f32 $1.500000000e+00, v26;
	v25 =	vsub.f32 $1.500000000e+00, v25  }
0x1ee: {  	v19 =	vmul.f32 v19, v24  }
0x1ef: {  	v23 =	vmul.f32 v23, v26;
	v20 =	vmul.f32 v20, v25  }
0x1f0: {  	v24 =	vmul.f32 v19, v16  }
0x1f1: {  	v26 =	vmul.f32 v23, v15;
	v25 =	vmul.f32 v20, v18  }
0x1f2: {  	v24 =	vmul.f32 v24, v19  }
0x1f3: {  	v26 =	vmul.f32 v26, v23;
	v25 =	vmul.f32 v25, v20  }
0x1f4: {  	v14 =	vand.u32 $0x3F, v14;
	v11 =	vand.u32 $0x3F, v11;
	v24 =	vsub.f32 $1.500000000e+00, v24  }
0x1f5: {  	v14 =	vor.u32 v4, v14;
	v26 =	vsub.f32 $1.500000000e+00, v26;
	v25 =	vsub.f32 $1.500000000e+00, v25  }
0x1f6: {  	v10 =	vand.u32 $0x3F, v10;
	v11 =	vor.u32 v4, v11;
	v19 =	vmul.f32 v24, v19  }
0x1f7: {  	v4 =	vor.u32 v4, v10;
	v56 =	vmul.f32 v26, v23;
	v55 =	vmul.f32 v25, v20  }
0x1f8: {  	v16 =	vmul.f32 v19, v16  }
0x1f9: {  	v15 =	vmul.f32 v56, v15;
	v18 =	vmul.f32 v55, v18  }
0x1fa: {  	v14 =	vld.idx.msk [tilespmem:v14+s23+$0x0], $0xffff;
	v16 =	vmul.f32 v16, v19  }
0x1fb: {  	v11 =	vld.idx.msk [tilespmem:v11+s25+$0x0], $0xffff;
	v15 =	vmul.f32 v15, v56;
	v18 =	vmul.f32 v18, v55  }
0x1fc: {  	v57 =	vmul.f32 v8, v5;
	v4 =	vld.idx.msk [tilespmem:v4+s28+$0x0], $0xffff;
	v16 =	vsub.f32 $1.500000000e+00, v16  }
0x1fd: {  	v5 =	vmul.f32 v9, v5;
	v15 =	vsub.f32 $1.500000000e+00, v15;
	v58 =	vsub.f32 $1.500000000e+00, v18  }
0x1fe: {  	v7 =	vadd.f32 v12, v7;
	v59 =	vmul.f32 v46, v21;
	v16 =	vmul.f32 v16, v19  }
0x1ff: {  	v6 =	vadd.f32 v13, v6;
	v60 =	vmul.f32 v15, v56;
	v9 =	vmul.f32 v58, v55  }
0x200: {  	v7 =	vadd.f32 v57, v7;
	v61 =	vmul.f32 v22, v21;
	v62 =	vmul.f32 v14, v16  }
0x201: {  	s31 =	sadd.s32 $0x1, s31;
	v5 =	vadd.f32 v5, v6;
	v4 =	vmul.f32 v4, v60;
	v63 =	vmul.f32 v11, v9  }
0x202: {  	p0 =	sne.s32 s31, $0x8;
	v7 =	vadd.f32 v59, v7  }
.Ltmp5:
0x203: {  	v5 =	vadd.f32 v61, v5;
	v4 =	vmul.f32 v4, v62;
	v6 =	vmul.f32 v63, v62;
	(pc) =	sbr.rel @p0 .LBB2_10-.Ltmp5, $3  }
0x204: {  	_ = 	snop  }
0x205: {  	v4 =	vmul.f32 v4, v7;
	v5 =	vmul.f32 v6, v5;
	_ =	sdelay $0x1  }
0x206: {  	v1 =	vadd.f32 v4, v1;
	v2 =	vadd.f32 v5, v2  }
0x207: {  	s0 =	simm.s32 $0x780  }
0x208: {  	[tilespmem:s17], [sflag:$0x1] =	stream.indirect.gather [hbm4b:s4+s15], $0x40, s0, s15, $0xb8;
	[tilespmem:$0xD210] =	vst v63  }
0x209: {  	_ = 	snop  }
0x20a: {  	[tilespmem:s19], [sflag:$0x1] =	stream.indirect.gather [hbm4b:s6+s15], $0x40, s2, s15, $0xb8;
	[tilespmem:$0xD210] =	vst v63  }
0x20b: {  	_ = 	snop  }
0x20c: {  	[tilespmem:s21], [sflag:$0x1] =	stream.indirect.gather [hbm4b:s6+s15], $0x40, s16, s15, $0xb8;
	[tilespmem:$0xD210] =	vst v63  }
0x20d: {  	_ = 	snop  }
0x20e: {  	[tilespmem:s23], [sflag:$0x1] =	stream.indirect.gather [hbm4b:s5+s15], $0x40, s18, s15, $0xb8;
	[tilespmem:$0xD210] =	vst v63  }
0x20f: {  	_ = 	snop  }
0x210: {  	[tilespmem:s25], [sflag:$0x1] =	stream.indirect.gather [hbm4b:s1+s15], $0x40, s20, s15, $0xb8;
	[tilespmem:$0xD210] =	vst v63  }
0x211: {  	_ = 	snop  }
0x212: {  	[tilespmem:s28], [sflag:$0x1] =	stream.indirect.gather [hbm4b:s1+s15], $0x40, s22, s15, $0xb8;
	[tilespmem:$0xD210] =	vst v63  }
0x213: {  	_ =	swait.ge [sflag:s29], $0x2000  }
0x214: {  	[sflag:s29] =	ssyncset.done $0x0  }
0x215: {  	[sflag:s29] =	ssyncadd.s32 $0xFFFFE000  }
0x216: {  	_ =	swait.ge [sflag:s29], $0x2000  }
0x217: {  	[sflag:s29] =	ssyncset.done $0x0  }
0x218: {  	[sflag:s29] =	ssyncadd.s32 $0xFFFFE000  }
0x219: {  	_ =	swait.ge [sflag:s29], $0x2000  }
0x21a: {  	[sflag:s29] =	ssyncset.done $0x0  }
0x21b: {  	[sflag:s29] =	ssyncadd.s32 $0xFFFFE000  }
0x21c: {  	_ =	swait.ge [sflag:s29], $0x2000  }
0x21d: {  	[sflag:s29] =	ssyncset.done $0x0  }
0x21e: {  	[sflag:s29] =	ssyncadd.s32 $0xFFFFE000  }
0x21f: {  	_ =	swait.ge [sflag:s29], $0x2000  }
0x220: {  	[sflag:s29] =	ssyncset.done $0x0  }
0x221: {  	[sflag:s29] =	ssyncadd.s32 $0xFFFFE000  }
0x222: {  	_ =	swait.ge [sflag:s29], $0x2000  }
0x223: {  	[sflag:s29] =	ssyncset.done $0x0  }
0x224: {  	s30 =	simm.s32 $0x0;
	s31 =	simm.s32 $0x0;
	[sflag:s29] =	ssyncadd.s32 $0xFFFFE000  }
.LBB2_14:
0x225: {  	v4 =	vmov s30  }
0x226: {  	s0 =	sshll.u32 s31, $0x4;
	v4 =	vand.u32 $0x3F, v4  }
0x227: {  	v5 =	vor.u32 s0, v0;
	v6 =	vbroadcast v4, $0x0  }
0x228: {  	v4 =	vshll.u32 v5, $0x6  }
0x229: {  	v6 =	vor.u32 v4, v6  }
0x22a: {  	s0 =	simm.s32 $0x1  }
0x22b: {  	v7 =	vor.u32 $0x180, v3;
	v5 =	vand.u32 $0x78, v5;
	v8 =	vmov s0  }
0x22c: {  	v5 =	vor.u32 v7, v5;
	v7 =	vand.u32 $0x3F, v8  }
0x22d: {  	v7 =	vbroadcast v7, $0x0  }
0x22e: {  	v9 =	vld.idx.msk [tilespmem:v6+s17+$0x0], $0xffff  }
0x22f: {  	s0 =	simm.s32 $0x2;
	v7 =	vor.u32 v4, v7;
	v8 =	vld.idx.msk [tilespmem:v6+s21+$0x0], $0xffff  }
0x230: {  	v10 =	vmov s0;
	v6 =	vld.idx.msk [tilespmem:v6+s19+$0x0], $0xffff  }
0x231: {  	v10 =	vand.u32 $0x3F, v10;
	v14 =	vld.idx.msk [tilespmem:v5+s30+$0x0], $0xffff  }
0x232: {  	v12 =	vbroadcast v10, $0x0;
	v11 =	vld.idx.msk [tilespmem:v5+s13+$0x0], $0xffff  }
0x233: {  	v15 =	vimm.f32 $0.0e+00;
	v10 =	vld.idx.msk [tilespmem:v5+s14+$0x0], $0xffff;
	v13 =	vmul.f32 v9, v9  }
0x234: {  	v18 =	vimm.f32 $0.0e+00;
	v17 =	vor.u32 v4, v12;
	v5 =	vld.idx.msk [tilespmem:v7+s17+$0x0], $0xffff;
	v19 =	vmul.f32 v8, v8  }
0x235: {  	v12 =	vmul.f32 v8, v9;
	v8 =	vld.idx.msk [tilespmem:v7+s21+$0x0], $0xffff;
	v20 =	vmul.f32 v6, v6;
	v16 =	vadd.f32 v13, v15  }
0x236: {  	s0 =	simm.s32 $0x3;
	v13 =	vmul.f32 v6, v9;
	v9 =	vld.idx.msk [tilespmem:v7+s19+$0x0], $0xffff;
	v7 =	vimm.f32 $0.0e+00;
	v6 =	vimm.f32 $0.0e+00  }
.LBB2_15:
0x237: {  	v21 =	vmov s0;
	v15 =	vadd.f32 v19, v15;
	v7 =	vadd.f32 v12, v7;
	v22 =	vmovc v17;
	p0 =	sne.s32 s0, $0x3F  }
.Ltmp6:
0x238: {  	s0 =	sadd.s32 $0x1, s0;
	v12 =	vand.u32 $0x3F, v21;
	v18 =	vadd.f32 v20, v18;
	v6 =	vadd.f32 v13, v6;
	(pc) =	sbr.rel @p0 .LBB2_15-.Ltmp6, $4  }
0x239: {  	v13 =	vbroadcast v12, $0x0  }
0x23a: {  	v20 =	vmul.f32 v5, v5;
	v21 =	vmov v5;
	v5 =	vld.idx.msk [tilespmem:v17+s17+$0x0], $0xffff  }
0x23b: {  	v19 =	vmul.f32 v8, v8;
	v12 =	vmul.f32 v8, v21;
	v8 =	vld.idx.msk [tilespmem:v17+s21+$0x0], $0xffff;
	v17 =	vor.u32 v4, v13  }
0x23c: {  	v16 =	vadd.f32 v20, v16;
	v20 =	vmul.f32 v9, v9;
	v13 =	vmul.f32 v9, v21;
	v9 =	vld.idx.msk [tilespmem:v22+s19+$0x0], $0xffff  }
0x23d: {  	_ =	sdelay $0x3  }
0x23e: {  	v21 =	vld.idx.msk [tilespmem:v17+s17+$0x0], $0xffff  }
0x23f: {  	v46 =	vld.idx.msk [tilespmem:v17+s21+$0x0], $0xffff  }
0x240: {  	v22 =	vld.idx.msk [tilespmem:v17+s19+$0x0], $0xffff  }
0x241: {  	v23 =	vmul.f32 v5, v5  }
0x242: {  	v15 =	vadd.f32 v19, v15;
	v18 =	vadd.f32 v20, v18;
	v48 =	vmul.f32 v8, v8  }
0x243: {  	v47 =	vmul.f32 v9, v9;
	v16 =	vadd.f32 v23, v16;
	v49 =	vmul.f32 v21, v21  }
0x244: {  	v15 =	vadd.f32 v48, v15;
	v51 =	vmul.f32 v46, v46  }
0x245: {  	v50 =	vmul.f32 v22, v22;
	v18 =	vadd.f32 v47, v18;
	v16 =	vadd.f32 v49, v16  }
0x246: {  	v15 =	vadd.f32 v51, v15  }
0x247: {  	v18 =	vadd.f32 v50, v18;
	v52 =	vshra.s32 v16, $0x1  }
0x248: {  	v16 =	vmul.f32 $5.000000000e-01, v16;
	v54 =	vshra.s32 v15, $0x1;
	v15 =	vmul.f32 $5.000000000e-01, v15  }
0x249: {  	v19 =	vsub.s32 $0x5F3759DF, v52;
	v53 =	vshra.s32 v18, $0x1;
	v18 =	vmul.f32 $5.000000000e-01, v18  }
0x24a: {  	v23 =	vsub.s32 $0x5F3759DF, v54;
	v24 =	vmul.f32 v19, v16;
	v20 =	vsub.s32 $0x5F3759DF, v53  }
0x24b: {  	v26 =	vmul.f32 v23, v15;
	v25 =	vmul.f32 v20, v18  }
0x24c: {  	v24 =	vmul.f32 v19, v24  }
0x24d: {  	v26 =	vmul.f32 v23, v26;
	v25 =	vmul.f32 v20, v25  }
0x24e: {  	v24 =	vsub.f32 $1.500000000e+00, v24  }
0x24f: {  	v26 =	vsub.f32 $1.500000000e+00, v26;
	v25 =	vsub.f32 $1.500000000e+00, v25  }
0x250: {  	v19 =	vmul.f32 v19, v24  }
0x251: {  	v23 =	vmul.f32 v23, v26;
	v20 =	vmul.f32 v20, v25  }
0x252: {  	v24 =	vmul.f32 v19, v16  }
0x253: {  	v26 =	vmul.f32 v23, v15;
	v25 =	vmul.f32 v20, v18  }
0x254: {  	v24 =	vmul.f32 v24, v19  }
0x255: {  	v26 =	vmul.f32 v26, v23;
	v25 =	vmul.f32 v25, v20  }
0x256: {  	v14 =	vand.u32 $0x3F, v14;
	v11 =	vand.u32 $0x3F, v11;
	v24 =	vsub.f32 $1.500000000e+00, v24  }
0x257: {  	v14 =	vor.u32 v4, v14;
	v26 =	vsub.f32 $1.500000000e+00, v26;
	v25 =	vsub.f32 $1.500000000e+00, v25  }
0x258: {  	v10 =	vand.u32 $0x3F, v10;
	v11 =	vor.u32 v4, v11;
	v19 =	vmul.f32 v24, v19  }
0x259: {  	v4 =	vor.u32 v4, v10;
	v56 =	vmul.f32 v26, v23;
	v55 =	vmul.f32 v25, v20  }
0x25a: {  	v16 =	vmul.f32 v19, v16  }
0x25b: {  	v15 =	vmul.f32 v56, v15;
	v18 =	vmul.f32 v55, v18  }
0x25c: {  	v14 =	vld.idx.msk [tilespmem:v14+s23+$0x0], $0xffff;
	v16 =	vmul.f32 v16, v19  }
0x25d: {  	v11 =	vld.idx.msk [tilespmem:v11+s25+$0x0], $0xffff;
	v15 =	vmul.f32 v15, v56;
	v18 =	vmul.f32 v18, v55  }
0x25e: {  	v57 =	vmul.f32 v8, v5;
	v4 =	vld.idx.msk [tilespmem:v4+s28+$0x0], $0xffff;
	v16 =	vsub.f32 $1.500000000e+00, v16  }
0x25f: {  	v5 =	vmul.f32 v9, v5;
	v15 =	vsub.f32 $1.500000000e+00, v15;
	v58 =	vsub.f32 $1.500000000e+00, v18  }
0x260: {  	v7 =	vadd.f32 v12, v7;
	v59 =	vmul.f32 v46, v21;
	v16 =	vmul.f32 v16, v19  }
0x261: {  	v6 =	vadd.f32 v13, v6;
	v60 =	vmul.f32 v15, v56;
	v9 =	vmul.f32 v58, v55  }
0x262: {  	v7 =	vadd.f32 v57, v7;
	v61 =	vmul.f32 v22, v21;
	v62 =	vmul.f32 v14, v16  }
0x263: {  	s31 =	sadd.s32 $0x1, s31;
	v5 =	vadd.f32 v5, v6;
	v4 =	vmul.f32 v4, v60;
	v63 =	vmul.f32 v11, v9  }
0x264: {  	p0 =	sne.s32 s31, $0x8;
	v7 =	vadd.f32 v59, v7  }
.Ltmp7:
0x265: {  	v5 =	vadd.f32 v61, v5;
	v4 =	vmul.f32 v4, v62;
	v6 =	vmul.f32 v63, v62;
	(pc) =	sbr.rel @p0 .LBB2_14-.Ltmp7, $3  }
0x266: {  	_ = 	snop  }
0x267: {  	v4 =	vmul.f32 v4, v7;
	v5 =	vmul.f32 v6, v5;
	_ =	sdelay $0x1  }
0x268: {  	v1 =	vadd.f32 v4, v1;
	v2 =	vadd.f32 v5, v2  }
0x269: {  	_ = 	snop  }
0x26a: {  	(xrf2) =	vadd.scan.msk.f32 $0xffff, v2  }
0x26b: {  	(xrf2) =	vadd.scan.msk.f32 $0xffff, v1;
	_ =	sdelay $0x8  }
0x26c: {  	v1, _, _ =	vpop (xrf2)  }
0x26d: {  	v2, _, _ =	vpop (xrf2)  }
0x26e: {  	v2 =	vbroadcast v2, $0xF  }
0x26f: {  	v1 =	vbroadcast v1, $0xF  }
0x270: {  	s26 =	sadd.s32 $0x1, s26;
	v2 =	vnsel vm0, $0x0, v2  }
0x271: {  	p0 =	sne.s32 s26, s11;
	v1 =	vsel vm1, v2, v1  }
.Ltmp8:
0x272: {  	[tilespmem:$0xD200] =	vst v1;
	(pc) =	sbr.rel @p0 .LBB2_1-.Ltmp8, $4  }
0x273: {  	[hbm4b:s10+s3] =	stream.linear.scatter [tilespmem:s24], [sflag:$0x2], $0x10, $0x38;
	[tilespmem:$0xD210] =	vst v63  }
0x274: {  	_ =	swait.ge [sflag:s12], $0x10  }
0x275: {  	[sflag:s12] =	ssyncset.done $0x0  }
0x276: {  	[sflag:s12] =	ssyncadd.s32 $0xFFFFFFF0  }
0x277: {  	_ =	sfence.sel $0x180000  }
0x278: {  	[bflag:$0x0] =	sbarrier.arrive $0xFFFF  }
0x279: {  	_ =	strace $0x90000047  }
0x27a: {  	s0 =	stileid.u32;
	[bflag:$0x2] =	sbarrier.arrive $0xFFFF  }
0x27b: {  	p0 =	sne.s32 s0, $0x0;
	s0 =	rddreg [dreg:$0x4]  }
0x27c: {  	s0 =	sadd.s32 @!p0 $0x100000, s0  }
0x27d: {  	[sflag:s0] =	ssyncadd.tile.s32 @!p0 $0x1;
	_ =	shalt  }
.Lfunc_end2:
_tile_overlayer_lowered:
.L_overlay_start_2:
0x27e: {  	(tag) =	ssettag $0x2  }
0x27f: {  	s0 =	rddreg [dreg:$0x0];
	s2 =	stileid.u32  }
0x280: {  	s1 =	rddreg [dreg:$0x1];
	p0 =	sne.s32 s2, $0x0  }
0x281: {  	s3 =	rddreg [dreg:$0x2];
	[bflag:$0x3] =	sbarrier.arrive $0xFFFF;
	s2 =	simm.s32 @!p0 $0x1C02  }
0x282: {  	[timem:s3], [sflag:s2] =	dma.local @!p0 [hbm:s0], s1  }
0x283: {  	s0 =	simm.s32 @!p0 $0x2  }
0x284: {  	_ =	swait.ge @!p0 [sflag:s0], s1  }
0x285: {  	s1 =	ssub.s32 @!p0 $0x0, s1;
	[sflag:s0] =	ssyncset.done @!p0 $0x0  }
0x286: {  	[sflag:s0] =	ssyncadd.s32 @!p0 s1  }
0x287: {  	[bflag:$0x3] =	sbarrier.arrive $0xFFFF  }
0x288: {  	_ =	shalt  }

</sc_bundles>
